<compile_context>
chip_gen: v7x
topology: tpu7x:2x2x1
jax: 0.10.2.dev20260603
libtpu: 0.0.44.dev20260713+nightly
codegen_flags: <defaults>
</compile_context>

<pallas_src>
import functools

import jax
import jax.numpy as jnp
from jax import lax
from jax.experimental import pallas as pl
from jax.experimental.pallas import tpu as pltpu
from jax.experimental.pallas import tpu_sc as plsc

_N = 10000
_E = 320000
_D = 128
_H = 64
_B = 8192

_W1 = 80
_NC = 2
_NS = 16
_NW = _NC * _NS
_EPW = _E // _NW
_CH = 80
_NCHK = _EPW // _CH
_NP = 10240
_RPT = _NP // _NS
_BPW = _B // _NW
_NBUF = 5

_mesh = plsc.VectorSubcoreMesh(core_axis_name="c", subcore_axis_name="s")


def _make_segsum(width, with_cnt=False):
    outs = [jax.ShapeDtypeStruct((_NP, width), jnp.float32)] * 2
    if with_cnt:
        outs += [jax.ShapeDtypeStruct((_NP // 16, 16), jnp.float32)] * 2
    scratch = [
        pltpu.VMEM((_NCHK, _CH), jnp.int32),
        pltpu.VMEM((_NCHK, _CH), jnp.int32),
        pltpu.VMEM((_NBUF, _CH, width), jnp.float32),
        pltpu.VMEM_SHARED((_NP, width), jnp.float32),
        pltpu.SemaphoreType.DMA((_NBUF,)),
        pltpu.SemaphoreType.DMA((_NBUF,)),
    ]
    if with_cnt:
        scratch += [
            pltpu.VMEM((_NP // 16, 16), jnp.float32),
            pltpu.VMEM((5, 128), jnp.int32),
            pltpu.VMEM((_NP // 16 // _NS, 16), jnp.float32),
            pltpu.VMEM_SHARED((_NP // 16, 16), jnp.float32),
        ]

    @functools.partial(
        pl.kernel,
        out_type=tuple(outs),
        mesh=_mesh,
        compiler_params=pltpu.CompilerParams(
            use_tc_tiling_on_sc=False, needs_layout_passes=False),
        scratch_types=scratch,
    )
    def seg(s_hbm, d_hbm, tab_hbm, zeros_hbm, *rest):
        if with_cnt:
            (out0_hbm, out1_hbm, outc0_hbm, outc1_hbm,
             sidx_v, didx_v, rows_v, acc_sh, gsem, ssem,
             cnt_v, idb_v, zc_v, accc_sh) = rest
        else:
            (out0_hbm, out1_hbm,
             sidx_v, didx_v, rows_v, acc_sh, gsem, ssem) = rest
        cid = lax.axis_index("c")
        sid = lax.axis_index("s")
        wid = cid * _NS + sid
        pltpu.sync_copy(zeros_hbm.at[pl.ds(sid * _RPT, _RPT)],
                        acc_sh.at[pl.ds(sid * _RPT, _RPT)])
        pltpu.sync_copy(s_hbm.at[wid], sidx_v)
        pltpu.sync_copy(d_hbm.at[wid], didx_v)
        if with_cnt:
            zeros16 = jnp.zeros((16,), jnp.float32)
            lanes16 = lax.iota(jnp.int32, 16)
            nh = _NP // 16
            nz = nh // _NS

            def zh(i, c):
                cnt_v[i, pl.ds(0, 16)] = zeros16
                return c

            lax.fori_loop(0, nh, zh, 0)

            def ib(g, c):
                idb_v[lax.shift_right_logical(g, 3),
                      pl.ds(lax.bitwise_and(g, 7) * 16, 16)] = g * 16 + lanes16
                return c

            lax.fori_loop(0, nh // 16, ib, 0)

            def zz(i, c):
                zc_v[i, pl.ds(0, 16)] = zeros16
                return c

            lax.fori_loop(0, nz, zz, 0)
            pltpu.sync_copy(zc_v, accc_sh.at[pl.ds(sid * nz, nz)])
        plsc.subcore_barrier()

        ones16 = jnp.ones((16,), jnp.float32)

        for b in range(_NBUF):
            pltpu.async_copy(tab_hbm.at[sidx_v.at[b]], rows_v.at[b], gsem.at[b])

        def outer(t, carry):
            j0 = t * _NBUF
            for b in range(_NBUF):
                pltpu.make_async_copy(
                    tab_hbm.at[sidx_v.at[j0 + b]], rows_v.at[b], gsem.at[b]).wait()
                pltpu.async_copy(
                    rows_v.at[b], acc_sh.at[didx_v.at[j0 + b]], ssem.at[b], add=True)
                if with_cnt:
                    for g in range(_CH // 16):
                        dd = didx_v[j0 + b, pl.ds(g * 16, 16)]
                        plsc.addupdate_scatter(
                            cnt_v,
                            [lax.shift_right_logical(dd, 4),
                             lax.bitwise_and(dd, 15)],
                            ones16)
            for b in range(_NBUF):
                nj = j0 + _NBUF + b

                @pl.when(nj < _NCHK)
                def _():
                    pltpu.make_async_copy(
                        rows_v.at[b], acc_sh.at[didx_v.at[j0 + b]], ssem.at[b]).wait()
                    pltpu.async_copy(
                        tab_hbm.at[sidx_v.at[nj]], rows_v.at[b], gsem.at[b])
            return carry

        lax.fori_loop(0, _NCHK // _NBUF, outer, 0)
        jlast = _NCHK - _NBUF
        for b in range(_NBUF):
            pltpu.make_async_copy(
                rows_v.at[b], acc_sh.at[didx_v.at[jlast + b]], ssem.at[b]).wait()
        if with_cnt:
            for k in range(5):
                pltpu.sync_copy(cnt_v.at[pl.ds(k * 128, 128)],
                                accc_sh.at[idb_v.at[k]], add=True)
        plsc.subcore_barrier()

        @pl.when(cid == 0)
        def _():
            pltpu.sync_copy(acc_sh.at[pl.ds(sid * _RPT, _RPT)],
                            out0_hbm.at[pl.ds(sid * _RPT, _RPT)])
            if with_cnt:
                nz = _NP // 16 // _NS
                pltpu.sync_copy(accc_sh.at[pl.ds(sid * nz, nz)],
                                outc0_hbm.at[pl.ds(sid * nz, nz)])

        @pl.when(cid == 1)
        def _():
            pltpu.sync_copy(acc_sh.at[pl.ds(sid * _RPT, _RPT)],
                            out1_hbm.at[pl.ds(sid * _RPT, _RPT)])
            if with_cnt:
                nz = _NP // 16 // _NS
                pltpu.sync_copy(accc_sh.at[pl.ds(sid * nz, nz)],
                                outc1_hbm.at[pl.ds(sid * nz, nz)])

    return seg


_segsum64c = _make_segsum(_H, with_cnt=True)
_segsum64 = _make_segsum(_H)

@functools.partial(
    pl.kernel,
    out_type=jax.ShapeDtypeStruct((_B,), jnp.float32),
    mesh=_mesh,
    compiler_params=pltpu.CompilerParams(
        use_tc_tiling_on_sc=False, needs_layout_passes=False),
    scratch_types=[
        pltpu.VMEM((2, 128), jnp.int32),
        pltpu.VMEM((2, 128), jnp.int32),
        pltpu.VMEM((_BPW, _H), jnp.float32),
        pltpu.VMEM((_BPW, _H), jnp.float32),
        pltpu.VMEM((_BPW, _W1), jnp.float32),
        pltpu.VMEM((_BPW, _H), jnp.float32),
        pltpu.VMEM((_BPW, _H), jnp.float32),
        pltpu.VMEM((_BPW, _W1), jnp.float32),
        pltpu.VMEM((_BPW, 16), jnp.float32),
        pltpu.VMEM((_BPW,), jnp.float32),
        pltpu.SemaphoreType.DMA((12,)),
    ],
)
def _decode(si_hbm, di_hbm, p0_hbm, p1_hbm, r2e_hbm, out_hbm,
            si_v, di_v, as0_v, as1_v, rs_v, ad0_v, ad1_v, rd_v, stage_v, o_v,
            sems):
    cid = lax.axis_index("c")
    sid = lax.axis_index("s")
    wid = cid * _NS + sid
    pltpu.sync_copy(si_hbm.at[wid], si_v)
    pltpu.sync_copy(di_hbm.at[wid], di_v)

    def _copies():
        cps = []
        for t in range(2):
            sl = pl.ds(t * 128, 128)
            cps += [(p0_hbm.at[si_v.at[t]], as0_v.at[sl]),
                    (p1_hbm.at[si_v.at[t]], as1_v.at[sl]),
                    (r2e_hbm.at[si_v.at[t]], rs_v.at[sl]),
                    (p0_hbm.at[di_v.at[t]], ad0_v.at[sl]),
                    (p1_hbm.at[di_v.at[t]], ad1_v.at[sl]),
                    (r2e_hbm.at[di_v.at[t]], rd_v.at[sl])]
        return cps

    for i, (s, d) in enumerate(_copies()):
        pltpu.async_copy(s, d, sems.at[i])
    for i, (s, d) in enumerate(_copies()):
        pltpu.make_async_copy(s, d, sems.at[i]).wait()

    def zrow(p, carry):
        ivs = rs_v[p, pl.ds(_H, 16)]
        ivd = rd_v[p, pl.ds(_H, 16)]
        vs = jnp.zeros((16,), jnp.float32) + ivs[0]
        vd = jnp.zeros((16,), jnp.float32) + ivd[0]
        for c in range(_H // 16):
            sl = pl.ds(c * 16, 16)
            zs = (as0_v[p, sl] + as1_v[p, sl]) * vs + rs_v[p, sl]
            as0_v[p, sl] = jnp.maximum(zs, 0.0)
            zd = (ad0_v[p, sl] + ad1_v[p, sl]) * vd + rd_v[p, sl]
            ad0_v[p, sl] = jnp.maximum(zd, 0.0)
        return carry

    lax.fori_loop(0, _BPW, zrow, 0)

    def body(p, carry):
        t = ((as0_v[p, pl.ds(0, 16)] * ad0_v[p, pl.ds(0, 16)]
              + as0_v[p, pl.ds(16, 16)] * ad0_v[p, pl.ds(16, 16)])
             + (as0_v[p, pl.ds(32, 16)] * ad0_v[p, pl.ds(32, 16)]
                + as0_v[p, pl.ds(48, 16)] * ad0_v[p, pl.ds(48, 16)]))
        stage_v[p, pl.ds(0, 16)] = jnp.cumsum(t)
        return carry

    lax.fori_loop(0, _BPW, body, 0)

    lanes = lax.iota(jnp.int32, 16)
    c15 = jnp.zeros((16,), jnp.int32) + 15

    def sig(g, carry):
        v = plsc.load_gather(stage_v, [g * 16 + lanes, c15])
        o_v[pl.ds(g * 16, 16)] = 1.0 / (1.0 + jnp.exp(-v))
        return carry

    lax.fori_loop(0, _BPW // 16, sig, 0)
    pltpu.sync_copy(o_v, out_hbm.at[pl.ds(wid * _BPW, _BPW)])


_CT = (((1,), (1,)), ((), ()))


def _tc_dense1(x, W1l, W1r, b1):
    g = 10
    bn = _N // g

    def body(x_ref, wl_ref, wr_ref, b1_ref, y1_ref, r1_ref):
        xb = x_ref[...]
        y1_ref[...] = lax.dot_general(
            xb, wl_ref[...], _CT, preferred_element_type=jnp.float32)
        r1_ref[...] = lax.dot_general(
            xb, wr_ref[...], _CT, preferred_element_type=jnp.float32) + b1_ref[...]

    return pl.pallas_call(
        body,
        grid=(g,),
        in_specs=[pl.BlockSpec((bn, _D), lambda i: (i, 0)),
                  pl.BlockSpec((_H, _D), lambda i: (0, 0)),
                  pl.BlockSpec((_H, _D), lambda i: (0, 0)),
                  pl.BlockSpec((1, _H), lambda i: (0, 0))],
        out_specs=[pl.BlockSpec((bn, _H), lambda i: (i, 0)),
                   pl.BlockSpec((bn, _H), lambda i: (i, 0))],
        out_shape=[jax.ShapeDtypeStruct((_N, _H), jnp.float32),
                   jax.ShapeDtypeStruct((_N, _H), jnp.float32)],
    )(x, W1l, W1r, b1)


def _tc_dense2(a0, a1, cnt, r1, W2l, b2, W2r):
    g = 10
    bn = _N // g

    def body(a0_ref, a1_ref, cnt_ref, r1_ref, wl_ref, b_ref, wr_ref,
             y2_ref, r2e_ref):
        agg = a0_ref[...] + a1_ref[...]
        inv = 1.0 / jnp.maximum(cnt_ref[...], 1.0)
        h = jnp.maximum(agg * inv + r1_ref[...], 0.0)
        y2_ref[...] = lax.dot_general(
            h, wl_ref[...], _CT, preferred_element_type=jnp.float32)
        r2 = lax.dot_general(
            h, wr_ref[...], _CT, preferred_element_type=jnp.float32) + b_ref[...]
        lane = lax.broadcasted_iota(jnp.int32, (bn, _W1 - _H), 1)
        ext = jnp.where(lane == 0, inv, 0.0)
        r2e_ref[...] = jnp.concatenate([r2, ext], axis=1)

    return pl.pallas_call(
        body,
        grid=(g,),
        in_specs=[pl.BlockSpec((bn, _H), lambda i: (i, 0)),
                  pl.BlockSpec((bn, _H), lambda i: (i, 0)),
                  pl.BlockSpec((bn, 1), lambda i: (i, 0)),
                  pl.BlockSpec((bn, _H), lambda i: (i, 0)),
                  pl.BlockSpec((_H, _H), lambda i: (0, 0)),
                  pl.BlockSpec((1, _H), lambda i: (0, 0)),
                  pl.BlockSpec((_H, _H), lambda i: (0, 0))],
        out_specs=[pl.BlockSpec((bn, _H), lambda i: (i, 0)),
                   pl.BlockSpec((bn, _W1), lambda i: (i, 0))],
        out_shape=[jax.ShapeDtypeStruct((_N, _H), jnp.float32),
                   jax.ShapeDtypeStruct((_NP, _W1), jnp.float32)],
    )(a0, a1, cnt, r1, W2l, b2, W2r)


def kernel(x, edge_index, src, dst, W1l, b1l, W1r, W2l, b2l, W2r):
    f32 = jnp.float32
    s_r = edge_index[0].reshape(_NW, _NCHK, _CH)
    d_r = edge_index[1].reshape(_NW, _NCHK, _CH)
    zeros = jnp.zeros((_NP, _H), f32)

    y1, r1 = _tc_dense1(x, W1l, W1r, b1l.reshape(1, _H))
    a10, a11, c0, c1 = _segsum64c(s_r, d_r, y1, zeros)
    cnt = (c0 + c1).reshape(_NP, 1)[:_N]
    y2, r2e = _tc_dense2(a10, a11, cnt, r1, W2l, b2l.reshape(1, _H), W2r)
    a20, a21 = _segsum64(s_r, d_r, y2, zeros)
    return _decode(src.reshape(_NW, 2, 128), dst.reshape(_NW, 2, 128),
                   a20, a21, r2e)

# --- scband reference (transcript-rebuilt; emitter-appended) ---
"""Pipeline reference for scband-gnnlink-predictor-5162550690505 (READ-ONLY COPY).

The authoritative reference and input builder live on the scoring server;
editing this copy changes nothing except your own understanding.
"""

import jax, jax.numpy as jnp
import numpy as np

N = 10000   # n_nodes
E = 320000  # n_edges
D = 128     # in_channels
H = 64      # hidden_channels
B = 8192    # link-prediction pairs


def setup_inputs(seed: int = 0) -> dict:
    key = jax.random.key(seed)
    ks = jax.random.split(key, 12)
    x = jax.random.normal(ks[0], (N, D), dtype=jnp.float32)
    edge_index = jax.random.randint(ks[1], (2, E), 0, N, dtype=jnp.int32)
    src = jax.random.randint(ks[2], (B,), 0, N, dtype=jnp.int32)
    dst = jax.random.randint(ks[3], (B,), 0, N, dtype=jnp.int32)
    # SAGEConv layer 1: lin_l (applied to aggregated neighbors, has bias),
    # lin_r (applied to root, no bias)
    W1l = jax.random.normal(ks[4], (H, D), dtype=jnp.float32) / np.sqrt(D)
    b1l = jnp.zeros((H,), dtype=jnp.float32)
    W1r = jax.random.normal(ks[5], (H, D), dtype=jnp.float32) / np.sqrt(D)
    # SAGEConv layer 2
    W2l = jax.random.normal(ks[6], (H, H), dtype=jnp.float32) / np.sqrt(H)
    b2l = jnp.zeros((H,), dtype=jnp.float32)
    W2r = jax.random.normal(ks[7], (H, H), dtype=jnp.float32) / np.sqrt(H)
    return {
        "x": x,
        "edge_index": edge_index,
        "src": src,
        "dst": dst,
        "W1l": W1l,
        "b1l": b1l,
        "W1r": W1r,
        "W2l": W2l,
        "b2l": b2l,
        "W2r": W2r,
    }


def _sage_conv(x, edge_index, Wl, bl, Wr, num_nodes):
    # PyG SAGEConv with aggr='mean':
    #   out = lin_l(mean_{j in N(i)} x_j) + lin_r(x_i)
    s = edge_index[0]
    d = edge_index[1]
    msg = x[s]                                                   # gather   [E, d]
    agg = jax.ops.segment_sum(msg, d, num_segments=num_nodes)    # scatter-add
    cnt = jax.ops.segment_sum(
        jnp.ones((edge_index.shape[1],), dtype=x.dtype), d, num_segments=num_nodes
    )
    mean = agg / jnp.clip(cnt, 1.0)[:, None]
    return mean @ Wl.T + bl + x @ Wr.T


def reference(x, edge_index, src, dst, W1l, b1l, W1r, W2l, b2l, W2r):
    num_nodes = x.shape[0]
    h = jax.nn.relu(_sage_conv(x, edge_index, W1l, b1l, W1r, num_nodes))
    z = jax.nn.relu(_sage_conv(h, edge_index, W2l, b2l, W2r, num_nodes))
    # decode: sigmoid(<z[src], z[dst]>)
    return jax.nn.sigmoid(jnp.sum(z[src] * z[dst], axis=-1))

if __name__ == "__main__":
    import jax
    _d = setup_inputs()
    print(jax.jit(kernel)(*tuple(_d.values())))

</pallas_src>

<mosaic_0001>
#map = affine_map<(d0, d1) -> (0, 0, 0)>
#map1 = affine_map<(d0, d1) -> (0, 0)>
module attributes {stable_mosaic.version = 14 : i64} {
  func.func @seg(%arg0: i32, %arg1: i32, %arg2: memref<32x125x80xi32, #tpu.memory_space<hbm>>, %arg3: memref<32x125x80xi32, #tpu.memory_space<hbm>>, %arg4: memref<10000x64xf32, #tpu.memory_space<hbm>>, %arg5: memref<10240x64xf32, #tpu.memory_space<hbm>>, %arg6: memref<10240x64xf32, #tpu.memory_space<hbm>>, %arg7: memref<10240x64xf32, #tpu.memory_space<hbm>>, %arg8: memref<640x16xf32, #tpu.memory_space<hbm>>, %arg9: memref<640x16xf32, #tpu.memory_space<hbm>>, %arg10: memref<125x80xi32, #tpu.memory_space<vmem>>, %arg11: memref<125x80xi32, #tpu.memory_space<vmem>>, %arg12: memref<5x80x64xf32, #tpu.memory_space<vmem>>, %arg13: memref<10240x64xf32, #tpu.memory_space<vmem_shared>>, %arg14: memref<5x!tpu.dma_semaphore, #tpu.memory_space<semaphore_mem>>, %arg15: memref<5x!tpu.dma_semaphore, #tpu.memory_space<semaphore_mem>>, %arg16: memref<640x16xf32, #tpu.memory_space<vmem>>, %arg17: memref<5x128xi32, #tpu.memory_space<vmem>>, %arg18: memref<40x16xf32, #tpu.memory_space<vmem>>, %arg19: memref<640x16xf32, #tpu.memory_space<vmem_shared>>) attributes {dimension_semantics = [#tpu.dimension_semantics<core_parallel>, #tpu.dimension_semantics<subcore_parallel>], iteration_bounds = array<i64: 2, 16>, scalar_prefetch = 0 : i64, scratch_operands = 10 : i64, tpu.core_type = #tpu.core_type<sc_vector_subcore>, window_params = [{transform_indices = #map}, {transform_indices = #map}, {transform_indices = #map1}, {transform_indices = #map1}, {transform_indices = #map1}, {transform_indices = #map1}, {transform_indices = #map1}, {transform_indices = #map1}]} {
    %mul3A = arith.constant 16 : i32
    %mul3A_0 = arith.muli %arg0, %mul3A : i32
    %add3A = arith.addi %mul3A_0, %arg1 : i32
    %mul3A_1 = arith.constant 640 : i32
    %mul3A_2 = arith.muli %arg1, %mul3A_1 : i32
    %mul3A_3 = arith.constant 640 : i32
    %mul3A_4 = arith.muli %arg1, %mul3A_3 : i32
    "tpu.region"() ({
      %run_scoped3A_193 = tpu.sem_alloc : memref<!tpu.dma_semaphore, #tpu.memory_space<semaphore_mem>>
      %dma_start3A_194 = arith.constant 0 : i32
      %dma_start3A_195 = tpu.memref_slice %arg13[%mul3A_4, %dma_start3A_194] : memref<10240x64xf32, #tpu.memory_space<vmem_shared>> -> memref<640x64xf32, #tpu.memory_space<vmem_shared>>
      %dma_start3A_196 = arith.constant 0 : i32
      %dma_start3A_197 = tpu.memref_slice %arg5[%mul3A_2, %dma_start3A_196] : memref<10240x64xf32, #tpu.memory_space<hbm>> -> memref<640x64xf32, #tpu.memory_space<hbm>>
      tpu.enqueue_dma source(%dma_start3A_197 : memref<640x64xf32, #tpu.memory_space<hbm>>) target(%dma_start3A_195 : memref<640x64xf32, #tpu.memory_space<vmem_shared>>) target_semaphore(%run_scoped3A_193 : memref<!tpu.dma_semaphore, #tpu.memory_space<semaphore_mem>>)
      %dma_wait3A_198 = arith.constant 0 : i32
      %dma_wait3A_199 = tpu.memref_slice %arg13[%mul3A_4, %dma_wait3A_198] : memref<10240x64xf32, #tpu.memory_space<vmem_shared>> -> memref<640x64xf32, #tpu.memory_space<vmem_shared>>
      %dma_wait3A_200 = arith.constant 0 : i32
      %dma_wait3A_201 = tpu.memref_slice %arg5[%mul3A_2, %dma_wait3A_200] : memref<10240x64xf32, #tpu.memory_space<hbm>> -> memref<640x64xf32, #tpu.memory_space<hbm>>
      tpu.wait_dma2 semaphore(%run_scoped3A_193 : memref<!tpu.dma_semaphore, #tpu.memory_space<semaphore_mem>>) src(%dma_wait3A_201 : memref<640x64xf32, #tpu.memory_space<hbm>>) dst(%dma_wait3A_199 : memref<640x64xf32, #tpu.memory_space<vmem_shared>>)
      tpu.yield
    }) : () -> ()
    "tpu.region"() ({
      %run_scoped3A_193 = tpu.sem_alloc : memref<!tpu.dma_semaphore, #tpu.memory_space<semaphore_mem>>
      %dma_start3A_194 = arith.constant 0 : i32
      %dma_start3A_195 = arith.constant 0 : i32
      %dma_start3A_196 = tpu.memref_slice %arg2[%add3A, %dma_start3A_194, %dma_start3A_195] : memref<32x125x80xi32, #tpu.memory_space<hbm>> -> memref<1x125x80xi32, #tpu.memory_space<hbm>>
      %dma_start3A_197 = tpu.memref_squeeze %dma_start3A_196 : memref<1x125x80xi32, #tpu.memory_space<hbm>> -> memref<125x80xi32, #tpu.memory_space<hbm>>
      %dma_start3A_198 = arith.constant 0 : i32
      %dma_start3A_199 = arith.constant 0 : i32
      %dma_start3A_200 = tpu.memref_slice %arg2[%add3A, %dma_start3A_198, %dma_start3A_199] : memref<32x125x80xi32, #tpu.memory_space<hbm>> -> memref<1x125x80xi32, #tpu.memory_space<hbm>>
      %dma_start3A_201 = tpu.memref_squeeze %dma_start3A_200 : memref<1x125x80xi32, #tpu.memory_space<hbm>> -> memref<125x80xi32, #tpu.memory_space<hbm>>
      tpu.enqueue_dma source(%dma_start3A_201 : memref<125x80xi32, #tpu.memory_space<hbm>>) target(%arg10 : memref<125x80xi32, #tpu.memory_space<vmem>>) target_semaphore(%run_scoped3A_193 : memref<!tpu.dma_semaphore, #tpu.memory_space<semaphore_mem>>)
      %dma_wait3A_202 = arith.constant 0 : i32
      %dma_wait3A_203 = arith.constant 0 : i32
      %dma_wait3A_204 = tpu.memref_slice %arg2[%add3A, %dma_wait3A_202, %dma_wait3A_203] : memref<32x125x80xi32, #tpu.memory_space<hbm>> -> memref<1x125x80xi32, #tpu.memory_space<hbm>>
      %dma_wait3A_205 = tpu.memref_squeeze %dma_wait3A_204 : memref<1x125x80xi32, #tpu.memory_space<hbm>> -> memref<125x80xi32, #tpu.memory_space<hbm>>
      %dma_wait3A_206 = arith.constant 0 : i32
      %dma_wait3A_207 = arith.constant 0 : i32
      %dma_wait3A_208 = tpu.memref_slice %arg2[%add3A, %dma_wait3A_206, %dma_wait3A_207] : memref<32x125x80xi32, #tpu.memory_space<hbm>> -> memref<1x125x80xi32, #tpu.memory_space<hbm>>
      %dma_wait3A_209 = tpu.memref_squeeze %dma_wait3A_208 : memref<1x125x80xi32, #tpu.memory_space<hbm>> -> memref<125x80xi32, #tpu.memory_space<hbm>>
      tpu.wait_dma2 semaphore(%run_scoped3A_193 : memref<!tpu.dma_semaphore, #tpu.memory_space<semaphore_mem>>) src(%dma_wait3A_209 : memref<125x80xi32, #tpu.memory_space<hbm>>) dst(%arg10 : memref<125x80xi32, #tpu.memory_space<vmem>>)
      tpu.yield
    }) : () -> ()
    "tpu.region"() ({
      %run_scoped3A_193 = tpu.sem_alloc : memref<!tpu.dma_semaphore, #tpu.memory_space<semaphore_mem>>
      %dma_start3A_194 = arith.constant 0 : i32
      %dma_start3A_195 = arith.constant 0 : i32
      %dma_start3A_196 = tpu.memref_slice %arg3[%add3A, %dma_start3A_194, %dma_start3A_195] : memref<32x125x80xi32, #tpu.memory_space<hbm>> -> memref<1x125x80xi32, #tpu.memory_space<hbm>>
      %dma_start3A_197 = tpu.memref_squeeze %dma_start3A_196 : memref<1x125x80xi32, #tpu.memory_space<hbm>> -> memref<125x80xi32, #tpu.memory_space<hbm>>
      %dma_start3A_198 = arith.constant 0 : i32
      %dma_start3A_199 = arith.constant 0 : i32
      %dma_start3A_200 = tpu.memref_slice %arg3[%add3A, %dma_start3A_198, %dma_start3A_199] : memref<32x125x80xi32, #tpu.memory_space<hbm>> -> memref<1x125x80xi32, #tpu.memory_space<hbm>>
      %dma_start3A_201 = tpu.memref_squeeze %dma_start3A_200 : memref<1x125x80xi32, #tpu.memory_space<hbm>> -> memref<125x80xi32, #tpu.memory_space<hbm>>
      tpu.enqueue_dma source(%dma_start3A_201 : memref<125x80xi32, #tpu.memory_space<hbm>>) target(%arg11 : memref<125x80xi32, #tpu.memory_space<vmem>>) target_semaphore(%run_scoped3A_193 : memref<!tpu.dma_semaphore, #tpu.memory_space<semaphore_mem>>)
      %dma_wait3A_202 = arith.constant 0 : i32
      %dma_wait3A_203 = arith.constant 0 : i32
      %dma_wait3A_204 = tpu.memref_slice %arg3[%add3A, %dma_wait3A_202, %dma_wait3A_203] : memref<32x125x80xi32, #tpu.memory_space<hbm>> -> memref<1x125x80xi32, #tpu.memory_space<hbm>>
      %dma_wait3A_205 = tpu.memref_squeeze %dma_wait3A_204 : memref<1x125x80xi32, #tpu.memory_space<hbm>> -> memref<125x80xi32, #tpu.memory_space<hbm>>
      %dma_wait3A_206 = arith.constant 0 : i32
      %dma_wait3A_207 = arith.constant 0 : i32
      %dma_wait3A_208 = tpu.memref_slice %arg3[%add3A, %dma_wait3A_206, %dma_wait3A_207] : memref<32x125x80xi32, #tpu.memory_space<hbm>> -> memref<1x125x80xi32, #tpu.memory_space<hbm>>
      %dma_wait3A_209 = tpu.memref_squeeze %dma_wait3A_208 : memref<1x125x80xi32, #tpu.memory_space<hbm>> -> memref<125x80xi32, #tpu.memory_space<hbm>>
      tpu.wait_dma2 semaphore(%run_scoped3A_193 : memref<!tpu.dma_semaphore, #tpu.memory_space<semaphore_mem>>) src(%dma_wait3A_209 : memref<125x80xi32, #tpu.memory_space<hbm>>) dst(%arg11 : memref<125x80xi32, #tpu.memory_space<vmem>>)
      tpu.yield
    }) : () -> ()
    %broadcast_in_dim3A = arith.constant 0.000000e+00 : f32
    %broadcast_in_dim3A_5 = vector.broadcast %broadcast_in_dim3A : f32 to vector<16xf32>
    %iota3A = tpu.iota {dimensions = array<i32: 0>} : vector<16xi32>
    %scan3A = arith.constant 0 : i32
    %scan3A_6 = arith.constant 0 : i32
    %scan3A_7 = arith.constant 640 : i32
    %scan3A_8 = arith.addi %scan3A_6, %scan3A_7 : i32
    %scan3A_9 = arith.constant 1 : i32
    scf.for %scan3A_193 = %scan3A_6 to %scan3A_8 step %scan3A_9  : i32 {
      %swap3A = arith.index_cast %scan3A_193 : i32 to index
      %swap3A_194 = arith.constant 0 : index
      %swap3A_195 = tpu.vector_load %arg16[%swap3A, %swap3A_194] {strides = array<i32>} : memref<640x16xf32, #tpu.memory_space<vmem>>, vector<16xf32>,
      tpu.vector_store %arg16[%swap3A, %swap3A_194], %broadcast_in_dim3A_5 {strides = array<i32>} : memref<640x16xf32, #tpu.memory_space<vmem>>, vector<16xf32>,
    }
    %scan3A_10 = arith.constant 640 : i32
    %scan3A_11 = arith.constant 0 : i32
    %scan3A_12 = arith.constant 0 : i32
    %scan3A_13 = arith.constant 40 : i32
    %scan3A_14 = arith.addi %scan3A_12, %scan3A_13 : i32
    %scan3A_15 = arith.constant 1 : i32
    scf.for %scan3A_193 = %scan3A_12 to %scan3A_14 step %scan3A_15  : i32 {
      %mul3A_194 = arith.constant 16 : i32
      %mul3A_195 = arith.muli %scan3A_193, %mul3A_194 : i32
      %add3A_196 = vector.broadcast %mul3A_195 : i32 to vector<16xi32>
      %add3A_197 = arith.addi %add3A_196, %iota3A : vector<16xi32>
      %shift_right_logical3A = arith.constant 3 : i32
      %shift_right_logical3A_198 = arith.shrui %scan3A_193, %shift_right_logical3A : i32
      %and3A = arith.constant 7 : i32
      %and3A_199 = arith.andi %scan3A_193, %and3A : i32
      %mul3A_200 = arith.constant 16 : i32
      %mul3A_201 = arith.muli %and3A_199, %mul3A_200 : i32
      %swap3A = arith.index_cast %shift_right_logical3A_198 : i32 to index
      %swap3A_202 = arith.index_cast %mul3A_201 : i32 to index
      %swap3A_203 = tpu.vector_load %arg17[%swap3A, %swap3A_202] {strides = array<i32>} : memref<5x128xi32, #tpu.memory_space<vmem>>, vector<16xi32>,
      tpu.vector_store %arg17[%swap3A, %swap3A_202], %add3A_197 {strides = array<i32>} : memref<5x128xi32, #tpu.memory_space<vmem>>, vector<16xi32>,
    }
    %scan3A_16 = arith.constant 40 : i32
    %scan3A_17 = arith.constant 0 : i32
    %scan3A_18 = arith.constant 0 : i32
    %scan3A_19 = arith.constant 40 : i32
    %scan3A_20 = arith.addi %scan3A_18, %scan3A_19 : i32
    %scan3A_21 = arith.constant 1 : i32
    scf.for %scan3A_193 = %scan3A_18 to %scan3A_20 step %scan3A_21  : i32 {
      %swap3A = arith.index_cast %scan3A_193 : i32 to index
      %swap3A_194 = arith.constant 0 : index
      %swap3A_195 = tpu.vector_load %arg18[%swap3A, %swap3A_194] {strides = array<i32>} : memref<40x16xf32, #tpu.memory_space<vmem>>, vector<16xf32>,
      tpu.vector_store %arg18[%swap3A, %swap3A_194], %broadcast_in_dim3A_5 {strides = array<i32>} : memref<40x16xf32, #tpu.memory_space<vmem>>, vector<16xf32>,
    }
    %scan3A_22 = arith.constant 40 : i32
    %mul3A_23 = arith.constant 40 : i32
    %mul3A_24 = arith.muli %arg1, %mul3A_23 : i32
    "tpu.region"() ({
      %run_scoped3A_193 = tpu.sem_alloc : memref<!tpu.dma_semaphore, #tpu.memory_space<semaphore_mem>>
      %dma_start3A_194 = arith.constant 0 : i32
      %dma_start3A_195 = tpu.memref_slice %arg19[%mul3A_24, %dma_start3A_194] : memref<640x16xf32, #tpu.memory_space<vmem_shared>> -> memref<40x16xf32, #tpu.memory_space<vmem_shared>>
      %dma_start3A_196 = arith.constant 0 : i32
      %dma_start3A_197 = tpu.memref_slice %arg19[%mul3A_24, %dma_start3A_196] : memref<640x16xf32, #tpu.memory_space<vmem_shared>> -> memref<40x16xf32, #tpu.memory_space<vmem_shared>>
      tpu.enqueue_dma source(%arg18 : memref<40x16xf32, #tpu.memory_space<vmem>>) target(%dma_start3A_197 : memref<40x16xf32, #tpu.memory_space<vmem_shared>>) target_semaphore(%run_scoped3A_193 : memref<!tpu.dma_semaphore, #tpu.memory_space<semaphore_mem>>)
      %dma_wait3A_198 = arith.constant 0 : i32
      %dma_wait3A_199 = tpu.memref_slice %arg19[%mul3A_24, %dma_wait3A_198] : memref<640x16xf32, #tpu.memory_space<vmem_shared>> -> memref<40x16xf32, #tpu.memory_space<vmem_shared>>
      %dma_wait3A_200 = arith.constant 0 : i32
      %dma_wait3A_201 = tpu.memref_slice %arg19[%mul3A_24, %dma_wait3A_200] : memref<640x16xf32, #tpu.memory_space<vmem_shared>> -> memref<40x16xf32, #tpu.memory_space<vmem_shared>>
      tpu.wait_dma2 semaphore(%run_scoped3A_193 : memref<!tpu.dma_semaphore, #tpu.memory_space<semaphore_mem>>) src(%arg18 : memref<40x16xf32, #tpu.memory_space<vmem>>) dst(%dma_wait3A_201 : memref<40x16xf32, #tpu.memory_space<vmem_shared>>)
      tpu.yield
    }) : () -> ()
    %barrier3A = arith.constant 0 : index
    tpu.barrier barrier_id(%barrier3A)
    %broadcast_in_dim3A_25 = arith.constant 1.000000e+00 : f32
    %broadcast_in_dim3A_26 = vector.broadcast %broadcast_in_dim3A_25 : f32 to vector<16xf32>
    %dma_start3A = arith.constant 0 : i32
    %dma_start3A_27 = arith.constant 0 : i32
    %dma_start3A_28 = arith.constant 0 : i32
    %dma_start3A_29 = arith.constant 0 : i32
    %dma_start3A_30 = arith.constant 0 : i32
    %dma_start3A_31 = tpu.memref_slice %arg12[%dma_start3A_27, %dma_start3A_29, %dma_start3A_30] : memref<5x80x64xf32, #tpu.memory_space<vmem>> -> memref<1x80x64xf32, #tpu.memory_space<vmem>>
    %dma_start3A_32 = tpu.memref_squeeze %dma_start3A_31 : memref<1x80x64xf32, #tpu.memory_space<vmem>> -> memref<80x64xf32, #tpu.memory_space<vmem>>
    %dma_start3A_33 = arith.constant 0 : i32
    %dma_start3A_34 = tpu.memref_slice %arg10[%dma_start3A, %dma_start3A_33] : memref<125x80xi32, #tpu.memory_space<vmem>> -> memref<1x80xi32, #tpu.memory_space<vmem>>
    %dma_start3A_35 = tpu.memref_squeeze %dma_start3A_34 : memref<1x80xi32, #tpu.memory_space<vmem>> -> memref<80xi32, #tpu.memory_space<vmem>>
    %dma_start3A_36 = arith.constant 0 : i32
    %dma_start3A_37 = arith.constant 0 : i32
    %dma_start3A_38 = tpu.memref_slice %arg4[%dma_start3A_36, %dma_start3A_37] : memref<10000x64xf32, #tpu.memory_space<hbm>> -> memref<10000x64xf32, #tpu.memory_space<hbm>>
    %dma_start3A_39 = tpu.memref_slice %arg14[%dma_start3A_28] : memref<5x!tpu.dma_semaphore, #tpu.memory_space<semaphore_mem>> -> memref<1x!tpu.dma_semaphore, #tpu.memory_space<semaphore_mem>>
    %dma_start3A_40 = tpu.memref_squeeze %dma_start3A_39 : memref<1x!tpu.dma_semaphore, #tpu.memory_space<semaphore_mem>> -> memref<!tpu.dma_semaphore, #tpu.memory_space<semaphore_mem>>
    tpu.enqueue_indirect_dma source(%dma_start3A_38 : memref<10000x64xf32, #tpu.memory_space<hbm>>) target(%dma_start3A_32 : memref<80x64xf32, #tpu.memory_space<vmem>>) offsets(%dma_start3A_35 : memref<80xi32, #tpu.memory_space<vmem>>) semaphore(%dma_start3A_40 : memref<!tpu.dma_semaphore, #tpu.memory_space<semaphore_mem>>)
    %dma_start3A_41 = arith.constant 1 : i32
    %dma_start3A_42 = arith.constant 1 : i32
    %dma_start3A_43 = arith.constant 1 : i32
    %dma_start3A_44 = arith.constant 0 : i32
    %dma_start3A_45 = arith.constant 0 : i32
    %dma_start3A_46 = tpu.memref_slice %arg12[%dma_start3A_42, %dma_start3A_44, %dma_start3A_45] : memref<5x80x64xf32, #tpu.memory_space<vmem>> -> memref<1x80x64xf32, #tpu.memory_space<vmem>>
    %dma_start3A_47 = tpu.memref_squeeze %dma_start3A_46 : memref<1x80x64xf32, #tpu.memory_space<vmem>> -> memref<80x64xf32, #tpu.memory_space<vmem>>
    %dma_start3A_48 = arith.constant 0 : i32
    %dma_start3A_49 = tpu.memref_slice %arg10[%dma_start3A_41, %dma_start3A_48] : memref<125x80xi32, #tpu.memory_space<vmem>> -> memref<1x80xi32, #tpu.memory_space<vmem>>
    %dma_start3A_50 = tpu.memref_squeeze %dma_start3A_49 : memref<1x80xi32, #tpu.memory_space<vmem>> -> memref<80xi32, #tpu.memory_space<vmem>>
    %dma_start3A_51 = arith.constant 0 : i32
    %dma_start3A_52 = arith.constant 0 : i32
    %dma_start3A_53 = tpu.memref_slice %arg4[%dma_start3A_51, %dma_start3A_52] : memref<10000x64xf32, #tpu.memory_space<hbm>> -> memref<10000x64xf32, #tpu.memory_space<hbm>>
    %dma_start3A_54 = tpu.memref_slice %arg14[%dma_start3A_43] : memref<5x!tpu.dma_semaphore, #tpu.memory_space<semaphore_mem>> -> memref<1x!tpu.dma_semaphore, #tpu.memory_space<semaphore_mem>>
    %dma_start3A_55 = tpu.memref_squeeze %dma_start3A_54 : memref<1x!tpu.dma_semaphore, #tpu.memory_space<semaphore_mem>> -> memref<!tpu.dma_semaphore, #tpu.memory_space<semaphore_mem>>
    tpu.enqueue_indirect_dma source(%dma_start3A_53 : memref<10000x64xf32, #tpu.memory_space<hbm>>) target(%dma_start3A_47 : memref<80x64xf32, #tpu.memory_space<vmem>>) offsets(%dma_start3A_50 : memref<80xi32, #tpu.memory_space<vmem>>) semaphore(%dma_start3A_55 : memref<!tpu.dma_semaphore, #tpu.memory_space<semaphore_mem>>)
    %dma_start3A_56 = arith.constant 2 : i32
    %dma_start3A_57 = arith.constant 2 : i32
    %dma_start3A_58 = arith.constant 2 : i32
    %dma_start3A_59 = arith.constant 0 : i32
    %dma_start3A_60 = arith.constant 0 : i32
    %dma_start3A_61 = tpu.memref_slice %arg12[%dma_start3A_57, %dma_start3A_59, %dma_start3A_60] : memref<5x80x64xf32, #tpu.memory_space<vmem>> -> memref<1x80x64xf32, #tpu.memory_space<vmem>>
    %dma_start3A_62 = tpu.memref_squeeze %dma_start3A_61 : memref<1x80x64xf32, #tpu.memory_space<vmem>> -> memref<80x64xf32, #tpu.memory_space<vmem>>
    %dma_start3A_63 = arith.constant 0 : i32
    %dma_start3A_64 = tpu.memref_slice %arg10[%dma_start3A_56, %dma_start3A_63] : memref<125x80xi32, #tpu.memory_space<vmem>> -> memref<1x80xi32, #tpu.memory_space<vmem>>
    %dma_start3A_65 = tpu.memref_squeeze %dma_start3A_64 : memref<1x80xi32, #tpu.memory_space<vmem>> -> memref<80xi32, #tpu.memory_space<vmem>>
    %dma_start3A_66 = arith.constant 0 : i32
    %dma_start3A_67 = arith.constant 0 : i32
    %dma_start3A_68 = tpu.memref_slice %arg4[%dma_start3A_66, %dma_start3A_67] : memref<10000x64xf32, #tpu.memory_space<hbm>> -> memref<10000x64xf32, #tpu.memory_space<hbm>>
    %dma_start3A_69 = tpu.memref_slice %arg14[%dma_start3A_58] : memref<5x!tpu.dma_semaphore, #tpu.memory_space<semaphore_mem>> -> memref<1x!tpu.dma_semaphore, #tpu.memory_space<semaphore_mem>>
    %dma_start3A_70 = tpu.memref_squeeze %dma_start3A_69 : memref<1x!tpu.dma_semaphore, #tpu.memory_space<semaphore_mem>> -> memref<!tpu.dma_semaphore, #tpu.memory_space<semaphore_mem>>
    tpu.enqueue_indirect_dma source(%dma_start3A_68 : memref<10000x64xf32, #tpu.memory_space<hbm>>) target(%dma_start3A_62 : memref<80x64xf32, #tpu.memory_space<vmem>>) offsets(%dma_start3A_65 : memref<80xi32, #tpu.memory_space<vmem>>) semaphore(%dma_start3A_70 : memref<!tpu.dma_semaphore, #tpu.memory_space<semaphore_mem>>)
    %dma_start3A_71 = arith.constant 3 : i32
    %dma_start3A_72 = arith.constant 3 : i32
    %dma_start3A_73 = arith.constant 3 : i32
    %dma_start3A_74 = arith.constant 0 : i32
    %dma_start3A_75 = arith.constant 0 : i32
    %dma_start3A_76 = tpu.memref_slice %arg12[%dma_start3A_72, %dma_start3A_74, %dma_start3A_75] : memref<5x80x64xf32, #tpu.memory_space<vmem>> -> memref<1x80x64xf32, #tpu.memory_space<vmem>>
    %dma_start3A_77 = tpu.memref_squeeze %dma_start3A_76 : memref<1x80x64xf32, #tpu.memory_space<vmem>> -> memref<80x64xf32, #tpu.memory_space<vmem>>
    %dma_start3A_78 = arith.constant 0 : i32
    %dma_start3A_79 = tpu.memref_slice %arg10[%dma_start3A_71, %dma_start3A_78] : memref<125x80xi32, #tpu.memory_space<vmem>> -> memref<1x80xi32, #tpu.memory_space<vmem>>
    %dma_start3A_80 = tpu.memref_squeeze %dma_start3A_79 : memref<1x80xi32, #tpu.memory_space<vmem>> -> memref<80xi32, #tpu.memory_space<vmem>>
    %dma_start3A_81 = arith.constant 0 : i32
    %dma_start3A_82 = arith.constant 0 : i32
    %dma_start3A_83 = tpu.memref_slice %arg4[%dma_start3A_81, %dma_start3A_82] : memref<10000x64xf32, #tpu.memory_space<hbm>> -> memref<10000x64xf32, #tpu.memory_space<hbm>>
    %dma_start3A_84 = tpu.memref_slice %arg14[%dma_start3A_73] : memref<5x!tpu.dma_semaphore, #tpu.memory_space<semaphore_mem>> -> memref<1x!tpu.dma_semaphore, #tpu.memory_space<semaphore_mem>>
    %dma_start3A_85 = tpu.memref_squeeze %dma_start3A_84 : memref<1x!tpu.dma_semaphore, #tpu.memory_space<semaphore_mem>> -> memref<!tpu.dma_semaphore, #tpu.memory_space<semaphore_mem>>
    tpu.enqueue_indirect_dma source(%dma_start3A_83 : memref<10000x64xf32, #tpu.memory_space<hbm>>) target(%dma_start3A_77 : memref<80x64xf32, #tpu.memory_space<vmem>>) offsets(%dma_start3A_80 : memref<80xi32, #tpu.memory_space<vmem>>) semaphore(%dma_start3A_85 : memref<!tpu.dma_semaphore, #tpu.memory_space<semaphore_mem>>)
    %dma_start3A_86 = arith.constant 4 : i32
    %dma_start3A_87 = arith.constant 4 : i32
    %dma_start3A_88 = arith.constant 4 : i32
    %dma_start3A_89 = arith.constant 0 : i32
    %dma_start3A_90 = arith.constant 0 : i32
    %dma_start3A_91 = tpu.memref_slice %arg12[%dma_start3A_87, %dma_start3A_89, %dma_start3A_90] : memref<5x80x64xf32, #tpu.memory_space<vmem>> -> memref<1x80x64xf32, #tpu.memory_space<vmem>>
    %dma_start3A_92 = tpu.memref_squeeze %dma_start3A_91 : memref<1x80x64xf32, #tpu.memory_space<vmem>> -> memref<80x64xf32, #tpu.memory_space<vmem>>
    %dma_start3A_93 = arith.constant 0 : i32
    %dma_start3A_94 = tpu.memref_slice %arg10[%dma_start3A_86, %dma_start3A_93] : memref<125x80xi32, #tpu.memory_space<vmem>> -> memref<1x80xi32, #tpu.memory_space<vmem>>
    %dma_start3A_95 = tpu.memref_squeeze %dma_start3A_94 : memref<1x80xi32, #tpu.memory_space<vmem>> -> memref<80xi32, #tpu.memory_space<vmem>>
    %dma_start3A_96 = arith.constant 0 : i32
    %dma_start3A_97 = arith.constant 0 : i32
    %dma_start3A_98 = tpu.memref_slice %arg4[%dma_start3A_96, %dma_start3A_97] : memref<10000x64xf32, #tpu.memory_space<hbm>> -> memref<10000x64xf32, #tpu.memory_space<hbm>>
    %dma_start3A_99 = tpu.memref_slice %arg14[%dma_start3A_88] : memref<5x!tpu.dma_semaphore, #tpu.memory_space<semaphore_mem>> -> memref<1x!tpu.dma_semaphore, #tpu.memory_space<semaphore_mem>>
    %dma_start3A_100 = tpu.memref_squeeze %dma_start3A_99 : memref<1x!tpu.dma_semaphore, #tpu.memory_space<semaphore_mem>> -> memref<!tpu.dma_semaphore, #tpu.memory_space<semaphore_mem>>
    tpu.enqueue_indirect_dma source(%dma_start3A_98 : memref<10000x64xf32, #tpu.memory_space<hbm>>) target(%dma_start3A_92 : memref<80x64xf32, #tpu.memory_space<vmem>>) offsets(%dma_start3A_95 : memref<80xi32, #tpu.memory_space<vmem>>) semaphore(%dma_start3A_100 : memref<!tpu.dma_semaphore, #tpu.memory_space<semaphore_mem>>)
    %scan3A_101 = arith.constant 0 : i32
    %scan3A_102 = arith.constant 0 : i32
    %scan3A_103 = arith.constant 25 : i32
    %scan3A_104 = arith.addi %scan3A_102, %scan3A_103 : i32
    %scan3A_105 = arith.constant 1 : i32
    scf.for %scan3A_193 = %scan3A_102 to %scan3A_104 step %scan3A_105  : i32 {
      %mul3A_194 = arith.constant 5 : i32
      %mul3A_195 = arith.muli %scan3A_193, %mul3A_194 : i32
      %add3A_196 = arith.constant 0 : i32
      %add3A_197 = arith.addi %mul3A_195, %add3A_196 : i32
      %dma_wait3A_198 = arith.constant 0 : i32
      %dma_wait3A_199 = arith.constant 0 : i32
      %dma_wait3A_200 = arith.constant 0 : i32
      %dma_wait3A_201 = arith.constant 0 : i32
      %dma_wait3A_202 = tpu.memref_slice %arg12[%dma_wait3A_198, %dma_wait3A_200, %dma_wait3A_201] : memref<5x80x64xf32, #tpu.memory_space<vmem>> -> memref<1x80x64xf32, #tpu.memory_space<vmem>>
      %dma_wait3A_203 = tpu.memref_squeeze %dma_wait3A_202 : memref<1x80x64xf32, #tpu.memory_space<vmem>> -> memref<80x64xf32, #tpu.memory_space<vmem>>
      %dma_wait3A_204 = arith.constant 0 : i32
      %dma_wait3A_205 = tpu.memref_slice %arg10[%add3A_197, %dma_wait3A_204] : memref<125x80xi32, #tpu.memory_space<vmem>> -> memref<1x80xi32, #tpu.memory_space<vmem>>
      %dma_wait3A_206 = tpu.memref_squeeze %dma_wait3A_205 : memref<1x80xi32, #tpu.memory_space<vmem>> -> memref<80xi32, #tpu.memory_space<vmem>>
      %dma_wait3A_207 = arith.constant 0 : i32
      %dma_wait3A_208 = arith.constant 0 : i32
      %dma_wait3A_209 = tpu.memref_slice %arg4[%dma_wait3A_207, %dma_wait3A_208] : memref<10000x64xf32, #tpu.memory_space<hbm>> -> memref<10000x64xf32, #tpu.memory_space<hbm>>
      %dma_wait3A_210 = tpu.memref_slice %arg14[%dma_wait3A_199] : memref<5x!tpu.dma_semaphore, #tpu.memory_space<semaphore_mem>> -> memref<1x!tpu.dma_semaphore, #tpu.memory_space<semaphore_mem>>
      %dma_wait3A_211 = tpu.memref_squeeze %dma_wait3A_210 : memref<1x!tpu.dma_semaphore, #tpu.memory_space<semaphore_mem>> -> memref<!tpu.dma_semaphore, #tpu.memory_space<semaphore_mem>>
      tpu.wait_indirect_dma semaphore(%dma_wait3A_211 : memref<!tpu.dma_semaphore, #tpu.memory_space<semaphore_mem>>) src(%dma_wait3A_209 : memref<10000x64xf32, #tpu.memory_space<hbm>>) dst(%dma_wait3A_203 : memref<80x64xf32, #tpu.memory_space<vmem>>)
      %add3A_212 = arith.constant 0 : i32
      %add3A_213 = arith.addi %mul3A_195, %add3A_212 : i32
      %dma_start3A_214 = arith.constant 0 : i32
      %dma_start3A_215 = arith.constant 0 : i32
      %dma_start3A_216 = arith.constant 0 : i32
      %dma_start3A_217 = arith.constant 0 : i32
      %dma_start3A_218 = tpu.memref_slice %arg12[%dma_start3A_214, %dma_start3A_216, %dma_start3A_217] : memref<5x80x64xf32, #tpu.memory_space<vmem>> -> memref<1x80x64xf32, #tpu.memory_space<vmem>>
      %dma_start3A_219 = tpu.memref_squeeze %dma_start3A_218 : memref<1x80x64xf32, #tpu.memory_space<vmem>> -> memref<80x64xf32, #tpu.memory_space<vmem>>
      %dma_start3A_220 = arith.constant 0 : i32
      %dma_start3A_221 = tpu.memref_slice %arg11[%add3A_213, %dma_start3A_220] : memref<125x80xi32, #tpu.memory_space<vmem>> -> memref<1x80xi32, #tpu.memory_space<vmem>>
      %dma_start3A_222 = tpu.memref_squeeze %dma_start3A_221 : memref<1x80xi32, #tpu.memory_space<vmem>> -> memref<80xi32, #tpu.memory_space<vmem>>
      %dma_start3A_223 = arith.constant 0 : i32
      %dma_start3A_224 = arith.constant 0 : i32
      %dma_start3A_225 = tpu.memref_slice %arg13[%dma_start3A_223, %dma_start3A_224] : memref<10240x64xf32, #tpu.memory_space<vmem_shared>> -> memref<10240x64xf32, #tpu.memory_space<vmem_shared>>
      %dma_start3A_226 = tpu.memref_slice %arg15[%dma_start3A_215] : memref<5x!tpu.dma_semaphore, #tpu.memory_space<semaphore_mem>> -> memref<1x!tpu.dma_semaphore, #tpu.memory_space<semaphore_mem>>
      %dma_start3A_227 = tpu.memref_squeeze %dma_start3A_226 : memref<1x!tpu.dma_semaphore, #tpu.memory_space<semaphore_mem>> -> memref<!tpu.dma_semaphore, #tpu.memory_space<semaphore_mem>>
      tpu.enqueue_indirect_dma source(%dma_start3A_219 : memref<80x64xf32, #tpu.memory_space<vmem>>) target(%dma_start3A_225 : memref<10240x64xf32, #tpu.memory_space<vmem_shared>>) offsets(%dma_start3A_222 : memref<80xi32, #tpu.memory_space<vmem>>) semaphore(%dma_start3A_227 : memref<!tpu.dma_semaphore, #tpu.memory_space<semaphore_mem>>) {add = true}
      %add3A_228 = arith.constant 0 : i32
      %add3A_229 = arith.addi %mul3A_195, %add3A_228 : i32
      %get3A = arith.index_cast %add3A_229 : i32 to index
      %get3A_230 = arith.constant 0 : index
      %get3A_231 = tpu.vector_load %arg11[%get3A, %get3A_230] {strides = array<i32>} : memref<125x80xi32, #tpu.memory_space<vmem>>, vector<16xi32>,
      %shift_right_logical3A = arith.constant 4 : i32
      %shift_right_logical3A_232 = vector.broadcast %shift_right_logical3A : i32 to vector<16xi32>
      %shift_right_logical3A_233 = arith.shrui %get3A_231, %shift_right_logical3A_232 : vector<16xi32>
      %and3A = arith.constant 15 : i32
      %and3A_234 = vector.broadcast %and3A : i32 to vector<16xi32>
      %and3A_235 = arith.andi %get3A_231, %and3A_234 : vector<16xi32>
      tpu.vector_store_idx %arg16[%shift_right_logical3A_233, %and3A_235], %broadcast_in_dim3A_26 {add = true} : memref<640x16xf32, #tpu.memory_space<vmem>>[vector<16xi32>, vector<16xi32>], vector<16xf32>,
      %add3A_236 = arith.constant 0 : i32
      %add3A_237 = arith.addi %mul3A_195, %add3A_236 : i32
      %get3A_238 = arith.index_cast %add3A_237 : i32 to index
      %get3A_239 = arith.constant 16 : index
      %get3A_240 = tpu.vector_load %arg11[%get3A_238, %get3A_239] {strides = array<i32>} : memref<125x80xi32, #tpu.memory_space<vmem>>, vector<16xi32>,
      %shift_right_logical3A_241 = arith.constant 4 : i32
      %shift_right_logical3A_242 = vector.broadcast %shift_right_logical3A_241 : i32 to vector<16xi32>
      %shift_right_logical3A_243 = arith.shrui %get3A_240, %shift_right_logical3A_242 : vector<16xi32>
      %and3A_244 = arith.constant 15 : i32
      %and3A_245 = vector.broadcast %and3A_244 : i32 to vector<16xi32>
      %and3A_246 = arith.andi %get3A_240, %and3A_245 : vector<16xi32>
      tpu.vector_store_idx %arg16[%shift_right_logical3A_243, %and3A_246], %broadcast_in_dim3A_26 {add = true} : memref<640x16xf32, #tpu.memory_space<vmem>>[vector<16xi32>, vector<16xi32>], vector<16xf32>,
      %add3A_247 = arith.constant 0 : i32
      %add3A_248 = arith.addi %mul3A_195, %add3A_247 : i32
      %get3A_249 = arith.index_cast %add3A_248 : i32 to index
      %get3A_250 = arith.constant 32 : index
      %get3A_251 = tpu.vector_load %arg11[%get3A_249, %get3A_250] {strides = array<i32>} : memref<125x80xi32, #tpu.memory_space<vmem>>, vector<16xi32>,
      %shift_right_logical3A_252 = arith.constant 4 : i32
      %shift_right_logical3A_253 = vector.broadcast %shift_right_logical3A_252 : i32 to vector<16xi32>
      %shift_right_logical3A_254 = arith.shrui %get3A_251, %shift_right_logical3A_253 : vector<16xi32>
      %and3A_255 = arith.constant 15 : i32
      %and3A_256 = vector.broadcast %and3A_255 : i32 to vector<16xi32>
      %and3A_257 = arith.andi %get3A_251, %and3A_256 : vector<16xi32>
      tpu.vector_store_idx %arg16[%shift_right_logical3A_254, %and3A_257], %broadcast_in_dim3A_26 {add = true} : memref<640x16xf32, #tpu.memory_space<vmem>>[vector<16xi32>, vector<16xi32>], vector<16xf32>,
      %add3A_258 = arith.constant 0 : i32
      %add3A_259 = arith.addi %mul3A_195, %add3A_258 : i32
      %get3A_260 = arith.index_cast %add3A_259 : i32 to index
      %get3A_261 = arith.constant 48 : index
      %get3A_262 = tpu.vector_load %arg11[%get3A_260, %get3A_261] {strides = array<i32>} : memref<125x80xi32, #tpu.memory_space<vmem>>, vector<16xi32>,
      %shift_right_logical3A_263 = arith.constant 4 : i32
      %shift_right_logical3A_264 = vector.broadcast %shift_right_logical3A_263 : i32 to vector<16xi32>
      %shift_right_logical3A_265 = arith.shrui %get3A_262, %shift_right_logical3A_264 : vector<16xi32>
      %and3A_266 = arith.constant 15 : i32
      %and3A_267 = vector.broadcast %and3A_266 : i32 to vector<16xi32>
      %and3A_268 = arith.andi %get3A_262, %and3A_267 : vector<16xi32>
      tpu.vector_store_idx %arg16[%shift_right_logical3A_265, %and3A_268], %broadcast_in_dim3A_26 {add = true} : memref<640x16xf32, #tpu.memory_space<vmem>>[vector<16xi32>, vector<16xi32>], vector<16xf32>,
      %add3A_269 = arith.constant 0 : i32
      %add3A_270 = arith.addi %mul3A_195, %add3A_269 : i32
      %get3A_271 = arith.index_cast %add3A_270 : i32 to index
      %get3A_272 = arith.constant 64 : index
      %get3A_273 = tpu.vector_load %arg11[%get3A_271, %get3A_272] {strides = array<i32>} : memref<125x80xi32, #tpu.memory_space<vmem>>, vector<16xi32>,
      %shift_right_logical3A_274 = arith.constant 4 : i32
      %shift_right_logical3A_275 = vector.broadcast %shift_right_logical3A_274 : i32 to vector<16xi32>
      %shift_right_logical3A_276 = arith.shrui %get3A_273, %shift_right_logical3A_275 : vector<16xi32>
      %and3A_277 = arith.constant 15 : i32
      %and3A_278 = vector.broadcast %and3A_277 : i32 to vector<16xi32>
      %and3A_279 = arith.andi %get3A_273, %and3A_278 : vector<16xi32>
      tpu.vector_store_idx %arg16[%shift_right_logical3A_276, %and3A_279], %broadcast_in_dim3A_26 {add = true} : memref<640x16xf32, #tpu.memory_space<vmem>>[vector<16xi32>, vector<16xi32>], vector<16xf32>,
      %add3A_280 = arith.constant 1 : i32
      %add3A_281 = arith.addi %mul3A_195, %add3A_280 : i32
      %dma_wait3A_282 = arith.constant 1 : i32
      %dma_wait3A_283 = arith.constant 1 : i32
      %dma_wait3A_284 = arith.constant 0 : i32
      %dma_wait3A_285 = arith.constant 0 : i32
      %dma_wait3A_286 = tpu.memref_slice %arg12[%dma_wait3A_282, %dma_wait3A_284, %dma_wait3A_285] : memref<5x80x64xf32, #tpu.memory_space<vmem>> -> memref<1x80x64xf32, #tpu.memory_space<vmem>>
      %dma_wait3A_287 = tpu.memref_squeeze %dma_wait3A_286 : memref<1x80x64xf32, #tpu.memory_space<vmem>> -> memref<80x64xf32, #tpu.memory_space<vmem>>
      %dma_wait3A_288 = arith.constant 0 : i32
      %dma_wait3A_289 = tpu.memref_slice %arg10[%add3A_281, %dma_wait3A_288] : memref<125x80xi32, #tpu.memory_space<vmem>> -> memref<1x80xi32, #tpu.memory_space<vmem>>
      %dma_wait3A_290 = tpu.memref_squeeze %dma_wait3A_289 : memref<1x80xi32, #tpu.memory_space<vmem>> -> memref<80xi32, #tpu.memory_space<vmem>>
      %dma_wait3A_291 = arith.constant 0 : i32
      %dma_wait3A_292 = arith.constant 0 : i32
      %dma_wait3A_293 = tpu.memref_slice %arg4[%dma_wait3A_291, %dma_wait3A_292] : memref<10000x64xf32, #tpu.memory_space<hbm>> -> memref<10000x64xf32, #tpu.memory_space<hbm>>
      %dma_wait3A_294 = tpu.memref_slice %arg14[%dma_wait3A_283] : memref<5x!tpu.dma_semaphore, #tpu.memory_space<semaphore_mem>> -> memref<1x!tpu.dma_semaphore, #tpu.memory_space<semaphore_mem>>
      %dma_wait3A_295 = tpu.memref_squeeze %dma_wait3A_294 : memref<1x!tpu.dma_semaphore, #tpu.memory_space<semaphore_mem>> -> memref<!tpu.dma_semaphore, #tpu.memory_space<semaphore_mem>>
      tpu.wait_indirect_dma semaphore(%dma_wait3A_295 : memref<!tpu.dma_semaphore, #tpu.memory_space<semaphore_mem>>) src(%dma_wait3A_293 : memref<10000x64xf32, #tpu.memory_space<hbm>>) dst(%dma_wait3A_287 : memref<80x64xf32, #tpu.memory_space<vmem>>)
      %add3A_296 = arith.constant 1 : i32
      %add3A_297 = arith.addi %mul3A_195, %add3A_296 : i32
      %dma_start3A_298 = arith.constant 1 : i32
      %dma_start3A_299 = arith.constant 1 : i32
      %dma_start3A_300 = arith.constant 0 : i32
      %dma_start3A_301 = arith.constant 0 : i32
      %dma_start3A_302 = tpu.memref_slice %arg12[%dma_start3A_298, %dma_start3A_300, %dma_start3A_301] : memref<5x80x64xf32, #tpu.memory_space<vmem>> -> memref<1x80x64xf32, #tpu.memory_space<vmem>>
      %dma_start3A_303 = tpu.memref_squeeze %dma_start3A_302 : memref<1x80x64xf32, #tpu.memory_space<vmem>> -> memref<80x64xf32, #tpu.memory_space<vmem>>
      %dma_start3A_304 = arith.constant 0 : i32
      %dma_start3A_305 = tpu.memref_slice %arg11[%add3A_297, %dma_start3A_304] : memref<125x80xi32, #tpu.memory_space<vmem>> -> memref<1x80xi32, #tpu.memory_space<vmem>>
      %dma_start3A_306 = tpu.memref_squeeze %dma_start3A_305 : memref<1x80xi32, #tpu.memory_space<vmem>> -> memref<80xi32, #tpu.memory_space<vmem>>
      %dma_start3A_307 = arith.constant 0 : i32
      %dma_start3A_308 = arith.constant 0 : i32
      %dma_start3A_309 = tpu.memref_slice %arg13[%dma_start3A_307, %dma_start3A_308] : memref<10240x64xf32, #tpu.memory_space<vmem_shared>> -> memref<10240x64xf32, #tpu.memory_space<vmem_shared>>
      %dma_start3A_310 = tpu.memref_slice %arg15[%dma_start3A_299] : memref<5x!tpu.dma_semaphore, #tpu.memory_space<semaphore_mem>> -> memref<1x!tpu.dma_semaphore, #tpu.memory_space<semaphore_mem>>
      %dma_start3A_311 = tpu.memref_squeeze %dma_start3A_310 : memref<1x!tpu.dma_semaphore, #tpu.memory_space<semaphore_mem>> -> memref<!tpu.dma_semaphore, #tpu.memory_space<semaphore_mem>>
      tpu.enqueue_indirect_dma source(%dma_start3A_303 : memref<80x64xf32, #tpu.memory_space<vmem>>) target(%dma_start3A_309 : memref<10240x64xf32, #tpu.memory_space<vmem_shared>>) offsets(%dma_start3A_306 : memref<80xi32, #tpu.memory_space<vmem>>) semaphore(%dma_start3A_311 : memref<!tpu.dma_semaphore, #tpu.memory_space<semaphore_mem>>) {add = true}
      %add3A_312 = arith.constant 1 : i32
      %add3A_313 = arith.addi %mul3A_195, %add3A_312 : i32
      %get3A_314 = arith.index_cast %add3A_313 : i32 to index
      %get3A_315 = arith.constant 0 : index
      %get3A_316 = tpu.vector_load %arg11[%get3A_314, %get3A_315] {strides = array<i32>} : memref<125x80xi32, #tpu.memory_space<vmem>>, vector<16xi32>,
      %shift_right_logical3A_317 = arith.constant 4 : i32
      %shift_right_logical3A_318 = vector.broadcast %shift_right_logical3A_317 : i32 to vector<16xi32>
      %shift_right_logical3A_319 = arith.shrui %get3A_316, %shift_right_logical3A_318 : vector<16xi32>
      %and3A_320 = arith.constant 15 : i32
      %and3A_321 = vector.broadcast %and3A_320 : i32 to vector<16xi32>
      %and3A_322 = arith.andi %get3A_316, %and3A_321 : vector<16xi32>
      tpu.vector_store_idx %arg16[%shift_right_logical3A_319, %and3A_322], %broadcast_in_dim3A_26 {add = true} : memref<640x16xf32, #tpu.memory_space<vmem>>[vector<16xi32>, vector<16xi32>], vector<16xf32>,
      %add3A_323 = arith.constant 1 : i32
      %add3A_324 = arith.addi %mul3A_195, %add3A_323 : i32
      %get3A_325 = arith.index_cast %add3A_324 : i32 to index
      %get3A_326 = arith.constant 16 : index
      %get3A_327 = tpu.vector_load %arg11[%get3A_325, %get3A_326] {strides = array<i32>} : memref<125x80xi32, #tpu.memory_space<vmem>>, vector<16xi32>,
      %shift_right_logical3A_328 = arith.constant 4 : i32
      %shift_right_logical3A_329 = vector.broadcast %shift_right_logical3A_328 : i32 to vector<16xi32>
      %shift_right_logical3A_330 = arith.shrui %get3A_327, %shift_right_logical3A_329 : vector<16xi32>
      %and3A_331 = arith.constant 15 : i32
      %and3A_332 = vector.broadcast %and3A_331 : i32 to vector<16xi32>
      %and3A_333 = arith.andi %get3A_327, %and3A_332 : vector<16xi32>
      tpu.vector_store_idx %arg16[%shift_right_logical3A_330, %and3A_333], %broadcast_in_dim3A_26 {add = true} : memref<640x16xf32, #tpu.memory_space<vmem>>[vector<16xi32>, vector<16xi32>], vector<16xf32>,
      %add3A_334 = arith.constant 1 : i32
      %add3A_335 = arith.addi %mul3A_195, %add3A_334 : i32
      %get3A_336 = arith.index_cast %add3A_335 : i32 to index
      %get3A_337 = arith.constant 32 : index
      %get3A_338 = tpu.vector_load %arg11[%get3A_336, %get3A_337] {strides = array<i32>} : memref<125x80xi32, #tpu.memory_space<vmem>>, vector<16xi32>,
      %shift_right_logical3A_339 = arith.constant 4 : i32
      %shift_right_logical3A_340 = vector.broadcast %shift_right_logical3A_339 : i32 to vector<16xi32>
      %shift_right_logical3A_341 = arith.shrui %get3A_338, %shift_right_logical3A_340 : vector<16xi32>
      %and3A_342 = arith.constant 15 : i32
      %and3A_343 = vector.broadcast %and3A_342 : i32 to vector<16xi32>
      %and3A_344 = arith.andi %get3A_338, %and3A_343 : vector<16xi32>
      tpu.vector_store_idx %arg16[%shift_right_logical3A_341, %and3A_344], %broadcast_in_dim3A_26 {add = true} : memref<640x16xf32, #tpu.memory_space<vmem>>[vector<16xi32>, vector<16xi32>], vector<16xf32>,
      %add3A_345 = arith.constant 1 : i32
      %add3A_346 = arith.addi %mul3A_195, %add3A_345 : i32
      %get3A_347 = arith.index_cast %add3A_346 : i32 to index
      %get3A_348 = arith.constant 48 : index
      %get3A_349 = tpu.vector_load %arg11[%get3A_347, %get3A_348] {strides = array<i32>} : memref<125x80xi32, #tpu.memory_space<vmem>>, vector<16xi32>,
      %shift_right_logical3A_350 = arith.constant 4 : i32
      %shift_right_logical3A_351 = vector.broadcast %shift_right_logical3A_350 : i32 to vector<16xi32>
      %shift_right_logical3A_352 = arith.shrui %get3A_349, %shift_right_logical3A_351 : vector<16xi32>
      %and3A_353 = arith.constant 15 : i32
      %and3A_354 = vector.broadcast %and3A_353 : i32 to vector<16xi32>
      %and3A_355 = arith.andi %get3A_349, %and3A_354 : vector<16xi32>
      tpu.vector_store_idx %arg16[%shift_right_logical3A_352, %and3A_355], %broadcast_in_dim3A_26 {add = true} : memref<640x16xf32, #tpu.memory_space<vmem>>[vector<16xi32>, vector<16xi32>], vector<16xf32>,
      %add3A_356 = arith.constant 1 : i32
      %add3A_357 = arith.addi %mul3A_195, %add3A_356 : i32
      %get3A_358 = arith.index_cast %add3A_357 : i32 to index
      %get3A_359 = arith.constant 64 : index
      %get3A_360 = tpu.vector_load %arg11[%get3A_358, %get3A_359] {strides = array<i32>} : memref<125x80xi32, #tpu.memory_space<vmem>>, vector<16xi32>,
      %shift_right_logical3A_361 = arith.constant 4 : i32
      %shift_right_logical3A_362 = vector.broadcast %shift_right_logical3A_361 : i32 to vector<16xi32>
      %shift_right_logical3A_363 = arith.shrui %get3A_360, %shift_right_logical3A_362 : vector<16xi32>
      %and3A_364 = arith.constant 15 : i32
      %and3A_365 = vector.broadcast %and3A_364 : i32 to vector<16xi32>
      %and3A_366 = arith.andi %get3A_360, %and3A_365 : vector<16xi32>
      tpu.vector_store_idx %arg16[%shift_right_logical3A_363, %and3A_366], %broadcast_in_dim3A_26 {add = true} : memref<640x16xf32, #tpu.memory_space<vmem>>[vector<16xi32>, vector<16xi32>], vector<16xf32>,
      %add3A_367 = arith.constant 2 : i32
      %add3A_368 = arith.addi %mul3A_195, %add3A_367 : i32
      %dma_wait3A_369 = arith.constant 2 : i32
      %dma_wait3A_370 = arith.constant 2 : i32
      %dma_wait3A_371 = arith.constant 0 : i32
      %dma_wait3A_372 = arith.constant 0 : i32
      %dma_wait3A_373 = tpu.memref_slice %arg12[%dma_wait3A_369, %dma_wait3A_371, %dma_wait3A_372] : memref<5x80x64xf32, #tpu.memory_space<vmem>> -> memref<1x80x64xf32, #tpu.memory_space<vmem>>
      %dma_wait3A_374 = tpu.memref_squeeze %dma_wait3A_373 : memref<1x80x64xf32, #tpu.memory_space<vmem>> -> memref<80x64xf32, #tpu.memory_space<vmem>>
      %dma_wait3A_375 = arith.constant 0 : i32
      %dma_wait3A_376 = tpu.memref_slice %arg10[%add3A_368, %dma_wait3A_375] : memref<125x80xi32, #tpu.memory_space<vmem>> -> memref<1x80xi32, #tpu.memory_space<vmem>>
      %dma_wait3A_377 = tpu.memref_squeeze %dma_wait3A_376 : memref<1x80xi32, #tpu.memory_space<vmem>> -> memref<80xi32, #tpu.memory_space<vmem>>
      %dma_wait3A_378 = arith.constant 0 : i32
      %dma_wait3A_379 = arith.constant 0 : i32
      %dma_wait3A_380 = tpu.memref_slice %arg4[%dma_wait3A_378, %dma_wait3A_379] : memref<10000x64xf32, #tpu.memory_space<hbm>> -> memref<10000x64xf32, #tpu.memory_space<hbm>>
      %dma_wait3A_381 = tpu.memref_slice %arg14[%dma_wait3A_370] : memref<5x!tpu.dma_semaphore, #tpu.memory_space<semaphore_mem>> -> memref<1x!tpu.dma_semaphore, #tpu.memory_space<semaphore_mem>>
      %dma_wait3A_382 = tpu.memref_squeeze %dma_wait3A_381 : memref<1x!tpu.dma_semaphore, #tpu.memory_space<semaphore_mem>> -> memref<!tpu.dma_semaphore, #tpu.memory_space<semaphore_mem>>
      tpu.wait_indirect_dma semaphore(%dma_wait3A_382 : memref<!tpu.dma_semaphore, #tpu.memory_space<semaphore_mem>>) src(%dma_wait3A_380 : memref<10000x64xf32, #tpu.memory_space<hbm>>) dst(%dma_wait3A_374 : memref<80x64xf32, #tpu.memory_space<vmem>>)
      %add3A_383 = arith.constant 2 : i32
      %add3A_384 = arith.addi %mul3A_195, %add3A_383 : i32
      %dma_start3A_385 = arith.constant 2 : i32
      %dma_start3A_386 = arith.constant 2 : i32
      %dma_start3A_387 = arith.constant 0 : i32
      %dma_start3A_388 = arith.constant 0 : i32
      %dma_start3A_389 = tpu.memref_slice %arg12[%dma_start3A_385, %dma_start3A_387, %dma_start3A_388] : memref<5x80x64xf32, #tpu.memory_space<vmem>> -> memref<1x80x64xf32, #tpu.memory_space<vmem>>
      %dma_start3A_390 = tpu.memref_squeeze %dma_start3A_389 : memref<1x80x64xf32, #tpu.memory_space<vmem>> -> memref<80x64xf32, #tpu.memory_space<vmem>>
      %dma_start3A_391 = arith.constant 0 : i32
      %dma_start3A_392 = tpu.memref_slice %arg11[%add3A_384, %dma_start3A_391] : memref<125x80xi32, #tpu.memory_space<vmem>> -> memref<1x80xi32, #tpu.memory_space<vmem>>
      %dma_start3A_393 = tpu.memref_squeeze %dma_start3A_392 : memref<1x80xi32, #tpu.memory_space<vmem>> -> memref<80xi32, #tpu.memory_space<vmem>>
      %dma_start3A_394 = arith.constant 0 : i32
      %dma_start3A_395 = arith.constant 0 : i32
      %dma_start3A_396 = tpu.memref_slice %arg13[%dma_start3A_394, %dma_start3A_395] : memref<10240x64xf32, #tpu.memory_space<vmem_shared>> -> memref<10240x64xf32, #tpu.memory_space<vmem_shared>>
      %dma_start3A_397 = tpu.memref_slice %arg15[%dma_start3A_386] : memref<5x!tpu.dma_semaphore, #tpu.memory_space<semaphore_mem>> -> memref<1x!tpu.dma_semaphore, #tpu.memory_space<semaphore_mem>>
      %dma_start3A_398 = tpu.memref_squeeze %dma_start3A_397 : memref<1x!tpu.dma_semaphore, #tpu.memory_space<semaphore_mem>> -> memref<!tpu.dma_semaphore, #tpu.memory_space<semaphore_mem>>
      tpu.enqueue_indirect_dma source(%dma_start3A_390 : memref<80x64xf32, #tpu.memory_space<vmem>>) target(%dma_start3A_396 : memref<10240x64xf32, #tpu.memory_space<vmem_shared>>) offsets(%dma_start3A_393 : memref<80xi32, #tpu.memory_space<vmem>>) semaphore(%dma_start3A_398 : memref<!tpu.dma_semaphore, #tpu.memory_space<semaphore_mem>>) {add = true}
      %add3A_399 = arith.constant 2 : i32
      %add3A_400 = arith.addi %mul3A_195, %add3A_399 : i32
      %get3A_401 = arith.index_cast %add3A_400 : i32 to index
      %get3A_402 = arith.constant 0 : index
      %get3A_403 = tpu.vector_load %arg11[%get3A_401, %get3A_402] {strides = array<i32>} : memref<125x80xi32, #tpu.memory_space<vmem>>, vector<16xi32>,
      %shift_right_logical3A_404 = arith.constant 4 : i32
      %shift_right_logical3A_405 = vector.broadcast %shift_right_logical3A_404 : i32 to vector<16xi32>
      %shift_right_logical3A_406 = arith.shrui %get3A_403, %shift_right_logical3A_405 : vector<16xi32>
      %and3A_407 = arith.constant 15 : i32
      %and3A_408 = vector.broadcast %and3A_407 : i32 to vector<16xi32>
      %and3A_409 = arith.andi %get3A_403, %and3A_408 : vector<16xi32>
      tpu.vector_store_idx %arg16[%shift_right_logical3A_406, %and3A_409], %broadcast_in_dim3A_26 {add = true} : memref<640x16xf32, #tpu.memory_space<vmem>>[vector<16xi32>, vector<16xi32>], vector<16xf32>,
      %add3A_410 = arith.constant 2 : i32
      %add3A_411 = arith.addi %mul3A_195, %add3A_410 : i32
      %get3A_412 = arith.index_cast %add3A_411 : i32 to index
      %get3A_413 = arith.constant 16 : index
      %get3A_414 = tpu.vector_load %arg11[%get3A_412, %get3A_413] {strides = array<i32>} : memref<125x80xi32, #tpu.memory_space<vmem>>, vector<16xi32>,
      %shift_right_logical3A_415 = arith.constant 4 : i32
      %shift_right_logical3A_416 = vector.broadcast %shift_right_logical3A_415 : i32 to vector<16xi32>
      %shift_right_logical3A_417 = arith.shrui %get3A_414, %shift_right_logical3A_416 : vector<16xi32>
      %and3A_418 = arith.constant 15 : i32
      %and3A_419 = vector.broadcast %and3A_418 : i32 to vector<16xi32>
      %and3A_420 = arith.andi %get3A_414, %and3A_419 : vector<16xi32>
      tpu.vector_store_idx %arg16[%shift_right_logical3A_417, %and3A_420], %broadcast_in_dim3A_26 {add = true} : memref<640x16xf32, #tpu.memory_space<vmem>>[vector<16xi32>, vector<16xi32>], vector<16xf32>,
      %add3A_421 = arith.constant 2 : i32
      %add3A_422 = arith.addi %mul3A_195, %add3A_421 : i32
      %get3A_423 = arith.index_cast %add3A_422 : i32 to index
      %get3A_424 = arith.constant 32 : index
      %get3A_425 = tpu.vector_load %arg11[%get3A_423, %get3A_424] {strides = array<i32>} : memref<125x80xi32, #tpu.memory_space<vmem>>, vector<16xi32>,
      %shift_right_logical3A_426 = arith.constant 4 : i32
      %shift_right_logical3A_427 = vector.broadcast %shift_right_logical3A_426 : i32 to vector<16xi32>
      %shift_right_logical3A_428 = arith.shrui %get3A_425, %shift_right_logical3A_427 : vector<16xi32>
      %and3A_429 = arith.constant 15 : i32
      %and3A_430 = vector.broadcast %and3A_429 : i32 to vector<16xi32>
      %and3A_431 = arith.andi %get3A_425, %and3A_430 : vector<16xi32>
      tpu.vector_store_idx %arg16[%shift_right_logical3A_428, %and3A_431], %broadcast_in_dim3A_26 {add = true} : memref<640x16xf32, #tpu.memory_space<vmem>>[vector<16xi32>, vector<16xi32>], vector<16xf32>,
      %add3A_432 = arith.constant 2 : i32
      %add3A_433 = arith.addi %mul3A_195, %add3A_432 : i32
      %get3A_434 = arith.index_cast %add3A_433 : i32 to index
      %get3A_435 = arith.constant 48 : index
      %get3A_436 = tpu.vector_load %arg11[%get3A_434, %get3A_435] {strides = array<i32>} : memref<125x80xi32, #tpu.memory_space<vmem>>, vector<16xi32>,
      %shift_right_logical3A_437 = arith.constant 4 : i32
      %shift_right_logical3A_438 = vector.broadcast %shift_right_logical3A_437 : i32 to vector<16xi32>
      %shift_right_logical3A_439 = arith.shrui %get3A_436, %shift_right_logical3A_438 : vector<16xi32>
      %and3A_440 = arith.constant 15 : i32
      %and3A_441 = vector.broadcast %and3A_440 : i32 to vector<16xi32>
      %and3A_442 = arith.andi %get3A_436, %and3A_441 : vector<16xi32>
      tpu.vector_store_idx %arg16[%shift_right_logical3A_439, %and3A_442], %broadcast_in_dim3A_26 {add = true} : memref<640x16xf32, #tpu.memory_space<vmem>>[vector<16xi32>, vector<16xi32>], vector<16xf32>,
      %add3A_443 = arith.constant 2 : i32
      %add3A_444 = arith.addi %mul3A_195, %add3A_443 : i32
      %get3A_445 = arith.index_cast %add3A_444 : i32 to index
      %get3A_446 = arith.constant 64 : index
      %get3A_447 = tpu.vector_load %arg11[%get3A_445, %get3A_446] {strides = array<i32>} : memref<125x80xi32, #tpu.memory_space<vmem>>, vector<16xi32>,
      %shift_right_logical3A_448 = arith.constant 4 : i32
      %shift_right_logical3A_449 = vector.broadcast %shift_right_logical3A_448 : i32 to vector<16xi32>
      %shift_right_logical3A_450 = arith.shrui %get3A_447, %shift_right_logical3A_449 : vector<16xi32>
      %and3A_451 = arith.constant 15 : i32
      %and3A_452 = vector.broadcast %and3A_451 : i32 to vector<16xi32>
      %and3A_453 = arith.andi %get3A_447, %and3A_452 : vector<16xi32>
      tpu.vector_store_idx %arg16[%shift_right_logical3A_450, %and3A_453], %broadcast_in_dim3A_26 {add = true} : memref<640x16xf32, #tpu.memory_space<vmem>>[vector<16xi32>, vector<16xi32>], vector<16xf32>,
      %add3A_454 = arith.constant 3 : i32
      %add3A_455 = arith.addi %mul3A_195, %add3A_454 : i32
      %dma_wait3A_456 = arith.constant 3 : i32
      %dma_wait3A_457 = arith.constant 3 : i32
      %dma_wait3A_458 = arith.constant 0 : i32
      %dma_wait3A_459 = arith.constant 0 : i32
      %dma_wait3A_460 = tpu.memref_slice %arg12[%dma_wait3A_456, %dma_wait3A_458, %dma_wait3A_459] : memref<5x80x64xf32, #tpu.memory_space<vmem>> -> memref<1x80x64xf32, #tpu.memory_space<vmem>>
      %dma_wait3A_461 = tpu.memref_squeeze %dma_wait3A_460 : memref<1x80x64xf32, #tpu.memory_space<vmem>> -> memref<80x64xf32, #tpu.memory_space<vmem>>
      %dma_wait3A_462 = arith.constant 0 : i32
      %dma_wait3A_463 = tpu.memref_slice %arg10[%add3A_455, %dma_wait3A_462] : memref<125x80xi32, #tpu.memory_space<vmem>> -> memref<1x80xi32, #tpu.memory_space<vmem>>
      %dma_wait3A_464 = tpu.memref_squeeze %dma_wait3A_463 : memref<1x80xi32, #tpu.memory_space<vmem>> -> memref<80xi32, #tpu.memory_space<vmem>>
      %dma_wait3A_465 = arith.constant 0 : i32
      %dma_wait3A_466 = arith.constant 0 : i32
      %dma_wait3A_467 = tpu.memref_slice %arg4[%dma_wait3A_465, %dma_wait3A_466] : memref<10000x64xf32, #tpu.memory_space<hbm>> -> memref<10000x64xf32, #tpu.memory_space<hbm>>
      %dma_wait3A_468 = tpu.memref_slice %arg14[%dma_wait3A_457] : memref<5x!tpu.dma_semaphore, #tpu.memory_space<semaphore_mem>> -> memref<1x!tpu.dma_semaphore, #tpu.memory_space<semaphore_mem>>
      %dma_wait3A_469 = tpu.memref_squeeze %dma_wait3A_468 : memref<1x!tpu.dma_semaphore, #tpu.memory_space<semaphore_mem>> -> memref<!tpu.dma_semaphore, #tpu.memory_space<semaphore_mem>>
      tpu.wait_indirect_dma semaphore(%dma_wait3A_469 : memref<!tpu.dma_semaphore, #tpu.memory_space<semaphore_mem>>) src(%dma_wait3A_467 : memref<10000x64xf32, #tpu.memory_space<hbm>>) dst(%dma_wait3A_461 : memref<80x64xf32, #tpu.memory_space<vmem>>)
      %add3A_470 = arith.constant 3 : i32
      %add3A_471 = arith.addi %mul3A_195, %add3A_470 : i32
      %dma_start3A_472 = arith.constant 3 : i32
      %dma_start3A_473 = arith.constant 3 : i32
      %dma_start3A_474 = arith.constant 0 : i32
      %dma_start3A_475 = arith.constant 0 : i32
      %dma_start3A_476 = tpu.memref_slice %arg12[%dma_start3A_472, %dma_start3A_474, %dma_start3A_475] : memref<5x80x64xf32, #tpu.memory_space<vmem>> -> memref<1x80x64xf32, #tpu.memory_space<vmem>>
      %dma_start3A_477 = tpu.memref_squeeze %dma_start3A_476 : memref<1x80x64xf32, #tpu.memory_space<vmem>> -> memref<80x64xf32, #tpu.memory_space<vmem>>
      %dma_start3A_478 = arith.constant 0 : i32
      %dma_start3A_479 = tpu.memref_slice %arg11[%add3A_471, %dma_start3A_478] : memref<125x80xi32, #tpu.memory_space<vmem>> -> memref<1x80xi32, #tpu.memory_space<vmem>>
      %dma_start3A_480 = tpu.memref_squeeze %dma_start3A_479 : memref<1x80xi32, #tpu.memory_space<vmem>> -> memref<80xi32, #tpu.memory_space<vmem>>
      %dma_start3A_481 = arith.constant 0 : i32
      %dma_start3A_482 = arith.constant 0 : i32
      %dma_start3A_483 = tpu.memref_slice %arg13[%dma_start3A_481, %dma_start3A_482] : memref<10240x64xf32, #tpu.memory_space<vmem_shared>> -> memref<10240x64xf32, #tpu.memory_space<vmem_shared>>
      %dma_start3A_484 = tpu.memref_slice %arg15[%dma_start3A_473] : memref<5x!tpu.dma_semaphore, #tpu.memory_space<semaphore_mem>> -> memref<1x!tpu.dma_semaphore, #tpu.memory_space<semaphore_mem>>
      %dma_start3A_485 = tpu.memref_squeeze %dma_start3A_484 : memref<1x!tpu.dma_semaphore, #tpu.memory_space<semaphore_mem>> -> memref<!tpu.dma_semaphore, #tpu.memory_space<semaphore_mem>>
      tpu.enqueue_indirect_dma source(%dma_start3A_477 : memref<80x64xf32, #tpu.memory_space<vmem>>) target(%dma_start3A_483 : memref<10240x64xf32, #tpu.memory_space<vmem_shared>>) offsets(%dma_start3A_480 : memref<80xi32, #tpu.memory_space<vmem>>) semaphore(%dma_start3A_485 : memref<!tpu.dma_semaphore, #tpu.memory_space<semaphore_mem>>) {add = true}
      %add3A_486 = arith.constant 3 : i32
      %add3A_487 = arith.addi %mul3A_195, %add3A_486 : i32
      %get3A_488 = arith.index_cast %add3A_487 : i32 to index
      %get3A_489 = arith.constant 0 : index
      %get3A_490 = tpu.vector_load %arg11[%get3A_488, %get3A_489] {strides = array<i32>} : memref<125x80xi32, #tpu.memory_space<vmem>>, vector<16xi32>,
      %shift_right_logical3A_491 = arith.constant 4 : i32
      %shift_right_logical3A_492 = vector.broadcast %shift_right_logical3A_491 : i32 to vector<16xi32>
      %shift_right_logical3A_493 = arith.shrui %get3A_490, %shift_right_logical3A_492 : vector<16xi32>
      %and3A_494 = arith.constant 15 : i32
      %and3A_495 = vector.broadcast %and3A_494 : i32 to vector<16xi32>
      %and3A_496 = arith.andi %get3A_490, %and3A_495 : vector<16xi32>
      tpu.vector_store_idx %arg16[%shift_right_logical3A_493, %and3A_496], %broadcast_in_dim3A_26 {add = true} : memref<640x16xf32, #tpu.memory_space<vmem>>[vector<16xi32>, vector<16xi32>], vector<16xf32>,
      %add3A_497 = arith.constant 3 : i32
      %add3A_498 = arith.addi %mul3A_195, %add3A_497 : i32
      %get3A_499 = arith.index_cast %add3A_498 : i32 to index
      %get3A_500 = arith.constant 16 : index
      %get3A_501 = tpu.vector_load %arg11[%get3A_499, %get3A_500] {strides = array<i32>} : memref<125x80xi32, #tpu.memory_space<vmem>>, vector<16xi32>,
      %shift_right_logical3A_502 = arith.constant 4 : i32
      %shift_right_logical3A_503 = vector.broadcast %shift_right_logical3A_502 : i32 to vector<16xi32>
      %shift_right_logical3A_504 = arith.shrui %get3A_501, %shift_right_logical3A_503 : vector<16xi32>
      %and3A_505 = arith.constant 15 : i32
      %and3A_506 = vector.broadcast %and3A_505 : i32 to vector<16xi32>
      %and3A_507 = arith.andi %get3A_501, %and3A_506 : vector<16xi32>
      tpu.vector_store_idx %arg16[%shift_right_logical3A_504, %and3A_507], %broadcast_in_dim3A_26 {add = true} : memref<640x16xf32, #tpu.memory_space<vmem>>[vector<16xi32>, vector<16xi32>], vector<16xf32>,
      %add3A_508 = arith.constant 3 : i32
      %add3A_509 = arith.addi %mul3A_195, %add3A_508 : i32
      %get3A_510 = arith.index_cast %add3A_509 : i32 to index
      %get3A_511 = arith.constant 32 : index
      %get3A_512 = tpu.vector_load %arg11[%get3A_510, %get3A_511] {strides = array<i32>} : memref<125x80xi32, #tpu.memory_space<vmem>>, vector<16xi32>,
      %shift_right_logical3A_513 = arith.constant 4 : i32
      %shift_right_logical3A_514 = vector.broadcast %shift_right_logical3A_513 : i32 to vector<16xi32>
      %shift_right_logical3A_515 = arith.shrui %get3A_512, %shift_right_logical3A_514 : vector<16xi32>
      %and3A_516 = arith.constant 15 : i32
      %and3A_517 = vector.broadcast %and3A_516 : i32 to vector<16xi32>
      %and3A_518 = arith.andi %get3A_512, %and3A_517 : vector<16xi32>
      tpu.vector_store_idx %arg16[%shift_right_logical3A_515, %and3A_518], %broadcast_in_dim3A_26 {add = true} : memref<640x16xf32, #tpu.memory_space<vmem>>[vector<16xi32>, vector<16xi32>], vector<16xf32>,
      %add3A_519 = arith.constant 3 : i32
      %add3A_520 = arith.addi %mul3A_195, %add3A_519 : i32
      %get3A_521 = arith.index_cast %add3A_520 : i32 to index
      %get3A_522 = arith.constant 48 : index
      %get3A_523 = tpu.vector_load %arg11[%get3A_521, %get3A_522] {strides = array<i32>} : memref<125x80xi32, #tpu.memory_space<vmem>>, vector<16xi32>,
      %shift_right_logical3A_524 = arith.constant 4 : i32
      %shift_right_logical3A_525 = vector.broadcast %shift_right_logical3A_524 : i32 to vector<16xi32>
      %shift_right_logical3A_526 = arith.shrui %get3A_523, %shift_right_logical3A_525 : vector<16xi32>
      %and3A_527 = arith.constant 15 : i32
      %and3A_528 = vector.broadcast %and3A_527 : i32 to vector<16xi32>
      %and3A_529 = arith.andi %get3A_523, %and3A_528 : vector<16xi32>
      tpu.vector_store_idx %arg16[%shift_right_logical3A_526, %and3A_529], %broadcast_in_dim3A_26 {add = true} : memref<640x16xf32, #tpu.memory_space<vmem>>[vector<16xi32>, vector<16xi32>], vector<16xf32>,
      %add3A_530 = arith.constant 3 : i32
      %add3A_531 = arith.addi %mul3A_195, %add3A_530 : i32
      %get3A_532 = arith.index_cast %add3A_531 : i32 to index
      %get3A_533 = arith.constant 64 : index
      %get3A_534 = tpu.vector_load %arg11[%get3A_532, %get3A_533] {strides = array<i32>} : memref<125x80xi32, #tpu.memory_space<vmem>>, vector<16xi32>,
      %shift_right_logical3A_535 = arith.constant 4 : i32
      %shift_right_logical3A_536 = vector.broadcast %shift_right_logical3A_535 : i32 to vector<16xi32>
      %shift_right_logical3A_537 = arith.shrui %get3A_534, %shift_right_logical3A_536 : vector<16xi32>
      %and3A_538 = arith.constant 15 : i32
      %and3A_539 = vector.broadcast %and3A_538 : i32 to vector<16xi32>
      %and3A_540 = arith.andi %get3A_534, %and3A_539 : vector<16xi32>
      tpu.vector_store_idx %arg16[%shift_right_logical3A_537, %and3A_540], %broadcast_in_dim3A_26 {add = true} : memref<640x16xf32, #tpu.memory_space<vmem>>[vector<16xi32>, vector<16xi32>], vector<16xf32>,
      %add3A_541 = arith.constant 4 : i32
      %add3A_542 = arith.addi %mul3A_195, %add3A_541 : i32
      %dma_wait3A_543 = arith.constant 4 : i32
      %dma_wait3A_544 = arith.constant 4 : i32
      %dma_wait3A_545 = arith.constant 0 : i32
      %dma_wait3A_546 = arith.constant 0 : i32
      %dma_wait3A_547 = tpu.memref_slice %arg12[%dma_wait3A_543, %dma_wait3A_545, %dma_wait3A_546] : memref<5x80x64xf32, #tpu.memory_space<vmem>> -> memref<1x80x64xf32, #tpu.memory_space<vmem>>
      %dma_wait3A_548 = tpu.memref_squeeze %dma_wait3A_547 : memref<1x80x64xf32, #tpu.memory_space<vmem>> -> memref<80x64xf32, #tpu.memory_space<vmem>>
      %dma_wait3A_549 = arith.constant 0 : i32
      %dma_wait3A_550 = tpu.memref_slice %arg10[%add3A_542, %dma_wait3A_549] : memref<125x80xi32, #tpu.memory_space<vmem>> -> memref<1x80xi32, #tpu.memory_space<vmem>>
      %dma_wait3A_551 = tpu.memref_squeeze %dma_wait3A_550 : memref<1x80xi32, #tpu.memory_space<vmem>> -> memref<80xi32, #tpu.memory_space<vmem>>
      %dma_wait3A_552 = arith.constant 0 : i32
      %dma_wait3A_553 = arith.constant 0 : i32
      %dma_wait3A_554 = tpu.memref_slice %arg4[%dma_wait3A_552, %dma_wait3A_553] : memref<10000x64xf32, #tpu.memory_space<hbm>> -> memref<10000x64xf32, #tpu.memory_space<hbm>>
      %dma_wait3A_555 = tpu.memref_slice %arg14[%dma_wait3A_544] : memref<5x!tpu.dma_semaphore, #tpu.memory_space<semaphore_mem>> -> memref<1x!tpu.dma_semaphore, #tpu.memory_space<semaphore_mem>>
      %dma_wait3A_556 = tpu.memref_squeeze %dma_wait3A_555 : memref<1x!tpu.dma_semaphore, #tpu.memory_space<semaphore_mem>> -> memref<!tpu.dma_semaphore, #tpu.memory_space<semaphore_mem>>
      tpu.wait_indirect_dma semaphore(%dma_wait3A_556 : memref<!tpu.dma_semaphore, #tpu.memory_space<semaphore_mem>>) src(%dma_wait3A_554 : memref<10000x64xf32, #tpu.memory_space<hbm>>) dst(%dma_wait3A_548 : memref<80x64xf32, #tpu.memory_space<vmem>>)
      %add3A_557 = arith.constant 4 : i32
      %add3A_558 = arith.addi %mul3A_195, %add3A_557 : i32
      %dma_start3A_559 = arith.constant 4 : i32
      %dma_start3A_560 = arith.constant 4 : i32
      %dma_start3A_561 = arith.constant 0 : i32
      %dma_start3A_562 = arith.constant 0 : i32
      %dma_start3A_563 = tpu.memref_slice %arg12[%dma_start3A_559, %dma_start3A_561, %dma_start3A_562] : memref<5x80x64xf32, #tpu.memory_space<vmem>> -> memref<1x80x64xf32, #tpu.memory_space<vmem>>
      %dma_start3A_564 = tpu.memref_squeeze %dma_start3A_563 : memref<1x80x64xf32, #tpu.memory_space<vmem>> -> memref<80x64xf32, #tpu.memory_space<vmem>>
      %dma_start3A_565 = arith.constant 0 : i32
      %dma_start3A_566 = tpu.memref_slice %arg11[%add3A_558, %dma_start3A_565] : memref<125x80xi32, #tpu.memory_space<vmem>> -> memref<1x80xi32, #tpu.memory_space<vmem>>
      %dma_start3A_567 = tpu.memref_squeeze %dma_start3A_566 : memref<1x80xi32, #tpu.memory_space<vmem>> -> memref<80xi32, #tpu.memory_space<vmem>>
      %dma_start3A_568 = arith.constant 0 : i32
      %dma_start3A_569 = arith.constant 0 : i32
      %dma_start3A_570 = tpu.memref_slice %arg13[%dma_start3A_568, %dma_start3A_569] : memref<10240x64xf32, #tpu.memory_space<vmem_shared>> -> memref<10240x64xf32, #tpu.memory_space<vmem_shared>>
      %dma_start3A_571 = tpu.memref_slice %arg15[%dma_start3A_560] : memref<5x!tpu.dma_semaphore, #tpu.memory_space<semaphore_mem>> -> memref<1x!tpu.dma_semaphore, #tpu.memory_space<semaphore_mem>>
      %dma_start3A_572 = tpu.memref_squeeze %dma_start3A_571 : memref<1x!tpu.dma_semaphore, #tpu.memory_space<semaphore_mem>> -> memref<!tpu.dma_semaphore, #tpu.memory_space<semaphore_mem>>
      tpu.enqueue_indirect_dma source(%dma_start3A_564 : memref<80x64xf32, #tpu.memory_space<vmem>>) target(%dma_start3A_570 : memref<10240x64xf32, #tpu.memory_space<vmem_shared>>) offsets(%dma_start3A_567 : memref<80xi32, #tpu.memory_space<vmem>>) semaphore(%dma_start3A_572 : memref<!tpu.dma_semaphore, #tpu.memory_space<semaphore_mem>>) {add = true}
      %add3A_573 = arith.constant 4 : i32
      %add3A_574 = arith.addi %mul3A_195, %add3A_573 : i32
      %get3A_575 = arith.index_cast %add3A_574 : i32 to index
      %get3A_576 = arith.constant 0 : index
      %get3A_577 = tpu.vector_load %arg11[%get3A_575, %get3A_576] {strides = array<i32>} : memref<125x80xi32, #tpu.memory_space<vmem>>, vector<16xi32>,
      %shift_right_logical3A_578 = arith.constant 4 : i32
      %shift_right_logical3A_579 = vector.broadcast %shift_right_logical3A_578 : i32 to vector<16xi32>
      %shift_right_logical3A_580 = arith.shrui %get3A_577, %shift_right_logical3A_579 : vector<16xi32>
      %and3A_581 = arith.constant 15 : i32
      %and3A_582 = vector.broadcast %and3A_581 : i32 to vector<16xi32>
      %and3A_583 = arith.andi %get3A_577, %and3A_582 : vector<16xi32>
      tpu.vector_store_idx %arg16[%shift_right_logical3A_580, %and3A_583], %broadcast_in_dim3A_26 {add = true} : memref<640x16xf32, #tpu.memory_space<vmem>>[vector<16xi32>, vector<16xi32>], vector<16xf32>,
      %add3A_584 = arith.constant 4 : i32
      %add3A_585 = arith.addi %mul3A_195, %add3A_584 : i32
      %get3A_586 = arith.index_cast %add3A_585 : i32 to index
      %get3A_587 = arith.constant 16 : index
      %get3A_588 = tpu.vector_load %arg11[%get3A_586, %get3A_587] {strides = array<i32>} : memref<125x80xi32, #tpu.memory_space<vmem>>, vector<16xi32>,
      %shift_right_logical3A_589 = arith.constant 4 : i32
      %shift_right_logical3A_590 = vector.broadcast %shift_right_logical3A_589 : i32 to vector<16xi32>
      %shift_right_logical3A_591 = arith.shrui %get3A_588, %shift_right_logical3A_590 : vector<16xi32>
      %and3A_592 = arith.constant 15 : i32
      %and3A_593 = vector.broadcast %and3A_592 : i32 to vector<16xi32>
      %and3A_594 = arith.andi %get3A_588, %and3A_593 : vector<16xi32>
      tpu.vector_store_idx %arg16[%shift_right_logical3A_591, %and3A_594], %broadcast_in_dim3A_26 {add = true} : memref<640x16xf32, #tpu.memory_space<vmem>>[vector<16xi32>, vector<16xi32>], vector<16xf32>,
      %add3A_595 = arith.constant 4 : i32
      %add3A_596 = arith.addi %mul3A_195, %add3A_595 : i32
      %get3A_597 = arith.index_cast %add3A_596 : i32 to index
      %get3A_598 = arith.constant 32 : index
      %get3A_599 = tpu.vector_load %arg11[%get3A_597, %get3A_598] {strides = array<i32>} : memref<125x80xi32, #tpu.memory_space<vmem>>, vector<16xi32>,
      %shift_right_logical3A_600 = arith.constant 4 : i32
      %shift_right_logical3A_601 = vector.broadcast %shift_right_logical3A_600 : i32 to vector<16xi32>
      %shift_right_logical3A_602 = arith.shrui %get3A_599, %shift_right_logical3A_601 : vector<16xi32>
      %and3A_603 = arith.constant 15 : i32
      %and3A_604 = vector.broadcast %and3A_603 : i32 to vector<16xi32>
      %and3A_605 = arith.andi %get3A_599, %and3A_604 : vector<16xi32>
      tpu.vector_store_idx %arg16[%shift_right_logical3A_602, %and3A_605], %broadcast_in_dim3A_26 {add = true} : memref<640x16xf32, #tpu.memory_space<vmem>>[vector<16xi32>, vector<16xi32>], vector<16xf32>,
      %add3A_606 = arith.constant 4 : i32
      %add3A_607 = arith.addi %mul3A_195, %add3A_606 : i32
      %get3A_608 = arith.index_cast %add3A_607 : i32 to index
      %get3A_609 = arith.constant 48 : index
      %get3A_610 = tpu.vector_load %arg11[%get3A_608, %get3A_609] {strides = array<i32>} : memref<125x80xi32, #tpu.memory_space<vmem>>, vector<16xi32>,
      %shift_right_logical3A_611 = arith.constant 4 : i32
      %shift_right_logical3A_612 = vector.broadcast %shift_right_logical3A_611 : i32 to vector<16xi32>
      %shift_right_logical3A_613 = arith.shrui %get3A_610, %shift_right_logical3A_612 : vector<16xi32>
      %and3A_614 = arith.constant 15 : i32
      %and3A_615 = vector.broadcast %and3A_614 : i32 to vector<16xi32>
      %and3A_616 = arith.andi %get3A_610, %and3A_615 : vector<16xi32>
      tpu.vector_store_idx %arg16[%shift_right_logical3A_613, %and3A_616], %broadcast_in_dim3A_26 {add = true} : memref<640x16xf32, #tpu.memory_space<vmem>>[vector<16xi32>, vector<16xi32>], vector<16xf32>,
      %add3A_617 = arith.constant 4 : i32
      %add3A_618 = arith.addi %mul3A_195, %add3A_617 : i32
      %get3A_619 = arith.index_cast %add3A_618 : i32 to index
      %get3A_620 = arith.constant 64 : index
      %get3A_621 = tpu.vector_load %arg11[%get3A_619, %get3A_620] {strides = array<i32>} : memref<125x80xi32, #tpu.memory_space<vmem>>, vector<16xi32>,
      %shift_right_logical3A_622 = arith.constant 4 : i32
      %shift_right_logical3A_623 = vector.broadcast %shift_right_logical3A_622 : i32 to vector<16xi32>
      %shift_right_logical3A_624 = arith.shrui %get3A_621, %shift_right_logical3A_623 : vector<16xi32>
      %and3A_625 = arith.constant 15 : i32
      %and3A_626 = vector.broadcast %and3A_625 : i32 to vector<16xi32>
      %and3A_627 = arith.andi %get3A_621, %and3A_626 : vector<16xi32>
      tpu.vector_store_idx %arg16[%shift_right_logical3A_624, %and3A_627], %broadcast_in_dim3A_26 {add = true} : memref<640x16xf32, #tpu.memory_space<vmem>>[vector<16xi32>, vector<16xi32>], vector<16xf32>,
      %add3A_628 = arith.constant 5 : i32
      %add3A_629 = arith.addi %mul3A_195, %add3A_628 : i32
      %add3A_630 = arith.constant 0 : i32
      %add3A_631 = arith.addi %add3A_629, %add3A_630 : i32
      %lt3A = arith.constant 125 : i32
      %lt3A_632 = arith.cmpi slt, %add3A_631, %lt3A : i32
      %convert_element_type3A_633 = arith.extui %lt3A_632 : i1 to i32
      %cond3A_634 = arith.constant 0 : i32
      %cond3A_635 = arith.cmpi ne, %convert_element_type3A_633, %cond3A_634 : i32
      scf.if %cond3A_635 {
        %add3A_672 = arith.constant 0 : i32
        %add3A_673 = arith.addi %mul3A_195, %add3A_672 : i32
        %dma_wait3A_674 = arith.constant 0 : i32
        %dma_wait3A_675 = arith.constant 0 : i32
        %dma_wait3A_676 = arith.constant 0 : i32
        %dma_wait3A_677 = arith.constant 0 : i32
        %dma_wait3A_678 = tpu.memref_slice %arg12[%dma_wait3A_674, %dma_wait3A_676, %dma_wait3A_677] : memref<5x80x64xf32, #tpu.memory_space<vmem>> -> memref<1x80x64xf32, #tpu.memory_space<vmem>>
        %dma_wait3A_679 = tpu.memref_squeeze %dma_wait3A_678 : memref<1x80x64xf32, #tpu.memory_space<vmem>> -> memref<80x64xf32, #tpu.memory_space<vmem>>
        %dma_wait3A_680 = arith.constant 0 : i32
        %dma_wait3A_681 = tpu.memref_slice %arg11[%add3A_673, %dma_wait3A_680] : memref<125x80xi32, #tpu.memory_space<vmem>> -> memref<1x80xi32, #tpu.memory_space<vmem>>
        %dma_wait3A_682 = tpu.memref_squeeze %dma_wait3A_681 : memref<1x80xi32, #tpu.memory_space<vmem>> -> memref<80xi32, #tpu.memory_space<vmem>>
        %dma_wait3A_683 = arith.constant 0 : i32
        %dma_wait3A_684 = arith.constant 0 : i32
        %dma_wait3A_685 = tpu.memref_slice %arg13[%dma_wait3A_683, %dma_wait3A_684] : memref<10240x64xf32, #tpu.memory_space<vmem_shared>> -> memref<10240x64xf32, #tpu.memory_space<vmem_shared>>
        %dma_wait3A_686 = tpu.memref_slice %arg15[%dma_wait3A_675] : memref<5x!tpu.dma_semaphore, #tpu.memory_space<semaphore_mem>> -> memref<1x!tpu.dma_semaphore, #tpu.memory_space<semaphore_mem>>
        %dma_wait3A_687 = tpu.memref_squeeze %dma_wait3A_686 : memref<1x!tpu.dma_semaphore, #tpu.memory_space<semaphore_mem>> -> memref<!tpu.dma_semaphore, #tpu.memory_space<semaphore_mem>>
        tpu.wait_indirect_dma semaphore(%dma_wait3A_687 : memref<!tpu.dma_semaphore, #tpu.memory_space<semaphore_mem>>) src(%dma_wait3A_679 : memref<80x64xf32, #tpu.memory_space<vmem>>) dst(%dma_wait3A_685 : memref<10240x64xf32, #tpu.memory_space<vmem_shared>>)
        %dma_start3A_688 = arith.constant 0 : i32
        %dma_start3A_689 = arith.constant 0 : i32
        %dma_start3A_690 = arith.constant 0 : i32
        %dma_start3A_691 = arith.constant 0 : i32
        %dma_start3A_692 = tpu.memref_slice %arg12[%dma_start3A_688, %dma_start3A_690, %dma_start3A_691] : memref<5x80x64xf32, #tpu.memory_space<vmem>> -> memref<1x80x64xf32, #tpu.memory_space<vmem>>
        %dma_start3A_693 = tpu.memref_squeeze %dma_start3A_692 : memref<1x80x64xf32, #tpu.memory_space<vmem>> -> memref<80x64xf32, #tpu.memory_space<vmem>>
        %dma_start3A_694 = arith.constant 0 : i32
        %dma_start3A_695 = tpu.memref_slice %arg10[%add3A_631, %dma_start3A_694] : memref<125x80xi32, #tpu.memory_space<vmem>> -> memref<1x80xi32, #tpu.memory_space<vmem>>
        %dma_start3A_696 = tpu.memref_squeeze %dma_start3A_695 : memref<1x80xi32, #tpu.memory_space<vmem>> -> memref<80xi32, #tpu.memory_space<vmem>>
        %dma_start3A_697 = arith.constant 0 : i32
        %dma_start3A_698 = arith.constant 0 : i32
        %dma_start3A_699 = tpu.memref_slice %arg4[%dma_start3A_697, %dma_start3A_698] : memref<10000x64xf32, #tpu.memory_space<hbm>> -> memref<10000x64xf32, #tpu.memory_space<hbm>>
        %dma_start3A_700 = tpu.memref_slice %arg14[%dma_start3A_689] : memref<5x!tpu.dma_semaphore, #tpu.memory_space<semaphore_mem>> -> memref<1x!tpu.dma_semaphore, #tpu.memory_space<semaphore_mem>>
        %dma_start3A_701 = tpu.memref_squeeze %dma_start3A_700 : memref<1x!tpu.dma_semaphore, #tpu.memory_space<semaphore_mem>> -> memref<!tpu.dma_semaphore, #tpu.memory_space<semaphore_mem>>
        tpu.enqueue_indirect_dma source(%dma_start3A_699 : memref<10000x64xf32, #tpu.memory_space<hbm>>) target(%dma_start3A_693 : memref<80x64xf32, #tpu.memory_space<vmem>>) offsets(%dma_start3A_696 : memref<80xi32, #tpu.memory_space<vmem>>) semaphore(%dma_start3A_701 : memref<!tpu.dma_semaphore, #tpu.memory_space<semaphore_mem>>)
      } else {
      }
      %add3A_636 = arith.constant 5 : i32
      %add3A_637 = arith.addi %mul3A_195, %add3A_636 : i32
      %add3A_638 = arith.constant 1 : i32
      %add3A_639 = arith.addi %add3A_637, %add3A_638 : i32
      %lt3A_640 = arith.constant 125 : i32
      %lt3A_641 = arith.cmpi slt, %add3A_639, %lt3A_640 : i32
      %convert_element_type3A_642 = arith.extui %lt3A_641 : i1 to i32
      %cond3A_643 = arith.constant 0 : i32
      %cond3A_644 = arith.cmpi ne, %convert_element_type3A_642, %cond3A_643 : i32
      scf.if %cond3A_644 {
        %add3A_672 = arith.constant 1 : i32
        %add3A_673 = arith.addi %mul3A_195, %add3A_672 : i32
        %dma_wait3A_674 = arith.constant 1 : i32
        %dma_wait3A_675 = arith.constant 1 : i32
        %dma_wait3A_676 = arith.constant 0 : i32
        %dma_wait3A_677 = arith.constant 0 : i32
        %dma_wait3A_678 = tpu.memref_slice %arg12[%dma_wait3A_674, %dma_wait3A_676, %dma_wait3A_677] : memref<5x80x64xf32, #tpu.memory_space<vmem>> -> memref<1x80x64xf32, #tpu.memory_space<vmem>>
        %dma_wait3A_679 = tpu.memref_squeeze %dma_wait3A_678 : memref<1x80x64xf32, #tpu.memory_space<vmem>> -> memref<80x64xf32, #tpu.memory_space<vmem>>
        %dma_wait3A_680 = arith.constant 0 : i32
        %dma_wait3A_681 = tpu.memref_slice %arg11[%add3A_673, %dma_wait3A_680] : memref<125x80xi32, #tpu.memory_space<vmem>> -> memref<1x80xi32, #tpu.memory_space<vmem>>
        %dma_wait3A_682 = tpu.memref_squeeze %dma_wait3A_681 : memref<1x80xi32, #tpu.memory_space<vmem>> -> memref<80xi32, #tpu.memory_space<vmem>>
        %dma_wait3A_683 = arith.constant 0 : i32
        %dma_wait3A_684 = arith.constant 0 : i32
        %dma_wait3A_685 = tpu.memref_slice %arg13[%dma_wait3A_683, %dma_wait3A_684] : memref<10240x64xf32, #tpu.memory_space<vmem_shared>> -> memref<10240x64xf32, #tpu.memory_space<vmem_shared>>
        %dma_wait3A_686 = tpu.memref_slice %arg15[%dma_wait3A_675] : memref<5x!tpu.dma_semaphore, #tpu.memory_space<semaphore_mem>> -> memref<1x!tpu.dma_semaphore, #tpu.memory_space<semaphore_mem>>
        %dma_wait3A_687 = tpu.memref_squeeze %dma_wait3A_686 : memref<1x!tpu.dma_semaphore, #tpu.memory_space<semaphore_mem>> -> memref<!tpu.dma_semaphore, #tpu.memory_space<semaphore_mem>>
        tpu.wait_indirect_dma semaphore(%dma_wait3A_687 : memref<!tpu.dma_semaphore, #tpu.memory_space<semaphore_mem>>) src(%dma_wait3A_679 : memref<80x64xf32, #tpu.memory_space<vmem>>) dst(%dma_wait3A_685 : memref<10240x64xf32, #tpu.memory_space<vmem_shared>>)
        %dma_start3A_688 = arith.constant 1 : i32
        %dma_start3A_689 = arith.constant 1 : i32
        %dma_start3A_690 = arith.constant 0 : i32
        %dma_start3A_691 = arith.constant 0 : i32
        %dma_start3A_692 = tpu.memref_slice %arg12[%dma_start3A_688, %dma_start3A_690, %dma_start3A_691] : memref<5x80x64xf32, #tpu.memory_space<vmem>> -> memref<1x80x64xf32, #tpu.memory_space<vmem>>
        %dma_start3A_693 = tpu.memref_squeeze %dma_start3A_692 : memref<1x80x64xf32, #tpu.memory_space<vmem>> -> memref<80x64xf32, #tpu.memory_space<vmem>>
        %dma_start3A_694 = arith.constant 0 : i32
        %dma_start3A_695 = tpu.memref_slice %arg10[%add3A_639, %dma_start3A_694] : memref<125x80xi32, #tpu.memory_space<vmem>> -> memref<1x80xi32, #tpu.memory_space<vmem>>
        %dma_start3A_696 = tpu.memref_squeeze %dma_start3A_695 : memref<1x80xi32, #tpu.memory_space<vmem>> -> memref<80xi32, #tpu.memory_space<vmem>>
        %dma_start3A_697 = arith.constant 0 : i32
        %dma_start3A_698 = arith.constant 0 : i32
        %dma_start3A_699 = tpu.memref_slice %arg4[%dma_start3A_697, %dma_start3A_698] : memref<10000x64xf32, #tpu.memory_space<hbm>> -> memref<10000x64xf32, #tpu.memory_space<hbm>>
        %dma_start3A_700 = tpu.memref_slice %arg14[%dma_start3A_689] : memref<5x!tpu.dma_semaphore, #tpu.memory_space<semaphore_mem>> -> memref<1x!tpu.dma_semaphore, #tpu.memory_space<semaphore_mem>>
        %dma_start3A_701 = tpu.memref_squeeze %dma_start3A_700 : memref<1x!tpu.dma_semaphore, #tpu.memory_space<semaphore_mem>> -> memref<!tpu.dma_semaphore, #tpu.memory_space<semaphore_mem>>
        tpu.enqueue_indirect_dma source(%dma_start3A_699 : memref<10000x64xf32, #tpu.memory_space<hbm>>) target(%dma_start3A_693 : memref<80x64xf32, #tpu.memory_space<vmem>>) offsets(%dma_start3A_696 : memref<80xi32, #tpu.memory_space<vmem>>) semaphore(%dma_start3A_701 : memref<!tpu.dma_semaphore, #tpu.memory_space<semaphore_mem>>)
      } else {
      }
      %add3A_645 = arith.constant 5 : i32
      %add3A_646 = arith.addi %mul3A_195, %add3A_645 : i32
      %add3A_647 = arith.constant 2 : i32
      %add3A_648 = arith.addi %add3A_646, %add3A_647 : i32
      %lt3A_649 = arith.constant 125 : i32
      %lt3A_650 = arith.cmpi slt, %add3A_648, %lt3A_649 : i32
      %convert_element_type3A_651 = arith.extui %lt3A_650 : i1 to i32
      %cond3A_652 = arith.constant 0 : i32
      %cond3A_653 = arith.cmpi ne, %convert_element_type3A_651, %cond3A_652 : i32
      scf.if %cond3A_653 {
        %add3A_672 = arith.constant 2 : i32
        %add3A_673 = arith.addi %mul3A_195, %add3A_672 : i32
        %dma_wait3A_674 = arith.constant 2 : i32
        %dma_wait3A_675 = arith.constant 2 : i32
        %dma_wait3A_676 = arith.constant 0 : i32
        %dma_wait3A_677 = arith.constant 0 : i32
        %dma_wait3A_678 = tpu.memref_slice %arg12[%dma_wait3A_674, %dma_wait3A_676, %dma_wait3A_677] : memref<5x80x64xf32, #tpu.memory_space<vmem>> -> memref<1x80x64xf32, #tpu.memory_space<vmem>>
        %dma_wait3A_679 = tpu.memref_squeeze %dma_wait3A_678 : memref<1x80x64xf32, #tpu.memory_space<vmem>> -> memref<80x64xf32, #tpu.memory_space<vmem>>
        %dma_wait3A_680 = arith.constant 0 : i32
        %dma_wait3A_681 = tpu.memref_slice %arg11[%add3A_673, %dma_wait3A_680] : memref<125x80xi32, #tpu.memory_space<vmem>> -> memref<1x80xi32, #tpu.memory_space<vmem>>
        %dma_wait3A_682 = tpu.memref_squeeze %dma_wait3A_681 : memref<1x80xi32, #tpu.memory_space<vmem>> -> memref<80xi32, #tpu.memory_space<vmem>>
        %dma_wait3A_683 = arith.constant 0 : i32
        %dma_wait3A_684 = arith.constant 0 : i32
        %dma_wait3A_685 = tpu.memref_slice %arg13[%dma_wait3A_683, %dma_wait3A_684] : memref<10240x64xf32, #tpu.memory_space<vmem_shared>> -> memref<10240x64xf32, #tpu.memory_space<vmem_shared>>
        %dma_wait3A_686 = tpu.memref_slice %arg15[%dma_wait3A_675] : memref<5x!tpu.dma_semaphore, #tpu.memory_space<semaphore_mem>> -> memref<1x!tpu.dma_semaphore, #tpu.memory_space<semaphore_mem>>
        %dma_wait3A_687 = tpu.memref_squeeze %dma_wait3A_686 : memref<1x!tpu.dma_semaphore, #tpu.memory_space<semaphore_mem>> -> memref<!tpu.dma_semaphore, #tpu.memory_space<semaphore_mem>>
        tpu.wait_indirect_dma semaphore(%dma_wait3A_687 : memref<!tpu.dma_semaphore, #tpu.memory_space<semaphore_mem>>) src(%dma_wait3A_679 : memref<80x64xf32, #tpu.memory_space<vmem>>) dst(%dma_wait3A_685 : memref<10240x64xf32, #tpu.memory_space<vmem_shared>>)
        %dma_start3A_688 = arith.constant 2 : i32
        %dma_start3A_689 = arith.constant 2 : i32
        %dma_start3A_690 = arith.constant 0 : i32
        %dma_start3A_691 = arith.constant 0 : i32
        %dma_start3A_692 = tpu.memref_slice %arg12[%dma_start3A_688, %dma_start3A_690, %dma_start3A_691] : memref<5x80x64xf32, #tpu.memory_space<vmem>> -> memref<1x80x64xf32, #tpu.memory_space<vmem>>
        %dma_start3A_693 = tpu.memref_squeeze %dma_start3A_692 : memref<1x80x64xf32, #tpu.memory_space<vmem>> -> memref<80x64xf32, #tpu.memory_space<vmem>>
        %dma_start3A_694 = arith.constant 0 : i32
        %dma_start3A_695 = tpu.memref_slice %arg10[%add3A_648, %dma_start3A_694] : memref<125x80xi32, #tpu.memory_space<vmem>> -> memref<1x80xi32, #tpu.memory_space<vmem>>
        %dma_start3A_696 = tpu.memref_squeeze %dma_start3A_695 : memref<1x80xi32, #tpu.memory_space<vmem>> -> memref<80xi32, #tpu.memory_space<vmem>>
        %dma_start3A_697 = arith.constant 0 : i32
        %dma_start3A_698 = arith.constant 0 : i32
        %dma_start3A_699 = tpu.memref_slice %arg4[%dma_start3A_697, %dma_start3A_698] : memref<10000x64xf32, #tpu.memory_space<hbm>> -> memref<10000x64xf32, #tpu.memory_space<hbm>>
        %dma_start3A_700 = tpu.memref_slice %arg14[%dma_start3A_689] : memref<5x!tpu.dma_semaphore, #tpu.memory_space<semaphore_mem>> -> memref<1x!tpu.dma_semaphore, #tpu.memory_space<semaphore_mem>>
        %dma_start3A_701 = tpu.memref_squeeze %dma_start3A_700 : memref<1x!tpu.dma_semaphore, #tpu.memory_space<semaphore_mem>> -> memref<!tpu.dma_semaphore, #tpu.memory_space<semaphore_mem>>
        tpu.enqueue_indirect_dma source(%dma_start3A_699 : memref<10000x64xf32, #tpu.memory_space<hbm>>) target(%dma_start3A_693 : memref<80x64xf32, #tpu.memory_space<vmem>>) offsets(%dma_start3A_696 : memref<80xi32, #tpu.memory_space<vmem>>) semaphore(%dma_start3A_701 : memref<!tpu.dma_semaphore, #tpu.memory_space<semaphore_mem>>)
      } else {
      }
      %add3A_654 = arith.constant 5 : i32
      %add3A_655 = arith.addi %mul3A_195, %add3A_654 : i32
      %add3A_656 = arith.constant 3 : i32
      %add3A_657 = arith.addi %add3A_655, %add3A_656 : i32
      %lt3A_658 = arith.constant 125 : i32
      %lt3A_659 = arith.cmpi slt, %add3A_657, %lt3A_658 : i32
      %convert_element_type3A_660 = arith.extui %lt3A_659 : i1 to i32
      %cond3A_661 = arith.constant 0 : i32
      %cond3A_662 = arith.cmpi ne, %convert_element_type3A_660, %cond3A_661 : i32
      scf.if %cond3A_662 {
        %add3A_672 = arith.constant 3 : i32
        %add3A_673 = arith.addi %mul3A_195, %add3A_672 : i32
        %dma_wait3A_674 = arith.constant 3 : i32
        %dma_wait3A_675 = arith.constant 3 : i32
        %dma_wait3A_676 = arith.constant 0 : i32
        %dma_wait3A_677 = arith.constant 0 : i32
        %dma_wait3A_678 = tpu.memref_slice %arg12[%dma_wait3A_674, %dma_wait3A_676, %dma_wait3A_677] : memref<5x80x64xf32, #tpu.memory_space<vmem>> -> memref<1x80x64xf32, #tpu.memory_space<vmem>>
        %dma_wait3A_679 = tpu.memref_squeeze %dma_wait3A_678 : memref<1x80x64xf32, #tpu.memory_space<vmem>> -> memref<80x64xf32, #tpu.memory_space<vmem>>
        %dma_wait3A_680 = arith.constant 0 : i32
        %dma_wait3A_681 = tpu.memref_slice %arg11[%add3A_673, %dma_wait3A_680] : memref<125x80xi32, #tpu.memory_space<vmem>> -> memref<1x80xi32, #tpu.memory_space<vmem>>
        %dma_wait3A_682 = tpu.memref_squeeze %dma_wait3A_681 : memref<1x80xi32, #tpu.memory_space<vmem>> -> memref<80xi32, #tpu.memory_space<vmem>>
        %dma_wait3A_683 = arith.constant 0 : i32
        %dma_wait3A_684 = arith.constant 0 : i32
        %dma_wait3A_685 = tpu.memref_slice %arg13[%dma_wait3A_683, %dma_wait3A_684] : memref<10240x64xf32, #tpu.memory_space<vmem_shared>> -> memref<10240x64xf32, #tpu.memory_space<vmem_shared>>
        %dma_wait3A_686 = tpu.memref_slice %arg15[%dma_wait3A_675] : memref<5x!tpu.dma_semaphore, #tpu.memory_space<semaphore_mem>> -> memref<1x!tpu.dma_semaphore, #tpu.memory_space<semaphore_mem>>
        %dma_wait3A_687 = tpu.memref_squeeze %dma_wait3A_686 : memref<1x!tpu.dma_semaphore, #tpu.memory_space<semaphore_mem>> -> memref<!tpu.dma_semaphore, #tpu.memory_space<semaphore_mem>>
        tpu.wait_indirect_dma semaphore(%dma_wait3A_687 : memref<!tpu.dma_semaphore, #tpu.memory_space<semaphore_mem>>) src(%dma_wait3A_679 : memref<80x64xf32, #tpu.memory_space<vmem>>) dst(%dma_wait3A_685 : memref<10240x64xf32, #tpu.memory_space<vmem_shared>>)
        %dma_start3A_688 = arith.constant 3 : i32
        %dma_start3A_689 = arith.constant 3 : i32
        %dma_start3A_690 = arith.constant 0 : i32
        %dma_start3A_691 = arith.constant 0 : i32
        %dma_start3A_692 = tpu.memref_slice %arg12[%dma_start3A_688, %dma_start3A_690, %dma_start3A_691] : memref<5x80x64xf32, #tpu.memory_space<vmem>> -> memref<1x80x64xf32, #tpu.memory_space<vmem>>
        %dma_start3A_693 = tpu.memref_squeeze %dma_start3A_692 : memref<1x80x64xf32, #tpu.memory_space<vmem>> -> memref<80x64xf32, #tpu.memory_space<vmem>>
        %dma_start3A_694 = arith.constant 0 : i32
        %dma_start3A_695 = tpu.memref_slice %arg10[%add3A_657, %dma_start3A_694] : memref<125x80xi32, #tpu.memory_space<vmem>> -> memref<1x80xi32, #tpu.memory_space<vmem>>
        %dma_start3A_696 = tpu.memref_squeeze %dma_start3A_695 : memref<1x80xi32, #tpu.memory_space<vmem>> -> memref<80xi32, #tpu.memory_space<vmem>>
        %dma_start3A_697 = arith.constant 0 : i32
        %dma_start3A_698 = arith.constant 0 : i32
        %dma_start3A_699 = tpu.memref_slice %arg4[%dma_start3A_697, %dma_start3A_698] : memref<10000x64xf32, #tpu.memory_space<hbm>> -> memref<10000x64xf32, #tpu.memory_space<hbm>>
        %dma_start3A_700 = tpu.memref_slice %arg14[%dma_start3A_689] : memref<5x!tpu.dma_semaphore, #tpu.memory_space<semaphore_mem>> -> memref<1x!tpu.dma_semaphore, #tpu.memory_space<semaphore_mem>>
        %dma_start3A_701 = tpu.memref_squeeze %dma_start3A_700 : memref<1x!tpu.dma_semaphore, #tpu.memory_space<semaphore_mem>> -> memref<!tpu.dma_semaphore, #tpu.memory_space<semaphore_mem>>
        tpu.enqueue_indirect_dma source(%dma_start3A_699 : memref<10000x64xf32, #tpu.memory_space<hbm>>) target(%dma_start3A_693 : memref<80x64xf32, #tpu.memory_space<vmem>>) offsets(%dma_start3A_696 : memref<80xi32, #tpu.memory_space<vmem>>) semaphore(%dma_start3A_701 : memref<!tpu.dma_semaphore, #tpu.memory_space<semaphore_mem>>)
      } else {
      }
      %add3A_663 = arith.constant 5 : i32
      %add3A_664 = arith.addi %mul3A_195, %add3A_663 : i32
      %add3A_665 = arith.constant 4 : i32
      %add3A_666 = arith.addi %add3A_664, %add3A_665 : i32
      %lt3A_667 = arith.constant 125 : i32
      %lt3A_668 = arith.cmpi slt, %add3A_666, %lt3A_667 : i32
      %convert_element_type3A_669 = arith.extui %lt3A_668 : i1 to i32
      %cond3A_670 = arith.constant 0 : i32
      %cond3A_671 = arith.cmpi ne, %convert_element_type3A_669, %cond3A_670 : i32
      scf.if %cond3A_671 {
        %add3A_672 = arith.constant 4 : i32
        %add3A_673 = arith.addi %mul3A_195, %add3A_672 : i32
        %dma_wait3A_674 = arith.constant 4 : i32
        %dma_wait3A_675 = arith.constant 4 : i32
        %dma_wait3A_676 = arith.constant 0 : i32
        %dma_wait3A_677 = arith.constant 0 : i32
        %dma_wait3A_678 = tpu.memref_slice %arg12[%dma_wait3A_674, %dma_wait3A_676, %dma_wait3A_677] : memref<5x80x64xf32, #tpu.memory_space<vmem>> -> memref<1x80x64xf32, #tpu.memory_space<vmem>>
        %dma_wait3A_679 = tpu.memref_squeeze %dma_wait3A_678 : memref<1x80x64xf32, #tpu.memory_space<vmem>> -> memref<80x64xf32, #tpu.memory_space<vmem>>
        %dma_wait3A_680 = arith.constant 0 : i32
        %dma_wait3A_681 = tpu.memref_slice %arg11[%add3A_673, %dma_wait3A_680] : memref<125x80xi32, #tpu.memory_space<vmem>> -> memref<1x80xi32, #tpu.memory_space<vmem>>
        %dma_wait3A_682 = tpu.memref_squeeze %dma_wait3A_681 : memref<1x80xi32, #tpu.memory_space<vmem>> -> memref<80xi32, #tpu.memory_space<vmem>>
        %dma_wait3A_683 = arith.constant 0 : i32
        %dma_wait3A_684 = arith.constant 0 : i32
        %dma_wait3A_685 = tpu.memref_slice %arg13[%dma_wait3A_683, %dma_wait3A_684] : memref<10240x64xf32, #tpu.memory_space<vmem_shared>> -> memref<10240x64xf32, #tpu.memory_space<vmem_shared>>
        %dma_wait3A_686 = tpu.memref_slice %arg15[%dma_wait3A_675] : memref<5x!tpu.dma_semaphore, #tpu.memory_space<semaphore_mem>> -> memref<1x!tpu.dma_semaphore, #tpu.memory_space<semaphore_mem>>
        %dma_wait3A_687 = tpu.memref_squeeze %dma_wait3A_686 : memref<1x!tpu.dma_semaphore, #tpu.memory_space<semaphore_mem>> -> memref<!tpu.dma_semaphore, #tpu.memory_space<semaphore_mem>>
        tpu.wait_indirect_dma semaphore(%dma_wait3A_687 : memref<!tpu.dma_semaphore, #tpu.memory_space<semaphore_mem>>) src(%dma_wait3A_679 : memref<80x64xf32, #tpu.memory_space<vmem>>) dst(%dma_wait3A_685 : memref<10240x64xf32, #tpu.memory_space<vmem_shared>>)
        %dma_start3A_688 = arith.constant 4 : i32
        %dma_start3A_689 = arith.constant 4 : i32
        %dma_start3A_690 = arith.constant 0 : i32
        %dma_start3A_691 = arith.constant 0 : i32
        %dma_start3A_692 = tpu.memref_slice %arg12[%dma_start3A_688, %dma_start3A_690, %dma_start3A_691] : memref<5x80x64xf32, #tpu.memory_space<vmem>> -> memref<1x80x64xf32, #tpu.memory_space<vmem>>
        %dma_start3A_693 = tpu.memref_squeeze %dma_start3A_692 : memref<1x80x64xf32, #tpu.memory_space<vmem>> -> memref<80x64xf32, #tpu.memory_space<vmem>>
        %dma_start3A_694 = arith.constant 0 : i32
        %dma_start3A_695 = tpu.memref_slice %arg10[%add3A_666, %dma_start3A_694] : memref<125x80xi32, #tpu.memory_space<vmem>> -> memref<1x80xi32, #tpu.memory_space<vmem>>
        %dma_start3A_696 = tpu.memref_squeeze %dma_start3A_695 : memref<1x80xi32, #tpu.memory_space<vmem>> -> memref<80xi32, #tpu.memory_space<vmem>>
        %dma_start3A_697 = arith.constant 0 : i32
        %dma_start3A_698 = arith.constant 0 : i32
        %dma_start3A_699 = tpu.memref_slice %arg4[%dma_start3A_697, %dma_start3A_698] : memref<10000x64xf32, #tpu.memory_space<hbm>> -> memref<10000x64xf32, #tpu.memory_space<hbm>>
        %dma_start3A_700 = tpu.memref_slice %arg14[%dma_start3A_689] : memref<5x!tpu.dma_semaphore, #tpu.memory_space<semaphore_mem>> -> memref<1x!tpu.dma_semaphore, #tpu.memory_space<semaphore_mem>>
        %dma_start3A_701 = tpu.memref_squeeze %dma_start3A_700 : memref<1x!tpu.dma_semaphore, #tpu.memory_space<semaphore_mem>> -> memref<!tpu.dma_semaphore, #tpu.memory_space<semaphore_mem>>
        tpu.enqueue_indirect_dma source(%dma_start3A_699 : memref<10000x64xf32, #tpu.memory_space<hbm>>) target(%dma_start3A_693 : memref<80x64xf32, #tpu.memory_space<vmem>>) offsets(%dma_start3A_696 : memref<80xi32, #tpu.memory_space<vmem>>) semaphore(%dma_start3A_701 : memref<!tpu.dma_semaphore, #tpu.memory_space<semaphore_mem>>)
      } else {
      }
    }
    %scan3A_106 = arith.constant 25 : i32
    %dma_wait3A = arith.constant 0 : i32
    %dma_wait3A_107 = arith.constant 120 : i32
    %dma_wait3A_108 = arith.constant 0 : i32
    %dma_wait3A_109 = arith.constant 0 : i32
    %dma_wait3A_110 = arith.constant 0 : i32
    %dma_wait3A_111 = tpu.memref_slice %arg12[%dma_wait3A, %dma_wait3A_109, %dma_wait3A_110] : memref<5x80x64xf32, #tpu.memory_space<vmem>> -> memref<1x80x64xf32, #tpu.memory_space<vmem>>
    %dma_wait3A_112 = tpu.memref_squeeze %dma_wait3A_111 : memref<1x80x64xf32, #tpu.memory_space<vmem>> -> memref<80x64xf32, #tpu.memory_space<vmem>>
    %dma_wait3A_113 = arith.constant 0 : i32
    %dma_wait3A_114 = tpu.memref_slice %arg11[%dma_wait3A_107, %dma_wait3A_113] : memref<125x80xi32, #tpu.memory_space<vmem>> -> memref<1x80xi32, #tpu.memory_space<vmem>>
    %dma_wait3A_115 = tpu.memref_squeeze %dma_wait3A_114 : memref<1x80xi32, #tpu.memory_space<vmem>> -> memref<80xi32, #tpu.memory_space<vmem>>
    %dma_wait3A_116 = arith.constant 0 : i32
    %dma_wait3A_117 = arith.constant 0 : i32
    %dma_wait3A_118 = tpu.memref_slice %arg13[%dma_wait3A_116, %dma_wait3A_117] : memref<10240x64xf32, #tpu.memory_space<vmem_shared>> -> memref<10240x64xf32, #tpu.memory_space<vmem_shared>>
    %dma_wait3A_119 = tpu.memref_slice %arg15[%dma_wait3A_108] : memref<5x!tpu.dma_semaphore, #tpu.memory_space<semaphore_mem>> -> memref<1x!tpu.dma_semaphore, #tpu.memory_space<semaphore_mem>>
    %dma_wait3A_120 = tpu.memref_squeeze %dma_wait3A_119 : memref<1x!tpu.dma_semaphore, #tpu.memory_space<semaphore_mem>> -> memref<!tpu.dma_semaphore, #tpu.memory_space<semaphore_mem>>
    tpu.wait_indirect_dma semaphore(%dma_wait3A_120 : memref<!tpu.dma_semaphore, #tpu.memory_space<semaphore_mem>>) src(%dma_wait3A_112 : memref<80x64xf32, #tpu.memory_space<vmem>>) dst(%dma_wait3A_118 : memref<10240x64xf32, #tpu.memory_space<vmem_shared>>)
    %dma_wait3A_121 = arith.constant 1 : i32
    %dma_wait3A_122 = arith.constant 121 : i32
    %dma_wait3A_123 = arith.constant 1 : i32
    %dma_wait3A_124 = arith.constant 0 : i32
    %dma_wait3A_125 = arith.constant 0 : i32
    %dma_wait3A_126 = tpu.memref_slice %arg12[%dma_wait3A_121, %dma_wait3A_124, %dma_wait3A_125] : memref<5x80x64xf32, #tpu.memory_space<vmem>> -> memref<1x80x64xf32, #tpu.memory_space<vmem>>
    %dma_wait3A_127 = tpu.memref_squeeze %dma_wait3A_126 : memref<1x80x64xf32, #tpu.memory_space<vmem>> -> memref<80x64xf32, #tpu.memory_space<vmem>>
    %dma_wait3A_128 = arith.constant 0 : i32
    %dma_wait3A_129 = tpu.memref_slice %arg11[%dma_wait3A_122, %dma_wait3A_128] : memref<125x80xi32, #tpu.memory_space<vmem>> -> memref<1x80xi32, #tpu.memory_space<vmem>>
    %dma_wait3A_130 = tpu.memref_squeeze %dma_wait3A_129 : memref<1x80xi32, #tpu.memory_space<vmem>> -> memref<80xi32, #tpu.memory_space<vmem>>
    %dma_wait3A_131 = arith.constant 0 : i32
    %dma_wait3A_132 = arith.constant 0 : i32
    %dma_wait3A_133 = tpu.memref_slice %arg13[%dma_wait3A_131, %dma_wait3A_132] : memref<10240x64xf32, #tpu.memory_space<vmem_shared>> -> memref<10240x64xf32, #tpu.memory_space<vmem_shared>>
    %dma_wait3A_134 = tpu.memref_slice %arg15[%dma_wait3A_123] : memref<5x!tpu.dma_semaphore, #tpu.memory_space<semaphore_mem>> -> memref<1x!tpu.dma_semaphore, #tpu.memory_space<semaphore_mem>>
    %dma_wait3A_135 = tpu.memref_squeeze %dma_wait3A_134 : memref<1x!tpu.dma_semaphore, #tpu.memory_space<semaphore_mem>> -> memref<!tpu.dma_semaphore, #tpu.memory_space<semaphore_mem>>
    tpu.wait_indirect_dma semaphore(%dma_wait3A_135 : memref<!tpu.dma_semaphore, #tpu.memory_space<semaphore_mem>>) src(%dma_wait3A_127 : memref<80x64xf32, #tpu.memory_space<vmem>>) dst(%dma_wait3A_133 : memref<10240x64xf32, #tpu.memory_space<vmem_shared>>)
    %dma_wait3A_136 = arith.constant 2 : i32
    %dma_wait3A_137 = arith.constant 122 : i32
    %dma_wait3A_138 = arith.constant 2 : i32
    %dma_wait3A_139 = arith.constant 0 : i32
    %dma_wait3A_140 = arith.constant 0 : i32
    %dma_wait3A_141 = tpu.memref_slice %arg12[%dma_wait3A_136, %dma_wait3A_139, %dma_wait3A_140] : memref<5x80x64xf32, #tpu.memory_space<vmem>> -> memref<1x80x64xf32, #tpu.memory_space<vmem>>
    %dma_wait3A_142 = tpu.memref_squeeze %dma_wait3A_141 : memref<1x80x64xf32, #tpu.memory_space<vmem>> -> memref<80x64xf32, #tpu.memory_space<vmem>>
    %dma_wait3A_143 = arith.constant 0 : i32
    %dma_wait3A_144 = tpu.memref_slice %arg11[%dma_wait3A_137, %dma_wait3A_143] : memref<125x80xi32, #tpu.memory_space<vmem>> -> memref<1x80xi32, #tpu.memory_space<vmem>>
    %dma_wait3A_145 = tpu.memref_squeeze %dma_wait3A_144 : memref<1x80xi32, #tpu.memory_space<vmem>> -> memref<80xi32, #tpu.memory_space<vmem>>
    %dma_wait3A_146 = arith.constant 0 : i32
    %dma_wait3A_147 = arith.constant 0 : i32
    %dma_wait3A_148 = tpu.memref_slice %arg13[%dma_wait3A_146, %dma_wait3A_147] : memref<10240x64xf32, #tpu.memory_space<vmem_shared>> -> memref<10240x64xf32, #tpu.memory_space<vmem_shared>>
    %dma_wait3A_149 = tpu.memref_slice %arg15[%dma_wait3A_138] : memref<5x!tpu.dma_semaphore, #tpu.memory_space<semaphore_mem>> -> memref<1x!tpu.dma_semaphore, #tpu.memory_space<semaphore_mem>>
    %dma_wait3A_150 = tpu.memref_squeeze %dma_wait3A_149 : memref<1x!tpu.dma_semaphore, #tpu.memory_space<semaphore_mem>> -> memref<!tpu.dma_semaphore, #tpu.memory_space<semaphore_mem>>
    tpu.wait_indirect_dma semaphore(%dma_wait3A_150 : memref<!tpu.dma_semaphore, #tpu.memory_space<semaphore_mem>>) src(%dma_wait3A_142 : memref<80x64xf32, #tpu.memory_space<vmem>>) dst(%dma_wait3A_148 : memref<10240x64xf32, #tpu.memory_space<vmem_shared>>)
    %dma_wait3A_151 = arith.constant 3 : i32
    %dma_wait3A_152 = arith.constant 123 : i32
    %dma_wait3A_153 = arith.constant 3 : i32
    %dma_wait3A_154 = arith.constant 0 : i32
    %dma_wait3A_155 = arith.constant 0 : i32
    %dma_wait3A_156 = tpu.memref_slice %arg12[%dma_wait3A_151, %dma_wait3A_154, %dma_wait3A_155] : memref<5x80x64xf32, #tpu.memory_space<vmem>> -> memref<1x80x64xf32, #tpu.memory_space<vmem>>
    %dma_wait3A_157 = tpu.memref_squeeze %dma_wait3A_156 : memref<1x80x64xf32, #tpu.memory_space<vmem>> -> memref<80x64xf32, #tpu.memory_space<vmem>>
    %dma_wait3A_158 = arith.constant 0 : i32
    %dma_wait3A_159 = tpu.memref_slice %arg11[%dma_wait3A_152, %dma_wait3A_158] : memref<125x80xi32, #tpu.memory_space<vmem>> -> memref<1x80xi32, #tpu.memory_space<vmem>>
    %dma_wait3A_160 = tpu.memref_squeeze %dma_wait3A_159 : memref<1x80xi32, #tpu.memory_space<vmem>> -> memref<80xi32, #tpu.memory_space<vmem>>
    %dma_wait3A_161 = arith.constant 0 : i32
    %dma_wait3A_162 = arith.constant 0 : i32
    %dma_wait3A_163 = tpu.memref_slice %arg13[%dma_wait3A_161, %dma_wait3A_162] : memref<10240x64xf32, #tpu.memory_space<vmem_shared>> -> memref<10240x64xf32, #tpu.memory_space<vmem_shared>>
    %dma_wait3A_164 = tpu.memref_slice %arg15[%dma_wait3A_153] : memref<5x!tpu.dma_semaphore, #tpu.memory_space<semaphore_mem>> -> memref<1x!tpu.dma_semaphore, #tpu.memory_space<semaphore_mem>>
    %dma_wait3A_165 = tpu.memref_squeeze %dma_wait3A_164 : memref<1x!tpu.dma_semaphore, #tpu.memory_space<semaphore_mem>> -> memref<!tpu.dma_semaphore, #tpu.memory_space<semaphore_mem>>
    tpu.wait_indirect_dma semaphore(%dma_wait3A_165 : memref<!tpu.dma_semaphore, #tpu.memory_space<semaphore_mem>>) src(%dma_wait3A_157 : memref<80x64xf32, #tpu.memory_space<vmem>>) dst(%dma_wait3A_163 : memref<10240x64xf32, #tpu.memory_space<vmem_shared>>)
    %dma_wait3A_166 = arith.constant 4 : i32
    %dma_wait3A_167 = arith.constant 124 : i32
    %dma_wait3A_168 = arith.constant 4 : i32
    %dma_wait3A_169 = arith.constant 0 : i32
    %dma_wait3A_170 = arith.constant 0 : i32
    %dma_wait3A_171 = tpu.memref_slice %arg12[%dma_wait3A_166, %dma_wait3A_169, %dma_wait3A_170] : memref<5x80x64xf32, #tpu.memory_space<vmem>> -> memref<1x80x64xf32, #tpu.memory_space<vmem>>
    %dma_wait3A_172 = tpu.memref_squeeze %dma_wait3A_171 : memref<1x80x64xf32, #tpu.memory_space<vmem>> -> memref<80x64xf32, #tpu.memory_space<vmem>>
    %dma_wait3A_173 = arith.constant 0 : i32
    %dma_wait3A_174 = tpu.memref_slice %arg11[%dma_wait3A_167, %dma_wait3A_173] : memref<125x80xi32, #tpu.memory_space<vmem>> -> memref<1x80xi32, #tpu.memory_space<vmem>>
    %dma_wait3A_175 = tpu.memref_squeeze %dma_wait3A_174 : memref<1x80xi32, #tpu.memory_space<vmem>> -> memref<80xi32, #tpu.memory_space<vmem>>
    %dma_wait3A_176 = arith.constant 0 : i32
    %dma_wait3A_177 = arith.constant 0 : i32
    %dma_wait3A_178 = tpu.memref_slice %arg13[%dma_wait3A_176, %dma_wait3A_177] : memref<10240x64xf32, #tpu.memory_space<vmem_shared>> -> memref<10240x64xf32, #tpu.memory_space<vmem_shared>>
    %dma_wait3A_179 = tpu.memref_slice %arg15[%dma_wait3A_168] : memref<5x!tpu.dma_semaphore, #tpu.memory_space<semaphore_mem>> -> memref<1x!tpu.dma_semaphore, #tpu.memory_space<semaphore_mem>>
    %dma_wait3A_180 = tpu.memref_squeeze %dma_wait3A_179 : memref<1x!tpu.dma_semaphore, #tpu.memory_space<semaphore_mem>> -> memref<!tpu.dma_semaphore, #tpu.memory_space<semaphore_mem>>
    tpu.wait_indirect_dma semaphore(%dma_wait3A_180 : memref<!tpu.dma_semaphore, #tpu.memory_space<semaphore_mem>>) src(%dma_wait3A_172 : memref<80x64xf32, #tpu.memory_space<vmem>>) dst(%dma_wait3A_178 : memref<10240x64xf32, #tpu.memory_space<vmem_shared>>)
    %run_scoped3A = arith.constant 0 : i32
    "tpu.region"() ({
      %run_scoped3A_193 = tpu.sem_alloc : memref<!tpu.dma_semaphore, #tpu.memory_space<semaphore_mem>>
      %dma_start3A_194 = arith.constant 0 : i32
      %dma_start3A_195 = arith.constant 0 : i32
      %dma_start3A_196 = tpu.memref_slice %arg16[%dma_start3A_194, %dma_start3A_195] : memref<640x16xf32, #tpu.memory_space<vmem>> -> memref<128x16xf32, #tpu.memory_space<vmem>>
      %dma_start3A_197 = arith.constant 0 : i32
      %dma_start3A_198 = tpu.memref_slice %arg17[%run_scoped3A, %dma_start3A_197] : memref<5x128xi32, #tpu.memory_space<vmem>> -> memref<1x128xi32, #tpu.memory_space<vmem>>
      %dma_start3A_199 = tpu.memref_squeeze %dma_start3A_198 : memref<1x128xi32, #tpu.memory_space<vmem>> -> memref<128xi32, #tpu.memory_space<vmem>>
      %dma_start3A_200 = arith.constant 0 : i32
      %dma_start3A_201 = arith.constant 0 : i32
      %dma_start3A_202 = tpu.memref_slice %arg19[%dma_start3A_200, %dma_start3A_201] : memref<640x16xf32, #tpu.memory_space<vmem_shared>> -> memref<640x16xf32, #tpu.memory_space<vmem_shared>>
      tpu.enqueue_indirect_dma source(%dma_start3A_196 : memref<128x16xf32, #tpu.memory_space<vmem>>) target(%dma_start3A_202 : memref<640x16xf32, #tpu.memory_space<vmem_shared>>) offsets(%dma_start3A_199 : memref<128xi32, #tpu.memory_space<vmem>>) semaphore(%run_scoped3A_193 : memref<!tpu.dma_semaphore, #tpu.memory_space<semaphore_mem>>) {add = true}
      %dma_wait3A_203 = arith.constant 0 : i32
      %dma_wait3A_204 = arith.constant 0 : i32
      %dma_wait3A_205 = tpu.memref_slice %arg16[%dma_wait3A_203, %dma_wait3A_204] : memref<640x16xf32, #tpu.memory_space<vmem>> -> memref<128x16xf32, #tpu.memory_space<vmem>>
      %dma_wait3A_206 = arith.constant 0 : i32
      %dma_wait3A_207 = tpu.memref_slice %arg17[%run_scoped3A, %dma_wait3A_206] : memref<5x128xi32, #tpu.memory_space<vmem>> -> memref<1x128xi32, #tpu.memory_space<vmem>>
      %dma_wait3A_208 = tpu.memref_squeeze %dma_wait3A_207 : memref<1x128xi32, #tpu.memory_space<vmem>> -> memref<128xi32, #tpu.memory_space<vmem>>
      %dma_wait3A_209 = arith.constant 0 : i32
      %dma_wait3A_210 = arith.constant 0 : i32
      %dma_wait3A_211 = tpu.memref_slice %arg19[%dma_wait3A_209, %dma_wait3A_210] : memref<640x16xf32, #tpu.memory_space<vmem_shared>> -> memref<640x16xf32, #tpu.memory_space<vmem_shared>>
      tpu.wait_indirect_dma semaphore(%run_scoped3A_193 : memref<!tpu.dma_semaphore, #tpu.memory_space<semaphore_mem>>) src(%dma_wait3A_205 : memref<128x16xf32, #tpu.memory_space<vmem>>) dst(%dma_wait3A_211 : memref<640x16xf32, #tpu.memory_space<vmem_shared>>)
      tpu.yield
    }) : () -> ()
    %run_scoped3A_181 = arith.constant 1 : i32
    "tpu.region"() ({
      %run_scoped3A_193 = tpu.sem_alloc : memref<!tpu.dma_semaphore, #tpu.memory_space<semaphore_mem>>
      %dma_start3A_194 = arith.constant 128 : i32
      %dma_start3A_195 = arith.constant 0 : i32
      %dma_start3A_196 = tpu.memref_slice %arg16[%dma_start3A_194, %dma_start3A_195] : memref<640x16xf32, #tpu.memory_space<vmem>> -> memref<128x16xf32, #tpu.memory_space<vmem>>
      %dma_start3A_197 = arith.constant 0 : i32
      %dma_start3A_198 = tpu.memref_slice %arg17[%run_scoped3A_181, %dma_start3A_197] : memref<5x128xi32, #tpu.memory_space<vmem>> -> memref<1x128xi32, #tpu.memory_space<vmem>>
      %dma_start3A_199 = tpu.memref_squeeze %dma_start3A_198 : memref<1x128xi32, #tpu.memory_space<vmem>> -> memref<128xi32, #tpu.memory_space<vmem>>
      %dma_start3A_200 = arith.constant 0 : i32
      %dma_start3A_201 = arith.constant 0 : i32
      %dma_start3A_202 = tpu.memref_slice %arg19[%dma_start3A_200, %dma_start3A_201] : memref<640x16xf32, #tpu.memory_space<vmem_shared>> -> memref<640x16xf32, #tpu.memory_space<vmem_shared>>
      tpu.enqueue_indirect_dma source(%dma_start3A_196 : memref<128x16xf32, #tpu.memory_space<vmem>>) target(%dma_start3A_202 : memref<640x16xf32, #tpu.memory_space<vmem_shared>>) offsets(%dma_start3A_199 : memref<128xi32, #tpu.memory_space<vmem>>) semaphore(%run_scoped3A_193 : memref<!tpu.dma_semaphore, #tpu.memory_space<semaphore_mem>>) {add = true}
      %dma_wait3A_203 = arith.constant 128 : i32
      %dma_wait3A_204 = arith.constant 0 : i32
      %dma_wait3A_205 = tpu.memref_slice %arg16[%dma_wait3A_203, %dma_wait3A_204] : memref<640x16xf32, #tpu.memory_space<vmem>> -> memref<128x16xf32, #tpu.memory_space<vmem>>
      %dma_wait3A_206 = arith.constant 0 : i32
      %dma_wait3A_207 = tpu.memref_slice %arg17[%run_scoped3A_181, %dma_wait3A_206] : memref<5x128xi32, #tpu.memory_space<vmem>> -> memref<1x128xi32, #tpu.memory_space<vmem>>
      %dma_wait3A_208 = tpu.memref_squeeze %dma_wait3A_207 : memref<1x128xi32, #tpu.memory_space<vmem>> -> memref<128xi32, #tpu.memory_space<vmem>>
      %dma_wait3A_209 = arith.constant 0 : i32
      %dma_wait3A_210 = arith.constant 0 : i32
      %dma_wait3A_211 = tpu.memref_slice %arg19[%dma_wait3A_209, %dma_wait3A_210] : memref<640x16xf32, #tpu.memory_space<vmem_shared>> -> memref<640x16xf32, #tpu.memory_space<vmem_shared>>
      tpu.wait_indirect_dma semaphore(%run_scoped3A_193 : memref<!tpu.dma_semaphore, #tpu.memory_space<semaphore_mem>>) src(%dma_wait3A_205 : memref<128x16xf32, #tpu.memory_space<vmem>>) dst(%dma_wait3A_211 : memref<640x16xf32, #tpu.memory_space<vmem_shared>>)
      tpu.yield
    }) : () -> ()
    %run_scoped3A_182 = arith.constant 2 : i32
    "tpu.region"() ({
      %run_scoped3A_193 = tpu.sem_alloc : memref<!tpu.dma_semaphore, #tpu.memory_space<semaphore_mem>>
      %dma_start3A_194 = arith.constant 256 : i32
      %dma_start3A_195 = arith.constant 0 : i32
      %dma_start3A_196 = tpu.memref_slice %arg16[%dma_start3A_194, %dma_start3A_195] : memref<640x16xf32, #tpu.memory_space<vmem>> -> memref<128x16xf32, #tpu.memory_space<vmem>>
      %dma_start3A_197 = arith.constant 0 : i32
      %dma_start3A_198 = tpu.memref_slice %arg17[%run_scoped3A_182, %dma_start3A_197] : memref<5x128xi32, #tpu.memory_space<vmem>> -> memref<1x128xi32, #tpu.memory_space<vmem>>
      %dma_start3A_199 = tpu.memref_squeeze %dma_start3A_198 : memref<1x128xi32, #tpu.memory_space<vmem>> -> memref<128xi32, #tpu.memory_space<vmem>>
      %dma_start3A_200 = arith.constant 0 : i32
      %dma_start3A_201 = arith.constant 0 : i32
      %dma_start3A_202 = tpu.memref_slice %arg19[%dma_start3A_200, %dma_start3A_201] : memref<640x16xf32, #tpu.memory_space<vmem_shared>> -> memref<640x16xf32, #tpu.memory_space<vmem_shared>>
      tpu.enqueue_indirect_dma source(%dma_start3A_196 : memref<128x16xf32, #tpu.memory_space<vmem>>) target(%dma_start3A_202 : memref<640x16xf32, #tpu.memory_space<vmem_shared>>) offsets(%dma_start3A_199 : memref<128xi32, #tpu.memory_space<vmem>>) semaphore(%run_scoped3A_193 : memref<!tpu.dma_semaphore, #tpu.memory_space<semaphore_mem>>) {add = true}
      %dma_wait3A_203 = arith.constant 256 : i32
      %dma_wait3A_204 = arith.constant 0 : i32
      %dma_wait3A_205 = tpu.memref_slice %arg16[%dma_wait3A_203, %dma_wait3A_204] : memref<640x16xf32, #tpu.memory_space<vmem>> -> memref<128x16xf32, #tpu.memory_space<vmem>>
      %dma_wait3A_206 = arith.constant 0 : i32
      %dma_wait3A_207 = tpu.memref_slice %arg17[%run_scoped3A_182, %dma_wait3A_206] : memref<5x128xi32, #tpu.memory_space<vmem>> -> memref<1x128xi32, #tpu.memory_space<vmem>>
      %dma_wait3A_208 = tpu.memref_squeeze %dma_wait3A_207 : memref<1x128xi32, #tpu.memory_space<vmem>> -> memref<128xi32, #tpu.memory_space<vmem>>
      %dma_wait3A_209 = arith.constant 0 : i32
      %dma_wait3A_210 = arith.constant 0 : i32
      %dma_wait3A_211 = tpu.memref_slice %arg19[%dma_wait3A_209, %dma_wait3A_210] : memref<640x16xf32, #tpu.memory_space<vmem_shared>> -> memref<640x16xf32, #tpu.memory_space<vmem_shared>>
      tpu.wait_indirect_dma semaphore(%run_scoped3A_193 : memref<!tpu.dma_semaphore, #tpu.memory_space<semaphore_mem>>) src(%dma_wait3A_205 : memref<128x16xf32, #tpu.memory_space<vmem>>) dst(%dma_wait3A_211 : memref<640x16xf32, #tpu.memory_space<vmem_shared>>)
      tpu.yield
    }) : () -> ()
    %run_scoped3A_183 = arith.constant 3 : i32
    "tpu.region"() ({
      %run_scoped3A_193 = tpu.sem_alloc : memref<!tpu.dma_semaphore, #tpu.memory_space<semaphore_mem>>
      %dma_start3A_194 = arith.constant 384 : i32
      %dma_start3A_195 = arith.constant 0 : i32
      %dma_start3A_196 = tpu.memref_slice %arg16[%dma_start3A_194, %dma_start3A_195] : memref<640x16xf32, #tpu.memory_space<vmem>> -> memref<128x16xf32, #tpu.memory_space<vmem>>
      %dma_start3A_197 = arith.constant 0 : i32
      %dma_start3A_198 = tpu.memref_slice %arg17[%run_scoped3A_183, %dma_start3A_197] : memref<5x128xi32, #tpu.memory_space<vmem>> -> memref<1x128xi32, #tpu.memory_space<vmem>>
      %dma_start3A_199 = tpu.memref_squeeze %dma_start3A_198 : memref<1x128xi32, #tpu.memory_space<vmem>> -> memref<128xi32, #tpu.memory_space<vmem>>
      %dma_start3A_200 = arith.constant 0 : i32
      %dma_start3A_201 = arith.constant 0 : i32
      %dma_start3A_202 = tpu.memref_slice %arg19[%dma_start3A_200, %dma_start3A_201] : memref<640x16xf32, #tpu.memory_space<vmem_shared>> -> memref<640x16xf32, #tpu.memory_space<vmem_shared>>
      tpu.enqueue_indirect_dma source(%dma_start3A_196 : memref<128x16xf32, #tpu.memory_space<vmem>>) target(%dma_start3A_202 : memref<640x16xf32, #tpu.memory_space<vmem_shared>>) offsets(%dma_start3A_199 : memref<128xi32, #tpu.memory_space<vmem>>) semaphore(%run_scoped3A_193 : memref<!tpu.dma_semaphore, #tpu.memory_space<semaphore_mem>>) {add = true}
      %dma_wait3A_203 = arith.constant 384 : i32
      %dma_wait3A_204 = arith.constant 0 : i32
      %dma_wait3A_205 = tpu.memref_slice %arg16[%dma_wait3A_203, %dma_wait3A_204] : memref<640x16xf32, #tpu.memory_space<vmem>> -> memref<128x16xf32, #tpu.memory_space<vmem>>
      %dma_wait3A_206 = arith.constant 0 : i32
      %dma_wait3A_207 = tpu.memref_slice %arg17[%run_scoped3A_183, %dma_wait3A_206] : memref<5x128xi32, #tpu.memory_space<vmem>> -> memref<1x128xi32, #tpu.memory_space<vmem>>
      %dma_wait3A_208 = tpu.memref_squeeze %dma_wait3A_207 : memref<1x128xi32, #tpu.memory_space<vmem>> -> memref<128xi32, #tpu.memory_space<vmem>>
      %dma_wait3A_209 = arith.constant 0 : i32
      %dma_wait3A_210 = arith.constant 0 : i32
      %dma_wait3A_211 = tpu.memref_slice %arg19[%dma_wait3A_209, %dma_wait3A_210] : memref<640x16xf32, #tpu.memory_space<vmem_shared>> -> memref<640x16xf32, #tpu.memory_space<vmem_shared>>
      tpu.wait_indirect_dma semaphore(%run_scoped3A_193 : memref<!tpu.dma_semaphore, #tpu.memory_space<semaphore_mem>>) src(%dma_wait3A_205 : memref<128x16xf32, #tpu.memory_space<vmem>>) dst(%dma_wait3A_211 : memref<640x16xf32, #tpu.memory_space<vmem_shared>>)
      tpu.yield
    }) : () -> ()
    %run_scoped3A_184 = arith.constant 4 : i32
    "tpu.region"() ({
      %run_scoped3A_193 = tpu.sem_alloc : memref<!tpu.dma_semaphore, #tpu.memory_space<semaphore_mem>>
      %dma_start3A_194 = arith.constant 512 : i32
      %dma_start3A_195 = arith.constant 0 : i32
      %dma_start3A_196 = tpu.memref_slice %arg16[%dma_start3A_194, %dma_start3A_195] : memref<640x16xf32, #tpu.memory_space<vmem>> -> memref<128x16xf32, #tpu.memory_space<vmem>>
      %dma_start3A_197 = arith.constant 0 : i32
      %dma_start3A_198 = tpu.memref_slice %arg17[%run_scoped3A_184, %dma_start3A_197] : memref<5x128xi32, #tpu.memory_space<vmem>> -> memref<1x128xi32, #tpu.memory_space<vmem>>
      %dma_start3A_199 = tpu.memref_squeeze %dma_start3A_198 : memref<1x128xi32, #tpu.memory_space<vmem>> -> memref<128xi32, #tpu.memory_space<vmem>>
      %dma_start3A_200 = arith.constant 0 : i32
      %dma_start3A_201 = arith.constant 0 : i32
      %dma_start3A_202 = tpu.memref_slice %arg19[%dma_start3A_200, %dma_start3A_201] : memref<640x16xf32, #tpu.memory_space<vmem_shared>> -> memref<640x16xf32, #tpu.memory_space<vmem_shared>>
      tpu.enqueue_indirect_dma source(%dma_start3A_196 : memref<128x16xf32, #tpu.memory_space<vmem>>) target(%dma_start3A_202 : memref<640x16xf32, #tpu.memory_space<vmem_shared>>) offsets(%dma_start3A_199 : memref<128xi32, #tpu.memory_space<vmem>>) semaphore(%run_scoped3A_193 : memref<!tpu.dma_semaphore, #tpu.memory_space<semaphore_mem>>) {add = true}
      %dma_wait3A_203 = arith.constant 512 : i32
      %dma_wait3A_204 = arith.constant 0 : i32
      %dma_wait3A_205 = tpu.memref_slice %arg16[%dma_wait3A_203, %dma_wait3A_204] : memref<640x16xf32, #tpu.memory_space<vmem>> -> memref<128x16xf32, #tpu.memory_space<vmem>>
      %dma_wait3A_206 = arith.constant 0 : i32
      %dma_wait3A_207 = tpu.memref_slice %arg17[%run_scoped3A_184, %dma_wait3A_206] : memref<5x128xi32, #tpu.memory_space<vmem>> -> memref<1x128xi32, #tpu.memory_space<vmem>>
      %dma_wait3A_208 = tpu.memref_squeeze %dma_wait3A_207 : memref<1x128xi32, #tpu.memory_space<vmem>> -> memref<128xi32, #tpu.memory_space<vmem>>
      %dma_wait3A_209 = arith.constant 0 : i32
      %dma_wait3A_210 = arith.constant 0 : i32
      %dma_wait3A_211 = tpu.memref_slice %arg19[%dma_wait3A_209, %dma_wait3A_210] : memref<640x16xf32, #tpu.memory_space<vmem_shared>> -> memref<640x16xf32, #tpu.memory_space<vmem_shared>>
      tpu.wait_indirect_dma semaphore(%run_scoped3A_193 : memref<!tpu.dma_semaphore, #tpu.memory_space<semaphore_mem>>) src(%dma_wait3A_205 : memref<128x16xf32, #tpu.memory_space<vmem>>) dst(%dma_wait3A_211 : memref<640x16xf32, #tpu.memory_space<vmem_shared>>)
      tpu.yield
    }) : () -> ()
    %barrier3A_185 = arith.constant 0 : index
    tpu.barrier barrier_id(%barrier3A_185)
    %eq3A = arith.constant 0 : i32
    %eq3A_186 = arith.cmpi eq, %arg0, %eq3A : i32
    %convert_element_type3A = arith.extui %eq3A_186 : i1 to i32
    %cond3A = arith.constant 0 : i32
    %cond3A_187 = arith.cmpi ne, %convert_element_type3A, %cond3A : i32
    scf.if %cond3A_187 {
      %mul3A_193 = arith.constant 640 : i32
      %mul3A_194 = arith.muli %arg1, %mul3A_193 : i32
      %mul3A_195 = arith.constant 640 : i32
      %mul3A_196 = arith.muli %arg1, %mul3A_195 : i32
      "tpu.region"() ({
        %run_scoped3A_201 = tpu.sem_alloc : memref<!tpu.dma_semaphore, #tpu.memory_space<semaphore_mem>>
        %dma_start3A_202 = arith.constant 0 : i32
        %dma_start3A_203 = tpu.memref_slice %arg6[%mul3A_196, %dma_start3A_202] : memref<10240x64xf32, #tpu.memory_space<hbm>> -> memref<640x64xf32, #tpu.memory_space<hbm>>
        %dma_start3A_204 = arith.constant 0 : i32
        %dma_start3A_205 = tpu.memref_slice %arg13[%mul3A_194, %dma_start3A_204] : memref<10240x64xf32, #tpu.memory_space<vmem_shared>> -> memref<640x64xf32, #tpu.memory_space<vmem_shared>>
        tpu.enqueue_dma source(%dma_start3A_205 : memref<640x64xf32, #tpu.memory_space<vmem_shared>>) target(%dma_start3A_203 : memref<640x64xf32, #tpu.memory_space<hbm>>) target_semaphore(%run_scoped3A_201 : memref<!tpu.dma_semaphore, #tpu.memory_space<semaphore_mem>>)
        %dma_wait3A_206 = arith.constant 0 : i32
        %dma_wait3A_207 = tpu.memref_slice %arg6[%mul3A_196, %dma_wait3A_206] : memref<10240x64xf32, #tpu.memory_space<hbm>> -> memref<640x64xf32, #tpu.memory_space<hbm>>
        %dma_wait3A_208 = arith.constant 0 : i32
        %dma_wait3A_209 = tpu.memref_slice %arg13[%mul3A_194, %dma_wait3A_208] : memref<10240x64xf32, #tpu.memory_space<vmem_shared>> -> memref<640x64xf32, #tpu.memory_space<vmem_shared>>
        tpu.wait_dma2 semaphore(%run_scoped3A_201 : memref<!tpu.dma_semaphore, #tpu.memory_space<semaphore_mem>>) src(%dma_wait3A_209 : memref<640x64xf32, #tpu.memory_space<vmem_shared>>) dst(%dma_wait3A_207 : memref<640x64xf32, #tpu.memory_space<hbm>>)
        tpu.yield
      }) : () -> ()
      %mul3A_197 = arith.constant 40 : i32
      %mul3A_198 = arith.muli %arg1, %mul3A_197 : i32
      %mul3A_199 = arith.constant 40 : i32
      %mul3A_200 = arith.muli %arg1, %mul3A_199 : i32
      "tpu.region"() ({
        %run_scoped3A_201 = tpu.sem_alloc : memref<!tpu.dma_semaphore, #tpu.memory_space<semaphore_mem>>
        %dma_start3A_202 = arith.constant 0 : i32
        %dma_start3A_203 = tpu.memref_slice %arg8[%mul3A_200, %dma_start3A_202] : memref<640x16xf32, #tpu.memory_space<hbm>> -> memref<40x16xf32, #tpu.memory_space<hbm>>
        %dma_start3A_204 = arith.constant 0 : i32
        %dma_start3A_205 = tpu.memref_slice %arg19[%mul3A_198, %dma_start3A_204] : memref<640x16xf32, #tpu.memory_space<vmem_shared>> -> memref<40x16xf32, #tpu.memory_space<vmem_shared>>
        tpu.enqueue_dma source(%dma_start3A_205 : memref<40x16xf32, #tpu.memory_space<vmem_shared>>) target(%dma_start3A_203 : memref<40x16xf32, #tpu.memory_space<hbm>>) target_semaphore(%run_scoped3A_201 : memref<!tpu.dma_semaphore, #tpu.memory_space<semaphore_mem>>)
        %dma_wait3A_206 = arith.constant 0 : i32
        %dma_wait3A_207 = tpu.memref_slice %arg8[%mul3A_200, %dma_wait3A_206] : memref<640x16xf32, #tpu.memory_space<hbm>> -> memref<40x16xf32, #tpu.memory_space<hbm>>
        %dma_wait3A_208 = arith.constant 0 : i32
        %dma_wait3A_209 = tpu.memref_slice %arg19[%mul3A_198, %dma_wait3A_208] : memref<640x16xf32, #tpu.memory_space<vmem_shared>> -> memref<40x16xf32, #tpu.memory_space<vmem_shared>>
        tpu.wait_dma2 semaphore(%run_scoped3A_201 : memref<!tpu.dma_semaphore, #tpu.memory_space<semaphore_mem>>) src(%dma_wait3A_209 : memref<40x16xf32, #tpu.memory_space<vmem_shared>>) dst(%dma_wait3A_207 : memref<40x16xf32, #tpu.memory_space<hbm>>)
        tpu.yield
      }) : () -> ()
    } else {
    }
    %eq3A_188 = arith.constant 1 : i32
    %eq3A_189 = arith.cmpi eq, %arg0, %eq3A_188 : i32
    %convert_element_type3A_190 = arith.extui %eq3A_189 : i1 to i32
    %cond3A_191 = arith.constant 0 : i32
    %cond3A_192 = arith.cmpi ne, %convert_element_type3A_190, %cond3A_191 : i32
    scf.if %cond3A_192 {
      %mul3A_193 = arith.constant 640 : i32
      %mul3A_194 = arith.muli %arg1, %mul3A_193 : i32
      %mul3A_195 = arith.constant 640 : i32
      %mul3A_196 = arith.muli %arg1, %mul3A_195 : i32
      "tpu.region"() ({
        %run_scoped3A_201 = tpu.sem_alloc : memref<!tpu.dma_semaphore, #tpu.memory_space<semaphore_mem>>
        %dma_start3A_202 = arith.constant 0 : i32
        %dma_start3A_203 = tpu.memref_slice %arg7[%mul3A_196, %dma_start3A_202] : memref<10240x64xf32, #tpu.memory_space<hbm>> -> memref<640x64xf32, #tpu.memory_space<hbm>>
        %dma_start3A_204 = arith.constant 0 : i32
        %dma_start3A_205 = tpu.memref_slice %arg13[%mul3A_194, %dma_start3A_204] : memref<10240x64xf32, #tpu.memory_space<vmem_shared>> -> memref<640x64xf32, #tpu.memory_space<vmem_shared>>
        tpu.enqueue_dma source(%dma_start3A_205 : memref<640x64xf32, #tpu.memory_space<vmem_shared>>) target(%dma_start3A_203 : memref<640x64xf32, #tpu.memory_space<hbm>>) target_semaphore(%run_scoped3A_201 : memref<!tpu.dma_semaphore, #tpu.memory_space<semaphore_mem>>)
        %dma_wait3A_206 = arith.constant 0 : i32
        %dma_wait3A_207 = tpu.memref_slice %arg7[%mul3A_196, %dma_wait3A_206] : memref<10240x64xf32, #tpu.memory_space<hbm>> -> memref<640x64xf32, #tpu.memory_space<hbm>>
        %dma_wait3A_208 = arith.constant 0 : i32
        %dma_wait3A_209 = tpu.memref_slice %arg13[%mul3A_194, %dma_wait3A_208] : memref<10240x64xf32, #tpu.memory_space<vmem_shared>> -> memref<640x64xf32, #tpu.memory_space<vmem_shared>>
        tpu.wait_dma2 semaphore(%run_scoped3A_201 : memref<!tpu.dma_semaphore, #tpu.memory_space<semaphore_mem>>) src(%dma_wait3A_209 : memref<640x64xf32, #tpu.memory_space<vmem_shared>>) dst(%dma_wait3A_207 : memref<640x64xf32, #tpu.memory_space<hbm>>)
        tpu.yield
      }) : () -> ()
      %mul3A_197 = arith.constant 40 : i32
      %mul3A_198 = arith.muli %arg1, %mul3A_197 : i32
      %mul3A_199 = arith.constant 40 : i32
      %mul3A_200 = arith.muli %arg1, %mul3A_199 : i32
      "tpu.region"() ({
        %run_scoped3A_201 = tpu.sem_alloc : memref<!tpu.dma_semaphore, #tpu.memory_space<semaphore_mem>>
        %dma_start3A_202 = arith.constant 0 : i32
        %dma_start3A_203 = tpu.memref_slice %arg9[%mul3A_200, %dma_start3A_202] : memref<640x16xf32, #tpu.memory_space<hbm>> -> memref<40x16xf32, #tpu.memory_space<hbm>>
        %dma_start3A_204 = arith.constant 0 : i32
        %dma_start3A_205 = tpu.memref_slice %arg19[%mul3A_198, %dma_start3A_204] : memref<640x16xf32, #tpu.memory_space<vmem_shared>> -> memref<40x16xf32, #tpu.memory_space<vmem_shared>>
        tpu.enqueue_dma source(%dma_start3A_205 : memref<40x16xf32, #tpu.memory_space<vmem_shared>>) target(%dma_start3A_203 : memref<40x16xf32, #tpu.memory_space<hbm>>) target_semaphore(%run_scoped3A_201 : memref<!tpu.dma_semaphore, #tpu.memory_space<semaphore_mem>>)
        %dma_wait3A_206 = arith.constant 0 : i32
        %dma_wait3A_207 = tpu.memref_slice %arg9[%mul3A_200, %dma_wait3A_206] : memref<640x16xf32, #tpu.memory_space<hbm>> -> memref<40x16xf32, #tpu.memory_space<hbm>>
        %dma_wait3A_208 = arith.constant 0 : i32
        %dma_wait3A_209 = tpu.memref_slice %arg19[%mul3A_198, %dma_wait3A_208] : memref<640x16xf32, #tpu.memory_space<vmem_shared>> -> memref<40x16xf32, #tpu.memory_space<vmem_shared>>
        tpu.wait_dma2 semaphore(%run_scoped3A_201 : memref<!tpu.dma_semaphore, #tpu.memory_space<semaphore_mem>>) src(%dma_wait3A_209 : memref<40x16xf32, #tpu.memory_space<vmem_shared>>) dst(%dma_wait3A_207 : memref<40x16xf32, #tpu.memory_space<hbm>>)
        tpu.yield
      }) : () -> ()
    } else {
    }
    return
  }
}

#map = affine_map<(d0, d1) -> (0, 0, 0)>
#map1 = affine_map<(d0, d1) -> (0, 0)>
module attributes {stable_mosaic.version = 14 : i64} {
  func.func @seg(%arg0: i32, %arg1: i32, %arg2: memref<32x125x80xi32, #tpu.memory_space<hbm>>, %arg3: memref<32x125x80xi32, #tpu.memory_space<hbm>>, %arg4: memref<10000x64xf32, #tpu.memory_space<hbm>>, %arg5: memref<10240x64xf32, #tpu.memory_space<hbm>>, %arg6: memref<10240x64xf32, #tpu.memory_space<hbm>>, %arg7: memref<10240x64xf32, #tpu.memory_space<hbm>>, %arg8: memref<125x80xi32, #tpu.memory_space<vmem>>, %arg9: memref<125x80xi32, #tpu.memory_space<vmem>>, %arg10: memref<5x80x64xf32, #tpu.memory_space<vmem>>, %arg11: memref<10240x64xf32, #tpu.memory_space<vmem_shared>>, %arg12: memref<5x!tpu.dma_semaphore, #tpu.memory_space<semaphore_mem>>, %arg13: memref<5x!tpu.dma_semaphore, #tpu.memory_space<semaphore_mem>>) attributes {dimension_semantics = [#tpu.dimension_semantics<core_parallel>, #tpu.dimension_semantics<subcore_parallel>], iteration_bounds = array<i64: 2, 16>, scalar_prefetch = 0 : i64, scratch_operands = 6 : i64, tpu.core_type = #tpu.core_type<sc_vector_subcore>, window_params = [{transform_indices = #map}, {transform_indices = #map}, {transform_indices = #map1}, {transform_indices = #map1}, {transform_indices = #map1}, {transform_indices = #map1}]} {
    %mul3A = arith.constant 16 : i32
    %mul3A_0 = arith.muli %arg0, %mul3A : i32
    %add3A = arith.addi %mul3A_0, %arg1 : i32
    %mul3A_1 = arith.constant 640 : i32
    %mul3A_2 = arith.muli %arg1, %mul3A_1 : i32
    %mul3A_3 = arith.constant 640 : i32
    %mul3A_4 = arith.muli %arg1, %mul3A_3 : i32
    "tpu.region"() ({
      %run_scoped3A = tpu.sem_alloc : memref<!tpu.dma_semaphore, #tpu.memory_space<semaphore_mem>>
      %dma_start3A_167 = arith.constant 0 : i32
      %dma_start3A_168 = tpu.memref_slice %arg11[%mul3A_4, %dma_start3A_167] : memref<10240x64xf32, #tpu.memory_space<vmem_shared>> -> memref<640x64xf32, #tpu.memory_space<vmem_shared>>
      %dma_start3A_169 = arith.constant 0 : i32
      %dma_start3A_170 = tpu.memref_slice %arg5[%mul3A_2, %dma_start3A_169] : memref<10240x64xf32, #tpu.memory_space<hbm>> -> memref<640x64xf32, #tpu.memory_space<hbm>>
      tpu.enqueue_dma source(%dma_start3A_170 : memref<640x64xf32, #tpu.memory_space<hbm>>) target(%dma_start3A_168 : memref<640x64xf32, #tpu.memory_space<vmem_shared>>) target_semaphore(%run_scoped3A : memref<!tpu.dma_semaphore, #tpu.memory_space<semaphore_mem>>)
      %dma_wait3A_171 = arith.constant 0 : i32
      %dma_wait3A_172 = tpu.memref_slice %arg11[%mul3A_4, %dma_wait3A_171] : memref<10240x64xf32, #tpu.memory_space<vmem_shared>> -> memref<640x64xf32, #tpu.memory_space<vmem_shared>>
      %dma_wait3A_173 = arith.constant 0 : i32
      %dma_wait3A_174 = tpu.memref_slice %arg5[%mul3A_2, %dma_wait3A_173] : memref<10240x64xf32, #tpu.memory_space<hbm>> -> memref<640x64xf32, #tpu.memory_space<hbm>>
      tpu.wait_dma2 semaphore(%run_scoped3A : memref<!tpu.dma_semaphore, #tpu.memory_space<semaphore_mem>>) src(%dma_wait3A_174 : memref<640x64xf32, #tpu.memory_space<hbm>>) dst(%dma_wait3A_172 : memref<640x64xf32, #tpu.memory_space<vmem_shared>>)
      tpu.yield
    }) : () -> ()
    "tpu.region"() ({
      %run_scoped3A = tpu.sem_alloc : memref<!tpu.dma_semaphore, #tpu.memory_space<semaphore_mem>>
      %dma_start3A_167 = arith.constant 0 : i32
      %dma_start3A_168 = arith.constant 0 : i32
      %dma_start3A_169 = tpu.memref_slice %arg2[%add3A, %dma_start3A_167, %dma_start3A_168] : memref<32x125x80xi32, #tpu.memory_space<hbm>> -> memref<1x125x80xi32, #tpu.memory_space<hbm>>
      %dma_start3A_170 = tpu.memref_squeeze %dma_start3A_169 : memref<1x125x80xi32, #tpu.memory_space<hbm>> -> memref<125x80xi32, #tpu.memory_space<hbm>>
      %dma_start3A_171 = arith.constant 0 : i32
      %dma_start3A_172 = arith.constant 0 : i32
      %dma_start3A_173 = tpu.memref_slice %arg2[%add3A, %dma_start3A_171, %dma_start3A_172] : memref<32x125x80xi32, #tpu.memory_space<hbm>> -> memref<1x125x80xi32, #tpu.memory_space<hbm>>
      %dma_start3A_174 = tpu.memref_squeeze %dma_start3A_173 : memref<1x125x80xi32, #tpu.memory_space<hbm>> -> memref<125x80xi32, #tpu.memory_space<hbm>>
      tpu.enqueue_dma source(%dma_start3A_174 : memref<125x80xi32, #tpu.memory_space<hbm>>) target(%arg8 : memref<125x80xi32, #tpu.memory_space<vmem>>) target_semaphore(%run_scoped3A : memref<!tpu.dma_semaphore, #tpu.memory_space<semaphore_mem>>)
      %dma_wait3A_175 = arith.constant 0 : i32
      %dma_wait3A_176 = arith.constant 0 : i32
      %dma_wait3A_177 = tpu.memref_slice %arg2[%add3A, %dma_wait3A_175, %dma_wait3A_176] : memref<32x125x80xi32, #tpu.memory_space<hbm>> -> memref<1x125x80xi32, #tpu.memory_space<hbm>>
      %dma_wait3A_178 = tpu.memref_squeeze %dma_wait3A_177 : memref<1x125x80xi32, #tpu.memory_space<hbm>> -> memref<125x80xi32, #tpu.memory_space<hbm>>
      %dma_wait3A_179 = arith.constant 0 : i32
      %dma_wait3A_180 = arith.constant 0 : i32
      %dma_wait3A_181 = tpu.memref_slice %arg2[%add3A, %dma_wait3A_179, %dma_wait3A_180] : memref<32x125x80xi32, #tpu.memory_space<hbm>> -> memref<1x125x80xi32, #tpu.memory_space<hbm>>
      %dma_wait3A_182 = tpu.memref_squeeze %dma_wait3A_181 : memref<1x125x80xi32, #tpu.memory_space<hbm>> -> memref<125x80xi32, #tpu.memory_space<hbm>>
      tpu.wait_dma2 semaphore(%run_scoped3A : memref<!tpu.dma_semaphore, #tpu.memory_space<semaphore_mem>>) src(%dma_wait3A_182 : memref<125x80xi32, #tpu.memory_space<hbm>>) dst(%arg8 : memref<125x80xi32, #tpu.memory_space<vmem>>)
      tpu.yield
    }) : () -> ()
    "tpu.region"() ({
      %run_scoped3A = tpu.sem_alloc : memref<!tpu.dma_semaphore, #tpu.memory_space<semaphore_mem>>
      %dma_start3A_167 = arith.constant 0 : i32
      %dma_start3A_168 = arith.constant 0 : i32
      %dma_start3A_169 = tpu.memref_slice %arg3[%add3A, %dma_start3A_167, %dma_start3A_168] : memref<32x125x80xi32, #tpu.memory_space<hbm>> -> memref<1x125x80xi32, #tpu.memory_space<hbm>>
      %dma_start3A_170 = tpu.memref_squeeze %dma_start3A_169 : memref<1x125x80xi32, #tpu.memory_space<hbm>> -> memref<125x80xi32, #tpu.memory_space<hbm>>
      %dma_start3A_171 = arith.constant 0 : i32
      %dma_start3A_172 = arith.constant 0 : i32
      %dma_start3A_173 = tpu.memref_slice %arg3[%add3A, %dma_start3A_171, %dma_start3A_172] : memref<32x125x80xi32, #tpu.memory_space<hbm>> -> memref<1x125x80xi32, #tpu.memory_space<hbm>>
      %dma_start3A_174 = tpu.memref_squeeze %dma_start3A_173 : memref<1x125x80xi32, #tpu.memory_space<hbm>> -> memref<125x80xi32, #tpu.memory_space<hbm>>
      tpu.enqueue_dma source(%dma_start3A_174 : memref<125x80xi32, #tpu.memory_space<hbm>>) target(%arg9 : memref<125x80xi32, #tpu.memory_space<vmem>>) target_semaphore(%run_scoped3A : memref<!tpu.dma_semaphore, #tpu.memory_space<semaphore_mem>>)
      %dma_wait3A_175 = arith.constant 0 : i32
      %dma_wait3A_176 = arith.constant 0 : i32
      %dma_wait3A_177 = tpu.memref_slice %arg3[%add3A, %dma_wait3A_175, %dma_wait3A_176] : memref<32x125x80xi32, #tpu.memory_space<hbm>> -> memref<1x125x80xi32, #tpu.memory_space<hbm>>
      %dma_wait3A_178 = tpu.memref_squeeze %dma_wait3A_177 : memref<1x125x80xi32, #tpu.memory_space<hbm>> -> memref<125x80xi32, #tpu.memory_space<hbm>>
      %dma_wait3A_179 = arith.constant 0 : i32
      %dma_wait3A_180 = arith.constant 0 : i32
      %dma_wait3A_181 = tpu.memref_slice %arg3[%add3A, %dma_wait3A_179, %dma_wait3A_180] : memref<32x125x80xi32, #tpu.memory_space<hbm>> -> memref<1x125x80xi32, #tpu.memory_space<hbm>>
      %dma_wait3A_182 = tpu.memref_squeeze %dma_wait3A_181 : memref<1x125x80xi32, #tpu.memory_space<hbm>> -> memref<125x80xi32, #tpu.memory_space<hbm>>
      tpu.wait_dma2 semaphore(%run_scoped3A : memref<!tpu.dma_semaphore, #tpu.memory_space<semaphore_mem>>) src(%dma_wait3A_182 : memref<125x80xi32, #tpu.memory_space<hbm>>) dst(%arg9 : memref<125x80xi32, #tpu.memory_space<vmem>>)
      tpu.yield
    }) : () -> ()
    %barrier3A = arith.constant 0 : index
    tpu.barrier barrier_id(%barrier3A)
    %broadcast_in_dim3A = arith.constant 1.000000e+00 : f32
    %broadcast_in_dim3A_5 = vector.broadcast %broadcast_in_dim3A : f32 to vector<16xf32>
    %dma_start3A = arith.constant 0 : i32
    %dma_start3A_6 = arith.constant 0 : i32
    %dma_start3A_7 = arith.constant 0 : i32
    %dma_start3A_8 = arith.constant 0 : i32
    %dma_start3A_9 = arith.constant 0 : i32
    %dma_start3A_10 = tpu.memref_slice %arg10[%dma_start3A_6, %dma_start3A_8, %dma_start3A_9] : memref<5x80x64xf32, #tpu.memory_space<vmem>> -> memref<1x80x64xf32, #tpu.memory_space<vmem>>
    %dma_start3A_11 = tpu.memref_squeeze %dma_start3A_10 : memref<1x80x64xf32, #tpu.memory_space<vmem>> -> memref<80x64xf32, #tpu.memory_space<vmem>>
    %dma_start3A_12 = arith.constant 0 : i32
    %dma_start3A_13 = tpu.memref_slice %arg8[%dma_start3A, %dma_start3A_12] : memref<125x80xi32, #tpu.memory_space<vmem>> -> memref<1x80xi32, #tpu.memory_space<vmem>>
    %dma_start3A_14 = tpu.memref_squeeze %dma_start3A_13 : memref<1x80xi32, #tpu.memory_space<vmem>> -> memref<80xi32, #tpu.memory_space<vmem>>
    %dma_start3A_15 = arith.constant 0 : i32
    %dma_start3A_16 = arith.constant 0 : i32
    %dma_start3A_17 = tpu.memref_slice %arg4[%dma_start3A_15, %dma_start3A_16] : memref<10000x64xf32, #tpu.memory_space<hbm>> -> memref<10000x64xf32, #tpu.memory_space<hbm>>
    %dma_start3A_18 = tpu.memref_slice %arg12[%dma_start3A_7] : memref<5x!tpu.dma_semaphore, #tpu.memory_space<semaphore_mem>> -> memref<1x!tpu.dma_semaphore, #tpu.memory_space<semaphore_mem>>
    %dma_start3A_19 = tpu.memref_squeeze %dma_start3A_18 : memref<1x!tpu.dma_semaphore, #tpu.memory_space<semaphore_mem>> -> memref<!tpu.dma_semaphore, #tpu.memory_space<semaphore_mem>>
    tpu.enqueue_indirect_dma source(%dma_start3A_17 : memref<10000x64xf32, #tpu.memory_space<hbm>>) target(%dma_start3A_11 : memref<80x64xf32, #tpu.memory_space<vmem>>) offsets(%dma_start3A_14 : memref<80xi32, #tpu.memory_space<vmem>>) semaphore(%dma_start3A_19 : memref<!tpu.dma_semaphore, #tpu.memory_space<semaphore_mem>>)
    %dma_start3A_20 = arith.constant 1 : i32
    %dma_start3A_21 = arith.constant 1 : i32
    %dma_start3A_22 = arith.constant 1 : i32
    %dma_start3A_23 = arith.constant 0 : i32
    %dma_start3A_24 = arith.constant 0 : i32
    %dma_start3A_25 = tpu.memref_slice %arg10[%dma_start3A_21, %dma_start3A_23, %dma_start3A_24] : memref<5x80x64xf32, #tpu.memory_space<vmem>> -> memref<1x80x64xf32, #tpu.memory_space<vmem>>
    %dma_start3A_26 = tpu.memref_squeeze %dma_start3A_25 : memref<1x80x64xf32, #tpu.memory_space<vmem>> -> memref<80x64xf32, #tpu.memory_space<vmem>>
    %dma_start3A_27 = arith.constant 0 : i32
    %dma_start3A_28 = tpu.memref_slice %arg8[%dma_start3A_20, %dma_start3A_27] : memref<125x80xi32, #tpu.memory_space<vmem>> -> memref<1x80xi32, #tpu.memory_space<vmem>>
    %dma_start3A_29 = tpu.memref_squeeze %dma_start3A_28 : memref<1x80xi32, #tpu.memory_space<vmem>> -> memref<80xi32, #tpu.memory_space<vmem>>
    %dma_start3A_30 = arith.constant 0 : i32
    %dma_start3A_31 = arith.constant 0 : i32
    %dma_start3A_32 = tpu.memref_slice %arg4[%dma_start3A_30, %dma_start3A_31] : memref<10000x64xf32, #tpu.memory_space<hbm>> -> memref<10000x64xf32, #tpu.memory_space<hbm>>
    %dma_start3A_33 = tpu.memref_slice %arg12[%dma_start3A_22] : memref<5x!tpu.dma_semaphore, #tpu.memory_space<semaphore_mem>> -> memref<1x!tpu.dma_semaphore, #tpu.memory_space<semaphore_mem>>
    %dma_start3A_34 = tpu.memref_squeeze %dma_start3A_33 : memref<1x!tpu.dma_semaphore, #tpu.memory_space<semaphore_mem>> -> memref<!tpu.dma_semaphore, #tpu.memory_space<semaphore_mem>>
    tpu.enqueue_indirect_dma source(%dma_start3A_32 : memref<10000x64xf32, #tpu.memory_space<hbm>>) target(%dma_start3A_26 : memref<80x64xf32, #tpu.memory_space<vmem>>) offsets(%dma_start3A_29 : memref<80xi32, #tpu.memory_space<vmem>>) semaphore(%dma_start3A_34 : memref<!tpu.dma_semaphore, #tpu.memory_space<semaphore_mem>>)
    %dma_start3A_35 = arith.constant 2 : i32
    %dma_start3A_36 = arith.constant 2 : i32
    %dma_start3A_37 = arith.constant 2 : i32
    %dma_start3A_38 = arith.constant 0 : i32
    %dma_start3A_39 = arith.constant 0 : i32
    %dma_start3A_40 = tpu.memref_slice %arg10[%dma_start3A_36, %dma_start3A_38, %dma_start3A_39] : memref<5x80x64xf32, #tpu.memory_space<vmem>> -> memref<1x80x64xf32, #tpu.memory_space<vmem>>
    %dma_start3A_41 = tpu.memref_squeeze %dma_start3A_40 : memref<1x80x64xf32, #tpu.memory_space<vmem>> -> memref<80x64xf32, #tpu.memory_space<vmem>>
    %dma_start3A_42 = arith.constant 0 : i32
    %dma_start3A_43 = tpu.memref_slice %arg8[%dma_start3A_35, %dma_start3A_42] : memref<125x80xi32, #tpu.memory_space<vmem>> -> memref<1x80xi32, #tpu.memory_space<vmem>>
    %dma_start3A_44 = tpu.memref_squeeze %dma_start3A_43 : memref<1x80xi32, #tpu.memory_space<vmem>> -> memref<80xi32, #tpu.memory_space<vmem>>
    %dma_start3A_45 = arith.constant 0 : i32
    %dma_start3A_46 = arith.constant 0 : i32
    %dma_start3A_47 = tpu.memref_slice %arg4[%dma_start3A_45, %dma_start3A_46] : memref<10000x64xf32, #tpu.memory_space<hbm>> -> memref<10000x64xf32, #tpu.memory_space<hbm>>
    %dma_start3A_48 = tpu.memref_slice %arg12[%dma_start3A_37] : memref<5x!tpu.dma_semaphore, #tpu.memory_space<semaphore_mem>> -> memref<1x!tpu.dma_semaphore, #tpu.memory_space<semaphore_mem>>
    %dma_start3A_49 = tpu.memref_squeeze %dma_start3A_48 : memref<1x!tpu.dma_semaphore, #tpu.memory_space<semaphore_mem>> -> memref<!tpu.dma_semaphore, #tpu.memory_space<semaphore_mem>>
    tpu.enqueue_indirect_dma source(%dma_start3A_47 : memref<10000x64xf32, #tpu.memory_space<hbm>>) target(%dma_start3A_41 : memref<80x64xf32, #tpu.memory_space<vmem>>) offsets(%dma_start3A_44 : memref<80xi32, #tpu.memory_space<vmem>>) semaphore(%dma_start3A_49 : memref<!tpu.dma_semaphore, #tpu.memory_space<semaphore_mem>>)
    %dma_start3A_50 = arith.constant 3 : i32
    %dma_start3A_51 = arith.constant 3 : i32
    %dma_start3A_52 = arith.constant 3 : i32
    %dma_start3A_53 = arith.constant 0 : i32
    %dma_start3A_54 = arith.constant 0 : i32
    %dma_start3A_55 = tpu.memref_slice %arg10[%dma_start3A_51, %dma_start3A_53, %dma_start3A_54] : memref<5x80x64xf32, #tpu.memory_space<vmem>> -> memref<1x80x64xf32, #tpu.memory_space<vmem>>
    %dma_start3A_56 = tpu.memref_squeeze %dma_start3A_55 : memref<1x80x64xf32, #tpu.memory_space<vmem>> -> memref<80x64xf32, #tpu.memory_space<vmem>>
    %dma_start3A_57 = arith.constant 0 : i32
    %dma_start3A_58 = tpu.memref_slice %arg8[%dma_start3A_50, %dma_start3A_57] : memref<125x80xi32, #tpu.memory_space<vmem>> -> memref<1x80xi32, #tpu.memory_space<vmem>>
    %dma_start3A_59 = tpu.memref_squeeze %dma_start3A_58 : memref<1x80xi32, #tpu.memory_space<vmem>> -> memref<80xi32, #tpu.memory_space<vmem>>
    %dma_start3A_60 = arith.constant 0 : i32
    %dma_start3A_61 = arith.constant 0 : i32
    %dma_start3A_62 = tpu.memref_slice %arg4[%dma_start3A_60, %dma_start3A_61] : memref<10000x64xf32, #tpu.memory_space<hbm>> -> memref<10000x64xf32, #tpu.memory_space<hbm>>
    %dma_start3A_63 = tpu.memref_slice %arg12[%dma_start3A_52] : memref<5x!tpu.dma_semaphore, #tpu.memory_space<semaphore_mem>> -> memref<1x!tpu.dma_semaphore, #tpu.memory_space<semaphore_mem>>
    %dma_start3A_64 = tpu.memref_squeeze %dma_start3A_63 : memref<1x!tpu.dma_semaphore, #tpu.memory_space<semaphore_mem>> -> memref<!tpu.dma_semaphore, #tpu.memory_space<semaphore_mem>>
    tpu.enqueue_indirect_dma source(%dma_start3A_62 : memref<10000x64xf32, #tpu.memory_space<hbm>>) target(%dma_start3A_56 : memref<80x64xf32, #tpu.memory_space<vmem>>) offsets(%dma_start3A_59 : memref<80xi32, #tpu.memory_space<vmem>>) semaphore(%dma_start3A_64 : memref<!tpu.dma_semaphore, #tpu.memory_space<semaphore_mem>>)
    %dma_start3A_65 = arith.constant 4 : i32
    %dma_start3A_66 = arith.constant 4 : i32
    %dma_start3A_67 = arith.constant 4 : i32
    %dma_start3A_68 = arith.constant 0 : i32
    %dma_start3A_69 = arith.constant 0 : i32
    %dma_start3A_70 = tpu.memref_slice %arg10[%dma_start3A_66, %dma_start3A_68, %dma_start3A_69] : memref<5x80x64xf32, #tpu.memory_space<vmem>> -> memref<1x80x64xf32, #tpu.memory_space<vmem>>
    %dma_start3A_71 = tpu.memref_squeeze %dma_start3A_70 : memref<1x80x64xf32, #tpu.memory_space<vmem>> -> memref<80x64xf32, #tpu.memory_space<vmem>>
    %dma_start3A_72 = arith.constant 0 : i32
    %dma_start3A_73 = tpu.memref_slice %arg8[%dma_start3A_65, %dma_start3A_72] : memref<125x80xi32, #tpu.memory_space<vmem>> -> memref<1x80xi32, #tpu.memory_space<vmem>>
    %dma_start3A_74 = tpu.memref_squeeze %dma_start3A_73 : memref<1x80xi32, #tpu.memory_space<vmem>> -> memref<80xi32, #tpu.memory_space<vmem>>
    %dma_start3A_75 = arith.constant 0 : i32
    %dma_start3A_76 = arith.constant 0 : i32
    %dma_start3A_77 = tpu.memref_slice %arg4[%dma_start3A_75, %dma_start3A_76] : memref<10000x64xf32, #tpu.memory_space<hbm>> -> memref<10000x64xf32, #tpu.memory_space<hbm>>
    %dma_start3A_78 = tpu.memref_slice %arg12[%dma_start3A_67] : memref<5x!tpu.dma_semaphore, #tpu.memory_space<semaphore_mem>> -> memref<1x!tpu.dma_semaphore, #tpu.memory_space<semaphore_mem>>
    %dma_start3A_79 = tpu.memref_squeeze %dma_start3A_78 : memref<1x!tpu.dma_semaphore, #tpu.memory_space<semaphore_mem>> -> memref<!tpu.dma_semaphore, #tpu.memory_space<semaphore_mem>>
    tpu.enqueue_indirect_dma source(%dma_start3A_77 : memref<10000x64xf32, #tpu.memory_space<hbm>>) target(%dma_start3A_71 : memref<80x64xf32, #tpu.memory_space<vmem>>) offsets(%dma_start3A_74 : memref<80xi32, #tpu.memory_space<vmem>>) semaphore(%dma_start3A_79 : memref<!tpu.dma_semaphore, #tpu.memory_space<semaphore_mem>>)
    %scan3A = arith.constant 0 : i32
    %scan3A_80 = arith.constant 0 : i32
    %scan3A_81 = arith.constant 25 : i32
    %scan3A_82 = arith.addi %scan3A_80, %scan3A_81 : i32
    %scan3A_83 = arith.constant 1 : i32
    scf.for %scan3A_167 = %scan3A_80 to %scan3A_82 step %scan3A_83  : i32 {
      %mul3A_168 = arith.constant 5 : i32
      %mul3A_169 = arith.muli %scan3A_167, %mul3A_168 : i32
      %add3A_170 = arith.constant 0 : i32
      %add3A_171 = arith.addi %mul3A_169, %add3A_170 : i32
      %dma_wait3A_172 = arith.constant 0 : i32
      %dma_wait3A_173 = arith.constant 0 : i32
      %dma_wait3A_174 = arith.constant 0 : i32
      %dma_wait3A_175 = arith.constant 0 : i32
      %dma_wait3A_176 = tpu.memref_slice %arg10[%dma_wait3A_172, %dma_wait3A_174, %dma_wait3A_175] : memref<5x80x64xf32, #tpu.memory_space<vmem>> -> memref<1x80x64xf32, #tpu.memory_space<vmem>>
      %dma_wait3A_177 = tpu.memref_squeeze %dma_wait3A_176 : memref<1x80x64xf32, #tpu.memory_space<vmem>> -> memref<80x64xf32, #tpu.memory_space<vmem>>
      %dma_wait3A_178 = arith.constant 0 : i32
      %dma_wait3A_179 = tpu.memref_slice %arg8[%add3A_171, %dma_wait3A_178] : memref<125x80xi32, #tpu.memory_space<vmem>> -> memref<1x80xi32, #tpu.memory_space<vmem>>
      %dma_wait3A_180 = tpu.memref_squeeze %dma_wait3A_179 : memref<1x80xi32, #tpu.memory_space<vmem>> -> memref<80xi32, #tpu.memory_space<vmem>>
      %dma_wait3A_181 = arith.constant 0 : i32
      %dma_wait3A_182 = arith.constant 0 : i32
      %dma_wait3A_183 = tpu.memref_slice %arg4[%dma_wait3A_181, %dma_wait3A_182] : memref<10000x64xf32, #tpu.memory_space<hbm>> -> memref<10000x64xf32, #tpu.memory_space<hbm>>
      %dma_wait3A_184 = tpu.memref_slice %arg12[%dma_wait3A_173] : memref<5x!tpu.dma_semaphore, #tpu.memory_space<semaphore_mem>> -> memref<1x!tpu.dma_semaphore, #tpu.memory_space<semaphore_mem>>
      %dma_wait3A_185 = tpu.memref_squeeze %dma_wait3A_184 : memref<1x!tpu.dma_semaphore, #tpu.memory_space<semaphore_mem>> -> memref<!tpu.dma_semaphore, #tpu.memory_space<semaphore_mem>>
      tpu.wait_indirect_dma semaphore(%dma_wait3A_185 : memref<!tpu.dma_semaphore, #tpu.memory_space<semaphore_mem>>) src(%dma_wait3A_183 : memref<10000x64xf32, #tpu.memory_space<hbm>>) dst(%dma_wait3A_177 : memref<80x64xf32, #tpu.memory_space<vmem>>)
      %add3A_186 = arith.constant 0 : i32
      %add3A_187 = arith.addi %mul3A_169, %add3A_186 : i32
      %dma_start3A_188 = arith.constant 0 : i32
      %dma_start3A_189 = arith.constant 0 : i32
      %dma_start3A_190 = arith.constant 0 : i32
      %dma_start3A_191 = arith.constant 0 : i32
      %dma_start3A_192 = tpu.memref_slice %arg10[%dma_start3A_188, %dma_start3A_190, %dma_start3A_191] : memref<5x80x64xf32, #tpu.memory_space<vmem>> -> memref<1x80x64xf32, #tpu.memory_space<vmem>>
      %dma_start3A_193 = tpu.memref_squeeze %dma_start3A_192 : memref<1x80x64xf32, #tpu.memory_space<vmem>> -> memref<80x64xf32, #tpu.memory_space<vmem>>
      %dma_start3A_194 = arith.constant 0 : i32
      %dma_start3A_195 = tpu.memref_slice %arg9[%add3A_187, %dma_start3A_194] : memref<125x80xi32, #tpu.memory_space<vmem>> -> memref<1x80xi32, #tpu.memory_space<vmem>>
      %dma_start3A_196 = tpu.memref_squeeze %dma_start3A_195 : memref<1x80xi32, #tpu.memory_space<vmem>> -> memref<80xi32, #tpu.memory_space<vmem>>
      %dma_start3A_197 = arith.constant 0 : i32
      %dma_start3A_198 = arith.constant 0 : i32
      %dma_start3A_199 = tpu.memref_slice %arg11[%dma_start3A_197, %dma_start3A_198] : memref<10240x64xf32, #tpu.memory_space<vmem_shared>> -> memref<10240x64xf32, #tpu.memory_space<vmem_shared>>
      %dma_start3A_200 = tpu.memref_slice %arg13[%dma_start3A_189] : memref<5x!tpu.dma_semaphore, #tpu.memory_space<semaphore_mem>> -> memref<1x!tpu.dma_semaphore, #tpu.memory_space<semaphore_mem>>
      %dma_start3A_201 = tpu.memref_squeeze %dma_start3A_200 : memref<1x!tpu.dma_semaphore, #tpu.memory_space<semaphore_mem>> -> memref<!tpu.dma_semaphore, #tpu.memory_space<semaphore_mem>>
      tpu.enqueue_indirect_dma source(%dma_start3A_193 : memref<80x64xf32, #tpu.memory_space<vmem>>) target(%dma_start3A_199 : memref<10240x64xf32, #tpu.memory_space<vmem_shared>>) offsets(%dma_start3A_196 : memref<80xi32, #tpu.memory_space<vmem>>) semaphore(%dma_start3A_201 : memref<!tpu.dma_semaphore, #tpu.memory_space<semaphore_mem>>) {add = true}
      %add3A_202 = arith.constant 1 : i32
      %add3A_203 = arith.addi %mul3A_169, %add3A_202 : i32
      %dma_wait3A_204 = arith.constant 1 : i32
      %dma_wait3A_205 = arith.constant 1 : i32
      %dma_wait3A_206 = arith.constant 0 : i32
      %dma_wait3A_207 = arith.constant 0 : i32
      %dma_wait3A_208 = tpu.memref_slice %arg10[%dma_wait3A_204, %dma_wait3A_206, %dma_wait3A_207] : memref<5x80x64xf32, #tpu.memory_space<vmem>> -> memref<1x80x64xf32, #tpu.memory_space<vmem>>
      %dma_wait3A_209 = tpu.memref_squeeze %dma_wait3A_208 : memref<1x80x64xf32, #tpu.memory_space<vmem>> -> memref<80x64xf32, #tpu.memory_space<vmem>>
      %dma_wait3A_210 = arith.constant 0 : i32
      %dma_wait3A_211 = tpu.memref_slice %arg8[%add3A_203, %dma_wait3A_210] : memref<125x80xi32, #tpu.memory_space<vmem>> -> memref<1x80xi32, #tpu.memory_space<vmem>>
      %dma_wait3A_212 = tpu.memref_squeeze %dma_wait3A_211 : memref<1x80xi32, #tpu.memory_space<vmem>> -> memref<80xi32, #tpu.memory_space<vmem>>
      %dma_wait3A_213 = arith.constant 0 : i32
      %dma_wait3A_214 = arith.constant 0 : i32
      %dma_wait3A_215 = tpu.memref_slice %arg4[%dma_wait3A_213, %dma_wait3A_214] : memref<10000x64xf32, #tpu.memory_space<hbm>> -> memref<10000x64xf32, #tpu.memory_space<hbm>>
      %dma_wait3A_216 = tpu.memref_slice %arg12[%dma_wait3A_205] : memref<5x!tpu.dma_semaphore, #tpu.memory_space<semaphore_mem>> -> memref<1x!tpu.dma_semaphore, #tpu.memory_space<semaphore_mem>>
      %dma_wait3A_217 = tpu.memref_squeeze %dma_wait3A_216 : memref<1x!tpu.dma_semaphore, #tpu.memory_space<semaphore_mem>> -> memref<!tpu.dma_semaphore, #tpu.memory_space<semaphore_mem>>
      tpu.wait_indirect_dma semaphore(%dma_wait3A_217 : memref<!tpu.dma_semaphore, #tpu.memory_space<semaphore_mem>>) src(%dma_wait3A_215 : memref<10000x64xf32, #tpu.memory_space<hbm>>) dst(%dma_wait3A_209 : memref<80x64xf32, #tpu.memory_space<vmem>>)
      %add3A_218 = arith.constant 1 : i32
      %add3A_219 = arith.addi %mul3A_169, %add3A_218 : i32
      %dma_start3A_220 = arith.constant 1 : i32
      %dma_start3A_221 = arith.constant 1 : i32
      %dma_start3A_222 = arith.constant 0 : i32
      %dma_start3A_223 = arith.constant 0 : i32
      %dma_start3A_224 = tpu.memref_slice %arg10[%dma_start3A_220, %dma_start3A_222, %dma_start3A_223] : memref<5x80x64xf32, #tpu.memory_space<vmem>> -> memref<1x80x64xf32, #tpu.memory_space<vmem>>
      %dma_start3A_225 = tpu.memref_squeeze %dma_start3A_224 : memref<1x80x64xf32, #tpu.memory_space<vmem>> -> memref<80x64xf32, #tpu.memory_space<vmem>>
      %dma_start3A_226 = arith.constant 0 : i32
      %dma_start3A_227 = tpu.memref_slice %arg9[%add3A_219, %dma_start3A_226] : memref<125x80xi32, #tpu.memory_space<vmem>> -> memref<1x80xi32, #tpu.memory_space<vmem>>
      %dma_start3A_228 = tpu.memref_squeeze %dma_start3A_227 : memref<1x80xi32, #tpu.memory_space<vmem>> -> memref<80xi32, #tpu.memory_space<vmem>>
      %dma_start3A_229 = arith.constant 0 : i32
      %dma_start3A_230 = arith.constant 0 : i32
      %dma_start3A_231 = tpu.memref_slice %arg11[%dma_start3A_229, %dma_start3A_230] : memref<10240x64xf32, #tpu.memory_space<vmem_shared>> -> memref<10240x64xf32, #tpu.memory_space<vmem_shared>>
      %dma_start3A_232 = tpu.memref_slice %arg13[%dma_start3A_221] : memref<5x!tpu.dma_semaphore, #tpu.memory_space<semaphore_mem>> -> memref<1x!tpu.dma_semaphore, #tpu.memory_space<semaphore_mem>>
      %dma_start3A_233 = tpu.memref_squeeze %dma_start3A_232 : memref<1x!tpu.dma_semaphore, #tpu.memory_space<semaphore_mem>> -> memref<!tpu.dma_semaphore, #tpu.memory_space<semaphore_mem>>
      tpu.enqueue_indirect_dma source(%dma_start3A_225 : memref<80x64xf32, #tpu.memory_space<vmem>>) target(%dma_start3A_231 : memref<10240x64xf32, #tpu.memory_space<vmem_shared>>) offsets(%dma_start3A_228 : memref<80xi32, #tpu.memory_space<vmem>>) semaphore(%dma_start3A_233 : memref<!tpu.dma_semaphore, #tpu.memory_space<semaphore_mem>>) {add = true}
      %add3A_234 = arith.constant 2 : i32
      %add3A_235 = arith.addi %mul3A_169, %add3A_234 : i32
      %dma_wait3A_236 = arith.constant 2 : i32
      %dma_wait3A_237 = arith.constant 2 : i32
      %dma_wait3A_238 = arith.constant 0 : i32
      %dma_wait3A_239 = arith.constant 0 : i32
      %dma_wait3A_240 = tpu.memref_slice %arg10[%dma_wait3A_236, %dma_wait3A_238, %dma_wait3A_239] : memref<5x80x64xf32, #tpu.memory_space<vmem>> -> memref<1x80x64xf32, #tpu.memory_space<vmem>>
      %dma_wait3A_241 = tpu.memref_squeeze %dma_wait3A_240 : memref<1x80x64xf32, #tpu.memory_space<vmem>> -> memref<80x64xf32, #tpu.memory_space<vmem>>
      %dma_wait3A_242 = arith.constant 0 : i32
      %dma_wait3A_243 = tpu.memref_slice %arg8[%add3A_235, %dma_wait3A_242] : memref<125x80xi32, #tpu.memory_space<vmem>> -> memref<1x80xi32, #tpu.memory_space<vmem>>
      %dma_wait3A_244 = tpu.memref_squeeze %dma_wait3A_243 : memref<1x80xi32, #tpu.memory_space<vmem>> -> memref<80xi32, #tpu.memory_space<vmem>>
      %dma_wait3A_245 = arith.constant 0 : i32
      %dma_wait3A_246 = arith.constant 0 : i32
      %dma_wait3A_247 = tpu.memref_slice %arg4[%dma_wait3A_245, %dma_wait3A_246] : memref<10000x64xf32, #tpu.memory_space<hbm>> -> memref<10000x64xf32, #tpu.memory_space<hbm>>
      %dma_wait3A_248 = tpu.memref_slice %arg12[%dma_wait3A_237] : memref<5x!tpu.dma_semaphore, #tpu.memory_space<semaphore_mem>> -> memref<1x!tpu.dma_semaphore, #tpu.memory_space<semaphore_mem>>
      %dma_wait3A_249 = tpu.memref_squeeze %dma_wait3A_248 : memref<1x!tpu.dma_semaphore, #tpu.memory_space<semaphore_mem>> -> memref<!tpu.dma_semaphore, #tpu.memory_space<semaphore_mem>>
      tpu.wait_indirect_dma semaphore(%dma_wait3A_249 : memref<!tpu.dma_semaphore, #tpu.memory_space<semaphore_mem>>) src(%dma_wait3A_247 : memref<10000x64xf32, #tpu.memory_space<hbm>>) dst(%dma_wait3A_241 : memref<80x64xf32, #tpu.memory_space<vmem>>)
      %add3A_250 = arith.constant 2 : i32
      %add3A_251 = arith.addi %mul3A_169, %add3A_250 : i32
      %dma_start3A_252 = arith.constant 2 : i32
      %dma_start3A_253 = arith.constant 2 : i32
      %dma_start3A_254 = arith.constant 0 : i32
      %dma_start3A_255 = arith.constant 0 : i32
      %dma_start3A_256 = tpu.memref_slice %arg10[%dma_start3A_252, %dma_start3A_254, %dma_start3A_255] : memref<5x80x64xf32, #tpu.memory_space<vmem>> -> memref<1x80x64xf32, #tpu.memory_space<vmem>>
      %dma_start3A_257 = tpu.memref_squeeze %dma_start3A_256 : memref<1x80x64xf32, #tpu.memory_space<vmem>> -> memref<80x64xf32, #tpu.memory_space<vmem>>
      %dma_start3A_258 = arith.constant 0 : i32
      %dma_start3A_259 = tpu.memref_slice %arg9[%add3A_251, %dma_start3A_258] : memref<125x80xi32, #tpu.memory_space<vmem>> -> memref<1x80xi32, #tpu.memory_space<vmem>>
      %dma_start3A_260 = tpu.memref_squeeze %dma_start3A_259 : memref<1x80xi32, #tpu.memory_space<vmem>> -> memref<80xi32, #tpu.memory_space<vmem>>
      %dma_start3A_261 = arith.constant 0 : i32
      %dma_start3A_262 = arith.constant 0 : i32
      %dma_start3A_263 = tpu.memref_slice %arg11[%dma_start3A_261, %dma_start3A_262] : memref<10240x64xf32, #tpu.memory_space<vmem_shared>> -> memref<10240x64xf32, #tpu.memory_space<vmem_shared>>
      %dma_start3A_264 = tpu.memref_slice %arg13[%dma_start3A_253] : memref<5x!tpu.dma_semaphore, #tpu.memory_space<semaphore_mem>> -> memref<1x!tpu.dma_semaphore, #tpu.memory_space<semaphore_mem>>
      %dma_start3A_265 = tpu.memref_squeeze %dma_start3A_264 : memref<1x!tpu.dma_semaphore, #tpu.memory_space<semaphore_mem>> -> memref<!tpu.dma_semaphore, #tpu.memory_space<semaphore_mem>>
      tpu.enqueue_indirect_dma source(%dma_start3A_257 : memref<80x64xf32, #tpu.memory_space<vmem>>) target(%dma_start3A_263 : memref<10240x64xf32, #tpu.memory_space<vmem_shared>>) offsets(%dma_start3A_260 : memref<80xi32, #tpu.memory_space<vmem>>) semaphore(%dma_start3A_265 : memref<!tpu.dma_semaphore, #tpu.memory_space<semaphore_mem>>) {add = true}
      %add3A_266 = arith.constant 3 : i32
      %add3A_267 = arith.addi %mul3A_169, %add3A_266 : i32
      %dma_wait3A_268 = arith.constant 3 : i32
      %dma_wait3A_269 = arith.constant 3 : i32
      %dma_wait3A_270 = arith.constant 0 : i32
      %dma_wait3A_271 = arith.constant 0 : i32
      %dma_wait3A_272 = tpu.memref_slice %arg10[%dma_wait3A_268, %dma_wait3A_270, %dma_wait3A_271] : memref<5x80x64xf32, #tpu.memory_space<vmem>> -> memref<1x80x64xf32, #tpu.memory_space<vmem>>
      %dma_wait3A_273 = tpu.memref_squeeze %dma_wait3A_272 : memref<1x80x64xf32, #tpu.memory_space<vmem>> -> memref<80x64xf32, #tpu.memory_space<vmem>>
      %dma_wait3A_274 = arith.constant 0 : i32
      %dma_wait3A_275 = tpu.memref_slice %arg8[%add3A_267, %dma_wait3A_274] : memref<125x80xi32, #tpu.memory_space<vmem>> -> memref<1x80xi32, #tpu.memory_space<vmem>>
      %dma_wait3A_276 = tpu.memref_squeeze %dma_wait3A_275 : memref<1x80xi32, #tpu.memory_space<vmem>> -> memref<80xi32, #tpu.memory_space<vmem>>
      %dma_wait3A_277 = arith.constant 0 : i32
      %dma_wait3A_278 = arith.constant 0 : i32
      %dma_wait3A_279 = tpu.memref_slice %arg4[%dma_wait3A_277, %dma_wait3A_278] : memref<10000x64xf32, #tpu.memory_space<hbm>> -> memref<10000x64xf32, #tpu.memory_space<hbm>>
      %dma_wait3A_280 = tpu.memref_slice %arg12[%dma_wait3A_269] : memref<5x!tpu.dma_semaphore, #tpu.memory_space<semaphore_mem>> -> memref<1x!tpu.dma_semaphore, #tpu.memory_space<semaphore_mem>>
      %dma_wait3A_281 = tpu.memref_squeeze %dma_wait3A_280 : memref<1x!tpu.dma_semaphore, #tpu.memory_space<semaphore_mem>> -> memref<!tpu.dma_semaphore, #tpu.memory_space<semaphore_mem>>
      tpu.wait_indirect_dma semaphore(%dma_wait3A_281 : memref<!tpu.dma_semaphore, #tpu.memory_space<semaphore_mem>>) src(%dma_wait3A_279 : memref<10000x64xf32, #tpu.memory_space<hbm>>) dst(%dma_wait3A_273 : memref<80x64xf32, #tpu.memory_space<vmem>>)
      %add3A_282 = arith.constant 3 : i32
      %add3A_283 = arith.addi %mul3A_169, %add3A_282 : i32
      %dma_start3A_284 = arith.constant 3 : i32
      %dma_start3A_285 = arith.constant 3 : i32
      %dma_start3A_286 = arith.constant 0 : i32
      %dma_start3A_287 = arith.constant 0 : i32
      %dma_start3A_288 = tpu.memref_slice %arg10[%dma_start3A_284, %dma_start3A_286, %dma_start3A_287] : memref<5x80x64xf32, #tpu.memory_space<vmem>> -> memref<1x80x64xf32, #tpu.memory_space<vmem>>
      %dma_start3A_289 = tpu.memref_squeeze %dma_start3A_288 : memref<1x80x64xf32, #tpu.memory_space<vmem>> -> memref<80x64xf32, #tpu.memory_space<vmem>>
      %dma_start3A_290 = arith.constant 0 : i32
      %dma_start3A_291 = tpu.memref_slice %arg9[%add3A_283, %dma_start3A_290] : memref<125x80xi32, #tpu.memory_space<vmem>> -> memref<1x80xi32, #tpu.memory_space<vmem>>
      %dma_start3A_292 = tpu.memref_squeeze %dma_start3A_291 : memref<1x80xi32, #tpu.memory_space<vmem>> -> memref<80xi32, #tpu.memory_space<vmem>>
      %dma_start3A_293 = arith.constant 0 : i32
      %dma_start3A_294 = arith.constant 0 : i32
      %dma_start3A_295 = tpu.memref_slice %arg11[%dma_start3A_293, %dma_start3A_294] : memref<10240x64xf32, #tpu.memory_space<vmem_shared>> -> memref<10240x64xf32, #tpu.memory_space<vmem_shared>>
      %dma_start3A_296 = tpu.memref_slice %arg13[%dma_start3A_285] : memref<5x!tpu.dma_semaphore, #tpu.memory_space<semaphore_mem>> -> memref<1x!tpu.dma_semaphore, #tpu.memory_space<semaphore_mem>>
      %dma_start3A_297 = tpu.memref_squeeze %dma_start3A_296 : memref<1x!tpu.dma_semaphore, #tpu.memory_space<semaphore_mem>> -> memref<!tpu.dma_semaphore, #tpu.memory_space<semaphore_mem>>
      tpu.enqueue_indirect_dma source(%dma_start3A_289 : memref<80x64xf32, #tpu.memory_space<vmem>>) target(%dma_start3A_295 : memref<10240x64xf32, #tpu.memory_space<vmem_shared>>) offsets(%dma_start3A_292 : memref<80xi32, #tpu.memory_space<vmem>>) semaphore(%dma_start3A_297 : memref<!tpu.dma_semaphore, #tpu.memory_space<semaphore_mem>>) {add = true}
      %add3A_298 = arith.constant 4 : i32
      %add3A_299 = arith.addi %mul3A_169, %add3A_298 : i32
      %dma_wait3A_300 = arith.constant 4 : i32
      %dma_wait3A_301 = arith.constant 4 : i32
      %dma_wait3A_302 = arith.constant 0 : i32
      %dma_wait3A_303 = arith.constant 0 : i32
      %dma_wait3A_304 = tpu.memref_slice %arg10[%dma_wait3A_300, %dma_wait3A_302, %dma_wait3A_303] : memref<5x80x64xf32, #tpu.memory_space<vmem>> -> memref<1x80x64xf32, #tpu.memory_space<vmem>>
      %dma_wait3A_305 = tpu.memref_squeeze %dma_wait3A_304 : memref<1x80x64xf32, #tpu.memory_space<vmem>> -> memref<80x64xf32, #tpu.memory_space<vmem>>
      %dma_wait3A_306 = arith.constant 0 : i32
      %dma_wait3A_307 = tpu.memref_slice %arg8[%add3A_299, %dma_wait3A_306] : memref<125x80xi32, #tpu.memory_space<vmem>> -> memref<1x80xi32, #tpu.memory_space<vmem>>
      %dma_wait3A_308 = tpu.memref_squeeze %dma_wait3A_307 : memref<1x80xi32, #tpu.memory_space<vmem>> -> memref<80xi32, #tpu.memory_space<vmem>>
      %dma_wait3A_309 = arith.constant 0 : i32
      %dma_wait3A_310 = arith.constant 0 : i32
      %dma_wait3A_311 = tpu.memref_slice %arg4[%dma_wait3A_309, %dma_wait3A_310] : memref<10000x64xf32, #tpu.memory_space<hbm>> -> memref<10000x64xf32, #tpu.memory_space<hbm>>
      %dma_wait3A_312 = tpu.memref_slice %arg12[%dma_wait3A_301] : memref<5x!tpu.dma_semaphore, #tpu.memory_space<semaphore_mem>> -> memref<1x!tpu.dma_semaphore, #tpu.memory_space<semaphore_mem>>
      %dma_wait3A_313 = tpu.memref_squeeze %dma_wait3A_312 : memref<1x!tpu.dma_semaphore, #tpu.memory_space<semaphore_mem>> -> memref<!tpu.dma_semaphore, #tpu.memory_space<semaphore_mem>>
      tpu.wait_indirect_dma semaphore(%dma_wait3A_313 : memref<!tpu.dma_semaphore, #tpu.memory_space<semaphore_mem>>) src(%dma_wait3A_311 : memref<10000x64xf32, #tpu.memory_space<hbm>>) dst(%dma_wait3A_305 : memref<80x64xf32, #tpu.memory_space<vmem>>)
      %add3A_314 = arith.constant 4 : i32
      %add3A_315 = arith.addi %mul3A_169, %add3A_314 : i32
      %dma_start3A_316 = arith.constant 4 : i32
      %dma_start3A_317 = arith.constant 4 : i32
      %dma_start3A_318 = arith.constant 0 : i32
      %dma_start3A_319 = arith.constant 0 : i32
      %dma_start3A_320 = tpu.memref_slice %arg10[%dma_start3A_316, %dma_start3A_318, %dma_start3A_319] : memref<5x80x64xf32, #tpu.memory_space<vmem>> -> memref<1x80x64xf32, #tpu.memory_space<vmem>>
      %dma_start3A_321 = tpu.memref_squeeze %dma_start3A_320 : memref<1x80x64xf32, #tpu.memory_space<vmem>> -> memref<80x64xf32, #tpu.memory_space<vmem>>
      %dma_start3A_322 = arith.constant 0 : i32
      %dma_start3A_323 = tpu.memref_slice %arg9[%add3A_315, %dma_start3A_322] : memref<125x80xi32, #tpu.memory_space<vmem>> -> memref<1x80xi32, #tpu.memory_space<vmem>>
      %dma_start3A_324 = tpu.memref_squeeze %dma_start3A_323 : memref<1x80xi32, #tpu.memory_space<vmem>> -> memref<80xi32, #tpu.memory_space<vmem>>
      %dma_start3A_325 = arith.constant 0 : i32
      %dma_start3A_326 = arith.constant 0 : i32
      %dma_start3A_327 = tpu.memref_slice %arg11[%dma_start3A_325, %dma_start3A_326] : memref<10240x64xf32, #tpu.memory_space<vmem_shared>> -> memref<10240x64xf32, #tpu.memory_space<vmem_shared>>
      %dma_start3A_328 = tpu.memref_slice %arg13[%dma_start3A_317] : memref<5x!tpu.dma_semaphore, #tpu.memory_space<semaphore_mem>> -> memref<1x!tpu.dma_semaphore, #tpu.memory_space<semaphore_mem>>
      %dma_start3A_329 = tpu.memref_squeeze %dma_start3A_328 : memref<1x!tpu.dma_semaphore, #tpu.memory_space<semaphore_mem>> -> memref<!tpu.dma_semaphore, #tpu.memory_space<semaphore_mem>>
      tpu.enqueue_indirect_dma source(%dma_start3A_321 : memref<80x64xf32, #tpu.memory_space<vmem>>) target(%dma_start3A_327 : memref<10240x64xf32, #tpu.memory_space<vmem_shared>>) offsets(%dma_start3A_324 : memref<80xi32, #tpu.memory_space<vmem>>) semaphore(%dma_start3A_329 : memref<!tpu.dma_semaphore, #tpu.memory_space<semaphore_mem>>) {add = true}
      %add3A_330 = arith.constant 5 : i32
      %add3A_331 = arith.addi %mul3A_169, %add3A_330 : i32
      %add3A_332 = arith.constant 0 : i32
      %add3A_333 = arith.addi %add3A_331, %add3A_332 : i32
      %lt3A = arith.constant 125 : i32
      %lt3A_334 = arith.cmpi slt, %add3A_333, %lt3A : i32
      %convert_element_type3A_335 = arith.extui %lt3A_334 : i1 to i32
      %cond3A_336 = arith.constant 0 : i32
      %cond3A_337 = arith.cmpi ne, %convert_element_type3A_335, %cond3A_336 : i32
      scf.if %cond3A_337 {
        %add3A_374 = arith.constant 0 : i32
        %add3A_375 = arith.addi %mul3A_169, %add3A_374 : i32
        %dma_wait3A_376 = arith.constant 0 : i32
        %dma_wait3A_377 = arith.constant 0 : i32
        %dma_wait3A_378 = arith.constant 0 : i32
        %dma_wait3A_379 = arith.constant 0 : i32
        %dma_wait3A_380 = tpu.memref_slice %arg10[%dma_wait3A_376, %dma_wait3A_378, %dma_wait3A_379] : memref<5x80x64xf32, #tpu.memory_space<vmem>> -> memref<1x80x64xf32, #tpu.memory_space<vmem>>
        %dma_wait3A_381 = tpu.memref_squeeze %dma_wait3A_380 : memref<1x80x64xf32, #tpu.memory_space<vmem>> -> memref<80x64xf32, #tpu.memory_space<vmem>>
        %dma_wait3A_382 = arith.constant 0 : i32
        %dma_wait3A_383 = tpu.memref_slice %arg9[%add3A_375, %dma_wait3A_382] : memref<125x80xi32, #tpu.memory_space<vmem>> -> memref<1x80xi32, #tpu.memory_space<vmem>>
        %dma_wait3A_384 = tpu.memref_squeeze %dma_wait3A_383 : memref<1x80xi32, #tpu.memory_space<vmem>> -> memref<80xi32, #tpu.memory_space<vmem>>
        %dma_wait3A_385 = arith.constant 0 : i32
        %dma_wait3A_386 = arith.constant 0 : i32
        %dma_wait3A_387 = tpu.memref_slice %arg11[%dma_wait3A_385, %dma_wait3A_386] : memref<10240x64xf32, #tpu.memory_space<vmem_shared>> -> memref<10240x64xf32, #tpu.memory_space<vmem_shared>>
        %dma_wait3A_388 = tpu.memref_slice %arg13[%dma_wait3A_377] : memref<5x!tpu.dma_semaphore, #tpu.memory_space<semaphore_mem>> -> memref<1x!tpu.dma_semaphore, #tpu.memory_space<semaphore_mem>>
        %dma_wait3A_389 = tpu.memref_squeeze %dma_wait3A_388 : memref<1x!tpu.dma_semaphore, #tpu.memory_space<semaphore_mem>> -> memref<!tpu.dma_semaphore, #tpu.memory_space<semaphore_mem>>
        tpu.wait_indirect_dma semaphore(%dma_wait3A_389 : memref<!tpu.dma_semaphore, #tpu.memory_space<semaphore_mem>>) src(%dma_wait3A_381 : memref<80x64xf32, #tpu.memory_space<vmem>>) dst(%dma_wait3A_387 : memref<10240x64xf32, #tpu.memory_space<vmem_shared>>)
        %dma_start3A_390 = arith.constant 0 : i32
        %dma_start3A_391 = arith.constant 0 : i32
        %dma_start3A_392 = arith.constant 0 : i32
        %dma_start3A_393 = arith.constant 0 : i32
        %dma_start3A_394 = tpu.memref_slice %arg10[%dma_start3A_390, %dma_start3A_392, %dma_start3A_393] : memref<5x80x64xf32, #tpu.memory_space<vmem>> -> memref<1x80x64xf32, #tpu.memory_space<vmem>>
        %dma_start3A_395 = tpu.memref_squeeze %dma_start3A_394 : memref<1x80x64xf32, #tpu.memory_space<vmem>> -> memref<80x64xf32, #tpu.memory_space<vmem>>
        %dma_start3A_396 = arith.constant 0 : i32
        %dma_start3A_397 = tpu.memref_slice %arg8[%add3A_333, %dma_start3A_396] : memref<125x80xi32, #tpu.memory_space<vmem>> -> memref<1x80xi32, #tpu.memory_space<vmem>>
        %dma_start3A_398 = tpu.memref_squeeze %dma_start3A_397 : memref<1x80xi32, #tpu.memory_space<vmem>> -> memref<80xi32, #tpu.memory_space<vmem>>
        %dma_start3A_399 = arith.constant 0 : i32
        %dma_start3A_400 = arith.constant 0 : i32
        %dma_start3A_401 = tpu.memref_slice %arg4[%dma_start3A_399, %dma_start3A_400] : memref<10000x64xf32, #tpu.memory_space<hbm>> -> memref<10000x64xf32, #tpu.memory_space<hbm>>
        %dma_start3A_402 = tpu.memref_slice %arg12[%dma_start3A_391] : memref<5x!tpu.dma_semaphore, #tpu.memory_space<semaphore_mem>> -> memref<1x!tpu.dma_semaphore, #tpu.memory_space<semaphore_mem>>
        %dma_start3A_403 = tpu.memref_squeeze %dma_start3A_402 : memref<1x!tpu.dma_semaphore, #tpu.memory_space<semaphore_mem>> -> memref<!tpu.dma_semaphore, #tpu.memory_space<semaphore_mem>>
        tpu.enqueue_indirect_dma source(%dma_start3A_401 : memref<10000x64xf32, #tpu.memory_space<hbm>>) target(%dma_start3A_395 : memref<80x64xf32, #tpu.memory_space<vmem>>) offsets(%dma_start3A_398 : memref<80xi32, #tpu.memory_space<vmem>>) semaphore(%dma_start3A_403 : memref<!tpu.dma_semaphore, #tpu.memory_space<semaphore_mem>>)
      } else {
      }
      %add3A_338 = arith.constant 5 : i32
      %add3A_339 = arith.addi %mul3A_169, %add3A_338 : i32
      %add3A_340 = arith.constant 1 : i32
      %add3A_341 = arith.addi %add3A_339, %add3A_340 : i32
      %lt3A_342 = arith.constant 125 : i32
      %lt3A_343 = arith.cmpi slt, %add3A_341, %lt3A_342 : i32
      %convert_element_type3A_344 = arith.extui %lt3A_343 : i1 to i32
      %cond3A_345 = arith.constant 0 : i32
      %cond3A_346 = arith.cmpi ne, %convert_element_type3A_344, %cond3A_345 : i32
      scf.if %cond3A_346 {
        %add3A_374 = arith.constant 1 : i32
        %add3A_375 = arith.addi %mul3A_169, %add3A_374 : i32
        %dma_wait3A_376 = arith.constant 1 : i32
        %dma_wait3A_377 = arith.constant 1 : i32
        %dma_wait3A_378 = arith.constant 0 : i32
        %dma_wait3A_379 = arith.constant 0 : i32
        %dma_wait3A_380 = tpu.memref_slice %arg10[%dma_wait3A_376, %dma_wait3A_378, %dma_wait3A_379] : memref<5x80x64xf32, #tpu.memory_space<vmem>> -> memref<1x80x64xf32, #tpu.memory_space<vmem>>
        %dma_wait3A_381 = tpu.memref_squeeze %dma_wait3A_380 : memref<1x80x64xf32, #tpu.memory_space<vmem>> -> memref<80x64xf32, #tpu.memory_space<vmem>>
        %dma_wait3A_382 = arith.constant 0 : i32
        %dma_wait3A_383 = tpu.memref_slice %arg9[%add3A_375, %dma_wait3A_382] : memref<125x80xi32, #tpu.memory_space<vmem>> -> memref<1x80xi32, #tpu.memory_space<vmem>>
        %dma_wait3A_384 = tpu.memref_squeeze %dma_wait3A_383 : memref<1x80xi32, #tpu.memory_space<vmem>> -> memref<80xi32, #tpu.memory_space<vmem>>
        %dma_wait3A_385 = arith.constant 0 : i32
        %dma_wait3A_386 = arith.constant 0 : i32
        %dma_wait3A_387 = tpu.memref_slice %arg11[%dma_wait3A_385, %dma_wait3A_386] : memref<10240x64xf32, #tpu.memory_space<vmem_shared>> -> memref<10240x64xf32, #tpu.memory_space<vmem_shared>>
        %dma_wait3A_388 = tpu.memref_slice %arg13[%dma_wait3A_377] : memref<5x!tpu.dma_semaphore, #tpu.memory_space<semaphore_mem>> -> memref<1x!tpu.dma_semaphore, #tpu.memory_space<semaphore_mem>>
        %dma_wait3A_389 = tpu.memref_squeeze %dma_wait3A_388 : memref<1x!tpu.dma_semaphore, #tpu.memory_space<semaphore_mem>> -> memref<!tpu.dma_semaphore, #tpu.memory_space<semaphore_mem>>
        tpu.wait_indirect_dma semaphore(%dma_wait3A_389 : memref<!tpu.dma_semaphore, #tpu.memory_space<semaphore_mem>>) src(%dma_wait3A_381 : memref<80x64xf32, #tpu.memory_space<vmem>>) dst(%dma_wait3A_387 : memref<10240x64xf32, #tpu.memory_space<vmem_shared>>)
        %dma_start3A_390 = arith.constant 1 : i32
        %dma_start3A_391 = arith.constant 1 : i32
        %dma_start3A_392 = arith.constant 0 : i32
        %dma_start3A_393 = arith.constant 0 : i32
        %dma_start3A_394 = tpu.memref_slice %arg10[%dma_start3A_390, %dma_start3A_392, %dma_start3A_393] : memref<5x80x64xf32, #tpu.memory_space<vmem>> -> memref<1x80x64xf32, #tpu.memory_space<vmem>>
        %dma_start3A_395 = tpu.memref_squeeze %dma_start3A_394 : memref<1x80x64xf32, #tpu.memory_space<vmem>> -> memref<80x64xf32, #tpu.memory_space<vmem>>
        %dma_start3A_396 = arith.constant 0 : i32
        %dma_start3A_397 = tpu.memref_slice %arg8[%add3A_341, %dma_start3A_396] : memref<125x80xi32, #tpu.memory_space<vmem>> -> memref<1x80xi32, #tpu.memory_space<vmem>>
        %dma_start3A_398 = tpu.memref_squeeze %dma_start3A_397 : memref<1x80xi32, #tpu.memory_space<vmem>> -> memref<80xi32, #tpu.memory_space<vmem>>
        %dma_start3A_399 = arith.constant 0 : i32
        %dma_start3A_400 = arith.constant 0 : i32
        %dma_start3A_401 = tpu.memref_slice %arg4[%dma_start3A_399, %dma_start3A_400] : memref<10000x64xf32, #tpu.memory_space<hbm>> -> memref<10000x64xf32, #tpu.memory_space<hbm>>
        %dma_start3A_402 = tpu.memref_slice %arg12[%dma_start3A_391] : memref<5x!tpu.dma_semaphore, #tpu.memory_space<semaphore_mem>> -> memref<1x!tpu.dma_semaphore, #tpu.memory_space<semaphore_mem>>
        %dma_start3A_403 = tpu.memref_squeeze %dma_start3A_402 : memref<1x!tpu.dma_semaphore, #tpu.memory_space<semaphore_mem>> -> memref<!tpu.dma_semaphore, #tpu.memory_space<semaphore_mem>>
        tpu.enqueue_indirect_dma source(%dma_start3A_401 : memref<10000x64xf32, #tpu.memory_space<hbm>>) target(%dma_start3A_395 : memref<80x64xf32, #tpu.memory_space<vmem>>) offsets(%dma_start3A_398 : memref<80xi32, #tpu.memory_space<vmem>>) semaphore(%dma_start3A_403 : memref<!tpu.dma_semaphore, #tpu.memory_space<semaphore_mem>>)
      } else {
      }
      %add3A_347 = arith.constant 5 : i32
      %add3A_348 = arith.addi %mul3A_169, %add3A_347 : i32
      %add3A_349 = arith.constant 2 : i32
      %add3A_350 = arith.addi %add3A_348, %add3A_349 : i32
      %lt3A_351 = arith.constant 125 : i32
      %lt3A_352 = arith.cmpi slt, %add3A_350, %lt3A_351 : i32
      %convert_element_type3A_353 = arith.extui %lt3A_352 : i1 to i32
      %cond3A_354 = arith.constant 0 : i32
      %cond3A_355 = arith.cmpi ne, %convert_element_type3A_353, %cond3A_354 : i32
      scf.if %cond3A_355 {
        %add3A_374 = arith.constant 2 : i32
        %add3A_375 = arith.addi %mul3A_169, %add3A_374 : i32
        %dma_wait3A_376 = arith.constant 2 : i32
        %dma_wait3A_377 = arith.constant 2 : i32
        %dma_wait3A_378 = arith.constant 0 : i32
        %dma_wait3A_379 = arith.constant 0 : i32
        %dma_wait3A_380 = tpu.memref_slice %arg10[%dma_wait3A_376, %dma_wait3A_378, %dma_wait3A_379] : memref<5x80x64xf32, #tpu.memory_space<vmem>> -> memref<1x80x64xf32, #tpu.memory_space<vmem>>
        %dma_wait3A_381 = tpu.memref_squeeze %dma_wait3A_380 : memref<1x80x64xf32, #tpu.memory_space<vmem>> -> memref<80x64xf32, #tpu.memory_space<vmem>>
        %dma_wait3A_382 = arith.constant 0 : i32
        %dma_wait3A_383 = tpu.memref_slice %arg9[%add3A_375, %dma_wait3A_382] : memref<125x80xi32, #tpu.memory_space<vmem>> -> memref<1x80xi32, #tpu.memory_space<vmem>>
        %dma_wait3A_384 = tpu.memref_squeeze %dma_wait3A_383 : memref<1x80xi32, #tpu.memory_space<vmem>> -> memref<80xi32, #tpu.memory_space<vmem>>
        %dma_wait3A_385 = arith.constant 0 : i32
        %dma_wait3A_386 = arith.constant 0 : i32
        %dma_wait3A_387 = tpu.memref_slice %arg11[%dma_wait3A_385, %dma_wait3A_386] : memref<10240x64xf32, #tpu.memory_space<vmem_shared>> -> memref<10240x64xf32, #tpu.memory_space<vmem_shared>>
        %dma_wait3A_388 = tpu.memref_slice %arg13[%dma_wait3A_377] : memref<5x!tpu.dma_semaphore, #tpu.memory_space<semaphore_mem>> -> memref<1x!tpu.dma_semaphore, #tpu.memory_space<semaphore_mem>>
        %dma_wait3A_389 = tpu.memref_squeeze %dma_wait3A_388 : memref<1x!tpu.dma_semaphore, #tpu.memory_space<semaphore_mem>> -> memref<!tpu.dma_semaphore, #tpu.memory_space<semaphore_mem>>
        tpu.wait_indirect_dma semaphore(%dma_wait3A_389 : memref<!tpu.dma_semaphore, #tpu.memory_space<semaphore_mem>>) src(%dma_wait3A_381 : memref<80x64xf32, #tpu.memory_space<vmem>>) dst(%dma_wait3A_387 : memref<10240x64xf32, #tpu.memory_space<vmem_shared>>)
        %dma_start3A_390 = arith.constant 2 : i32
        %dma_start3A_391 = arith.constant 2 : i32
        %dma_start3A_392 = arith.constant 0 : i32
        %dma_start3A_393 = arith.constant 0 : i32
        %dma_start3A_394 = tpu.memref_slice %arg10[%dma_start3A_390, %dma_start3A_392, %dma_start3A_393] : memref<5x80x64xf32, #tpu.memory_space<vmem>> -> memref<1x80x64xf32, #tpu.memory_space<vmem>>
        %dma_start3A_395 = tpu.memref_squeeze %dma_start3A_394 : memref<1x80x64xf32, #tpu.memory_space<vmem>> -> memref<80x64xf32, #tpu.memory_space<vmem>>
        %dma_start3A_396 = arith.constant 0 : i32
        %dma_start3A_397 = tpu.memref_slice %arg8[%add3A_350, %dma_start3A_396] : memref<125x80xi32, #tpu.memory_space<vmem>> -> memref<1x80xi32, #tpu.memory_space<vmem>>
        %dma_start3A_398 = tpu.memref_squeeze %dma_start3A_397 : memref<1x80xi32, #tpu.memory_space<vmem>> -> memref<80xi32, #tpu.memory_space<vmem>>
        %dma_start3A_399 = arith.constant 0 : i32
        %dma_start3A_400 = arith.constant 0 : i32
        %dma_start3A_401 = tpu.memref_slice %arg4[%dma_start3A_399, %dma_start3A_400] : memref<10000x64xf32, #tpu.memory_space<hbm>> -> memref<10000x64xf32, #tpu.memory_space<hbm>>
        %dma_start3A_402 = tpu.memref_slice %arg12[%dma_start3A_391] : memref<5x!tpu.dma_semaphore, #tpu.memory_space<semaphore_mem>> -> memref<1x!tpu.dma_semaphore, #tpu.memory_space<semaphore_mem>>
        %dma_start3A_403 = tpu.memref_squeeze %dma_start3A_402 : memref<1x!tpu.dma_semaphore, #tpu.memory_space<semaphore_mem>> -> memref<!tpu.dma_semaphore, #tpu.memory_space<semaphore_mem>>
        tpu.enqueue_indirect_dma source(%dma_start3A_401 : memref<10000x64xf32, #tpu.memory_space<hbm>>) target(%dma_start3A_395 : memref<80x64xf32, #tpu.memory_space<vmem>>) offsets(%dma_start3A_398 : memref<80xi32, #tpu.memory_space<vmem>>) semaphore(%dma_start3A_403 : memref<!tpu.dma_semaphore, #tpu.memory_space<semaphore_mem>>)
      } else {
      }
      %add3A_356 = arith.constant 5 : i32
      %add3A_357 = arith.addi %mul3A_169, %add3A_356 : i32
      %add3A_358 = arith.constant 3 : i32
      %add3A_359 = arith.addi %add3A_357, %add3A_358 : i32
      %lt3A_360 = arith.constant 125 : i32
      %lt3A_361 = arith.cmpi slt, %add3A_359, %lt3A_360 : i32
      %convert_element_type3A_362 = arith.extui %lt3A_361 : i1 to i32
      %cond3A_363 = arith.constant 0 : i32
      %cond3A_364 = arith.cmpi ne, %convert_element_type3A_362, %cond3A_363 : i32
      scf.if %cond3A_364 {
        %add3A_374 = arith.constant 3 : i32
        %add3A_375 = arith.addi %mul3A_169, %add3A_374 : i32
        %dma_wait3A_376 = arith.constant 3 : i32
        %dma_wait3A_377 = arith.constant 3 : i32
        %dma_wait3A_378 = arith.constant 0 : i32
        %dma_wait3A_379 = arith.constant 0 : i32
        %dma_wait3A_380 = tpu.memref_slice %arg10[%dma_wait3A_376, %dma_wait3A_378, %dma_wait3A_379] : memref<5x80x64xf32, #tpu.memory_space<vmem>> -> memref<1x80x64xf32, #tpu.memory_space<vmem>>
        %dma_wait3A_381 = tpu.memref_squeeze %dma_wait3A_380 : memref<1x80x64xf32, #tpu.memory_space<vmem>> -> memref<80x64xf32, #tpu.memory_space<vmem>>
        %dma_wait3A_382 = arith.constant 0 : i32
        %dma_wait3A_383 = tpu.memref_slice %arg9[%add3A_375, %dma_wait3A_382] : memref<125x80xi32, #tpu.memory_space<vmem>> -> memref<1x80xi32, #tpu.memory_space<vmem>>
        %dma_wait3A_384 = tpu.memref_squeeze %dma_wait3A_383 : memref<1x80xi32, #tpu.memory_space<vmem>> -> memref<80xi32, #tpu.memory_space<vmem>>
        %dma_wait3A_385 = arith.constant 0 : i32
        %dma_wait3A_386 = arith.constant 0 : i32
        %dma_wait3A_387 = tpu.memref_slice %arg11[%dma_wait3A_385, %dma_wait3A_386] : memref<10240x64xf32, #tpu.memory_space<vmem_shared>> -> memref<10240x64xf32, #tpu.memory_space<vmem_shared>>
        %dma_wait3A_388 = tpu.memref_slice %arg13[%dma_wait3A_377] : memref<5x!tpu.dma_semaphore, #tpu.memory_space<semaphore_mem>> -> memref<1x!tpu.dma_semaphore, #tpu.memory_space<semaphore_mem>>
        %dma_wait3A_389 = tpu.memref_squeeze %dma_wait3A_388 : memref<1x!tpu.dma_semaphore, #tpu.memory_space<semaphore_mem>> -> memref<!tpu.dma_semaphore, #tpu.memory_space<semaphore_mem>>
        tpu.wait_indirect_dma semaphore(%dma_wait3A_389 : memref<!tpu.dma_semaphore, #tpu.memory_space<semaphore_mem>>) src(%dma_wait3A_381 : memref<80x64xf32, #tpu.memory_space<vmem>>) dst(%dma_wait3A_387 : memref<10240x64xf32, #tpu.memory_space<vmem_shared>>)
        %dma_start3A_390 = arith.constant 3 : i32
        %dma_start3A_391 = arith.constant 3 : i32
        %dma_start3A_392 = arith.constant 0 : i32
        %dma_start3A_393 = arith.constant 0 : i32
        %dma_start3A_394 = tpu.memref_slice %arg10[%dma_start3A_390, %dma_start3A_392, %dma_start3A_393] : memref<5x80x64xf32, #tpu.memory_space<vmem>> -> memref<1x80x64xf32, #tpu.memory_space<vmem>>
        %dma_start3A_395 = tpu.memref_squeeze %dma_start3A_394 : memref<1x80x64xf32, #tpu.memory_space<vmem>> -> memref<80x64xf32, #tpu.memory_space<vmem>>
        %dma_start3A_396 = arith.constant 0 : i32
        %dma_start3A_397 = tpu.memref_slice %arg8[%add3A_359, %dma_start3A_396] : memref<125x80xi32, #tpu.memory_space<vmem>> -> memref<1x80xi32, #tpu.memory_space<vmem>>
        %dma_start3A_398 = tpu.memref_squeeze %dma_start3A_397 : memref<1x80xi32, #tpu.memory_space<vmem>> -> memref<80xi32, #tpu.memory_space<vmem>>
        %dma_start3A_399 = arith.constant 0 : i32
        %dma_start3A_400 = arith.constant 0 : i32
        %dma_start3A_401 = tpu.memref_slice %arg4[%dma_start3A_399, %dma_start3A_400] : memref<10000x64xf32, #tpu.memory_space<hbm>> -> memref<10000x64xf32, #tpu.memory_space<hbm>>
        %dma_start3A_402 = tpu.memref_slice %arg12[%dma_start3A_391] : memref<5x!tpu.dma_semaphore, #tpu.memory_space<semaphore_mem>> -> memref<1x!tpu.dma_semaphore, #tpu.memory_space<semaphore_mem>>
        %dma_start3A_403 = tpu.memref_squeeze %dma_start3A_402 : memref<1x!tpu.dma_semaphore, #tpu.memory_space<semaphore_mem>> -> memref<!tpu.dma_semaphore, #tpu.memory_space<semaphore_mem>>
        tpu.enqueue_indirect_dma source(%dma_start3A_401 : memref<10000x64xf32, #tpu.memory_space<hbm>>) target(%dma_start3A_395 : memref<80x64xf32, #tpu.memory_space<vmem>>) offsets(%dma_start3A_398 : memref<80xi32, #tpu.memory_space<vmem>>) semaphore(%dma_start3A_403 : memref<!tpu.dma_semaphore, #tpu.memory_space<semaphore_mem>>)
      } else {
      }
      %add3A_365 = arith.constant 5 : i32
      %add3A_366 = arith.addi %mul3A_169, %add3A_365 : i32
      %add3A_367 = arith.constant 4 : i32
      %add3A_368 = arith.addi %add3A_366, %add3A_367 : i32
      %lt3A_369 = arith.constant 125 : i32
      %lt3A_370 = arith.cmpi slt, %add3A_368, %lt3A_369 : i32
      %convert_element_type3A_371 = arith.extui %lt3A_370 : i1 to i32
      %cond3A_372 = arith.constant 0 : i32
      %cond3A_373 = arith.cmpi ne, %convert_element_type3A_371, %cond3A_372 : i32
      scf.if %cond3A_373 {
        %add3A_374 = arith.constant 4 : i32
        %add3A_375 = arith.addi %mul3A_169, %add3A_374 : i32
        %dma_wait3A_376 = arith.constant 4 : i32
        %dma_wait3A_377 = arith.constant 4 : i32
        %dma_wait3A_378 = arith.constant 0 : i32
        %dma_wait3A_379 = arith.constant 0 : i32
        %dma_wait3A_380 = tpu.memref_slice %arg10[%dma_wait3A_376, %dma_wait3A_378, %dma_wait3A_379] : memref<5x80x64xf32, #tpu.memory_space<vmem>> -> memref<1x80x64xf32, #tpu.memory_space<vmem>>
        %dma_wait3A_381 = tpu.memref_squeeze %dma_wait3A_380 : memref<1x80x64xf32, #tpu.memory_space<vmem>> -> memref<80x64xf32, #tpu.memory_space<vmem>>
        %dma_wait3A_382 = arith.constant 0 : i32
        %dma_wait3A_383 = tpu.memref_slice %arg9[%add3A_375, %dma_wait3A_382] : memref<125x80xi32, #tpu.memory_space<vmem>> -> memref<1x80xi32, #tpu.memory_space<vmem>>
        %dma_wait3A_384 = tpu.memref_squeeze %dma_wait3A_383 : memref<1x80xi32, #tpu.memory_space<vmem>> -> memref<80xi32, #tpu.memory_space<vmem>>
        %dma_wait3A_385 = arith.constant 0 : i32
        %dma_wait3A_386 = arith.constant 0 : i32
        %dma_wait3A_387 = tpu.memref_slice %arg11[%dma_wait3A_385, %dma_wait3A_386] : memref<10240x64xf32, #tpu.memory_space<vmem_shared>> -> memref<10240x64xf32, #tpu.memory_space<vmem_shared>>
        %dma_wait3A_388 = tpu.memref_slice %arg13[%dma_wait3A_377] : memref<5x!tpu.dma_semaphore, #tpu.memory_space<semaphore_mem>> -> memref<1x!tpu.dma_semaphore, #tpu.memory_space<semaphore_mem>>
        %dma_wait3A_389 = tpu.memref_squeeze %dma_wait3A_388 : memref<1x!tpu.dma_semaphore, #tpu.memory_space<semaphore_mem>> -> memref<!tpu.dma_semaphore, #tpu.memory_space<semaphore_mem>>
        tpu.wait_indirect_dma semaphore(%dma_wait3A_389 : memref<!tpu.dma_semaphore, #tpu.memory_space<semaphore_mem>>) src(%dma_wait3A_381 : memref<80x64xf32, #tpu.memory_space<vmem>>) dst(%dma_wait3A_387 : memref<10240x64xf32, #tpu.memory_space<vmem_shared>>)
        %dma_start3A_390 = arith.constant 4 : i32
        %dma_start3A_391 = arith.constant 4 : i32
        %dma_start3A_392 = arith.constant 0 : i32
        %dma_start3A_393 = arith.constant 0 : i32
        %dma_start3A_394 = tpu.memref_slice %arg10[%dma_start3A_390, %dma_start3A_392, %dma_start3A_393] : memref<5x80x64xf32, #tpu.memory_space<vmem>> -> memref<1x80x64xf32, #tpu.memory_space<vmem>>
        %dma_start3A_395 = tpu.memref_squeeze %dma_start3A_394 : memref<1x80x64xf32, #tpu.memory_space<vmem>> -> memref<80x64xf32, #tpu.memory_space<vmem>>
        %dma_start3A_396 = arith.constant 0 : i32
        %dma_start3A_397 = tpu.memref_slice %arg8[%add3A_368, %dma_start3A_396] : memref<125x80xi32, #tpu.memory_space<vmem>> -> memref<1x80xi32, #tpu.memory_space<vmem>>
        %dma_start3A_398 = tpu.memref_squeeze %dma_start3A_397 : memref<1x80xi32, #tpu.memory_space<vmem>> -> memref<80xi32, #tpu.memory_space<vmem>>
        %dma_start3A_399 = arith.constant 0 : i32
        %dma_start3A_400 = arith.constant 0 : i32
        %dma_start3A_401 = tpu.memref_slice %arg4[%dma_start3A_399, %dma_start3A_400] : memref<10000x64xf32, #tpu.memory_space<hbm>> -> memref<10000x64xf32, #tpu.memory_space<hbm>>
        %dma_start3A_402 = tpu.memref_slice %arg12[%dma_start3A_391] : memref<5x!tpu.dma_semaphore, #tpu.memory_space<semaphore_mem>> -> memref<1x!tpu.dma_semaphore, #tpu.memory_space<semaphore_mem>>
        %dma_start3A_403 = tpu.memref_squeeze %dma_start3A_402 : memref<1x!tpu.dma_semaphore, #tpu.memory_space<semaphore_mem>> -> memref<!tpu.dma_semaphore, #tpu.memory_space<semaphore_mem>>
        tpu.enqueue_indirect_dma source(%dma_start3A_401 : memref<10000x64xf32, #tpu.memory_space<hbm>>) target(%dma_start3A_395 : memref<80x64xf32, #tpu.memory_space<vmem>>) offsets(%dma_start3A_398 : memref<80xi32, #tpu.memory_space<vmem>>) semaphore(%dma_start3A_403 : memref<!tpu.dma_semaphore, #tpu.memory_space<semaphore_mem>>)
      } else {
      }
    }
    %scan3A_84 = arith.constant 25 : i32
    %dma_wait3A = arith.constant 0 : i32
    %dma_wait3A_85 = arith.constant 120 : i32
    %dma_wait3A_86 = arith.constant 0 : i32
    %dma_wait3A_87 = arith.constant 0 : i32
    %dma_wait3A_88 = arith.constant 0 : i32
    %dma_wait3A_89 = tpu.memref_slice %arg10[%dma_wait3A, %dma_wait3A_87, %dma_wait3A_88] : memref<5x80x64xf32, #tpu.memory_space<vmem>> -> memref<1x80x64xf32, #tpu.memory_space<vmem>>
    %dma_wait3A_90 = tpu.memref_squeeze %dma_wait3A_89 : memref<1x80x64xf32, #tpu.memory_space<vmem>> -> memref<80x64xf32, #tpu.memory_space<vmem>>
    %dma_wait3A_91 = arith.constant 0 : i32
    %dma_wait3A_92 = tpu.memref_slice %arg9[%dma_wait3A_85, %dma_wait3A_91] : memref<125x80xi32, #tpu.memory_space<vmem>> -> memref<1x80xi32, #tpu.memory_space<vmem>>
    %dma_wait3A_93 = tpu.memref_squeeze %dma_wait3A_92 : memref<1x80xi32, #tpu.memory_space<vmem>> -> memref<80xi32, #tpu.memory_space<vmem>>
    %dma_wait3A_94 = arith.constant 0 : i32
    %dma_wait3A_95 = arith.constant 0 : i32
    %dma_wait3A_96 = tpu.memref_slice %arg11[%dma_wait3A_94, %dma_wait3A_95] : memref<10240x64xf32, #tpu.memory_space<vmem_shared>> -> memref<10240x64xf32, #tpu.memory_space<vmem_shared>>
    %dma_wait3A_97 = tpu.memref_slice %arg13[%dma_wait3A_86] : memref<5x!tpu.dma_semaphore, #tpu.memory_space<semaphore_mem>> -> memref<1x!tpu.dma_semaphore, #tpu.memory_space<semaphore_mem>>
    %dma_wait3A_98 = tpu.memref_squeeze %dma_wait3A_97 : memref<1x!tpu.dma_semaphore, #tpu.memory_space<semaphore_mem>> -> memref<!tpu.dma_semaphore, #tpu.memory_space<semaphore_mem>>
    tpu.wait_indirect_dma semaphore(%dma_wait3A_98 : memref<!tpu.dma_semaphore, #tpu.memory_space<semaphore_mem>>) src(%dma_wait3A_90 : memref<80x64xf32, #tpu.memory_space<vmem>>) dst(%dma_wait3A_96 : memref<10240x64xf32, #tpu.memory_space<vmem_shared>>)
    %dma_wait3A_99 = arith.constant 1 : i32
    %dma_wait3A_100 = arith.constant 121 : i32
    %dma_wait3A_101 = arith.constant 1 : i32
    %dma_wait3A_102 = arith.constant 0 : i32
    %dma_wait3A_103 = arith.constant 0 : i32
    %dma_wait3A_104 = tpu.memref_slice %arg10[%dma_wait3A_99, %dma_wait3A_102, %dma_wait3A_103] : memref<5x80x64xf32, #tpu.memory_space<vmem>> -> memref<1x80x64xf32, #tpu.memory_space<vmem>>
    %dma_wait3A_105 = tpu.memref_squeeze %dma_wait3A_104 : memref<1x80x64xf32, #tpu.memory_space<vmem>> -> memref<80x64xf32, #tpu.memory_space<vmem>>
    %dma_wait3A_106 = arith.constant 0 : i32
    %dma_wait3A_107 = tpu.memref_slice %arg9[%dma_wait3A_100, %dma_wait3A_106] : memref<125x80xi32, #tpu.memory_space<vmem>> -> memref<1x80xi32, #tpu.memory_space<vmem>>
    %dma_wait3A_108 = tpu.memref_squeeze %dma_wait3A_107 : memref<1x80xi32, #tpu.memory_space<vmem>> -> memref<80xi32, #tpu.memory_space<vmem>>
    %dma_wait3A_109 = arith.constant 0 : i32
    %dma_wait3A_110 = arith.constant 0 : i32
    %dma_wait3A_111 = tpu.memref_slice %arg11[%dma_wait3A_109, %dma_wait3A_110] : memref<10240x64xf32, #tpu.memory_space<vmem_shared>> -> memref<10240x64xf32, #tpu.memory_space<vmem_shared>>
    %dma_wait3A_112 = tpu.memref_slice %arg13[%dma_wait3A_101] : memref<5x!tpu.dma_semaphore, #tpu.memory_space<semaphore_mem>> -> memref<1x!tpu.dma_semaphore, #tpu.memory_space<semaphore_mem>>
    %dma_wait3A_113 = tpu.memref_squeeze %dma_wait3A_112 : memref<1x!tpu.dma_semaphore, #tpu.memory_space<semaphore_mem>> -> memref<!tpu.dma_semaphore, #tpu.memory_space<semaphore_mem>>
    tpu.wait_indirect_dma semaphore(%dma_wait3A_113 : memref<!tpu.dma_semaphore, #tpu.memory_space<semaphore_mem>>) src(%dma_wait3A_105 : memref<80x64xf32, #tpu.memory_space<vmem>>) dst(%dma_wait3A_111 : memref<10240x64xf32, #tpu.memory_space<vmem_shared>>)
    %dma_wait3A_114 = arith.constant 2 : i32
    %dma_wait3A_115 = arith.constant 122 : i32
    %dma_wait3A_116 = arith.constant 2 : i32
    %dma_wait3A_117 = arith.constant 0 : i32
    %dma_wait3A_118 = arith.constant 0 : i32
    %dma_wait3A_119 = tpu.memref_slice %arg10[%dma_wait3A_114, %dma_wait3A_117, %dma_wait3A_118] : memref<5x80x64xf32, #tpu.memory_space<vmem>> -> memref<1x80x64xf32, #tpu.memory_space<vmem>>
    %dma_wait3A_120 = tpu.memref_squeeze %dma_wait3A_119 : memref<1x80x64xf32, #tpu.memory_space<vmem>> -> memref<80x64xf32, #tpu.memory_space<vmem>>
    %dma_wait3A_121 = arith.constant 0 : i32
    %dma_wait3A_122 = tpu.memref_slice %arg9[%dma_wait3A_115, %dma_wait3A_121] : memref<125x80xi32, #tpu.memory_space<vmem>> -> memref<1x80xi32, #tpu.memory_space<vmem>>
    %dma_wait3A_123 = tpu.memref_squeeze %dma_wait3A_122 : memref<1x80xi32, #tpu.memory_space<vmem>> -> memref<80xi32, #tpu.memory_space<vmem>>
    %dma_wait3A_124 = arith.constant 0 : i32
    %dma_wait3A_125 = arith.constant 0 : i32
    %dma_wait3A_126 = tpu.memref_slice %arg11[%dma_wait3A_124, %dma_wait3A_125] : memref<10240x64xf32, #tpu.memory_space<vmem_shared>> -> memref<10240x64xf32, #tpu.memory_space<vmem_shared>>
    %dma_wait3A_127 = tpu.memref_slice %arg13[%dma_wait3A_116] : memref<5x!tpu.dma_semaphore, #tpu.memory_space<semaphore_mem>> -> memref<1x!tpu.dma_semaphore, #tpu.memory_space<semaphore_mem>>
    %dma_wait3A_128 = tpu.memref_squeeze %dma_wait3A_127 : memref<1x!tpu.dma_semaphore, #tpu.memory_space<semaphore_mem>> -> memref<!tpu.dma_semaphore, #tpu.memory_space<semaphore_mem>>
    tpu.wait_indirect_dma semaphore(%dma_wait3A_128 : memref<!tpu.dma_semaphore, #tpu.memory_space<semaphore_mem>>) src(%dma_wait3A_120 : memref<80x64xf32, #tpu.memory_space<vmem>>) dst(%dma_wait3A_126 : memref<10240x64xf32, #tpu.memory_space<vmem_shared>>)
    %dma_wait3A_129 = arith.constant 3 : i32
    %dma_wait3A_130 = arith.constant 123 : i32
    %dma_wait3A_131 = arith.constant 3 : i32
    %dma_wait3A_132 = arith.constant 0 : i32
    %dma_wait3A_133 = arith.constant 0 : i32
    %dma_wait3A_134 = tpu.memref_slice %arg10[%dma_wait3A_129, %dma_wait3A_132, %dma_wait3A_133] : memref<5x80x64xf32, #tpu.memory_space<vmem>> -> memref<1x80x64xf32, #tpu.memory_space<vmem>>
    %dma_wait3A_135 = tpu.memref_squeeze %dma_wait3A_134 : memref<1x80x64xf32, #tpu.memory_space<vmem>> -> memref<80x64xf32, #tpu.memory_space<vmem>>
    %dma_wait3A_136 = arith.constant 0 : i32
    %dma_wait3A_137 = tpu.memref_slice %arg9[%dma_wait3A_130, %dma_wait3A_136] : memref<125x80xi32, #tpu.memory_space<vmem>> -> memref<1x80xi32, #tpu.memory_space<vmem>>
    %dma_wait3A_138 = tpu.memref_squeeze %dma_wait3A_137 : memref<1x80xi32, #tpu.memory_space<vmem>> -> memref<80xi32, #tpu.memory_space<vmem>>
    %dma_wait3A_139 = arith.constant 0 : i32
    %dma_wait3A_140 = arith.constant 0 : i32
    %dma_wait3A_141 = tpu.memref_slice %arg11[%dma_wait3A_139, %dma_wait3A_140] : memref<10240x64xf32, #tpu.memory_space<vmem_shared>> -> memref<10240x64xf32, #tpu.memory_space<vmem_shared>>
    %dma_wait3A_142 = tpu.memref_slice %arg13[%dma_wait3A_131] : memref<5x!tpu.dma_semaphore, #tpu.memory_space<semaphore_mem>> -> memref<1x!tpu.dma_semaphore, #tpu.memory_space<semaphore_mem>>
    %dma_wait3A_143 = tpu.memref_squeeze %dma_wait3A_142 : memref<1x!tpu.dma_semaphore, #tpu.memory_space<semaphore_mem>> -> memref<!tpu.dma_semaphore, #tpu.memory_space<semaphore_mem>>
    tpu.wait_indirect_dma semaphore(%dma_wait3A_143 : memref<!tpu.dma_semaphore, #tpu.memory_space<semaphore_mem>>) src(%dma_wait3A_135 : memref<80x64xf32, #tpu.memory_space<vmem>>) dst(%dma_wait3A_141 : memref<10240x64xf32, #tpu.memory_space<vmem_shared>>)
    %dma_wait3A_144 = arith.constant 4 : i32
    %dma_wait3A_145 = arith.constant 124 : i32
    %dma_wait3A_146 = arith.constant 4 : i32
    %dma_wait3A_147 = arith.constant 0 : i32
    %dma_wait3A_148 = arith.constant 0 : i32
    %dma_wait3A_149 = tpu.memref_slice %arg10[%dma_wait3A_144, %dma_wait3A_147, %dma_wait3A_148] : memref<5x80x64xf32, #tpu.memory_space<vmem>> -> memref<1x80x64xf32, #tpu.memory_space<vmem>>
    %dma_wait3A_150 = tpu.memref_squeeze %dma_wait3A_149 : memref<1x80x64xf32, #tpu.memory_space<vmem>> -> memref<80x64xf32, #tpu.memory_space<vmem>>
    %dma_wait3A_151 = arith.constant 0 : i32
    %dma_wait3A_152 = tpu.memref_slice %arg9[%dma_wait3A_145, %dma_wait3A_151] : memref<125x80xi32, #tpu.memory_space<vmem>> -> memref<1x80xi32, #tpu.memory_space<vmem>>
    %dma_wait3A_153 = tpu.memref_squeeze %dma_wait3A_152 : memref<1x80xi32, #tpu.memory_space<vmem>> -> memref<80xi32, #tpu.memory_space<vmem>>
    %dma_wait3A_154 = arith.constant 0 : i32
    %dma_wait3A_155 = arith.constant 0 : i32
    %dma_wait3A_156 = tpu.memref_slice %arg11[%dma_wait3A_154, %dma_wait3A_155] : memref<10240x64xf32, #tpu.memory_space<vmem_shared>> -> memref<10240x64xf32, #tpu.memory_space<vmem_shared>>
    %dma_wait3A_157 = tpu.memref_slice %arg13[%dma_wait3A_146] : memref<5x!tpu.dma_semaphore, #tpu.memory_space<semaphore_mem>> -> memref<1x!tpu.dma_semaphore, #tpu.memory_space<semaphore_mem>>
    %dma_wait3A_158 = tpu.memref_squeeze %dma_wait3A_157 : memref<1x!tpu.dma_semaphore, #tpu.memory_space<semaphore_mem>> -> memref<!tpu.dma_semaphore, #tpu.memory_space<semaphore_mem>>
    tpu.wait_indirect_dma semaphore(%dma_wait3A_158 : memref<!tpu.dma_semaphore, #tpu.memory_space<semaphore_mem>>) src(%dma_wait3A_150 : memref<80x64xf32, #tpu.memory_space<vmem>>) dst(%dma_wait3A_156 : memref<10240x64xf32, #tpu.memory_space<vmem_shared>>)
    %barrier3A_159 = arith.constant 0 : index
    tpu.barrier barrier_id(%barrier3A_159)
    %eq3A = arith.constant 0 : i32
    %eq3A_160 = arith.cmpi eq, %arg0, %eq3A : i32
    %convert_element_type3A = arith.extui %eq3A_160 : i1 to i32
    %cond3A = arith.constant 0 : i32
    %cond3A_161 = arith.cmpi ne, %convert_element_type3A, %cond3A : i32
    scf.if %cond3A_161 {
      %mul3A_167 = arith.constant 640 : i32
      %mul3A_168 = arith.muli %arg1, %mul3A_167 : i32
      %mul3A_169 = arith.constant 640 : i32
      %mul3A_170 = arith.muli %arg1, %mul3A_169 : i32
      "tpu.region"() ({
        %run_scoped3A = tpu.sem_alloc : memref<!tpu.dma_semaphore, #tpu.memory_space<semaphore_mem>>
        %dma_start3A_171 = arith.constant 0 : i32
        %dma_start3A_172 = tpu.memref_slice %arg6[%mul3A_170, %dma_start3A_171] : memref<10240x64xf32, #tpu.memory_space<hbm>> -> memref<640x64xf32, #tpu.memory_space<hbm>>
        %dma_start3A_173 = arith.constant 0 : i32
        %dma_start3A_174 = tpu.memref_slice %arg11[%mul3A_168, %dma_start3A_173] : memref<10240x64xf32, #tpu.memory_space<vmem_shared>> -> memref<640x64xf32, #tpu.memory_space<vmem_shared>>
        tpu.enqueue_dma source(%dma_start3A_174 : memref<640x64xf32, #tpu.memory_space<vmem_shared>>) target(%dma_start3A_172 : memref<640x64xf32, #tpu.memory_space<hbm>>) target_semaphore(%run_scoped3A : memref<!tpu.dma_semaphore, #tpu.memory_space<semaphore_mem>>)
        %dma_wait3A_175 = arith.constant 0 : i32
        %dma_wait3A_176 = tpu.memref_slice %arg6[%mul3A_170, %dma_wait3A_175] : memref<10240x64xf32, #tpu.memory_space<hbm>> -> memref<640x64xf32, #tpu.memory_space<hbm>>
        %dma_wait3A_177 = arith.constant 0 : i32
        %dma_wait3A_178 = tpu.memref_slice %arg11[%mul3A_168, %dma_wait3A_177] : memref<10240x64xf32, #tpu.memory_space<vmem_shared>> -> memref<640x64xf32, #tpu.memory_space<vmem_shared>>
        tpu.wait_dma2 semaphore(%run_scoped3A : memref<!tpu.dma_semaphore, #tpu.memory_space<semaphore_mem>>) src(%dma_wait3A_178 : memref<640x64xf32, #tpu.memory_space<vmem_shared>>) dst(%dma_wait3A_176 : memref<640x64xf32, #tpu.memory_space<hbm>>)
        tpu.yield
      }) : () -> ()
    } else {
    }
    %eq3A_162 = arith.constant 1 : i32
    %eq3A_163 = arith.cmpi eq, %arg0, %eq3A_162 : i32
    %convert_element_type3A_164 = arith.extui %eq3A_163 : i1 to i32
    %cond3A_165 = arith.constant 0 : i32
    %cond3A_166 = arith.cmpi ne, %convert_element_type3A_164, %cond3A_165 : i32
    scf.if %cond3A_166 {
      %mul3A_167 = arith.constant 640 : i32
      %mul3A_168 = arith.muli %arg1, %mul3A_167 : i32
      %mul3A_169 = arith.constant 640 : i32
      %mul3A_170 = arith.muli %arg1, %mul3A_169 : i32
      "tpu.region"() ({
        %run_scoped3A = tpu.sem_alloc : memref<!tpu.dma_semaphore, #tpu.memory_space<semaphore_mem>>
        %dma_start3A_171 = arith.constant 0 : i32
        %dma_start3A_172 = tpu.memref_slice %arg7[%mul3A_170, %dma_start3A_171] : memref<10240x64xf32, #tpu.memory_space<hbm>> -> memref<640x64xf32, #tpu.memory_space<hbm>>
        %dma_start3A_173 = arith.constant 0 : i32
        %dma_start3A_174 = tpu.memref_slice %arg11[%mul3A_168, %dma_start3A_173] : memref<10240x64xf32, #tpu.memory_space<vmem_shared>> -> memref<640x64xf32, #tpu.memory_space<vmem_shared>>
        tpu.enqueue_dma source(%dma_start3A_174 : memref<640x64xf32, #tpu.memory_space<vmem_shared>>) target(%dma_start3A_172 : memref<640x64xf32, #tpu.memory_space<hbm>>) target_semaphore(%run_scoped3A : memref<!tpu.dma_semaphore, #tpu.memory_space<semaphore_mem>>)
        %dma_wait3A_175 = arith.constant 0 : i32
        %dma_wait3A_176 = tpu.memref_slice %arg7[%mul3A_170, %dma_wait3A_175] : memref<10240x64xf32, #tpu.memory_space<hbm>> -> memref<640x64xf32, #tpu.memory_space<hbm>>
        %dma_wait3A_177 = arith.constant 0 : i32
        %dma_wait3A_178 = tpu.memref_slice %arg11[%mul3A_168, %dma_wait3A_177] : memref<10240x64xf32, #tpu.memory_space<vmem_shared>> -> memref<640x64xf32, #tpu.memory_space<vmem_shared>>
        tpu.wait_dma2 semaphore(%run_scoped3A : memref<!tpu.dma_semaphore, #tpu.memory_space<semaphore_mem>>) src(%dma_wait3A_178 : memref<640x64xf32, #tpu.memory_space<vmem_shared>>) dst(%dma_wait3A_176 : memref<640x64xf32, #tpu.memory_space<hbm>>)
        tpu.yield
      }) : () -> ()
    } else {
    }
    return
  }
}

#map = affine_map<(d0, d1) -> (0, 0, 0)>
#map1 = affine_map<(d0, d1) -> (0, 0)>
#map2 = affine_map<(d0, d1) -> (0)>
module attributes {stable_mosaic.version = 14 : i64} {
  func.func @_decode(%arg0: i32, %arg1: i32, %arg2: memref<32x2x128xi32, #tpu.memory_space<hbm>>, %arg3: memref<32x2x128xi32, #tpu.memory_space<hbm>>, %arg4: memref<10240x64xf32, #tpu.memory_space<hbm>>, %arg5: memref<10240x64xf32, #tpu.memory_space<hbm>>, %arg6: memref<10240x80xf32, #tpu.memory_space<hbm>>, %arg7: memref<8192xf32, #tpu.memory_space<hbm>>, %arg8: memref<2x128xi32, #tpu.memory_space<vmem>>, %arg9: memref<2x128xi32, #tpu.memory_space<vmem>>, %arg10: memref<256x64xf32, #tpu.memory_space<vmem>>, %arg11: memref<256x64xf32, #tpu.memory_space<vmem>>, %arg12: memref<256x80xf32, #tpu.memory_space<vmem>>, %arg13: memref<256x64xf32, #tpu.memory_space<vmem>>, %arg14: memref<256x64xf32, #tpu.memory_space<vmem>>, %arg15: memref<256x80xf32, #tpu.memory_space<vmem>>, %arg16: memref<256x16xf32, #tpu.memory_space<vmem>>, %arg17: memref<256xf32, #tpu.memory_space<vmem>>, %arg18: memref<12x!tpu.dma_semaphore, #tpu.memory_space<semaphore_mem>>) attributes {dimension_semantics = [#tpu.dimension_semantics<core_parallel>, #tpu.dimension_semantics<subcore_parallel>], iteration_bounds = array<i64: 2, 16>, scalar_prefetch = 0 : i64, scratch_operands = 11 : i64, tpu.core_type = #tpu.core_type<sc_vector_subcore>, window_params = [{transform_indices = #map}, {transform_indices = #map}, {transform_indices = #map1}, {transform_indices = #map1}, {transform_indices = #map1}, {transform_indices = #map2}]} {
    %mul3A = arith.constant 16 : i32
    %mul3A_0 = arith.muli %arg0, %mul3A : i32
    %add3A = arith.addi %mul3A_0, %arg1 : i32
    "tpu.region"() ({
      %run_scoped3A = tpu.sem_alloc : memref<!tpu.dma_semaphore, #tpu.memory_space<semaphore_mem>>
      %dma_start3A_334 = arith.constant 0 : i32
      %dma_start3A_335 = arith.constant 0 : i32
      %dma_start3A_336 = tpu.memref_slice %arg2[%add3A, %dma_start3A_334, %dma_start3A_335] : memref<32x2x128xi32, #tpu.memory_space<hbm>> -> memref<1x2x128xi32, #tpu.memory_space<hbm>>
      %dma_start3A_337 = tpu.memref_squeeze %dma_start3A_336 : memref<1x2x128xi32, #tpu.memory_space<hbm>> -> memref<2x128xi32, #tpu.memory_space<hbm>>
      %dma_start3A_338 = arith.constant 0 : i32
      %dma_start3A_339 = arith.constant 0 : i32
      %dma_start3A_340 = tpu.memref_slice %arg2[%add3A, %dma_start3A_338, %dma_start3A_339] : memref<32x2x128xi32, #tpu.memory_space<hbm>> -> memref<1x2x128xi32, #tpu.memory_space<hbm>>
      %dma_start3A_341 = tpu.memref_squeeze %dma_start3A_340 : memref<1x2x128xi32, #tpu.memory_space<hbm>> -> memref<2x128xi32, #tpu.memory_space<hbm>>
      tpu.enqueue_dma source(%dma_start3A_341 : memref<2x128xi32, #tpu.memory_space<hbm>>) target(%arg8 : memref<2x128xi32, #tpu.memory_space<vmem>>) target_semaphore(%run_scoped3A : memref<!tpu.dma_semaphore, #tpu.memory_space<semaphore_mem>>)
      %dma_wait3A_342 = arith.constant 0 : i32
      %dma_wait3A_343 = arith.constant 0 : i32
      %dma_wait3A_344 = tpu.memref_slice %arg2[%add3A, %dma_wait3A_342, %dma_wait3A_343] : memref<32x2x128xi32, #tpu.memory_space<hbm>> -> memref<1x2x128xi32, #tpu.memory_space<hbm>>
      %dma_wait3A_345 = tpu.memref_squeeze %dma_wait3A_344 : memref<1x2x128xi32, #tpu.memory_space<hbm>> -> memref<2x128xi32, #tpu.memory_space<hbm>>
      %dma_wait3A_346 = arith.constant 0 : i32
      %dma_wait3A_347 = arith.constant 0 : i32
      %dma_wait3A_348 = tpu.memref_slice %arg2[%add3A, %dma_wait3A_346, %dma_wait3A_347] : memref<32x2x128xi32, #tpu.memory_space<hbm>> -> memref<1x2x128xi32, #tpu.memory_space<hbm>>
      %dma_wait3A_349 = tpu.memref_squeeze %dma_wait3A_348 : memref<1x2x128xi32, #tpu.memory_space<hbm>> -> memref<2x128xi32, #tpu.memory_space<hbm>>
      tpu.wait_dma2 semaphore(%run_scoped3A : memref<!tpu.dma_semaphore, #tpu.memory_space<semaphore_mem>>) src(%dma_wait3A_349 : memref<2x128xi32, #tpu.memory_space<hbm>>) dst(%arg8 : memref<2x128xi32, #tpu.memory_space<vmem>>)
      tpu.yield
    }) : () -> ()
    "tpu.region"() ({
      %run_scoped3A = tpu.sem_alloc : memref<!tpu.dma_semaphore, #tpu.memory_space<semaphore_mem>>
      %dma_start3A_334 = arith.constant 0 : i32
      %dma_start3A_335 = arith.constant 0 : i32
      %dma_start3A_336 = tpu.memref_slice %arg3[%add3A, %dma_start3A_334, %dma_start3A_335] : memref<32x2x128xi32, #tpu.memory_space<hbm>> -> memref<1x2x128xi32, #tpu.memory_space<hbm>>
      %dma_start3A_337 = tpu.memref_squeeze %dma_start3A_336 : memref<1x2x128xi32, #tpu.memory_space<hbm>> -> memref<2x128xi32, #tpu.memory_space<hbm>>
      %dma_start3A_338 = arith.constant 0 : i32
      %dma_start3A_339 = arith.constant 0 : i32
      %dma_start3A_340 = tpu.memref_slice %arg3[%add3A, %dma_start3A_338, %dma_start3A_339] : memref<32x2x128xi32, #tpu.memory_space<hbm>> -> memref<1x2x128xi32, #tpu.memory_space<hbm>>
      %dma_start3A_341 = tpu.memref_squeeze %dma_start3A_340 : memref<1x2x128xi32, #tpu.memory_space<hbm>> -> memref<2x128xi32, #tpu.memory_space<hbm>>
      tpu.enqueue_dma source(%dma_start3A_341 : memref<2x128xi32, #tpu.memory_space<hbm>>) target(%arg9 : memref<2x128xi32, #tpu.memory_space<vmem>>) target_semaphore(%run_scoped3A : memref<!tpu.dma_semaphore, #tpu.memory_space<semaphore_mem>>)
      %dma_wait3A_342 = arith.constant 0 : i32
      %dma_wait3A_343 = arith.constant 0 : i32
      %dma_wait3A_344 = tpu.memref_slice %arg3[%add3A, %dma_wait3A_342, %dma_wait3A_343] : memref<32x2x128xi32, #tpu.memory_space<hbm>> -> memref<1x2x128xi32, #tpu.memory_space<hbm>>
      %dma_wait3A_345 = tpu.memref_squeeze %dma_wait3A_344 : memref<1x2x128xi32, #tpu.memory_space<hbm>> -> memref<2x128xi32, #tpu.memory_space<hbm>>
      %dma_wait3A_346 = arith.constant 0 : i32
      %dma_wait3A_347 = arith.constant 0 : i32
      %dma_wait3A_348 = tpu.memref_slice %arg3[%add3A, %dma_wait3A_346, %dma_wait3A_347] : memref<32x2x128xi32, #tpu.memory_space<hbm>> -> memref<1x2x128xi32, #tpu.memory_space<hbm>>
      %dma_wait3A_349 = tpu.memref_squeeze %dma_wait3A_348 : memref<1x2x128xi32, #tpu.memory_space<hbm>> -> memref<2x128xi32, #tpu.memory_space<hbm>>
      tpu.wait_dma2 semaphore(%run_scoped3A : memref<!tpu.dma_semaphore, #tpu.memory_space<semaphore_mem>>) src(%dma_wait3A_349 : memref<2x128xi32, #tpu.memory_space<hbm>>) dst(%arg9 : memref<2x128xi32, #tpu.memory_space<vmem>>)
      tpu.yield
    }) : () -> ()
    %dma_start3A = arith.constant 0 : i32
    %dma_start3A_1 = arith.constant 0 : i32
    %dma_start3A_2 = arith.constant 0 : i32
    %dma_start3A_3 = arith.constant 0 : i32
    %dma_start3A_4 = tpu.memref_slice %arg10[%dma_start3A_2, %dma_start3A_3] : memref<256x64xf32, #tpu.memory_space<vmem>> -> memref<128x64xf32, #tpu.memory_space<vmem>>
    %dma_start3A_5 = arith.constant 0 : i32
    %dma_start3A_6 = tpu.memref_slice %arg8[%dma_start3A, %dma_start3A_5] : memref<2x128xi32, #tpu.memory_space<vmem>> -> memref<1x128xi32, #tpu.memory_space<vmem>>
    %dma_start3A_7 = tpu.memref_squeeze %dma_start3A_6 : memref<1x128xi32, #tpu.memory_space<vmem>> -> memref<128xi32, #tpu.memory_space<vmem>>
    %dma_start3A_8 = arith.constant 0 : i32
    %dma_start3A_9 = arith.constant 0 : i32
    %dma_start3A_10 = tpu.memref_slice %arg4[%dma_start3A_8, %dma_start3A_9] : memref<10240x64xf32, #tpu.memory_space<hbm>> -> memref<10240x64xf32, #tpu.memory_space<hbm>>
    %dma_start3A_11 = tpu.memref_slice %arg18[%dma_start3A_1] : memref<12x!tpu.dma_semaphore, #tpu.memory_space<semaphore_mem>> -> memref<1x!tpu.dma_semaphore, #tpu.memory_space<semaphore_mem>>
    %dma_start3A_12 = tpu.memref_squeeze %dma_start3A_11 : memref<1x!tpu.dma_semaphore, #tpu.memory_space<semaphore_mem>> -> memref<!tpu.dma_semaphore, #tpu.memory_space<semaphore_mem>>
    tpu.enqueue_indirect_dma source(%dma_start3A_10 : memref<10240x64xf32, #tpu.memory_space<hbm>>) target(%dma_start3A_4 : memref<128x64xf32, #tpu.memory_space<vmem>>) offsets(%dma_start3A_7 : memref<128xi32, #tpu.memory_space<vmem>>) semaphore(%dma_start3A_12 : memref<!tpu.dma_semaphore, #tpu.memory_space<semaphore_mem>>)
    %dma_start3A_13 = arith.constant 0 : i32
    %dma_start3A_14 = arith.constant 1 : i32
    %dma_start3A_15 = arith.constant 0 : i32
    %dma_start3A_16 = arith.constant 0 : i32
    %dma_start3A_17 = tpu.memref_slice %arg11[%dma_start3A_15, %dma_start3A_16] : memref<256x64xf32, #tpu.memory_space<vmem>> -> memref<128x64xf32, #tpu.memory_space<vmem>>
    %dma_start3A_18 = arith.constant 0 : i32
    %dma_start3A_19 = tpu.memref_slice %arg8[%dma_start3A_13, %dma_start3A_18] : memref<2x128xi32, #tpu.memory_space<vmem>> -> memref<1x128xi32, #tpu.memory_space<vmem>>
    %dma_start3A_20 = tpu.memref_squeeze %dma_start3A_19 : memref<1x128xi32, #tpu.memory_space<vmem>> -> memref<128xi32, #tpu.memory_space<vmem>>
    %dma_start3A_21 = arith.constant 0 : i32
    %dma_start3A_22 = arith.constant 0 : i32
    %dma_start3A_23 = tpu.memref_slice %arg5[%dma_start3A_21, %dma_start3A_22] : memref<10240x64xf32, #tpu.memory_space<hbm>> -> memref<10240x64xf32, #tpu.memory_space<hbm>>
    %dma_start3A_24 = tpu.memref_slice %arg18[%dma_start3A_14] : memref<12x!tpu.dma_semaphore, #tpu.memory_space<semaphore_mem>> -> memref<1x!tpu.dma_semaphore, #tpu.memory_space<semaphore_mem>>
    %dma_start3A_25 = tpu.memref_squeeze %dma_start3A_24 : memref<1x!tpu.dma_semaphore, #tpu.memory_space<semaphore_mem>> -> memref<!tpu.dma_semaphore, #tpu.memory_space<semaphore_mem>>
    tpu.enqueue_indirect_dma source(%dma_start3A_23 : memref<10240x64xf32, #tpu.memory_space<hbm>>) target(%dma_start3A_17 : memref<128x64xf32, #tpu.memory_space<vmem>>) offsets(%dma_start3A_20 : memref<128xi32, #tpu.memory_space<vmem>>) semaphore(%dma_start3A_25 : memref<!tpu.dma_semaphore, #tpu.memory_space<semaphore_mem>>)
    %dma_start3A_26 = arith.constant 0 : i32
    %dma_start3A_27 = arith.constant 2 : i32
    %dma_start3A_28 = arith.constant 0 : i32
    %dma_start3A_29 = arith.constant 0 : i32
    %dma_start3A_30 = tpu.memref_slice %arg12[%dma_start3A_28, %dma_start3A_29] : memref<256x80xf32, #tpu.memory_space<vmem>> -> memref<128x80xf32, #tpu.memory_space<vmem>>
    %dma_start3A_31 = arith.constant 0 : i32
    %dma_start3A_32 = tpu.memref_slice %arg8[%dma_start3A_26, %dma_start3A_31] : memref<2x128xi32, #tpu.memory_space<vmem>> -> memref<1x128xi32, #tpu.memory_space<vmem>>
    %dma_start3A_33 = tpu.memref_squeeze %dma_start3A_32 : memref<1x128xi32, #tpu.memory_space<vmem>> -> memref<128xi32, #tpu.memory_space<vmem>>
    %dma_start3A_34 = arith.constant 0 : i32
    %dma_start3A_35 = arith.constant 0 : i32
    %dma_start3A_36 = tpu.memref_slice %arg6[%dma_start3A_34, %dma_start3A_35] : memref<10240x80xf32, #tpu.memory_space<hbm>> -> memref<10240x80xf32, #tpu.memory_space<hbm>>
    %dma_start3A_37 = tpu.memref_slice %arg18[%dma_start3A_27] : memref<12x!tpu.dma_semaphore, #tpu.memory_space<semaphore_mem>> -> memref<1x!tpu.dma_semaphore, #tpu.memory_space<semaphore_mem>>
    %dma_start3A_38 = tpu.memref_squeeze %dma_start3A_37 : memref<1x!tpu.dma_semaphore, #tpu.memory_space<semaphore_mem>> -> memref<!tpu.dma_semaphore, #tpu.memory_space<semaphore_mem>>
    tpu.enqueue_indirect_dma source(%dma_start3A_36 : memref<10240x80xf32, #tpu.memory_space<hbm>>) target(%dma_start3A_30 : memref<128x80xf32, #tpu.memory_space<vmem>>) offsets(%dma_start3A_33 : memref<128xi32, #tpu.memory_space<vmem>>) semaphore(%dma_start3A_38 : memref<!tpu.dma_semaphore, #tpu.memory_space<semaphore_mem>>)
    %dma_start3A_39 = arith.constant 0 : i32
    %dma_start3A_40 = arith.constant 3 : i32
    %dma_start3A_41 = arith.constant 0 : i32
    %dma_start3A_42 = arith.constant 0 : i32
    %dma_start3A_43 = tpu.memref_slice %arg13[%dma_start3A_41, %dma_start3A_42] : memref<256x64xf32, #tpu.memory_space<vmem>> -> memref<128x64xf32, #tpu.memory_space<vmem>>
    %dma_start3A_44 = arith.constant 0 : i32
    %dma_start3A_45 = tpu.memref_slice %arg9[%dma_start3A_39, %dma_start3A_44] : memref<2x128xi32, #tpu.memory_space<vmem>> -> memref<1x128xi32, #tpu.memory_space<vmem>>
    %dma_start3A_46 = tpu.memref_squeeze %dma_start3A_45 : memref<1x128xi32, #tpu.memory_space<vmem>> -> memref<128xi32, #tpu.memory_space<vmem>>
    %dma_start3A_47 = arith.constant 0 : i32
    %dma_start3A_48 = arith.constant 0 : i32
    %dma_start3A_49 = tpu.memref_slice %arg4[%dma_start3A_47, %dma_start3A_48] : memref<10240x64xf32, #tpu.memory_space<hbm>> -> memref<10240x64xf32, #tpu.memory_space<hbm>>
    %dma_start3A_50 = tpu.memref_slice %arg18[%dma_start3A_40] : memref<12x!tpu.dma_semaphore, #tpu.memory_space<semaphore_mem>> -> memref<1x!tpu.dma_semaphore, #tpu.memory_space<semaphore_mem>>
    %dma_start3A_51 = tpu.memref_squeeze %dma_start3A_50 : memref<1x!tpu.dma_semaphore, #tpu.memory_space<semaphore_mem>> -> memref<!tpu.dma_semaphore, #tpu.memory_space<semaphore_mem>>
    tpu.enqueue_indirect_dma source(%dma_start3A_49 : memref<10240x64xf32, #tpu.memory_space<hbm>>) target(%dma_start3A_43 : memref<128x64xf32, #tpu.memory_space<vmem>>) offsets(%dma_start3A_46 : memref<128xi32, #tpu.memory_space<vmem>>) semaphore(%dma_start3A_51 : memref<!tpu.dma_semaphore, #tpu.memory_space<semaphore_mem>>)
    %dma_start3A_52 = arith.constant 0 : i32
    %dma_start3A_53 = arith.constant 4 : i32
    %dma_start3A_54 = arith.constant 0 : i32
    %dma_start3A_55 = arith.constant 0 : i32
    %dma_start3A_56 = tpu.memref_slice %arg14[%dma_start3A_54, %dma_start3A_55] : memref<256x64xf32, #tpu.memory_space<vmem>> -> memref<128x64xf32, #tpu.memory_space<vmem>>
    %dma_start3A_57 = arith.constant 0 : i32
    %dma_start3A_58 = tpu.memref_slice %arg9[%dma_start3A_52, %dma_start3A_57] : memref<2x128xi32, #tpu.memory_space<vmem>> -> memref<1x128xi32, #tpu.memory_space<vmem>>
    %dma_start3A_59 = tpu.memref_squeeze %dma_start3A_58 : memref<1x128xi32, #tpu.memory_space<vmem>> -> memref<128xi32, #tpu.memory_space<vmem>>
    %dma_start3A_60 = arith.constant 0 : i32
    %dma_start3A_61 = arith.constant 0 : i32
    %dma_start3A_62 = tpu.memref_slice %arg5[%dma_start3A_60, %dma_start3A_61] : memref<10240x64xf32, #tpu.memory_space<hbm>> -> memref<10240x64xf32, #tpu.memory_space<hbm>>
    %dma_start3A_63 = tpu.memref_slice %arg18[%dma_start3A_53] : memref<12x!tpu.dma_semaphore, #tpu.memory_space<semaphore_mem>> -> memref<1x!tpu.dma_semaphore, #tpu.memory_space<semaphore_mem>>
    %dma_start3A_64 = tpu.memref_squeeze %dma_start3A_63 : memref<1x!tpu.dma_semaphore, #tpu.memory_space<semaphore_mem>> -> memref<!tpu.dma_semaphore, #tpu.memory_space<semaphore_mem>>
    tpu.enqueue_indirect_dma source(%dma_start3A_62 : memref<10240x64xf32, #tpu.memory_space<hbm>>) target(%dma_start3A_56 : memref<128x64xf32, #tpu.memory_space<vmem>>) offsets(%dma_start3A_59 : memref<128xi32, #tpu.memory_space<vmem>>) semaphore(%dma_start3A_64 : memref<!tpu.dma_semaphore, #tpu.memory_space<semaphore_mem>>)
    %dma_start3A_65 = arith.constant 0 : i32
    %dma_start3A_66 = arith.constant 5 : i32
    %dma_start3A_67 = arith.constant 0 : i32
    %dma_start3A_68 = arith.constant 0 : i32
    %dma_start3A_69 = tpu.memref_slice %arg15[%dma_start3A_67, %dma_start3A_68] : memref<256x80xf32, #tpu.memory_space<vmem>> -> memref<128x80xf32, #tpu.memory_space<vmem>>
    %dma_start3A_70 = arith.constant 0 : i32
    %dma_start3A_71 = tpu.memref_slice %arg9[%dma_start3A_65, %dma_start3A_70] : memref<2x128xi32, #tpu.memory_space<vmem>> -> memref<1x128xi32, #tpu.memory_space<vmem>>
    %dma_start3A_72 = tpu.memref_squeeze %dma_start3A_71 : memref<1x128xi32, #tpu.memory_space<vmem>> -> memref<128xi32, #tpu.memory_space<vmem>>
    %dma_start3A_73 = arith.constant 0 : i32
    %dma_start3A_74 = arith.constant 0 : i32
    %dma_start3A_75 = tpu.memref_slice %arg6[%dma_start3A_73, %dma_start3A_74] : memref<10240x80xf32, #tpu.memory_space<hbm>> -> memref<10240x80xf32, #tpu.memory_space<hbm>>
    %dma_start3A_76 = tpu.memref_slice %arg18[%dma_start3A_66] : memref<12x!tpu.dma_semaphore, #tpu.memory_space<semaphore_mem>> -> memref<1x!tpu.dma_semaphore, #tpu.memory_space<semaphore_mem>>
    %dma_start3A_77 = tpu.memref_squeeze %dma_start3A_76 : memref<1x!tpu.dma_semaphore, #tpu.memory_space<semaphore_mem>> -> memref<!tpu.dma_semaphore, #tpu.memory_space<semaphore_mem>>
    tpu.enqueue_indirect_dma source(%dma_start3A_75 : memref<10240x80xf32, #tpu.memory_space<hbm>>) target(%dma_start3A_69 : memref<128x80xf32, #tpu.memory_space<vmem>>) offsets(%dma_start3A_72 : memref<128xi32, #tpu.memory_space<vmem>>) semaphore(%dma_start3A_77 : memref<!tpu.dma_semaphore, #tpu.memory_space<semaphore_mem>>)
    %dma_start3A_78 = arith.constant 1 : i32
    %dma_start3A_79 = arith.constant 6 : i32
    %dma_start3A_80 = arith.constant 128 : i32
    %dma_start3A_81 = arith.constant 0 : i32
    %dma_start3A_82 = tpu.memref_slice %arg10[%dma_start3A_80, %dma_start3A_81] : memref<256x64xf32, #tpu.memory_space<vmem>> -> memref<128x64xf32, #tpu.memory_space<vmem>>
    %dma_start3A_83 = arith.constant 0 : i32
    %dma_start3A_84 = tpu.memref_slice %arg8[%dma_start3A_78, %dma_start3A_83] : memref<2x128xi32, #tpu.memory_space<vmem>> -> memref<1x128xi32, #tpu.memory_space<vmem>>
    %dma_start3A_85 = tpu.memref_squeeze %dma_start3A_84 : memref<1x128xi32, #tpu.memory_space<vmem>> -> memref<128xi32, #tpu.memory_space<vmem>>
    %dma_start3A_86 = arith.constant 0 : i32
    %dma_start3A_87 = arith.constant 0 : i32
    %dma_start3A_88 = tpu.memref_slice %arg4[%dma_start3A_86, %dma_start3A_87] : memref<10240x64xf32, #tpu.memory_space<hbm>> -> memref<10240x64xf32, #tpu.memory_space<hbm>>
    %dma_start3A_89 = tpu.memref_slice %arg18[%dma_start3A_79] : memref<12x!tpu.dma_semaphore, #tpu.memory_space<semaphore_mem>> -> memref<1x!tpu.dma_semaphore, #tpu.memory_space<semaphore_mem>>
    %dma_start3A_90 = tpu.memref_squeeze %dma_start3A_89 : memref<1x!tpu.dma_semaphore, #tpu.memory_space<semaphore_mem>> -> memref<!tpu.dma_semaphore, #tpu.memory_space<semaphore_mem>>
    tpu.enqueue_indirect_dma source(%dma_start3A_88 : memref<10240x64xf32, #tpu.memory_space<hbm>>) target(%dma_start3A_82 : memref<128x64xf32, #tpu.memory_space<vmem>>) offsets(%dma_start3A_85 : memref<128xi32, #tpu.memory_space<vmem>>) semaphore(%dma_start3A_90 : memref<!tpu.dma_semaphore, #tpu.memory_space<semaphore_mem>>)
    %dma_start3A_91 = arith.constant 1 : i32
    %dma_start3A_92 = arith.constant 7 : i32
    %dma_start3A_93 = arith.constant 128 : i32
    %dma_start3A_94 = arith.constant 0 : i32
    %dma_start3A_95 = tpu.memref_slice %arg11[%dma_start3A_93, %dma_start3A_94] : memref<256x64xf32, #tpu.memory_space<vmem>> -> memref<128x64xf32, #tpu.memory_space<vmem>>
    %dma_start3A_96 = arith.constant 0 : i32
    %dma_start3A_97 = tpu.memref_slice %arg8[%dma_start3A_91, %dma_start3A_96] : memref<2x128xi32, #tpu.memory_space<vmem>> -> memref<1x128xi32, #tpu.memory_space<vmem>>
    %dma_start3A_98 = tpu.memref_squeeze %dma_start3A_97 : memref<1x128xi32, #tpu.memory_space<vmem>> -> memref<128xi32, #tpu.memory_space<vmem>>
    %dma_start3A_99 = arith.constant 0 : i32
    %dma_start3A_100 = arith.constant 0 : i32
    %dma_start3A_101 = tpu.memref_slice %arg5[%dma_start3A_99, %dma_start3A_100] : memref<10240x64xf32, #tpu.memory_space<hbm>> -> memref<10240x64xf32, #tpu.memory_space<hbm>>
    %dma_start3A_102 = tpu.memref_slice %arg18[%dma_start3A_92] : memref<12x!tpu.dma_semaphore, #tpu.memory_space<semaphore_mem>> -> memref<1x!tpu.dma_semaphore, #tpu.memory_space<semaphore_mem>>
    %dma_start3A_103 = tpu.memref_squeeze %dma_start3A_102 : memref<1x!tpu.dma_semaphore, #tpu.memory_space<semaphore_mem>> -> memref<!tpu.dma_semaphore, #tpu.memory_space<semaphore_mem>>
    tpu.enqueue_indirect_dma source(%dma_start3A_101 : memref<10240x64xf32, #tpu.memory_space<hbm>>) target(%dma_start3A_95 : memref<128x64xf32, #tpu.memory_space<vmem>>) offsets(%dma_start3A_98 : memref<128xi32, #tpu.memory_space<vmem>>) semaphore(%dma_start3A_103 : memref<!tpu.dma_semaphore, #tpu.memory_space<semaphore_mem>>)
    %dma_start3A_104 = arith.constant 1 : i32
    %dma_start3A_105 = arith.constant 8 : i32
    %dma_start3A_106 = arith.constant 128 : i32
    %dma_start3A_107 = arith.constant 0 : i32
    %dma_start3A_108 = tpu.memref_slice %arg12[%dma_start3A_106, %dma_start3A_107] : memref<256x80xf32, #tpu.memory_space<vmem>> -> memref<128x80xf32, #tpu.memory_space<vmem>>
    %dma_start3A_109 = arith.constant 0 : i32
    %dma_start3A_110 = tpu.memref_slice %arg8[%dma_start3A_104, %dma_start3A_109] : memref<2x128xi32, #tpu.memory_space<vmem>> -> memref<1x128xi32, #tpu.memory_space<vmem>>
    %dma_start3A_111 = tpu.memref_squeeze %dma_start3A_110 : memref<1x128xi32, #tpu.memory_space<vmem>> -> memref<128xi32, #tpu.memory_space<vmem>>
    %dma_start3A_112 = arith.constant 0 : i32
    %dma_start3A_113 = arith.constant 0 : i32
    %dma_start3A_114 = tpu.memref_slice %arg6[%dma_start3A_112, %dma_start3A_113] : memref<10240x80xf32, #tpu.memory_space<hbm>> -> memref<10240x80xf32, #tpu.memory_space<hbm>>
    %dma_start3A_115 = tpu.memref_slice %arg18[%dma_start3A_105] : memref<12x!tpu.dma_semaphore, #tpu.memory_space<semaphore_mem>> -> memref<1x!tpu.dma_semaphore, #tpu.memory_space<semaphore_mem>>
    %dma_start3A_116 = tpu.memref_squeeze %dma_start3A_115 : memref<1x!tpu.dma_semaphore, #tpu.memory_space<semaphore_mem>> -> memref<!tpu.dma_semaphore, #tpu.memory_space<semaphore_mem>>
    tpu.enqueue_indirect_dma source(%dma_start3A_114 : memref<10240x80xf32, #tpu.memory_space<hbm>>) target(%dma_start3A_108 : memref<128x80xf32, #tpu.memory_space<vmem>>) offsets(%dma_start3A_111 : memref<128xi32, #tpu.memory_space<vmem>>) semaphore(%dma_start3A_116 : memref<!tpu.dma_semaphore, #tpu.memory_space<semaphore_mem>>)
    %dma_start3A_117 = arith.constant 1 : i32
    %dma_start3A_118 = arith.constant 9 : i32
    %dma_start3A_119 = arith.constant 128 : i32
    %dma_start3A_120 = arith.constant 0 : i32
    %dma_start3A_121 = tpu.memref_slice %arg13[%dma_start3A_119, %dma_start3A_120] : memref<256x64xf32, #tpu.memory_space<vmem>> -> memref<128x64xf32, #tpu.memory_space<vmem>>
    %dma_start3A_122 = arith.constant 0 : i32
    %dma_start3A_123 = tpu.memref_slice %arg9[%dma_start3A_117, %dma_start3A_122] : memref<2x128xi32, #tpu.memory_space<vmem>> -> memref<1x128xi32, #tpu.memory_space<vmem>>
    %dma_start3A_124 = tpu.memref_squeeze %dma_start3A_123 : memref<1x128xi32, #tpu.memory_space<vmem>> -> memref<128xi32, #tpu.memory_space<vmem>>
    %dma_start3A_125 = arith.constant 0 : i32
    %dma_start3A_126 = arith.constant 0 : i32
    %dma_start3A_127 = tpu.memref_slice %arg4[%dma_start3A_125, %dma_start3A_126] : memref<10240x64xf32, #tpu.memory_space<hbm>> -> memref<10240x64xf32, #tpu.memory_space<hbm>>
    %dma_start3A_128 = tpu.memref_slice %arg18[%dma_start3A_118] : memref<12x!tpu.dma_semaphore, #tpu.memory_space<semaphore_mem>> -> memref<1x!tpu.dma_semaphore, #tpu.memory_space<semaphore_mem>>
    %dma_start3A_129 = tpu.memref_squeeze %dma_start3A_128 : memref<1x!tpu.dma_semaphore, #tpu.memory_space<semaphore_mem>> -> memref<!tpu.dma_semaphore, #tpu.memory_space<semaphore_mem>>
    tpu.enqueue_indirect_dma source(%dma_start3A_127 : memref<10240x64xf32, #tpu.memory_space<hbm>>) target(%dma_start3A_121 : memref<128x64xf32, #tpu.memory_space<vmem>>) offsets(%dma_start3A_124 : memref<128xi32, #tpu.memory_space<vmem>>) semaphore(%dma_start3A_129 : memref<!tpu.dma_semaphore, #tpu.memory_space<semaphore_mem>>)
    %dma_start3A_130 = arith.constant 1 : i32
    %dma_start3A_131 = arith.constant 10 : i32
    %dma_start3A_132 = arith.constant 128 : i32
    %dma_start3A_133 = arith.constant 0 : i32
    %dma_start3A_134 = tpu.memref_slice %arg14[%dma_start3A_132, %dma_start3A_133] : memref<256x64xf32, #tpu.memory_space<vmem>> -> memref<128x64xf32, #tpu.memory_space<vmem>>
    %dma_start3A_135 = arith.constant 0 : i32
    %dma_start3A_136 = tpu.memref_slice %arg9[%dma_start3A_130, %dma_start3A_135] : memref<2x128xi32, #tpu.memory_space<vmem>> -> memref<1x128xi32, #tpu.memory_space<vmem>>
    %dma_start3A_137 = tpu.memref_squeeze %dma_start3A_136 : memref<1x128xi32, #tpu.memory_space<vmem>> -> memref<128xi32, #tpu.memory_space<vmem>>
    %dma_start3A_138 = arith.constant 0 : i32
    %dma_start3A_139 = arith.constant 0 : i32
    %dma_start3A_140 = tpu.memref_slice %arg5[%dma_start3A_138, %dma_start3A_139] : memref<10240x64xf32, #tpu.memory_space<hbm>> -> memref<10240x64xf32, #tpu.memory_space<hbm>>
    %dma_start3A_141 = tpu.memref_slice %arg18[%dma_start3A_131] : memref<12x!tpu.dma_semaphore, #tpu.memory_space<semaphore_mem>> -> memref<1x!tpu.dma_semaphore, #tpu.memory_space<semaphore_mem>>
    %dma_start3A_142 = tpu.memref_squeeze %dma_start3A_141 : memref<1x!tpu.dma_semaphore, #tpu.memory_space<semaphore_mem>> -> memref<!tpu.dma_semaphore, #tpu.memory_space<semaphore_mem>>
    tpu.enqueue_indirect_dma source(%dma_start3A_140 : memref<10240x64xf32, #tpu.memory_space<hbm>>) target(%dma_start3A_134 : memref<128x64xf32, #tpu.memory_space<vmem>>) offsets(%dma_start3A_137 : memref<128xi32, #tpu.memory_space<vmem>>) semaphore(%dma_start3A_142 : memref<!tpu.dma_semaphore, #tpu.memory_space<semaphore_mem>>)
    %dma_start3A_143 = arith.constant 1 : i32
    %dma_start3A_144 = arith.constant 11 : i32
    %dma_start3A_145 = arith.constant 128 : i32
    %dma_start3A_146 = arith.constant 0 : i32
    %dma_start3A_147 = tpu.memref_slice %arg15[%dma_start3A_145, %dma_start3A_146] : memref<256x80xf32, #tpu.memory_space<vmem>> -> memref<128x80xf32, #tpu.memory_space<vmem>>
    %dma_start3A_148 = arith.constant 0 : i32
    %dma_start3A_149 = tpu.memref_slice %arg9[%dma_start3A_143, %dma_start3A_148] : memref<2x128xi32, #tpu.memory_space<vmem>> -> memref<1x128xi32, #tpu.memory_space<vmem>>
    %dma_start3A_150 = tpu.memref_squeeze %dma_start3A_149 : memref<1x128xi32, #tpu.memory_space<vmem>> -> memref<128xi32, #tpu.memory_space<vmem>>
    %dma_start3A_151 = arith.constant 0 : i32
    %dma_start3A_152 = arith.constant 0 : i32
    %dma_start3A_153 = tpu.memref_slice %arg6[%dma_start3A_151, %dma_start3A_152] : memref<10240x80xf32, #tpu.memory_space<hbm>> -> memref<10240x80xf32, #tpu.memory_space<hbm>>
    %dma_start3A_154 = tpu.memref_slice %arg18[%dma_start3A_144] : memref<12x!tpu.dma_semaphore, #tpu.memory_space<semaphore_mem>> -> memref<1x!tpu.dma_semaphore, #tpu.memory_space<semaphore_mem>>
    %dma_start3A_155 = tpu.memref_squeeze %dma_start3A_154 : memref<1x!tpu.dma_semaphore, #tpu.memory_space<semaphore_mem>> -> memref<!tpu.dma_semaphore, #tpu.memory_space<semaphore_mem>>
    tpu.enqueue_indirect_dma source(%dma_start3A_153 : memref<10240x80xf32, #tpu.memory_space<hbm>>) target(%dma_start3A_147 : memref<128x80xf32, #tpu.memory_space<vmem>>) offsets(%dma_start3A_150 : memref<128xi32, #tpu.memory_space<vmem>>) semaphore(%dma_start3A_155 : memref<!tpu.dma_semaphore, #tpu.memory_space<semaphore_mem>>)
    %dma_wait3A = arith.constant 0 : i32
    %dma_wait3A_156 = arith.constant 0 : i32
    %dma_wait3A_157 = arith.constant 0 : i32
    %dma_wait3A_158 = arith.constant 0 : i32
    %dma_wait3A_159 = tpu.memref_slice %arg10[%dma_wait3A_157, %dma_wait3A_158] : memref<256x64xf32, #tpu.memory_space<vmem>> -> memref<128x64xf32, #tpu.memory_space<vmem>>
    %dma_wait3A_160 = arith.constant 0 : i32
    %dma_wait3A_161 = tpu.memref_slice %arg8[%dma_wait3A, %dma_wait3A_160] : memref<2x128xi32, #tpu.memory_space<vmem>> -> memref<1x128xi32, #tpu.memory_space<vmem>>
    %dma_wait3A_162 = tpu.memref_squeeze %dma_wait3A_161 : memref<1x128xi32, #tpu.memory_space<vmem>> -> memref<128xi32, #tpu.memory_space<vmem>>
    %dma_wait3A_163 = arith.constant 0 : i32
    %dma_wait3A_164 = arith.constant 0 : i32
    %dma_wait3A_165 = tpu.memref_slice %arg4[%dma_wait3A_163, %dma_wait3A_164] : memref<10240x64xf32, #tpu.memory_space<hbm>> -> memref<10240x64xf32, #tpu.memory_space<hbm>>
    %dma_wait3A_166 = tpu.memref_slice %arg18[%dma_wait3A_156] : memref<12x!tpu.dma_semaphore, #tpu.memory_space<semaphore_mem>> -> memref<1x!tpu.dma_semaphore, #tpu.memory_space<semaphore_mem>>
    %dma_wait3A_167 = tpu.memref_squeeze %dma_wait3A_166 : memref<1x!tpu.dma_semaphore, #tpu.memory_space<semaphore_mem>> -> memref<!tpu.dma_semaphore, #tpu.memory_space<semaphore_mem>>
    tpu.wait_indirect_dma semaphore(%dma_wait3A_167 : memref<!tpu.dma_semaphore, #tpu.memory_space<semaphore_mem>>) src(%dma_wait3A_165 : memref<10240x64xf32, #tpu.memory_space<hbm>>) dst(%dma_wait3A_159 : memref<128x64xf32, #tpu.memory_space<vmem>>)
    %dma_wait3A_168 = arith.constant 0 : i32
    %dma_wait3A_169 = arith.constant 1 : i32
    %dma_wait3A_170 = arith.constant 0 : i32
    %dma_wait3A_171 = arith.constant 0 : i32
    %dma_wait3A_172 = tpu.memref_slice %arg11[%dma_wait3A_170, %dma_wait3A_171] : memref<256x64xf32, #tpu.memory_space<vmem>> -> memref<128x64xf32, #tpu.memory_space<vmem>>
    %dma_wait3A_173 = arith.constant 0 : i32
    %dma_wait3A_174 = tpu.memref_slice %arg8[%dma_wait3A_168, %dma_wait3A_173] : memref<2x128xi32, #tpu.memory_space<vmem>> -> memref<1x128xi32, #tpu.memory_space<vmem>>
    %dma_wait3A_175 = tpu.memref_squeeze %dma_wait3A_174 : memref<1x128xi32, #tpu.memory_space<vmem>> -> memref<128xi32, #tpu.memory_space<vmem>>
    %dma_wait3A_176 = arith.constant 0 : i32
    %dma_wait3A_177 = arith.constant 0 : i32
    %dma_wait3A_178 = tpu.memref_slice %arg5[%dma_wait3A_176, %dma_wait3A_177] : memref<10240x64xf32, #tpu.memory_space<hbm>> -> memref<10240x64xf32, #tpu.memory_space<hbm>>
    %dma_wait3A_179 = tpu.memref_slice %arg18[%dma_wait3A_169] : memref<12x!tpu.dma_semaphore, #tpu.memory_space<semaphore_mem>> -> memref<1x!tpu.dma_semaphore, #tpu.memory_space<semaphore_mem>>
    %dma_wait3A_180 = tpu.memref_squeeze %dma_wait3A_179 : memref<1x!tpu.dma_semaphore, #tpu.memory_space<semaphore_mem>> -> memref<!tpu.dma_semaphore, #tpu.memory_space<semaphore_mem>>
    tpu.wait_indirect_dma semaphore(%dma_wait3A_180 : memref<!tpu.dma_semaphore, #tpu.memory_space<semaphore_mem>>) src(%dma_wait3A_178 : memref<10240x64xf32, #tpu.memory_space<hbm>>) dst(%dma_wait3A_172 : memref<128x64xf32, #tpu.memory_space<vmem>>)
    %dma_wait3A_181 = arith.constant 0 : i32
    %dma_wait3A_182 = arith.constant 2 : i32
    %dma_wait3A_183 = arith.constant 0 : i32
    %dma_wait3A_184 = arith.constant 0 : i32
    %dma_wait3A_185 = tpu.memref_slice %arg12[%dma_wait3A_183, %dma_wait3A_184] : memref<256x80xf32, #tpu.memory_space<vmem>> -> memref<128x80xf32, #tpu.memory_space<vmem>>
    %dma_wait3A_186 = arith.constant 0 : i32
    %dma_wait3A_187 = tpu.memref_slice %arg8[%dma_wait3A_181, %dma_wait3A_186] : memref<2x128xi32, #tpu.memory_space<vmem>> -> memref<1x128xi32, #tpu.memory_space<vmem>>
    %dma_wait3A_188 = tpu.memref_squeeze %dma_wait3A_187 : memref<1x128xi32, #tpu.memory_space<vmem>> -> memref<128xi32, #tpu.memory_space<vmem>>
    %dma_wait3A_189 = arith.constant 0 : i32
    %dma_wait3A_190 = arith.constant 0 : i32
    %dma_wait3A_191 = tpu.memref_slice %arg6[%dma_wait3A_189, %dma_wait3A_190] : memref<10240x80xf32, #tpu.memory_space<hbm>> -> memref<10240x80xf32, #tpu.memory_space<hbm>>
    %dma_wait3A_192 = tpu.memref_slice %arg18[%dma_wait3A_182] : memref<12x!tpu.dma_semaphore, #tpu.memory_space<semaphore_mem>> -> memref<1x!tpu.dma_semaphore, #tpu.memory_space<semaphore_mem>>
    %dma_wait3A_193 = tpu.memref_squeeze %dma_wait3A_192 : memref<1x!tpu.dma_semaphore, #tpu.memory_space<semaphore_mem>> -> memref<!tpu.dma_semaphore, #tpu.memory_space<semaphore_mem>>
    tpu.wait_indirect_dma semaphore(%dma_wait3A_193 : memref<!tpu.dma_semaphore, #tpu.memory_space<semaphore_mem>>) src(%dma_wait3A_191 : memref<10240x80xf32, #tpu.memory_space<hbm>>) dst(%dma_wait3A_185 : memref<128x80xf32, #tpu.memory_space<vmem>>)
    %dma_wait3A_194 = arith.constant 0 : i32
    %dma_wait3A_195 = arith.constant 3 : i32
    %dma_wait3A_196 = arith.constant 0 : i32
    %dma_wait3A_197 = arith.constant 0 : i32
    %dma_wait3A_198 = tpu.memref_slice %arg13[%dma_wait3A_196, %dma_wait3A_197] : memref<256x64xf32, #tpu.memory_space<vmem>> -> memref<128x64xf32, #tpu.memory_space<vmem>>
    %dma_wait3A_199 = arith.constant 0 : i32
    %dma_wait3A_200 = tpu.memref_slice %arg9[%dma_wait3A_194, %dma_wait3A_199] : memref<2x128xi32, #tpu.memory_space<vmem>> -> memref<1x128xi32, #tpu.memory_space<vmem>>
    %dma_wait3A_201 = tpu.memref_squeeze %dma_wait3A_200 : memref<1x128xi32, #tpu.memory_space<vmem>> -> memref<128xi32, #tpu.memory_space<vmem>>
    %dma_wait3A_202 = arith.constant 0 : i32
    %dma_wait3A_203 = arith.constant 0 : i32
    %dma_wait3A_204 = tpu.memref_slice %arg4[%dma_wait3A_202, %dma_wait3A_203] : memref<10240x64xf32, #tpu.memory_space<hbm>> -> memref<10240x64xf32, #tpu.memory_space<hbm>>
    %dma_wait3A_205 = tpu.memref_slice %arg18[%dma_wait3A_195] : memref<12x!tpu.dma_semaphore, #tpu.memory_space<semaphore_mem>> -> memref<1x!tpu.dma_semaphore, #tpu.memory_space<semaphore_mem>>
    %dma_wait3A_206 = tpu.memref_squeeze %dma_wait3A_205 : memref<1x!tpu.dma_semaphore, #tpu.memory_space<semaphore_mem>> -> memref<!tpu.dma_semaphore, #tpu.memory_space<semaphore_mem>>
    tpu.wait_indirect_dma semaphore(%dma_wait3A_206 : memref<!tpu.dma_semaphore, #tpu.memory_space<semaphore_mem>>) src(%dma_wait3A_204 : memref<10240x64xf32, #tpu.memory_space<hbm>>) dst(%dma_wait3A_198 : memref<128x64xf32, #tpu.memory_space<vmem>>)
    %dma_wait3A_207 = arith.constant 0 : i32
    %dma_wait3A_208 = arith.constant 4 : i32
    %dma_wait3A_209 = arith.constant 0 : i32
    %dma_wait3A_210 = arith.constant 0 : i32
    %dma_wait3A_211 = tpu.memref_slice %arg14[%dma_wait3A_209, %dma_wait3A_210] : memref<256x64xf32, #tpu.memory_space<vmem>> -> memref<128x64xf32, #tpu.memory_space<vmem>>
    %dma_wait3A_212 = arith.constant 0 : i32
    %dma_wait3A_213 = tpu.memref_slice %arg9[%dma_wait3A_207, %dma_wait3A_212] : memref<2x128xi32, #tpu.memory_space<vmem>> -> memref<1x128xi32, #tpu.memory_space<vmem>>
    %dma_wait3A_214 = tpu.memref_squeeze %dma_wait3A_213 : memref<1x128xi32, #tpu.memory_space<vmem>> -> memref<128xi32, #tpu.memory_space<vmem>>
    %dma_wait3A_215 = arith.constant 0 : i32
    %dma_wait3A_216 = arith.constant 0 : i32
    %dma_wait3A_217 = tpu.memref_slice %arg5[%dma_wait3A_215, %dma_wait3A_216] : memref<10240x64xf32, #tpu.memory_space<hbm>> -> memref<10240x64xf32, #tpu.memory_space<hbm>>
    %dma_wait3A_218 = tpu.memref_slice %arg18[%dma_wait3A_208] : memref<12x!tpu.dma_semaphore, #tpu.memory_space<semaphore_mem>> -> memref<1x!tpu.dma_semaphore, #tpu.memory_space<semaphore_mem>>
    %dma_wait3A_219 = tpu.memref_squeeze %dma_wait3A_218 : memref<1x!tpu.dma_semaphore, #tpu.memory_space<semaphore_mem>> -> memref<!tpu.dma_semaphore, #tpu.memory_space<semaphore_mem>>
    tpu.wait_indirect_dma semaphore(%dma_wait3A_219 : memref<!tpu.dma_semaphore, #tpu.memory_space<semaphore_mem>>) src(%dma_wait3A_217 : memref<10240x64xf32, #tpu.memory_space<hbm>>) dst(%dma_wait3A_211 : memref<128x64xf32, #tpu.memory_space<vmem>>)
    %dma_wait3A_220 = arith.constant 0 : i32
    %dma_wait3A_221 = arith.constant 5 : i32
    %dma_wait3A_222 = arith.constant 0 : i32
    %dma_wait3A_223 = arith.constant 0 : i32
    %dma_wait3A_224 = tpu.memref_slice %arg15[%dma_wait3A_222, %dma_wait3A_223] : memref<256x80xf32, #tpu.memory_space<vmem>> -> memref<128x80xf32, #tpu.memory_space<vmem>>
    %dma_wait3A_225 = arith.constant 0 : i32
    %dma_wait3A_226 = tpu.memref_slice %arg9[%dma_wait3A_220, %dma_wait3A_225] : memref<2x128xi32, #tpu.memory_space<vmem>> -> memref<1x128xi32, #tpu.memory_space<vmem>>
    %dma_wait3A_227 = tpu.memref_squeeze %dma_wait3A_226 : memref<1x128xi32, #tpu.memory_space<vmem>> -> memref<128xi32, #tpu.memory_space<vmem>>
    %dma_wait3A_228 = arith.constant 0 : i32
    %dma_wait3A_229 = arith.constant 0 : i32
    %dma_wait3A_230 = tpu.memref_slice %arg6[%dma_wait3A_228, %dma_wait3A_229] : memref<10240x80xf32, #tpu.memory_space<hbm>> -> memref<10240x80xf32, #tpu.memory_space<hbm>>
    %dma_wait3A_231 = tpu.memref_slice %arg18[%dma_wait3A_221] : memref<12x!tpu.dma_semaphore, #tpu.memory_space<semaphore_mem>> -> memref<1x!tpu.dma_semaphore, #tpu.memory_space<semaphore_mem>>
    %dma_wait3A_232 = tpu.memref_squeeze %dma_wait3A_231 : memref<1x!tpu.dma_semaphore, #tpu.memory_space<semaphore_mem>> -> memref<!tpu.dma_semaphore, #tpu.memory_space<semaphore_mem>>
    tpu.wait_indirect_dma semaphore(%dma_wait3A_232 : memref<!tpu.dma_semaphore, #tpu.memory_space<semaphore_mem>>) src(%dma_wait3A_230 : memref<10240x80xf32, #tpu.memory_space<hbm>>) dst(%dma_wait3A_224 : memref<128x80xf32, #tpu.memory_space<vmem>>)
    %dma_wait3A_233 = arith.constant 1 : i32
    %dma_wait3A_234 = arith.constant 6 : i32
    %dma_wait3A_235 = arith.constant 128 : i32
    %dma_wait3A_236 = arith.constant 0 : i32
    %dma_wait3A_237 = tpu.memref_slice %arg10[%dma_wait3A_235, %dma_wait3A_236] : memref<256x64xf32, #tpu.memory_space<vmem>> -> memref<128x64xf32, #tpu.memory_space<vmem>>
    %dma_wait3A_238 = arith.constant 0 : i32
    %dma_wait3A_239 = tpu.memref_slice %arg8[%dma_wait3A_233, %dma_wait3A_238] : memref<2x128xi32, #tpu.memory_space<vmem>> -> memref<1x128xi32, #tpu.memory_space<vmem>>
    %dma_wait3A_240 = tpu.memref_squeeze %dma_wait3A_239 : memref<1x128xi32, #tpu.memory_space<vmem>> -> memref<128xi32, #tpu.memory_space<vmem>>
    %dma_wait3A_241 = arith.constant 0 : i32
    %dma_wait3A_242 = arith.constant 0 : i32
    %dma_wait3A_243 = tpu.memref_slice %arg4[%dma_wait3A_241, %dma_wait3A_242] : memref<10240x64xf32, #tpu.memory_space<hbm>> -> memref<10240x64xf32, #tpu.memory_space<hbm>>
    %dma_wait3A_244 = tpu.memref_slice %arg18[%dma_wait3A_234] : memref<12x!tpu.dma_semaphore, #tpu.memory_space<semaphore_mem>> -> memref<1x!tpu.dma_semaphore, #tpu.memory_space<semaphore_mem>>
    %dma_wait3A_245 = tpu.memref_squeeze %dma_wait3A_244 : memref<1x!tpu.dma_semaphore, #tpu.memory_space<semaphore_mem>> -> memref<!tpu.dma_semaphore, #tpu.memory_space<semaphore_mem>>
    tpu.wait_indirect_dma semaphore(%dma_wait3A_245 : memref<!tpu.dma_semaphore, #tpu.memory_space<semaphore_mem>>) src(%dma_wait3A_243 : memref<10240x64xf32, #tpu.memory_space<hbm>>) dst(%dma_wait3A_237 : memref<128x64xf32, #tpu.memory_space<vmem>>)
    %dma_wait3A_246 = arith.constant 1 : i32
    %dma_wait3A_247 = arith.constant 7 : i32
    %dma_wait3A_248 = arith.constant 128 : i32
    %dma_wait3A_249 = arith.constant 0 : i32
    %dma_wait3A_250 = tpu.memref_slice %arg11[%dma_wait3A_248, %dma_wait3A_249] : memref<256x64xf32, #tpu.memory_space<vmem>> -> memref<128x64xf32, #tpu.memory_space<vmem>>
    %dma_wait3A_251 = arith.constant 0 : i32
    %dma_wait3A_252 = tpu.memref_slice %arg8[%dma_wait3A_246, %dma_wait3A_251] : memref<2x128xi32, #tpu.memory_space<vmem>> -> memref<1x128xi32, #tpu.memory_space<vmem>>
    %dma_wait3A_253 = tpu.memref_squeeze %dma_wait3A_252 : memref<1x128xi32, #tpu.memory_space<vmem>> -> memref<128xi32, #tpu.memory_space<vmem>>
    %dma_wait3A_254 = arith.constant 0 : i32
    %dma_wait3A_255 = arith.constant 0 : i32
    %dma_wait3A_256 = tpu.memref_slice %arg5[%dma_wait3A_254, %dma_wait3A_255] : memref<10240x64xf32, #tpu.memory_space<hbm>> -> memref<10240x64xf32, #tpu.memory_space<hbm>>
    %dma_wait3A_257 = tpu.memref_slice %arg18[%dma_wait3A_247] : memref<12x!tpu.dma_semaphore, #tpu.memory_space<semaphore_mem>> -> memref<1x!tpu.dma_semaphore, #tpu.memory_space<semaphore_mem>>
    %dma_wait3A_258 = tpu.memref_squeeze %dma_wait3A_257 : memref<1x!tpu.dma_semaphore, #tpu.memory_space<semaphore_mem>> -> memref<!tpu.dma_semaphore, #tpu.memory_space<semaphore_mem>>
    tpu.wait_indirect_dma semaphore(%dma_wait3A_258 : memref<!tpu.dma_semaphore, #tpu.memory_space<semaphore_mem>>) src(%dma_wait3A_256 : memref<10240x64xf32, #tpu.memory_space<hbm>>) dst(%dma_wait3A_250 : memref<128x64xf32, #tpu.memory_space<vmem>>)
    %dma_wait3A_259 = arith.constant 1 : i32
    %dma_wait3A_260 = arith.constant 8 : i32
    %dma_wait3A_261 = arith.constant 128 : i32
    %dma_wait3A_262 = arith.constant 0 : i32
    %dma_wait3A_263 = tpu.memref_slice %arg12[%dma_wait3A_261, %dma_wait3A_262] : memref<256x80xf32, #tpu.memory_space<vmem>> -> memref<128x80xf32, #tpu.memory_space<vmem>>
    %dma_wait3A_264 = arith.constant 0 : i32
    %dma_wait3A_265 = tpu.memref_slice %arg8[%dma_wait3A_259, %dma_wait3A_264] : memref<2x128xi32, #tpu.memory_space<vmem>> -> memref<1x128xi32, #tpu.memory_space<vmem>>
    %dma_wait3A_266 = tpu.memref_squeeze %dma_wait3A_265 : memref<1x128xi32, #tpu.memory_space<vmem>> -> memref<128xi32, #tpu.memory_space<vmem>>
    %dma_wait3A_267 = arith.constant 0 : i32
    %dma_wait3A_268 = arith.constant 0 : i32
    %dma_wait3A_269 = tpu.memref_slice %arg6[%dma_wait3A_267, %dma_wait3A_268] : memref<10240x80xf32, #tpu.memory_space<hbm>> -> memref<10240x80xf32, #tpu.memory_space<hbm>>
    %dma_wait3A_270 = tpu.memref_slice %arg18[%dma_wait3A_260] : memref<12x!tpu.dma_semaphore, #tpu.memory_space<semaphore_mem>> -> memref<1x!tpu.dma_semaphore, #tpu.memory_space<semaphore_mem>>
    %dma_wait3A_271 = tpu.memref_squeeze %dma_wait3A_270 : memref<1x!tpu.dma_semaphore, #tpu.memory_space<semaphore_mem>> -> memref<!tpu.dma_semaphore, #tpu.memory_space<semaphore_mem>>
    tpu.wait_indirect_dma semaphore(%dma_wait3A_271 : memref<!tpu.dma_semaphore, #tpu.memory_space<semaphore_mem>>) src(%dma_wait3A_269 : memref<10240x80xf32, #tpu.memory_space<hbm>>) dst(%dma_wait3A_263 : memref<128x80xf32, #tpu.memory_space<vmem>>)
    %dma_wait3A_272 = arith.constant 1 : i32
    %dma_wait3A_273 = arith.constant 9 : i32
    %dma_wait3A_274 = arith.constant 128 : i32
    %dma_wait3A_275 = arith.constant 0 : i32
    %dma_wait3A_276 = tpu.memref_slice %arg13[%dma_wait3A_274, %dma_wait3A_275] : memref<256x64xf32, #tpu.memory_space<vmem>> -> memref<128x64xf32, #tpu.memory_space<vmem>>
    %dma_wait3A_277 = arith.constant 0 : i32
    %dma_wait3A_278 = tpu.memref_slice %arg9[%dma_wait3A_272, %dma_wait3A_277] : memref<2x128xi32, #tpu.memory_space<vmem>> -> memref<1x128xi32, #tpu.memory_space<vmem>>
    %dma_wait3A_279 = tpu.memref_squeeze %dma_wait3A_278 : memref<1x128xi32, #tpu.memory_space<vmem>> -> memref<128xi32, #tpu.memory_space<vmem>>
    %dma_wait3A_280 = arith.constant 0 : i32
    %dma_wait3A_281 = arith.constant 0 : i32
    %dma_wait3A_282 = tpu.memref_slice %arg4[%dma_wait3A_280, %dma_wait3A_281] : memref<10240x64xf32, #tpu.memory_space<hbm>> -> memref<10240x64xf32, #tpu.memory_space<hbm>>
    %dma_wait3A_283 = tpu.memref_slice %arg18[%dma_wait3A_273] : memref<12x!tpu.dma_semaphore, #tpu.memory_space<semaphore_mem>> -> memref<1x!tpu.dma_semaphore, #tpu.memory_space<semaphore_mem>>
    %dma_wait3A_284 = tpu.memref_squeeze %dma_wait3A_283 : memref<1x!tpu.dma_semaphore, #tpu.memory_space<semaphore_mem>> -> memref<!tpu.dma_semaphore, #tpu.memory_space<semaphore_mem>>
    tpu.wait_indirect_dma semaphore(%dma_wait3A_284 : memref<!tpu.dma_semaphore, #tpu.memory_space<semaphore_mem>>) src(%dma_wait3A_282 : memref<10240x64xf32, #tpu.memory_space<hbm>>) dst(%dma_wait3A_276 : memref<128x64xf32, #tpu.memory_space<vmem>>)
    %dma_wait3A_285 = arith.constant 1 : i32
    %dma_wait3A_286 = arith.constant 10 : i32
    %dma_wait3A_287 = arith.constant 128 : i32
    %dma_wait3A_288 = arith.constant 0 : i32
    %dma_wait3A_289 = tpu.memref_slice %arg14[%dma_wait3A_287, %dma_wait3A_288] : memref<256x64xf32, #tpu.memory_space<vmem>> -> memref<128x64xf32, #tpu.memory_space<vmem>>
    %dma_wait3A_290 = arith.constant 0 : i32
    %dma_wait3A_291 = tpu.memref_slice %arg9[%dma_wait3A_285, %dma_wait3A_290] : memref<2x128xi32, #tpu.memory_space<vmem>> -> memref<1x128xi32, #tpu.memory_space<vmem>>
    %dma_wait3A_292 = tpu.memref_squeeze %dma_wait3A_291 : memref<1x128xi32, #tpu.memory_space<vmem>> -> memref<128xi32, #tpu.memory_space<vmem>>
    %dma_wait3A_293 = arith.constant 0 : i32
    %dma_wait3A_294 = arith.constant 0 : i32
    %dma_wait3A_295 = tpu.memref_slice %arg5[%dma_wait3A_293, %dma_wait3A_294] : memref<10240x64xf32, #tpu.memory_space<hbm>> -> memref<10240x64xf32, #tpu.memory_space<hbm>>
    %dma_wait3A_296 = tpu.memref_slice %arg18[%dma_wait3A_286] : memref<12x!tpu.dma_semaphore, #tpu.memory_space<semaphore_mem>> -> memref<1x!tpu.dma_semaphore, #tpu.memory_space<semaphore_mem>>
    %dma_wait3A_297 = tpu.memref_squeeze %dma_wait3A_296 : memref<1x!tpu.dma_semaphore, #tpu.memory_space<semaphore_mem>> -> memref<!tpu.dma_semaphore, #tpu.memory_space<semaphore_mem>>
    tpu.wait_indirect_dma semaphore(%dma_wait3A_297 : memref<!tpu.dma_semaphore, #tpu.memory_space<semaphore_mem>>) src(%dma_wait3A_295 : memref<10240x64xf32, #tpu.memory_space<hbm>>) dst(%dma_wait3A_289 : memref<128x64xf32, #tpu.memory_space<vmem>>)
    %dma_wait3A_298 = arith.constant 1 : i32
    %dma_wait3A_299 = arith.constant 11 : i32
    %dma_wait3A_300 = arith.constant 128 : i32
    %dma_wait3A_301 = arith.constant 0 : i32
    %dma_wait3A_302 = tpu.memref_slice %arg15[%dma_wait3A_300, %dma_wait3A_301] : memref<256x80xf32, #tpu.memory_space<vmem>> -> memref<128x80xf32, #tpu.memory_space<vmem>>
    %dma_wait3A_303 = arith.constant 0 : i32
    %dma_wait3A_304 = tpu.memref_slice %arg9[%dma_wait3A_298, %dma_wait3A_303] : memref<2x128xi32, #tpu.memory_space<vmem>> -> memref<1x128xi32, #tpu.memory_space<vmem>>
    %dma_wait3A_305 = tpu.memref_squeeze %dma_wait3A_304 : memref<1x128xi32, #tpu.memory_space<vmem>> -> memref<128xi32, #tpu.memory_space<vmem>>
    %dma_wait3A_306 = arith.constant 0 : i32
    %dma_wait3A_307 = arith.constant 0 : i32
    %dma_wait3A_308 = tpu.memref_slice %arg6[%dma_wait3A_306, %dma_wait3A_307] : memref<10240x80xf32, #tpu.memory_space<hbm>> -> memref<10240x80xf32, #tpu.memory_space<hbm>>
    %dma_wait3A_309 = tpu.memref_slice %arg18[%dma_wait3A_299] : memref<12x!tpu.dma_semaphore, #tpu.memory_space<semaphore_mem>> -> memref<1x!tpu.dma_semaphore, #tpu.memory_space<semaphore_mem>>
    %dma_wait3A_310 = tpu.memref_squeeze %dma_wait3A_309 : memref<1x!tpu.dma_semaphore, #tpu.memory_space<semaphore_mem>> -> memref<!tpu.dma_semaphore, #tpu.memory_space<semaphore_mem>>
    tpu.wait_indirect_dma semaphore(%dma_wait3A_310 : memref<!tpu.dma_semaphore, #tpu.memory_space<semaphore_mem>>) src(%dma_wait3A_308 : memref<10240x80xf32, #tpu.memory_space<hbm>>) dst(%dma_wait3A_302 : memref<128x80xf32, #tpu.memory_space<vmem>>)
    %scan3A = arith.constant 0 : i32
    %scan3A_311 = arith.constant 0 : i32
    %scan3A_312 = arith.constant 256 : i32
    %scan3A_313 = arith.addi %scan3A_311, %scan3A_312 : i32
    %scan3A_314 = arith.constant 1 : i32
    scf.for %scan3A_334 = %scan3A_311 to %scan3A_313 step %scan3A_314  : i32 {
      %get3A = arith.index_cast %scan3A_334 : i32 to index
      %get3A_335 = arith.constant 64 : index
      %get3A_336 = tpu.vector_load %arg12[%get3A, %get3A_335] {strides = array<i32>} : memref<256x80xf32, #tpu.memory_space<vmem>>, vector<16xf32>,
      %get3A_337 = arith.index_cast %scan3A_334 : i32 to index
      %get3A_338 = arith.constant 64 : index
      %get3A_339 = tpu.vector_load %arg15[%get3A_337, %get3A_338] {strides = array<i32>} : memref<256x80xf32, #tpu.memory_space<vmem>>, vector<16xf32>,
      %broadcast_in_dim3A_340 = arith.constant 0.000000e+00 : f32
      %broadcast_in_dim3A_341 = vector.broadcast %broadcast_in_dim3A_340 : f32 to vector<16xf32>
      %slice3A = vector.extract_strided_slice %get3A_336 {offsets = [0], sizes = [1], strides = [1]} : vector<16xf32> to vector<1xf32>
      %squeeze3A = vector.extract %slice3A[0] : f32 from vector<1xf32>
      %add3A_342 = vector.broadcast %squeeze3A : f32 to vector<16xf32>
      %add3A_343 = arith.addf %broadcast_in_dim3A_341, %add3A_342 : vector<16xf32>
      %broadcast_in_dim3A_344 = arith.constant 0.000000e+00 : f32
      %broadcast_in_dim3A_345 = vector.broadcast %broadcast_in_dim3A_344 : f32 to vector<16xf32>
      %slice3A_346 = vector.extract_strided_slice %get3A_339 {offsets = [0], sizes = [1], strides = [1]} : vector<16xf32> to vector<1xf32>
      %squeeze3A_347 = vector.extract %slice3A_346[0] : f32 from vector<1xf32>
      %add3A_348 = vector.broadcast %squeeze3A_347 : f32 to vector<16xf32>
      %add3A_349 = arith.addf %broadcast_in_dim3A_345, %add3A_348 : vector<16xf32>
      %get3A_350 = arith.index_cast %scan3A_334 : i32 to index
      %get3A_351 = arith.constant 0 : index
      %get3A_352 = tpu.vector_load %arg10[%get3A_350, %get3A_351] {strides = array<i32>} : memref<256x64xf32, #tpu.memory_space<vmem>>, vector<16xf32>,
      %get3A_353 = arith.index_cast %scan3A_334 : i32 to index
      %get3A_354 = arith.constant 0 : index
      %get3A_355 = tpu.vector_load %arg11[%get3A_353, %get3A_354] {strides = array<i32>} : memref<256x64xf32, #tpu.memory_space<vmem>>, vector<16xf32>,
      %add3A_356 = arith.addf %get3A_352, %get3A_355 : vector<16xf32>
      %mul3A_357 = arith.mulf %add3A_356, %add3A_343 : vector<16xf32>
      %get3A_358 = arith.index_cast %scan3A_334 : i32 to index
      %get3A_359 = arith.constant 0 : index
      %get3A_360 = tpu.vector_load %arg12[%get3A_358, %get3A_359] {strides = array<i32>} : memref<256x80xf32, #tpu.memory_space<vmem>>, vector<16xf32>,
      %add3A_361 = arith.addf %mul3A_357, %get3A_360 : vector<16xf32>
      %max3A = arith.constant 0.000000e+00 : f32
      %max3A_362 = vector.broadcast %max3A : f32 to vector<16xf32>
      %max3A_363 = arith.maximumf %add3A_361, %max3A_362 : vector<16xf32>
      %swap3A = arith.index_cast %scan3A_334 : i32 to index
      %swap3A_364 = arith.constant 0 : index
      %swap3A_365 = tpu.vector_load %arg10[%swap3A, %swap3A_364] {strides = array<i32>} : memref<256x64xf32, #tpu.memory_space<vmem>>, vector<16xf32>,
      tpu.vector_store %arg10[%swap3A, %swap3A_364], %max3A_363 {strides = array<i32>} : memref<256x64xf32, #tpu.memory_space<vmem>>, vector<16xf32>,
      %get3A_366 = arith.index_cast %scan3A_334 : i32 to index
      %get3A_367 = arith.constant 0 : index
      %get3A_368 = tpu.vector_load %arg13[%get3A_366, %get3A_367] {strides = array<i32>} : memref<256x64xf32, #tpu.memory_space<vmem>>, vector<16xf32>,
      %get3A_369 = arith.index_cast %scan3A_334 : i32 to index
      %get3A_370 = arith.constant 0 : index
      %get3A_371 = tpu.vector_load %arg14[%get3A_369, %get3A_370] {strides = array<i32>} : memref<256x64xf32, #tpu.memory_space<vmem>>, vector<16xf32>,
      %add3A_372 = arith.addf %get3A_368, %get3A_371 : vector<16xf32>
      %mul3A_373 = arith.mulf %add3A_372, %add3A_349 : vector<16xf32>
      %get3A_374 = arith.index_cast %scan3A_334 : i32 to index
      %get3A_375 = arith.constant 0 : index
      %get3A_376 = tpu.vector_load %arg15[%get3A_374, %get3A_375] {strides = array<i32>} : memref<256x80xf32, #tpu.memory_space<vmem>>, vector<16xf32>,
      %add3A_377 = arith.addf %mul3A_373, %get3A_376 : vector<16xf32>
      %max3A_378 = arith.constant 0.000000e+00 : f32
      %max3A_379 = vector.broadcast %max3A_378 : f32 to vector<16xf32>
      %max3A_380 = arith.maximumf %add3A_377, %max3A_379 : vector<16xf32>
      %swap3A_381 = arith.index_cast %scan3A_334 : i32 to index
      %swap3A_382 = arith.constant 0 : index
      %swap3A_383 = tpu.vector_load %arg13[%swap3A_381, %swap3A_382] {strides = array<i32>} : memref<256x64xf32, #tpu.memory_space<vmem>>, vector<16xf32>,
      tpu.vector_store %arg13[%swap3A_381, %swap3A_382], %max3A_380 {strides = array<i32>} : memref<256x64xf32, #tpu.memory_space<vmem>>, vector<16xf32>,
      %get3A_384 = arith.index_cast %scan3A_334 : i32 to index
      %get3A_385 = arith.constant 16 : index
      %get3A_386 = tpu.vector_load %arg10[%get3A_384, %get3A_385] {strides = array<i32>} : memref<256x64xf32, #tpu.memory_space<vmem>>, vector<16xf32>,
      %get3A_387 = arith.index_cast %scan3A_334 : i32 to index
      %get3A_388 = arith.constant 16 : index
      %get3A_389 = tpu.vector_load %arg11[%get3A_387, %get3A_388] {strides = array<i32>} : memref<256x64xf32, #tpu.memory_space<vmem>>, vector<16xf32>,
      %add3A_390 = arith.addf %get3A_386, %get3A_389 : vector<16xf32>
      %mul3A_391 = arith.mulf %add3A_390, %add3A_343 : vector<16xf32>
      %get3A_392 = arith.index_cast %scan3A_334 : i32 to index
      %get3A_393 = arith.constant 16 : index
      %get3A_394 = tpu.vector_load %arg12[%get3A_392, %get3A_393] {strides = array<i32>} : memref<256x80xf32, #tpu.memory_space<vmem>>, vector<16xf32>,
      %add3A_395 = arith.addf %mul3A_391, %get3A_394 : vector<16xf32>
      %max3A_396 = arith.constant 0.000000e+00 : f32
      %max3A_397 = vector.broadcast %max3A_396 : f32 to vector<16xf32>
      %max3A_398 = arith.maximumf %add3A_395, %max3A_397 : vector<16xf32>
      %swap3A_399 = arith.index_cast %scan3A_334 : i32 to index
      %swap3A_400 = arith.constant 16 : index
      %swap3A_401 = tpu.vector_load %arg10[%swap3A_399, %swap3A_400] {strides = array<i32>} : memref<256x64xf32, #tpu.memory_space<vmem>>, vector<16xf32>,
      tpu.vector_store %arg10[%swap3A_399, %swap3A_400], %max3A_398 {strides = array<i32>} : memref<256x64xf32, #tpu.memory_space<vmem>>, vector<16xf32>,
      %get3A_402 = arith.index_cast %scan3A_334 : i32 to index
      %get3A_403 = arith.constant 16 : index
      %get3A_404 = tpu.vector_load %arg13[%get3A_402, %get3A_403] {strides = array<i32>} : memref<256x64xf32, #tpu.memory_space<vmem>>, vector<16xf32>,
      %get3A_405 = arith.index_cast %scan3A_334 : i32 to index
      %get3A_406 = arith.constant 16 : index
      %get3A_407 = tpu.vector_load %arg14[%get3A_405, %get3A_406] {strides = array<i32>} : memref<256x64xf32, #tpu.memory_space<vmem>>, vector<16xf32>,
      %add3A_408 = arith.addf %get3A_404, %get3A_407 : vector<16xf32>
      %mul3A_409 = arith.mulf %add3A_408, %add3A_349 : vector<16xf32>
      %get3A_410 = arith.index_cast %scan3A_334 : i32 to index
      %get3A_411 = arith.constant 16 : index
      %get3A_412 = tpu.vector_load %arg15[%get3A_410, %get3A_411] {strides = array<i32>} : memref<256x80xf32, #tpu.memory_space<vmem>>, vector<16xf32>,
      %add3A_413 = arith.addf %mul3A_409, %get3A_412 : vector<16xf32>
      %max3A_414 = arith.constant 0.000000e+00 : f32
      %max3A_415 = vector.broadcast %max3A_414 : f32 to vector<16xf32>
      %max3A_416 = arith.maximumf %add3A_413, %max3A_415 : vector<16xf32>
      %swap3A_417 = arith.index_cast %scan3A_334 : i32 to index
      %swap3A_418 = arith.constant 16 : index
      %swap3A_419 = tpu.vector_load %arg13[%swap3A_417, %swap3A_418] {strides = array<i32>} : memref<256x64xf32, #tpu.memory_space<vmem>>, vector<16xf32>,
      tpu.vector_store %arg13[%swap3A_417, %swap3A_418], %max3A_416 {strides = array<i32>} : memref<256x64xf32, #tpu.memory_space<vmem>>, vector<16xf32>,
      %get3A_420 = arith.index_cast %scan3A_334 : i32 to index
      %get3A_421 = arith.constant 32 : index
      %get3A_422 = tpu.vector_load %arg10[%get3A_420, %get3A_421] {strides = array<i32>} : memref<256x64xf32, #tpu.memory_space<vmem>>, vector<16xf32>,
      %get3A_423 = arith.index_cast %scan3A_334 : i32 to index
      %get3A_424 = arith.constant 32 : index
      %get3A_425 = tpu.vector_load %arg11[%get3A_423, %get3A_424] {strides = array<i32>} : memref<256x64xf32, #tpu.memory_space<vmem>>, vector<16xf32>,
      %add3A_426 = arith.addf %get3A_422, %get3A_425 : vector<16xf32>
      %mul3A_427 = arith.mulf %add3A_426, %add3A_343 : vector<16xf32>
      %get3A_428 = arith.index_cast %scan3A_334 : i32 to index
      %get3A_429 = arith.constant 32 : index
      %get3A_430 = tpu.vector_load %arg12[%get3A_428, %get3A_429] {strides = array<i32>} : memref<256x80xf32, #tpu.memory_space<vmem>>, vector<16xf32>,
      %add3A_431 = arith.addf %mul3A_427, %get3A_430 : vector<16xf32>
      %max3A_432 = arith.constant 0.000000e+00 : f32
      %max3A_433 = vector.broadcast %max3A_432 : f32 to vector<16xf32>
      %max3A_434 = arith.maximumf %add3A_431, %max3A_433 : vector<16xf32>
      %swap3A_435 = arith.index_cast %scan3A_334 : i32 to index
      %swap3A_436 = arith.constant 32 : index
      %swap3A_437 = tpu.vector_load %arg10[%swap3A_435, %swap3A_436] {strides = array<i32>} : memref<256x64xf32, #tpu.memory_space<vmem>>, vector<16xf32>,
      tpu.vector_store %arg10[%swap3A_435, %swap3A_436], %max3A_434 {strides = array<i32>} : memref<256x64xf32, #tpu.memory_space<vmem>>, vector<16xf32>,
      %get3A_438 = arith.index_cast %scan3A_334 : i32 to index
      %get3A_439 = arith.constant 32 : index
      %get3A_440 = tpu.vector_load %arg13[%get3A_438, %get3A_439] {strides = array<i32>} : memref<256x64xf32, #tpu.memory_space<vmem>>, vector<16xf32>,
      %get3A_441 = arith.index_cast %scan3A_334 : i32 to index
      %get3A_442 = arith.constant 32 : index
      %get3A_443 = tpu.vector_load %arg14[%get3A_441, %get3A_442] {strides = array<i32>} : memref<256x64xf32, #tpu.memory_space<vmem>>, vector<16xf32>,
      %add3A_444 = arith.addf %get3A_440, %get3A_443 : vector<16xf32>
      %mul3A_445 = arith.mulf %add3A_444, %add3A_349 : vector<16xf32>
      %get3A_446 = arith.index_cast %scan3A_334 : i32 to index
      %get3A_447 = arith.constant 32 : index
      %get3A_448 = tpu.vector_load %arg15[%get3A_446, %get3A_447] {strides = array<i32>} : memref<256x80xf32, #tpu.memory_space<vmem>>, vector<16xf32>,
      %add3A_449 = arith.addf %mul3A_445, %get3A_448 : vector<16xf32>
      %max3A_450 = arith.constant 0.000000e+00 : f32
      %max3A_451 = vector.broadcast %max3A_450 : f32 to vector<16xf32>
      %max3A_452 = arith.maximumf %add3A_449, %max3A_451 : vector<16xf32>
      %swap3A_453 = arith.index_cast %scan3A_334 : i32 to index
      %swap3A_454 = arith.constant 32 : index
      %swap3A_455 = tpu.vector_load %arg13[%swap3A_453, %swap3A_454] {strides = array<i32>} : memref<256x64xf32, #tpu.memory_space<vmem>>, vector<16xf32>,
      tpu.vector_store %arg13[%swap3A_453, %swap3A_454], %max3A_452 {strides = array<i32>} : memref<256x64xf32, #tpu.memory_space<vmem>>, vector<16xf32>,
      %get3A_456 = arith.index_cast %scan3A_334 : i32 to index
      %get3A_457 = arith.constant 48 : index
      %get3A_458 = tpu.vector_load %arg10[%get3A_456, %get3A_457] {strides = array<i32>} : memref<256x64xf32, #tpu.memory_space<vmem>>, vector<16xf32>,
      %get3A_459 = arith.index_cast %scan3A_334 : i32 to index
      %get3A_460 = arith.constant 48 : index
      %get3A_461 = tpu.vector_load %arg11[%get3A_459, %get3A_460] {strides = array<i32>} : memref<256x64xf32, #tpu.memory_space<vmem>>, vector<16xf32>,
      %add3A_462 = arith.addf %get3A_458, %get3A_461 : vector<16xf32>
      %mul3A_463 = arith.mulf %add3A_462, %add3A_343 : vector<16xf32>
      %get3A_464 = arith.index_cast %scan3A_334 : i32 to index
      %get3A_465 = arith.constant 48 : index
      %get3A_466 = tpu.vector_load %arg12[%get3A_464, %get3A_465] {strides = array<i32>} : memref<256x80xf32, #tpu.memory_space<vmem>>, vector<16xf32>,
      %add3A_467 = arith.addf %mul3A_463, %get3A_466 : vector<16xf32>
      %max3A_468 = arith.constant 0.000000e+00 : f32
      %max3A_469 = vector.broadcast %max3A_468 : f32 to vector<16xf32>
      %max3A_470 = arith.maximumf %add3A_467, %max3A_469 : vector<16xf32>
      %swap3A_471 = arith.index_cast %scan3A_334 : i32 to index
      %swap3A_472 = arith.constant 48 : index
      %swap3A_473 = tpu.vector_load %arg10[%swap3A_471, %swap3A_472] {strides = array<i32>} : memref<256x64xf32, #tpu.memory_space<vmem>>, vector<16xf32>,
      tpu.vector_store %arg10[%swap3A_471, %swap3A_472], %max3A_470 {strides = array<i32>} : memref<256x64xf32, #tpu.memory_space<vmem>>, vector<16xf32>,
      %get3A_474 = arith.index_cast %scan3A_334 : i32 to index
      %get3A_475 = arith.constant 48 : index
      %get3A_476 = tpu.vector_load %arg13[%get3A_474, %get3A_475] {strides = array<i32>} : memref<256x64xf32, #tpu.memory_space<vmem>>, vector<16xf32>,
      %get3A_477 = arith.index_cast %scan3A_334 : i32 to index
      %get3A_478 = arith.constant 48 : index
      %get3A_479 = tpu.vector_load %arg14[%get3A_477, %get3A_478] {strides = array<i32>} : memref<256x64xf32, #tpu.memory_space<vmem>>, vector<16xf32>,
      %add3A_480 = arith.addf %get3A_476, %get3A_479 : vector<16xf32>
      %mul3A_481 = arith.mulf %add3A_480, %add3A_349 : vector<16xf32>
      %get3A_482 = arith.index_cast %scan3A_334 : i32 to index
      %get3A_483 = arith.constant 48 : index
      %get3A_484 = tpu.vector_load %arg15[%get3A_482, %get3A_483] {strides = array<i32>} : memref<256x80xf32, #tpu.memory_space<vmem>>, vector<16xf32>,
      %add3A_485 = arith.addf %mul3A_481, %get3A_484 : vector<16xf32>
      %max3A_486 = arith.constant 0.000000e+00 : f32
      %max3A_487 = vector.broadcast %max3A_486 : f32 to vector<16xf32>
      %max3A_488 = arith.maximumf %add3A_485, %max3A_487 : vector<16xf32>
      %swap3A_489 = arith.index_cast %scan3A_334 : i32 to index
      %swap3A_490 = arith.constant 48 : index
      %swap3A_491 = tpu.vector_load %arg13[%swap3A_489, %swap3A_490] {strides = array<i32>} : memref<256x64xf32, #tpu.memory_space<vmem>>, vector<16xf32>,
      tpu.vector_store %arg13[%swap3A_489, %swap3A_490], %max3A_488 {strides = array<i32>} : memref<256x64xf32, #tpu.memory_space<vmem>>, vector<16xf32>,
    }
    %scan3A_315 = arith.constant 256 : i32
    %scan3A_316 = arith.constant 0 : i32
    %scan3A_317 = arith.constant 0 : i32
    %scan3A_318 = arith.constant 256 : i32
    %scan3A_319 = arith.addi %scan3A_317, %scan3A_318 : i32
    %scan3A_320 = arith.constant 1 : i32
    scf.for %scan3A_334 = %scan3A_317 to %scan3A_319 step %scan3A_320  : i32 {
      %get3A = arith.index_cast %scan3A_334 : i32 to index
      %get3A_335 = arith.constant 0 : index
      %get3A_336 = tpu.vector_load %arg10[%get3A, %get3A_335] {strides = array<i32>} : memref<256x64xf32, #tpu.memory_space<vmem>>, vector<16xf32>,
      %get3A_337 = arith.index_cast %scan3A_334 : i32 to index
      %get3A_338 = arith.constant 0 : index
      %get3A_339 = tpu.vector_load %arg13[%get3A_337, %get3A_338] {strides = array<i32>} : memref<256x64xf32, #tpu.memory_space<vmem>>, vector<16xf32>,
      %mul3A_340 = arith.mulf %get3A_336, %get3A_339 : vector<16xf32>
      %get3A_341 = arith.index_cast %scan3A_334 : i32 to index
      %get3A_342 = arith.constant 16 : index
      %get3A_343 = tpu.vector_load %arg10[%get3A_341, %get3A_342] {strides = array<i32>} : memref<256x64xf32, #tpu.memory_space<vmem>>, vector<16xf32>,
      %get3A_344 = arith.index_cast %scan3A_334 : i32 to index
      %get3A_345 = arith.constant 16 : index
      %get3A_346 = tpu.vector_load %arg13[%get3A_344, %get3A_345] {strides = array<i32>} : memref<256x64xf32, #tpu.memory_space<vmem>>, vector<16xf32>,
      %mul3A_347 = arith.mulf %get3A_343, %get3A_346 : vector<16xf32>
      %add3A_348 = arith.addf %mul3A_340, %mul3A_347 : vector<16xf32>
      %get3A_349 = arith.index_cast %scan3A_334 : i32 to index
      %get3A_350 = arith.constant 32 : index
      %get3A_351 = tpu.vector_load %arg10[%get3A_349, %get3A_350] {strides = array<i32>} : memref<256x64xf32, #tpu.memory_space<vmem>>, vector<16xf32>,
      %get3A_352 = arith.index_cast %scan3A_334 : i32 to index
      %get3A_353 = arith.constant 32 : index
      %get3A_354 = tpu.vector_load %arg13[%get3A_352, %get3A_353] {strides = array<i32>} : memref<256x64xf32, #tpu.memory_space<vmem>>, vector<16xf32>,
      %mul3A_355 = arith.mulf %get3A_351, %get3A_354 : vector<16xf32>
      %get3A_356 = arith.index_cast %scan3A_334 : i32 to index
      %get3A_357 = arith.constant 48 : index
      %get3A_358 = tpu.vector_load %arg10[%get3A_356, %get3A_357] {strides = array<i32>} : memref<256x64xf32, #tpu.memory_space<vmem>>, vector<16xf32>,
      %get3A_359 = arith.index_cast %scan3A_334 : i32 to index
      %get3A_360 = arith.constant 48 : index
      %get3A_361 = tpu.vector_load %arg13[%get3A_359, %get3A_360] {strides = array<i32>} : memref<256x64xf32, #tpu.memory_space<vmem>>, vector<16xf32>,
      %mul3A_362 = arith.mulf %get3A_358, %get3A_361 : vector<16xf32>
      %add3A_363 = arith.addf %mul3A_355, %mul3A_362 : vector<16xf32>
      %add3A_364 = arith.addf %add3A_348, %add3A_363 : vector<16xf32>
      %cumsum3A = arith.constant true
      %cumsum3A_365 = vector.broadcast %cumsum3A : i1 to vector<16xi1>
      %cumsum3A_366 = tpu.scan <sum>, %add3A_364 masked %cumsum3A_365 : vector<16xf32>, vector<16xi1> -> vector<16xf32>
      %swap3A = arith.index_cast %scan3A_334 : i32 to index
      %swap3A_367 = arith.constant 0 : index
      %swap3A_368 = tpu.vector_load %arg16[%swap3A, %swap3A_367] {strides = array<i32>} : memref<256x16xf32, #tpu.memory_space<vmem>>, vector<16xf32>,
      tpu.vector_store %arg16[%swap3A, %swap3A_367], %cumsum3A_366 {strides = array<i32>} : memref<256x16xf32, #tpu.memory_space<vmem>>, vector<16xf32>,
    }
    %scan3A_321 = arith.constant 256 : i32
    %iota3A = tpu.iota {dimensions = array<i32: 0>} : vector<16xi32>
    %broadcast_in_dim3A = arith.constant 0 : i32
    %broadcast_in_dim3A_322 = vector.broadcast %broadcast_in_dim3A : i32 to vector<16xi32>
    %add3A_323 = arith.constant 15 : i32
    %add3A_324 = vector.broadcast %add3A_323 : i32 to vector<16xi32>
    %add3A_325 = arith.addi %broadcast_in_dim3A_322, %add3A_324 : vector<16xi32>
    %scan3A_326 = arith.constant 0 : i32
    %scan3A_327 = arith.constant 0 : i32
    %scan3A_328 = arith.constant 16 : i32
    %scan3A_329 = arith.addi %scan3A_327, %scan3A_328 : i32
    %scan3A_330 = arith.constant 1 : i32
    scf.for %scan3A_334 = %scan3A_327 to %scan3A_329 step %scan3A_330  : i32 {
      %mul3A_335 = arith.constant 16 : i32
      %mul3A_336 = arith.muli %scan3A_334, %mul3A_335 : i32
      %add3A_337 = vector.broadcast %mul3A_336 : i32 to vector<16xi32>
      %add3A_338 = arith.addi %add3A_337, %iota3A : vector<16xi32>
      %gather3A = tpu.vector_load_idx %arg16[%add3A_338, %add3A_325] : memref<256x16xf32, #tpu.memory_space<vmem>>[vector<16xi32>, vector<16xi32>], vector<16xf32>,
      %neg3A = arith.constant 0.000000e+00 : f32
      %neg3A_339 = vector.broadcast %neg3A : f32 to vector<16xf32>
      %neg3A_340 = arith.subf %neg3A_339, %gather3A : vector<16xf32>
      %exp3A = math.exp %neg3A_340 : vector<16xf32>
      %add3A_341 = arith.constant 1.000000e+00 : f32
      %add3A_342 = vector.broadcast %add3A_341 : f32 to vector<16xf32>
      %add3A_343 = arith.addf %add3A_342, %exp3A : vector<16xf32>
      %div3A = arith.constant 1.000000e+00 : f32
      %div3A_344 = vector.broadcast %div3A : f32 to vector<16xf32>
      %div3A_345 = arith.divf %div3A_344, %add3A_343 : vector<16xf32>
      %mul3A_346 = arith.constant 16 : i32
      %mul3A_347 = arith.muli %scan3A_334, %mul3A_346 : i32
      %swap3A = arith.index_cast %mul3A_347 : i32 to index
      %swap3A_348 = tpu.vector_load %arg17[%swap3A] {strides = array<i32>} : memref<256xf32, #tpu.memory_space<vmem>>, vector<16xf32>,
      tpu.vector_store %arg17[%swap3A], %div3A_345 {strides = array<i32>} : memref<256xf32, #tpu.memory_space<vmem>>, vector<16xf32>,
    }
    %scan3A_331 = arith.constant 16 : i32
    %mul3A_332 = arith.constant 256 : i32
    %mul3A_333 = arith.muli %add3A, %mul3A_332 : i32
    "tpu.region"() ({
      %run_scoped3A = tpu.sem_alloc : memref<!tpu.dma_semaphore, #tpu.memory_space<semaphore_mem>>
      %dma_start3A_334 = tpu.memref_slice %arg7[%mul3A_333] : memref<8192xf32, #tpu.memory_space<hbm>> -> memref<256xf32, #tpu.memory_space<hbm>>
      %dma_start3A_335 = tpu.memref_slice %arg7[%mul3A_333] : memref<8192xf32, #tpu.memory_space<hbm>> -> memref<256xf32, #tpu.memory_space<hbm>>
      tpu.enqueue_dma source(%arg17 : memref<256xf32, #tpu.memory_space<vmem>>) target(%dma_start3A_335 : memref<256xf32, #tpu.memory_space<hbm>>) target_semaphore(%run_scoped3A : memref<!tpu.dma_semaphore, #tpu.memory_space<semaphore_mem>>)
      %dma_wait3A_336 = tpu.memref_slice %arg7[%mul3A_333] : memref<8192xf32, #tpu.memory_space<hbm>> -> memref<256xf32, #tpu.memory_space<hbm>>
      %dma_wait3A_337 = tpu.memref_slice %arg7[%mul3A_333] : memref<8192xf32, #tpu.memory_space<hbm>> -> memref<256xf32, #tpu.memory_space<hbm>>
      tpu.wait_dma2 semaphore(%run_scoped3A : memref<!tpu.dma_semaphore, #tpu.memory_space<semaphore_mem>>) src(%arg17 : memref<256xf32, #tpu.memory_space<vmem>>) dst(%dma_wait3A_337 : memref<256xf32, #tpu.memory_space<hbm>>)
      tpu.yield
    }) : () -> ()
    return
  }
}

module attributes {stable_mosaic.version = 14 : i64} {
  func.func @body(%arg0: i32, %arg1: memref<1000x128xf32, #tpu.memory_space<vmem>>, %arg2: memref<64x128xf32, #tpu.memory_space<vmem>>, %arg3: memref<64x128xf32, #tpu.memory_space<vmem>>, %arg4: memref<1x64xf32, #tpu.memory_space<vmem>>, %arg5: memref<1000x64xf32, #tpu.memory_space<vmem>>, %arg6: memref<1000x64xf32, #tpu.memory_space<vmem>>) attributes {dimension_semantics = [#tpu.dimension_semantics<arbitrary>], iteration_bounds = array<i64: 10>, scalar_prefetch = 0 : i64, scratch_operands = 0 : i64, tpu.core_type = #tpu.core_type<tc>, window_params = [{transform_indices = @transform_0, window_bounds = array<i64: 1000, 128>}, {pipeline_mode = #tpu.pipeline_mode<synchronous>, transform_indices = @transform_1, window_bounds = array<i64: 64, 128>}, {pipeline_mode = #tpu.pipeline_mode<synchronous>, transform_indices = @transform_2, window_bounds = array<i64: 64, 128>}, {pipeline_mode = #tpu.pipeline_mode<synchronous>, transform_indices = @transform_3, window_bounds = array<i64: 1, 64>}, {transform_indices = @transform_4, window_bounds = array<i64: 1000, 64>}, {transform_indices = @transform_5, window_bounds = array<i64: 1000, 64>}]} {
    %get3A = arith.constant 0 : index
    %get3A_0 = arith.constant 0 : index
    %get3A_1 = vector.load %arg1[%get3A, %get3A_0] : memref<1000x128xf32, #tpu.memory_space<vmem>>, vector<1000x128xf32>
    %get3A_2 = arith.constant 0 : index
    %get3A_3 = arith.constant 0 : index
    %get3A_4 = vector.load %arg2[%get3A_2, %get3A_3] : memref<64x128xf32, #tpu.memory_space<vmem>>, vector<64x128xf32>
    %dot_general3A = arith.constant dense<0.000000e+00> : vector<1000x64xf32>
    %dot_general3A_5 = tpu.matmul %get3A_1, %get3A_4, %dot_general3A {dimension_numbers = #tpu.dot_dimension_numbers<[1], [1], [0], [0], [0, 0, 1, 0], [], []>, transpose_lhs_hint = false} : vector<1000x128xf32>, vector<64x128xf32>, vector<1000x64xf32> -> vector<1000x64xf32>
    %swap3A = arith.constant 0 : index
    %swap3A_6 = arith.constant 0 : index
    %swap3A_7 = vector.load %arg5[%swap3A, %swap3A_6] : memref<1000x64xf32, #tpu.memory_space<vmem>>, vector<1000x64xf32>
    tpu.vector_store %arg5[%swap3A, %swap3A_6], %dot_general3A_5 {strides = array<i32>} : memref<1000x64xf32, #tpu.memory_space<vmem>>, vector<1000x64xf32>,
    %get3A_8 = arith.constant 0 : index
    %get3A_9 = arith.constant 0 : index
    %get3A_10 = vector.load %arg3[%get3A_8, %get3A_9] : memref<64x128xf32, #tpu.memory_space<vmem>>, vector<64x128xf32>
    %dot_general3A_11 = arith.constant dense<0.000000e+00> : vector<1000x64xf32>
    %dot_general3A_12 = tpu.matmul %get3A_1, %get3A_10, %dot_general3A_11 {dimension_numbers = #tpu.dot_dimension_numbers<[1], [1], [0], [0], [0, 0, 1, 0], [], []>, transpose_lhs_hint = false} : vector<1000x128xf32>, vector<64x128xf32>, vector<1000x64xf32> -> vector<1000x64xf32>
    %get3A_13 = arith.constant 0 : index
    %get3A_14 = arith.constant 0 : index
    %get3A_15 = vector.load %arg4[%get3A_13, %get3A_14] : memref<1x64xf32, #tpu.memory_space<vmem>>, vector<1x64xf32>
    %add3A = vector.broadcast %get3A_15 : vector<1x64xf32> to vector<1000x64xf32>
    %add3A_16 = arith.addf %dot_general3A_12, %add3A : vector<1000x64xf32>
    %swap3A_17 = arith.constant 0 : index
    %swap3A_18 = arith.constant 0 : index
    %swap3A_19 = vector.load %arg6[%swap3A_17, %swap3A_18] : memref<1000x64xf32, #tpu.memory_space<vmem>>, vector<1000x64xf32>
    tpu.vector_store %arg6[%swap3A_17, %swap3A_18], %add3A_16 {strides = array<i32>} : memref<1000x64xf32, #tpu.memory_space<vmem>>, vector<1000x64xf32>,
    return
  }
  func.func @transform_0(%arg0: i32) -> (i32, i32) {
    %c0_i32 = arith.constant 0 : i32
    %c0_i32_0 = arith.constant 0 : i32
    return %arg0, %c0_i32 : i32, i32
  }
  func.func @transform_1(%arg0: i32) -> (i32, i32) {
    %c0_i32 = arith.constant 0 : i32
    %c0_i32_0 = arith.constant 0 : i32
    %c0_i32_1 = arith.constant 0 : i32
    return %c0_i32, %c0_i32_0 : i32, i32
  }
  func.func @transform_2(%arg0: i32) -> (i32, i32) {
    %c0_i32 = arith.constant 0 : i32
    %c0_i32_0 = arith.constant 0 : i32
    %c0_i32_1 = arith.constant 0 : i32
    return %c0_i32, %c0_i32_0 : i32, i32
  }
  func.func @transform_3(%arg0: i32) -> (i32, i32) {
    %c0_i32 = arith.constant 0 : i32
    %c0_i32_0 = arith.constant 0 : i32
    %c0_i32_1 = arith.constant 0 : i32
    return %c0_i32, %c0_i32_0 : i32, i32
  }
  func.func @transform_4(%arg0: i32) -> (i32, i32) {
    %c0_i32 = arith.constant 0 : i32
    %c0_i32_0 = arith.constant 0 : i32
    return %arg0, %c0_i32 : i32, i32
  }
  func.func @transform_5(%arg0: i32) -> (i32, i32) {
    %c0_i32 = arith.constant 0 : i32
    %c0_i32_0 = arith.constant 0 : i32
    return %arg0, %c0_i32 : i32, i32
  }
}

module attributes {stable_mosaic.version = 14 : i64} {
  func.func @body(%arg0: i32, %arg1: memref<1000x64xf32, #tpu.memory_space<vmem>>, %arg2: memref<1000x64xf32, #tpu.memory_space<vmem>>, %arg3: memref<1000x1xf32, #tpu.memory_space<vmem>>, %arg4: memref<1000x64xf32, #tpu.memory_space<vmem>>, %arg5: memref<64x64xf32, #tpu.memory_space<vmem>>, %arg6: memref<1x64xf32, #tpu.memory_space<vmem>>, %arg7: memref<64x64xf32, #tpu.memory_space<vmem>>, %arg8: memref<1000x64xf32, #tpu.memory_space<vmem>>, %arg9: memref<1000x80xf32, #tpu.memory_space<vmem>>) attributes {dimension_semantics = [#tpu.dimension_semantics<arbitrary>], iteration_bounds = array<i64: 10>, scalar_prefetch = 0 : i64, scratch_operands = 0 : i64, tpu.core_type = #tpu.core_type<tc>, window_params = [{transform_indices = @transform_0, window_bounds = array<i64: 1000, 64>}, {transform_indices = @transform_1, window_bounds = array<i64: 1000, 64>}, {transform_indices = @transform_2, window_bounds = array<i64: 1000, 1>}, {transform_indices = @transform_3, window_bounds = array<i64: 1000, 64>}, {pipeline_mode = #tpu.pipeline_mode<synchronous>, transform_indices = @transform_4, window_bounds = array<i64: 64, 64>}, {pipeline_mode = #tpu.pipeline_mode<synchronous>, transform_indices = @transform_5, window_bounds = array<i64: 1, 64>}, {pipeline_mode = #tpu.pipeline_mode<synchronous>, transform_indices = @transform_6, window_bounds = array<i64: 64, 64>}, {transform_indices = @transform_7, window_bounds = array<i64: 1000, 64>}, {transform_indices = @transform_8, window_bounds = array<i64: 1000, 80>}]} {
    %get3A = arith.constant 0 : index
    %get3A_0 = arith.constant 0 : index
    %get3A_1 = vector.load %arg1[%get3A, %get3A_0] : memref<1000x64xf32, #tpu.memory_space<vmem>>, vector<1000x64xf32>
    %get3A_2 = arith.constant 0 : index
    %get3A_3 = arith.constant 0 : index
    %get3A_4 = vector.load %arg2[%get3A_2, %get3A_3] : memref<1000x64xf32, #tpu.memory_space<vmem>>, vector<1000x64xf32>
    %add3A = arith.addf %get3A_1, %get3A_4 : vector<1000x64xf32>
    %get3A_5 = arith.constant 0 : index
    %get3A_6 = arith.constant 0 : index
    %get3A_7 = vector.load %arg3[%get3A_5, %get3A_6] : memref<1000x1xf32, #tpu.memory_space<vmem>>, vector<1000x1xf32>
    %max3A = arith.constant 1.000000e+00 : f32
    %max3A_8 = vector.broadcast %max3A : f32 to vector<1000x1xf32>
    %max3A_9 = arith.maximumf %get3A_7, %max3A_8 : vector<1000x1xf32>
    %div3A = arith.constant 1.000000e+00 : f32
    %div3A_10 = vector.broadcast %div3A : f32 to vector<1000x1xf32>
    %div3A_11 = arith.divf %div3A_10, %max3A_9 : vector<1000x1xf32>
    %mul3A = vector.broadcast %div3A_11 : vector<1000x1xf32> to vector<1000x64xf32>
    %mul3A_12 = arith.mulf %add3A, %mul3A : vector<1000x64xf32>
    %get3A_13 = arith.constant 0 : index
    %get3A_14 = arith.constant 0 : index
    %get3A_15 = vector.load %arg4[%get3A_13, %get3A_14] : memref<1000x64xf32, #tpu.memory_space<vmem>>, vector<1000x64xf32>
    %add3A_16 = arith.addf %mul3A_12, %get3A_15 : vector<1000x64xf32>
    %max3A_17 = arith.constant 0.000000e+00 : f32
    %max3A_18 = vector.broadcast %max3A_17 : f32 to vector<1000x64xf32>
    %max3A_19 = arith.maximumf %add3A_16, %max3A_18 : vector<1000x64xf32>
    %get3A_20 = arith.constant 0 : index
    %get3A_21 = arith.constant 0 : index
    %get3A_22 = vector.load %arg5[%get3A_20, %get3A_21] : memref<64x64xf32, #tpu.memory_space<vmem>>, vector<64x64xf32>
    %dot_general3A = arith.constant dense<0.000000e+00> : vector<1000x64xf32>
    %dot_general3A_23 = tpu.matmul %max3A_19, %get3A_22, %dot_general3A {dimension_numbers = #tpu.dot_dimension_numbers<[1], [1], [0], [0], [0, 0, 1, 0], [], []>, transpose_lhs_hint = false} : vector<1000x64xf32>, vector<64x64xf32>, vector<1000x64xf32> -> vector<1000x64xf32>
    %swap3A = arith.constant 0 : index
    %swap3A_24 = arith.constant 0 : index
    %swap3A_25 = vector.load %arg8[%swap3A, %swap3A_24] : memref<1000x64xf32, #tpu.memory_space<vmem>>, vector<1000x64xf32>
    tpu.vector_store %arg8[%swap3A, %swap3A_24], %dot_general3A_23 {strides = array<i32>} : memref<1000x64xf32, #tpu.memory_space<vmem>>, vector<1000x64xf32>,
    %get3A_26 = arith.constant 0 : index
    %get3A_27 = arith.constant 0 : index
    %get3A_28 = vector.load %arg7[%get3A_26, %get3A_27] : memref<64x64xf32, #tpu.memory_space<vmem>>, vector<64x64xf32>
    %dot_general3A_29 = arith.constant dense<0.000000e+00> : vector<1000x64xf32>
    %dot_general3A_30 = tpu.matmul %max3A_19, %get3A_28, %dot_general3A_29 {dimension_numbers = #tpu.dot_dimension_numbers<[1], [1], [0], [0], [0, 0, 1, 0], [], []>, transpose_lhs_hint = false} : vector<1000x64xf32>, vector<64x64xf32>, vector<1000x64xf32> -> vector<1000x64xf32>
    %get3A_31 = arith.constant 0 : index
    %get3A_32 = arith.constant 0 : index
    %get3A_33 = vector.load %arg6[%get3A_31, %get3A_32] : memref<1x64xf32, #tpu.memory_space<vmem>>, vector<1x64xf32>
    %add3A_34 = vector.broadcast %get3A_33 : vector<1x64xf32> to vector<1000x64xf32>
    %add3A_35 = arith.addf %dot_general3A_30, %add3A_34 : vector<1000x64xf32>
    %iota3A = tpu.iota {dimensions = array<i32: 1>} : vector<1000x16xi32>
    %eq3A = arith.constant 0 : i32
    %eq3A_36 = vector.broadcast %eq3A : i32 to vector<1000x16xi32>
    %eq3A_37 = arith.cmpi eq, %iota3A, %eq3A_36 : vector<1000x16xi32>
    %jit3A = arith.constant 0.000000e+00 : f32
    %broadcast_in_dim3A = vector.shape_cast %div3A_11 : vector<1000x1xf32> to vector<1000x1xf32>
    %broadcast_in_dim3A_38 = vector.broadcast %broadcast_in_dim3A : vector<1000x1xf32> to vector<1000x16xf32>
    %broadcast_in_dim3A_39 = vector.broadcast %jit3A : f32 to vector<1000x16xf32>
    %select_n3A = arith.select %eq3A_37, %broadcast_in_dim3A_38, %broadcast_in_dim3A_39 : vector<1000x16xi1>, vector<1000x16xf32>
    %concatenate3A = tpu.concatenate %add3A_35, %select_n3A in 1 : vector<1000x64xf32>, vector<1000x16xf32> -> vector<1000x80xf32>
    %swap3A_40 = arith.constant 0 : index
    %swap3A_41 = arith.constant 0 : index
    %swap3A_42 = vector.load %arg9[%swap3A_40, %swap3A_41] : memref<1000x80xf32, #tpu.memory_space<vmem>>, vector<1000x80xf32>
    tpu.vector_store %arg9[%swap3A_40, %swap3A_41], %concatenate3A {strides = array<i32>} : memref<1000x80xf32, #tpu.memory_space<vmem>>, vector<1000x80xf32>,
    return
  }
  func.func @transform_0(%arg0: i32) -> (i32, i32) {
    %c0_i32 = arith.constant 0 : i32
    %c0_i32_0 = arith.constant 0 : i32
    return %arg0, %c0_i32 : i32, i32
  }
  func.func @transform_1(%arg0: i32) -> (i32, i32) {
    %c0_i32 = arith.constant 0 : i32
    %c0_i32_0 = arith.constant 0 : i32
    return %arg0, %c0_i32 : i32, i32
  }
  func.func @transform_2(%arg0: i32) -> (i32, i32) {
    %c0_i32 = arith.constant 0 : i32
    %c0_i32_0 = arith.constant 0 : i32
    return %arg0, %c0_i32 : i32, i32
  }
  func.func @transform_3(%arg0: i32) -> (i32, i32) {
    %c0_i32 = arith.constant 0 : i32
    %c0_i32_0 = arith.constant 0 : i32
    return %arg0, %c0_i32 : i32, i32
  }
  func.func @transform_4(%arg0: i32) -> (i32, i32) {
    %c0_i32 = arith.constant 0 : i32
    %c0_i32_0 = arith.constant 0 : i32
    %c0_i32_1 = arith.constant 0 : i32
    return %c0_i32, %c0_i32_0 : i32, i32
  }
  func.func @transform_5(%arg0: i32) -> (i32, i32) {
    %c0_i32 = arith.constant 0 : i32
    %c0_i32_0 = arith.constant 0 : i32
    %c0_i32_1 = arith.constant 0 : i32
    return %c0_i32, %c0_i32_0 : i32, i32
  }
  func.func @transform_6(%arg0: i32) -> (i32, i32) {
    %c0_i32 = arith.constant 0 : i32
    %c0_i32_0 = arith.constant 0 : i32
    %c0_i32_1 = arith.constant 0 : i32
    return %c0_i32, %c0_i32_0 : i32, i32
  }
  func.func @transform_7(%arg0: i32) -> (i32, i32) {
    %c0_i32 = arith.constant 0 : i32
    %c0_i32_0 = arith.constant 0 : i32
    return %arg0, %c0_i32 : i32, i32
  }
  func.func @transform_8(%arg0: i32) -> (i32, i32) {
    %c0_i32 = arith.constant 0 : i32
    %c0_i32_0 = arith.constant 0 : i32
    return %arg0, %c0_i32 : i32, i32
  }
}

</mosaic_0001>

<sc_bundles>
// kernel: kernel.10.cloned.1.call-start
scs
__scs_entry_jumppad:
0x0: {  	(pc) =	sbr.rel $0x88, $3  }
0x1: {  	(tag) =	ssettag $0x0;
	lr =	simm.s32 $0x1  }
0x2: {  	[smem:$0x3F97] =	sst lr;
	_ =	strace $0xD0000000  }
0x3: {  	_ = 	snop  }
0x4: {  	_ = 	snop  }
0x5: {  	_ = 	snop  }
0x6: {  	_ = 	snop  }
0x7: {  	_ = 	snop  }
__scs_overlays_trampoline_lowered:
0x8: {  	[smem:$0x3FA6] =	sst s0  }
0x9: {  	[smem:$0x3FA7] =	sst s1  }
0xa: {  	[smem:$0x3FA8] =	sst s2  }
0xb: {  	[smem:$0x3FA9] =	sst s3  }
0xc: {  	[smem:$0x3FAA] =	sst s4  }
0xd: {  	[smem:$0x3FAB] =	sst s5  }
0xe: {  	[smem:$0x3FAC] =	sst s6  }
0xf: {  	[smem:$0x3FAD] =	sst s7  }
0x10: {  	[smem:$0x3FAE] =	sst s8  }
0x11: {  	[smem:$0x3FAF] =	sst s9;
	s0 =	simm.s32 @!p0 $0x0  }
0x12: {  	s1 =	sld [smem:$0x3F95];
	s0 =	simm.s32 @p0 $0x1  }
0x13: {  	[smem:$0x3FB0] =	sst s0;
	s0 =	simm.s32 @!p1 $0x0  }
0x14: {  	s2 =	sld [smem:$0x3F94];
	s0 =	simm.s32 @p1 $0x1  }
0x15: {  	[smem:$0x3FB1] =	sst s0;
	s0 =	simm.s32 @!p2 $0x0  }
0x16: {  	s3 =	sld [smem:$0x3FDB];
	s0 =	simm.s32 @p2 $0x1  }
0x17: {  	s4 =	simm.s32 $0x1BF5;
	[smem:$0x3FB3] =	sst s0  }
0x18: {  	s0 =	sld [smem:$0x3F96];
	_ =	swait.ge [sflag:s4], $0x0  }
0x19: {  	s7 =	sld [smem:$0x3F97]  }
0x1a: {  	s8 =	sadd.s32 $0xFFFFE003, lr  }
0x1b: {  	s9 =	sadd.s32 $0xFFFFFEF7, lr;
	s5 =	simm.s32 $0xFFFFFFFF;
	p2 =	slt.u32 s8, $0xFFFFF086  }
0x1c: {  	p1 =	slt.u32 s9, $0xF7A;
	s5 =	simm.s32 @!p2 $0x0  }
0x1d: {  	s5 =	simm.s32 @p1 $0x1;
	p0 =	seq.s32 s7, s2  }
0x1e: {  	s7 =	smul.u32 @!p0 $0xF7A, s2;
	p2 =	seq.s32 @!p0 s5, $0x0  }
0x1f: {  	s9 =	smul.u32 $0xF7A, s1;
	s8 =	simm.s32 @!p0 $0x1BF5;
	p2 =	por !p2, p0  }
0x20: {  	[sflag:s8] =	ssyncset.s32 @!p0 $0xFFFFF086;
	s6 =	sadd.s32 @!p0 s3, s7;
	s7 =	simm.s32 @!p0 $0x108  }
0x21: {  	s3 =	sadd.s32 s3, s9;
	s6 =	sadd.s32 @!p0 $0x88, s6;
	s7 =	simm.s32 @p2 $0x1082  }
0x22: {  	[simem:s7], [sflag:s8] =	dma.local @!p0 [hbm:s6], $0xF7A  }
0x23: {  	s9 =	sor.u32 $0xD0000000, s2;
	s6 =	simm.s32 $0x108;
	_ =	swait.ge @!p0 [sflag:s8], $0x0  }
0x24: {  	s3 =	sadd.s32 $0x88, s3;
	s6 =	simm.s32 @!p1 $0x1082;
	[sflag:s4] =	ssyncset.s32 $0xFFFFF086  }
0x25: {  	[simem:s6], [sflag:s4] =	dma.local [hbm:s3], $0xF7A  }
0x26: {  	[smem:$0x3F97] =	sst s1;
	(tag) =	ssettag s2;
	_ =	strace s9  }
0x27: {  	s1 =	sld [smem:$0x3FA7]  }
0x28: {  	s2 =	sld [smem:$0x3FA8]  }
0x29: {  	s4 =	sld [smem:$0x3FAA]  }
0x2a: {  	p0 =	seq.s32 s5, $0x0;
	s5 =	sld [smem:$0x3FAB]  }
0x2b: {  	s6 =	sld [smem:$0x3FAC]  }
0x2c: {  	s7 =	sld [smem:$0x3FAD]  }
0x2d: {  	s3 =	simm.s32 $0x108;
	s8 =	sld [smem:$0x3FAE]  }
0x2e: {  	s3 =	simm.s32 @!p0 $0x1082;
	s9 =	sld [smem:$0x3FAF]  }
0x2f: {  	lr =	sadd.s32 s0, s3;
	s0 =	sld [smem:$0x3FA6]  }
0x30: {  	s3 =	sld [smem:$0x3FA9]  }
0x31: {  	[smem:$0x3FB2] =	sst s10  }
0x32: {  	s10 =	sld [smem:$0x3FB0];
	_ =	sdelay $0x3  }
0x33: {  	p0 =	seq.s32 s10, $0x1;
	s10 =	sld [smem:$0x3FB2];
	_ =	sdelay $0x3  }
0x34: {  	[smem:$0x3FB2] =	sst s10  }
0x35: {  	s10 =	sld [smem:$0x3FB1];
	_ =	sdelay $0x3  }
0x36: {  	p1 =	seq.s32 s10, $0x1;
	s10 =	sld [smem:$0x3FB2];
	_ =	sdelay $0x3  }
0x37: {  	[smem:$0x3FB2] =	sst s10  }
0x38: {  	s10 =	sld [smem:$0x3FB3]  }
0x39: {  	_ = 	snop;
	(pc) =	sbr.ind lr, $3  }
0x3a: {  	_ = 	snop  }
0x3b: {  	_ = 	snop  }
0x3c: {  	p2 =	seq.s32 s10, $0x1;
	s10 =	sld [smem:$0x3FB2]  }
0x3d: {  	_ =	shalt  }
0x3e: {  	_ =	shalt  }
0x3f: {  	_ =	shalt  }
0x40: {  	_ =	shalt  }
0x41: {  	_ =	shalt  }
0x42: {  	_ =	shalt  }
0x43: {  	_ =	shalt  }
0x44: {  	_ =	shalt  }
0x45: {  	_ =	shalt  }
0x46: {  	_ =	shalt  }
0x47: {  	_ =	shalt  }
0x48: {  	_ =	shalt  }
0x49: {  	_ =	shalt  }
0x4a: {  	_ =	shalt  }
0x4b: {  	_ =	shalt  }
0x4c: {  	_ =	shalt  }
0x4d: {  	_ =	shalt  }
0x4e: {  	_ =	shalt  }
0x4f: {  	_ =	shalt  }
0x50: {  	_ =	shalt  }
0x51: {  	_ =	shalt  }
0x52: {  	_ =	shalt  }
0x53: {  	_ =	shalt  }
0x54: {  	_ =	shalt  }
0x55: {  	_ =	shalt  }
0x56: {  	_ =	shalt  }
0x57: {  	_ =	shalt  }
0x58: {  	_ =	shalt  }
0x59: {  	_ =	shalt  }
0x5a: {  	_ =	shalt  }
0x5b: {  	_ =	shalt  }
0x5c: {  	_ =	shalt  }
0x5d: {  	_ =	shalt  }
0x5e: {  	_ =	shalt  }
0x5f: {  	_ =	shalt  }
0x60: {  	_ =	shalt  }
0x61: {  	_ =	shalt  }
0x62: {  	_ =	shalt  }
0x63: {  	_ =	shalt  }
0x64: {  	_ =	shalt  }
0x65: {  	_ =	shalt  }
0x66: {  	_ =	shalt  }
0x67: {  	_ =	shalt  }
0x68: {  	_ =	shalt  }
0x69: {  	_ =	shalt  }
0x6a: {  	_ =	shalt  }
0x6b: {  	_ =	shalt  }
0x6c: {  	_ =	shalt  }
0x6d: {  	_ =	shalt  }
0x6e: {  	_ =	shalt  }
0x6f: {  	_ =	shalt  }
0x70: {  	_ =	shalt  }
0x71: {  	_ =	shalt  }
0x72: {  	_ =	shalt  }
0x73: {  	_ =	shalt  }
0x74: {  	_ =	shalt  }
0x75: {  	_ =	shalt  }
0x76: {  	_ =	shalt  }
0x77: {  	_ =	shalt  }
0x78: {  	_ =	shalt  }
0x79: {  	_ =	shalt  }
0x7a: {  	_ =	shalt  }
0x7b: {  	_ =	shalt  }
0x7c: {  	_ =	shalt  }
0x7d: {  	_ =	shalt  }
0x7e: {  	_ =	shalt  }
0x7f: {  	_ =	shalt  }
0x80: {  	_ =	shalt  }
0x81: {  	_ =	shalt  }
0x82: {  	_ =	shalt  }
0x83: {  	_ =	shalt  }
0x84: {  	_ =	shalt  }
0x85: {  	_ =	shalt  }
0x86: {  	_ =	shalt  }
0x87: {  	_ =	shalt  }
.Lfunc_end0:
.L_simem_size_0:
called_computation.1_lowered:
.L_overlay_start_0:
0x88: {  	s2 =	sld [smem:$0x3FD9]  }
0x89: {  	s3 =	sld [smem:$0x3FFE];
	_ =	sdelay $0x1  }
0x8a: {  	s1 =	srdreg.scid  }
0x8b: {  	s0 =	sand.u32 $0x1, s1  }
0x8c: {  	s16 =	sshll.u32 s0, $0xA;
	s2 =	sadd.s32 s3, s2  }
0x8d: {  	s2 =	sadd.s32 s2, s16  }
0x8e: {  	[smem:$0x3FBE] =	sst s2  }
0x8f: {  	_ = 	snop  }
0x90: {  	(tm) =	ssettm $0x1  }
0x91: {  	s17 =	sld [smem:$0x3FFB];
	_ =	sdelay $0x3  }
0x92: {  	_ =	strace s17  }
0x93: {  	s2 =	sld [smem:$0x3FFC];
	_ =	sdelay $0x3  }
0x94: {  	_ =	strace s2  }
0x95: {  	s2 =	sld [smem:$0x3FFD];
	_ =	sdelay $0x3  }
0x96: {  	_ =	strace s2  }
0x97: {  	_ =	strace $0x8FFFFFFF  }
0x98: {  	s18 =	sld [smem:$0x3FDB];
	_ =	sdelay $0x1  }
0x99: {  	s19 =	simm.s32 $_scs_section_size  }
0x9a: {  	s4 =	simm.s32 $_size__tile_overlayer_lowered;
	s5 =	simm.s32 $_tile_overlayer_lowered  }
0x9b: {  	s22 =	simm.s32 $0x1BFF;
	s21 =	sshll.u32 s5, $0x1;
	s2 =	sadd.s32 s19, s18  }
0x9c: {  	s6 =	simm.s32 $0x0;
	s20 =	sshll.u32 s4, $0x1;
	s4 =	sadd.s32 s21, s2  }
0x9d: {  	[timem:s6], [sflag:s22] =	dma.local [hbm:s4], s20  }
0x9e: {  	_ =	swait.ge [sflag:s22], s20  }
0x9f: {  	s3 =	ssub.s32 $0x0, s20;
	[sflag:s22] =	ssyncset.done $0x0  }
0xa0: {  	[sflag:s22] =	ssyncadd.s32 s3;
	_ =	sdelay $0x1  }
0xa1: {  	s23 =	simm.s32 $0x1B8B  }
0xa2: {  	_ =	swait.ge [sflag:s23], $0x1  }
0xa3: {  	[sflag:s23] =	ssyncset.done $0x0  }
0xa4: {  	s25 =	simm.s32 $0x1B8E;
	s24 =	sld [smem:$0x3FFE];
	[sflag:s23] =	ssyncadd.s32 $0xFFFFFFFF  }
0xa5: {  	s26 =	simm.s32 $execute0_lowered;
	[smem:$0x3FD2] =	sst s25  }
0xa6: {  	s4 =	sshll.u32 s26, $0x1;
	_ =	strace $0x80000049;
	[dreg:$0x1] =	wrdreg $0xFFFFFFFF  }
0xa7: {  	s28 =	simm.s32 $_size_execute0_lowered;
	s2 =	sadd.s32 s2, s4;
	[dreg:$0x0] =	wrdreg $0x0  }
0xa8: {  	s4 =	sshll.u32 s28, $0x1;
	[dreg:$0x2] =	wrdreg s2  }
0xa9: {  	[dreg:$0x3] =	wrdreg s4  }
0xaa: {  	[dreg:$0x4] =	wrdreg $0xC0  }
0xab: {  	_ =	task [dreg:s6], $0x5FFFF  }
0xac: {  	[dreg:$0x1] =	wrdreg $0xFFFFFFFF  }
0xad: {  	[dreg:$0x0] =	wrdreg $0x60  }
0xae: {  	[dreg:$0x2] =	wrdreg s24  }
0xaf: {  	[dreg:$0x3] =	wrdreg $0xB2200  }
0xb0: {  	[dreg:$0x4] =	wrdreg $0x9  }
0xb1: {  	_ =	task.clear_ibuf [dreg:s6], $0x5FFFF;
	_ =	strace $0x90000049  }
0xb2: {  	s29 =	simm.s32 $0x9;
	_ =	strace $0x8000004B  }
0xb3: {  	_ =	swait.ge [sflag:s29], $0x1  }
0xb4: {  	[sflag:s29] =	ssyncadd.s32 $0xFFFFFFFF  }
0xb5: {  	_ =	strace $0x9000004B  }
0xb6: {  	_ =	sfence  }
0xb7: {  	s30 =	sld [smem:$0x0];
	_ =	sdelay $0x2  }
0xb8: {  	s31 =	sshll.u32 s1, $0xD;
	s1 =	sshrl.u32 s1, $0x2  }
0xb9: {  	s3 =	sand.u32 $0x4000, s31;
	s1 =	sadd.s32 s1, s30  }
0xba: {  	s0 =	sor.u32 s3, s0;
	s1 =	sshll.u32 s1, $0x11  }
0xbb: {  	s0 =	sor.u32 s1, s0  }
0xbc: {  	s0 =	sadd.s32 $0x8F2B, s0  }
0xbd: {  	[sflag:s0] =	ssyncadd.remote.s32 $0x1  }
0xbe: {  	_ =	sfence.sel $0xFFFF  }
0xbf: {  	[dreg:$0x0] =	wrdreg $0xFFFFFFFF;
	(pc) =	sbr.abs _section_cstart, $3  }
0xc0: {  	[dreg:$0x1] =	wrdreg $0xFFFFFFFF  }
0xc1: {  	_ =	task.clear_ibuf [dreg:s6], $0x2FFFF;
	_ =	strace $0x9FFFFFFF  }
0xc2: {  	(tm) =	ssettm $0x7FFFFFFF  }
0xc3: {  	_ =	shalt  }
tec
execute0_lowered:
.L_overlay_start_1:
0x0: {  	(tag) =	ssettag $0x1  }
0x1: {  	s0 =	srdreg.scid;
	s1 =	rddreg [dreg:$0x0]  }
0x2: {  	s10 =	stileid.u32;
	s2 =	rddreg [dreg:$0x1]  }
0x3: {  	s12 =	simm.s32 $0xB;
	s14 =	simm.s32 $0x50;
	s15 =	simm.s32 $0x4E20  }
0x4: {  	s16 =	simm.s32 $0x6220;
	s18 =	simm.s32 $0x7620;
	s20 =	simm.s32 $0x8A20  }
0x5: {  	s22 =	simm.s32 $0x9E20;
	s23 =	simm.s32 $0x1;
	s24 =	simm.s32 $0x2  }
0x6: {  	s25 =	simm.s32 $0x3;
	s28 =	simm.s32 $0x5;
	s29 =	simm.s32 $0x6  }
0x7: {  	s30 =	simm.s32 $0x7;
	s31 =	simm.s32 $0x8;
	s17 =	simm.s32 $0x0  }
0x8: {  	s0 =	sand.u32 $0x1, s0;
	s5 =	smul.u32 $0xA000, s10;
	s26 =	sshll.u32 s10, $0x6  }
0x9: {  	s3 =	sshll.u32 s0, $0x4;
	s6 =	ssub.s32 $0x2, s0;
	p0 =	seq.s32 s0, $0x1  }
0xa: {  	s0 =	simm.s32 $0x51600;
	s4 =	sor.u32 s10, s3;
	s3 =	simm.s32 $0x0  }
0xb: {  	s7 =	sshrl.u32 s5, $0x3;
	s9 =	sshrl.u32 s6, $0x1;
	s11 =	sadd.s32 s5, s2  }
0xc: {  	s0 =	simm.s32 @!p0 $0x3D600;
	s4 =	smul.u32 $0x4E2, s4;
	[smem:$0x7FF] =	sst s3  }
0xd: {  	s9 =	ssub.s32 s6, s9;
	s6 =	sor.u32 $0x1C0B, s26;
	s11 =	sshrl.u32 s11, $0x3  }
0xe: {  	s26 =	simm.s32 $0x4;
	_ =	strace $0x8000004A;
	s9 =	smax.u32 s9, $0x1  }
0xf: {  	s8 =	sadd.s32 s4, s1;
	s4 =	sadd.s32 $0x15C00, s1;
	s1 =	sadd.s32 s7, s1  }
0x10: {  	s5 =	sadd.s32 $0x29600, s1;
	s7 =	sadd.s32 $0xBE00, s8;
	s8 =	sadd.s32 $0x2000, s8  }
0x11: {  	s10 =	sadd.s32 s0, s1;
	s1 =	simm.s32 $0x9;
	s0 =	simm.s32 $0xA  }
.LBB2_1:
0x12: {  	[spmem:s11], [sflag:s6] =	dma.local [hbm:s5], $0x1400  }
0x13: {  	_ =	swait.ge [sflag:s12], $0x1400  }
0x14: {  	[sflag:s12] =	ssyncset.done $0x0  }
0x15: {  	[sflag:s12] =	ssyncadd.s32 $0xFFFFEC00  }
0x16: {  	[tilespmem:s3], [sflag:$0xB] =	stream.linear.gather [hbm4b:s7+s3], $0x2710, $0x38;
	[tilespmem:$0x15220] =	vst v63  }
0x17: {  	_ =	swait.ge [sflag:s12], $0x2710  }
0x18: {  	[sflag:s12] =	ssyncset.done $0x0  }
0x19: {  	s13 =	simm.s32 $0x2710;
	[sflag:s12] =	ssyncadd.s32 $0xFFFFD8F0  }
0x1a: {  	[tilespmem:s13], [sflag:$0xB] =	stream.linear.gather [hbm4b:s8+s3], $0x2710, $0x38;
	[tilespmem:$0x15220] =	vst v63  }
0x1b: {  	_ =	swait.ge [sflag:s12], $0x2710  }
0x1c: {  	[sflag:s12] =	ssyncset.done $0x0  }
0x1d: {  	[sflag:s12] =	ssyncadd.s32 $0xFFFFD8F0  }
0x1e: {  	[bflag:$0x0] =	sbarrier.arrive $0xFFFF  }
0x1f: {  	[tilespmem:s15], [sflag:$0x1] =	stream.indirect.gather [hbm4b:s4+s14], $0x40, s3, s14, $0xb8;
	[tilespmem:$0x15220] =	vst v63  }
0x20: {  	_ = 	snop  }
0x21: {  	[tilespmem:s16], [sflag:$0x2] =	stream.indirect.gather [hbm4b:s4+s14], $0x40, s14, s14, $0xb8;
	[tilespmem:$0x15220] =	vst v63  }
0x22: {  	s21 =	simm.s32 $0xA0  }
0x23: {  	[tilespmem:s18], [sflag:$0x3] =	stream.indirect.gather [hbm4b:s4+s14], $0x40, s21, s14, $0xb8;
	[tilespmem:$0x15220] =	vst v63  }
0x24: {  	s19 =	simm.s32 $0xF0  }
0x25: {  	[tilespmem:s20], [sflag:$0x4] =	stream.indirect.gather [hbm4b:s4+s14], $0x40, s19, s14, $0xb8;
	[tilespmem:$0x15220] =	vst v63  }
0x26: {  	s21 =	simm.s32 $0x140  }
0x27: {  	[tilespmem:s22], [sflag:$0x5] =	stream.indirect.gather [hbm4b:s4+s14], $0x40, s21, s14, $0xb8;
	[tilespmem:$0x15220] =	vst v63  }
0x28: {  	_ =	swait.ge [sflag:s23], $0x1400  }
0x29: {  	[sflag:s23] =	ssyncset.done $0x0  }
0x2a: {  	s19 =	simm.s32 $0x2710;
	[sflag:s23] =	ssyncadd.s32 $0xFFFFEC00  }
0x2b: {  	[spmem:s2] =	stream.indirect.scatter.add.f32 [tilespmem:s15], [sflag:$0x6], $0x40, s19, s14, $0xb8;
	[tilespmem:$0x15220] =	vst v63  }
0x2c: {  	_ =	swait.ge [sflag:s24], $0x1400  }
0x2d: {  	[sflag:s24] =	ssyncset.done $0x0  }
0x2e: {  	s13 =	simm.s32 $0x2760;
	[sflag:s24] =	ssyncadd.s32 $0xFFFFEC00  }
0x2f: {  	[spmem:s2] =	stream.indirect.scatter.add.f32 [tilespmem:s16], [sflag:$0x7], $0x40, s13, s14, $0xb8;
	[tilespmem:$0x15220] =	vst v63  }
0x30: {  	_ =	swait.ge [sflag:s25], $0x1400  }
0x31: {  	[sflag:s25] =	ssyncset.done $0x0  }
0x32: {  	s21 =	simm.s32 $0x27B0;
	[sflag:s25] =	ssyncadd.s32 $0xFFFFEC00  }
0x33: {  	[spmem:s2] =	stream.indirect.scatter.add.f32 [tilespmem:s18], [sflag:$0x8], $0x40, s21, s14, $0xb8;
	[tilespmem:$0x15220] =	vst v63  }
0x34: {  	_ =	swait.ge [sflag:s26], $0x1400  }
0x35: {  	[sflag:s26] =	ssyncset.done $0x0  }
0x36: {  	s13 =	simm.s32 $0x2800;
	[sflag:s26] =	ssyncadd.s32 $0xFFFFEC00  }
0x37: {  	[spmem:s2] =	stream.indirect.scatter.add.f32 [tilespmem:s20], [sflag:$0x9], $0x40, s13, s14, $0xb8;
	[tilespmem:$0x15220] =	vst v63  }
0x38: {  	_ =	swait.ge [sflag:s28], $0x1400  }
0x39: {  	[sflag:s28] =	ssyncset.done $0x0  }
0x3a: {  	s21 =	simm.s32 $0x2850;
	[sflag:s28] =	ssyncadd.s32 $0xFFFFEC00  }
0x3b: {  	[spmem:s2] =	stream.indirect.scatter.add.f32 [tilespmem:s22], [sflag:$0xA], $0x40, s21, s14, $0xb8;
	[tilespmem:$0x15220] =	vst v63  }
0x3c: {  	_ =	swait.ge [sflag:s29], $0x1400  }
0x3d: {  	[sflag:s29] =	ssyncset.done $0x0  }
0x3e: {  	s13 =	simm.s32 $0x190;
	[sflag:s29] =	ssyncadd.s32 $0xFFFFEC00  }
0x3f: {  	[tilespmem:s15], [sflag:$0x1] =	stream.indirect.gather [hbm4b:s4+s14], $0x40, s13, s14, $0xb8;
	[tilespmem:$0x15220] =	vst v63  }
0x40: {  	_ =	swait.ge [sflag:s30], $0x1400  }
0x41: {  	[sflag:s30] =	ssyncset.done $0x0  }
0x42: {  	s21 =	simm.s32 $0x1E0;
	[sflag:s30] =	ssyncadd.s32 $0xFFFFEC00  }
0x43: {  	[tilespmem:s16], [sflag:$0x2] =	stream.indirect.gather [hbm4b:s4+s14], $0x40, s21, s14, $0xb8;
	[tilespmem:$0x15220] =	vst v63  }
0x44: {  	_ =	swait.ge [sflag:s31], $0x1400  }
0x45: {  	[sflag:s31] =	ssyncset.done $0x0  }
0x46: {  	s13 =	simm.s32 $0x230;
	[sflag:s31] =	ssyncadd.s32 $0xFFFFEC00  }
0x47: {  	[tilespmem:s18], [sflag:$0x3] =	stream.indirect.gather [hbm4b:s4+s14], $0x40, s13, s14, $0xb8;
	[tilespmem:$0x15220] =	vst v63  }
0x48: {  	_ =	swait.ge [sflag:s1], $0x1400  }
0x49: {  	[sflag:s1] =	ssyncset.done $0x0  }
0x4a: {  	s21 =	simm.s32 $0x280;
	[sflag:s1] =	ssyncadd.s32 $0xFFFFEC00  }
0x4b: {  	[tilespmem:s20], [sflag:$0x4] =	stream.indirect.gather [hbm4b:s4+s14], $0x40, s21, s14, $0xb8;
	[tilespmem:$0x15220] =	vst v63  }
0x4c: {  	_ =	swait.ge [sflag:s0], $0x1400  }
0x4d: {  	[sflag:s0] =	ssyncset.done $0x0  }
0x4e: {  	s19 =	simm.s32 $0x640;
	s21 =	simm.s32 $0x2D0;
	[sflag:s0] =	ssyncadd.s32 $0xFFFFEC00  }
.LBB2_2:
0x4f: {  	[tilespmem:s22], [sflag:$0x5] =	stream.indirect.gather [hbm4b:s4+s14], $0x40, s21, s14, $0xb8;
	[tilespmem:$0x15220] =	vst v63  }
0x50: {  	s21 =	smov.u32 s19  }
0x51: {  	p0 =	sne.s32 s19, $0x8FC0;
	s19 =	sadd.s32 $0x640, s19;
	_ =	swait.ge [sflag:s23], $0x1400  }
0x52: {  	s21 =	sshra.s32 s21, $0x2;
	[sflag:s23] =	ssyncset.done $0x0  }
0x53: {  	s13 =	sadd.s32 $0x2710, s21;
	[sflag:s23] =	ssyncadd.s32 $0xFFFFEC00  }
0x54: {  	[spmem:s2] =	stream.indirect.scatter.add.f32 [tilespmem:s15], [sflag:$0x6], $0x40, s13, s14, $0xb8;
	[tilespmem:$0x15220] =	vst v63  }
0x55: {  	_ =	swait.ge [sflag:s24], $0x1400  }
0x56: {  	[sflag:s24] =	ssyncset.done $0x0  }
0x57: {  	s13 =	sadd.s32 $0x2760, s21;
	[sflag:s24] =	ssyncadd.s32 $0xFFFFEC00  }
0x58: {  	[spmem:s2] =	stream.indirect.scatter.add.f32 [tilespmem:s16], [sflag:$0x7], $0x40, s13, s14, $0xb8;
	[tilespmem:$0x15220] =	vst v63  }
0x59: {  	_ =	swait.ge [sflag:s25], $0x1400  }
0x5a: {  	[sflag:s25] =	ssyncset.done $0x0  }
0x5b: {  	s13 =	sadd.s32 $0x27B0, s21;
	[sflag:s25] =	ssyncadd.s32 $0xFFFFEC00  }
0x5c: {  	[spmem:s2] =	stream.indirect.scatter.add.f32 [tilespmem:s18], [sflag:$0x8], $0x40, s13, s14, $0xb8;
	[tilespmem:$0x15220] =	vst v63  }
0x5d: {  	_ =	swait.ge [sflag:s26], $0x1400  }
0x5e: {  	[sflag:s26] =	ssyncset.done $0x0  }
0x5f: {  	s13 =	sadd.s32 $0x2800, s21;
	[sflag:s26] =	ssyncadd.s32 $0xFFFFEC00  }
0x60: {  	[spmem:s2] =	stream.indirect.scatter.add.f32 [tilespmem:s20], [sflag:$0x9], $0x40, s13, s14, $0xb8;
	[tilespmem:$0x15220] =	vst v63  }
0x61: {  	_ =	swait.ge [sflag:s28], $0x1400  }
0x62: {  	[sflag:s28] =	ssyncset.done $0x0  }
0x63: {  	s13 =	sadd.s32 $0x2850, s21;
	[sflag:s28] =	ssyncadd.s32 $0xFFFFEC00  }
0x64: {  	[spmem:s2] =	stream.indirect.scatter.add.f32 [tilespmem:s22], [sflag:$0xA], $0x40, s13, s14, $0xb8;
	[tilespmem:$0x15220] =	vst v63  }
0x65: {  	_ =	swait.ge [sflag:s29], $0x1400  }
0x66: {  	[sflag:s29] =	ssyncset.done $0x0  }
0x67: {  	s13 =	sadd.s32 $0x190, s21;
	[sflag:s29] =	ssyncadd.s32 $0xFFFFEC00  }
0x68: {  	[tilespmem:s15], [sflag:$0x1] =	stream.indirect.gather [hbm4b:s4+s14], $0x40, s13, s14, $0xb8;
	[tilespmem:$0x15220] =	vst v63  }
0x69: {  	_ =	swait.ge [sflag:s30], $0x1400  }
0x6a: {  	[sflag:s30] =	ssyncset.done $0x0  }
0x6b: {  	s13 =	sadd.s32 $0x1E0, s21;
	[sflag:s30] =	ssyncadd.s32 $0xFFFFEC00  }
0x6c: {  	[tilespmem:s16], [sflag:$0x2] =	stream.indirect.gather [hbm4b:s4+s14], $0x40, s13, s14, $0xb8;
	[tilespmem:$0x15220] =	vst v63  }
0x6d: {  	_ =	swait.ge [sflag:s31], $0x1400  }
0x6e: {  	[sflag:s31] =	ssyncset.done $0x0  }
0x6f: {  	s13 =	sadd.s32 $0x230, s21;
	[sflag:s31] =	ssyncadd.s32 $0xFFFFEC00  }
0x70: {  	[tilespmem:s18], [sflag:$0x3] =	stream.indirect.gather [hbm4b:s4+s14], $0x40, s13, s14, $0xb8;
	[tilespmem:$0x15220] =	vst v63  }
0x71: {  	_ =	swait.ge [sflag:s1], $0x1400  }
0x72: {  	[sflag:s1] =	ssyncset.done $0x0  }
.Ltmp0:
0x73: {  	s13 =	sadd.s32 $0x280, s21;
	[sflag:s1] =	ssyncadd.s32 $0xFFFFEC00;
	(pc) =	sbr.rel @p0 .LBB2_2-.Ltmp0, $4  }
0x74: {  	[tilespmem:s20], [sflag:$0x4] =	stream.indirect.gather [hbm4b:s4+s14], $0x40, s13, s14, $0xb8;
	[tilespmem:$0x15220] =	vst v63  }
0x75: {  	_ =	swait.ge [sflag:s0], $0x1400  }
0x76: {  	[sflag:s0] =	ssyncset.done $0x0  }
0x77: {  	s21 =	sadd.s32 $0x2D0, s21;
	[sflag:s0] =	ssyncadd.s32 $0xFFFFEC00  }
0x78: {  	[tilespmem:s22], [sflag:$0x5] =	stream.indirect.gather [hbm4b:s4+s14], $0x40, s21, s14, $0xb8;
	[tilespmem:$0x15220] =	vst v63  }
0x79: {  	_ =	swait.ge [sflag:s23], $0x1400  }
0x7a: {  	[sflag:s23] =	ssyncset.done $0x0  }
0x7b: {  	s13 =	simm.s32 $0x4C90;
	[sflag:s23] =	ssyncadd.s32 $0xFFFFEC00  }
0x7c: {  	[spmem:s2] =	stream.indirect.scatter.add.f32 [tilespmem:s15], [sflag:$0x6], $0x40, s13, s14, $0xb8;
	[tilespmem:$0x15220] =	vst v63  }
0x7d: {  	_ =	swait.ge [sflag:s24], $0x1400  }
0x7e: {  	[sflag:s24] =	ssyncset.done $0x0  }
0x7f: {  	s19 =	simm.s32 $0x4CE0;
	[sflag:s24] =	ssyncadd.s32 $0xFFFFEC00  }
0x80: {  	[spmem:s2] =	stream.indirect.scatter.add.f32 [tilespmem:s16], [sflag:$0x7], $0x40, s19, s14, $0xb8;
	[tilespmem:$0x15220] =	vst v63  }
0x81: {  	_ =	swait.ge [sflag:s25], $0x1400  }
0x82: {  	[sflag:s25] =	ssyncset.done $0x0  }
0x83: {  	s21 =	simm.s32 $0x4D30;
	[sflag:s25] =	ssyncadd.s32 $0xFFFFEC00  }
0x84: {  	[spmem:s2] =	stream.indirect.scatter.add.f32 [tilespmem:s18], [sflag:$0x8], $0x40, s21, s14, $0xb8;
	[tilespmem:$0x15220] =	vst v63  }
0x85: {  	_ =	swait.ge [sflag:s26], $0x1400  }
0x86: {  	[sflag:s26] =	ssyncset.done $0x0  }
0x87: {  	s19 =	simm.s32 $0x4D80;
	[sflag:s26] =	ssyncadd.s32 $0xFFFFEC00  }
0x88: {  	[spmem:s2] =	stream.indirect.scatter.add.f32 [tilespmem:s20], [sflag:$0x9], $0x40, s19, s14, $0xb8;
	[tilespmem:$0x15220] =	vst v63  }
0x89: {  	_ =	swait.ge [sflag:s28], $0x1400  }
0x8a: {  	[sflag:s28] =	ssyncset.done $0x0  }
0x8b: {  	s21 =	simm.s32 $0x4DD0;
	[sflag:s28] =	ssyncadd.s32 $0xFFFFEC00  }
0x8c: {  	[spmem:s2] =	stream.indirect.scatter.add.f32 [tilespmem:s22], [sflag:$0xA], $0x40, s21, s14, $0xb8;
	[tilespmem:$0x15220] =	vst v63  }
0x8d: {  	_ =	swait.ge [sflag:s29], $0x1400  }
0x8e: {  	[sflag:s29] =	ssyncset.done $0x0  }
0x8f: {  	[sflag:s29] =	ssyncadd.s32 $0xFFFFEC00  }
0x90: {  	_ =	swait.ge [sflag:s30], $0x1400  }
0x91: {  	[sflag:s30] =	ssyncset.done $0x0  }
0x92: {  	[sflag:s30] =	ssyncadd.s32 $0xFFFFEC00  }
0x93: {  	_ =	swait.ge [sflag:s31], $0x1400  }
0x94: {  	[sflag:s31] =	ssyncset.done $0x0  }
0x95: {  	[sflag:s31] =	ssyncadd.s32 $0xFFFFEC00  }
0x96: {  	_ =	swait.ge [sflag:s1], $0x1400  }
0x97: {  	[sflag:s1] =	ssyncset.done $0x0  }
0x98: {  	[sflag:s1] =	ssyncadd.s32 $0xFFFFEC00  }
0x99: {  	_ =	swait.ge [sflag:s0], $0x1400  }
0x9a: {  	s17 =	sadd.s32 $0x1, s17;
	[sflag:s0] =	ssyncset.done $0x0  }
0x9b: {  	p0 =	sne.s32 s17, s9;
	[sflag:s0] =	ssyncadd.s32 $0xFFFFEC00  }
.Ltmp1:
0x9c: {  	[bflag:$0x0] =	sbarrier.arrive $0xFFFF;
	(pc) =	sbr.rel @p0 .LBB2_1-.Ltmp1, $4  }
0x9d: {  	[hbm:s10], [sflag:s6] =	dma.local [spmem:s11], $0x1400  }
0x9e: {  	_ =	swait.ge [sflag:s12], $0x1400  }
0x9f: {  	[sflag:s12] =	ssyncset.done $0x0  }
0xa0: {  	[sflag:s12] =	ssyncadd.s32 $0xFFFFEC00  }
0xa1: {  	_ =	sfence.sel $0x180000  }
0xa2: {  	[bflag:$0x0] =	sbarrier.arrive $0xFFFF  }
0xa3: {  	_ =	strace $0x9000004A  }
0xa4: {  	s0 =	stileid.u32;
	[bflag:$0x2] =	sbarrier.arrive $0xFFFF  }
0xa5: {  	p0 =	sne.s32 s0, $0x0;
	s0 =	rddreg [dreg:$0x2]  }
0xa6: {  	s0 =	sadd.s32 @!p0 $0x100000, s0  }
0xa7: {  	[sflag:s0] =	ssyncadd.tile.s32 @!p0 $0x1;
	_ =	shalt  }
.Lfunc_end2:
_tile_overlayer_lowered:
.L_overlay_start_2:
0xa8: {  	(tag) =	ssettag $0x2  }
0xa9: {  	s0 =	rddreg [dreg:$0x0];
	s2 =	stileid.u32  }
0xaa: {  	s1 =	rddreg [dreg:$0x1];
	p0 =	sne.s32 s2, $0x0  }
0xab: {  	s3 =	rddreg [dreg:$0x2];
	[bflag:$0x3] =	sbarrier.arrive $0xFFFF;
	s2 =	simm.s32 @!p0 $0x1C0B  }
0xac: {  	[timem:s3], [sflag:s2] =	dma.local @!p0 [hbm:s0], s1  }
0xad: {  	s0 =	simm.s32 @!p0 $0xB  }
0xae: {  	_ =	swait.ge @!p0 [sflag:s0], s1  }
0xaf: {  	s1 =	ssub.s32 @!p0 $0x0, s1;
	[sflag:s0] =	ssyncset.done @!p0 $0x0  }
0xb0: {  	[sflag:s0] =	ssyncadd.s32 @!p0 s1  }
0xb1: {  	[bflag:$0x3] =	sbarrier.arrive $0xFFFF  }
0xb2: {  	_ =	shalt  }

// kernel: kernel.13.cloned.1.call-start
scs
__scs_entry_jumppad:
0x0: {  	(pc) =	sbr.rel $0x88, $3  }
0x1: {  	(tag) =	ssettag $0x0;
	lr =	simm.s32 $0x1  }
0x2: {  	[smem:$0x3F97] =	sst lr;
	_ =	strace $0xD0000000  }
0x3: {  	_ = 	snop  }
0x4: {  	_ = 	snop  }
0x5: {  	_ = 	snop  }
0x6: {  	_ = 	snop  }
0x7: {  	_ = 	snop  }
__scs_overlays_trampoline_lowered:
0x8: {  	[smem:$0x3FA6] =	sst s0  }
0x9: {  	[smem:$0x3FA7] =	sst s1  }
0xa: {  	[smem:$0x3FA8] =	sst s2  }
0xb: {  	[smem:$0x3FA9] =	sst s3  }
0xc: {  	[smem:$0x3FAA] =	sst s4  }
0xd: {  	[smem:$0x3FAB] =	sst s5  }
0xe: {  	[smem:$0x3FAC] =	sst s6  }
0xf: {  	[smem:$0x3FAD] =	sst s7  }
0x10: {  	[smem:$0x3FAE] =	sst s8  }
0x11: {  	[smem:$0x3FAF] =	sst s9;
	s0 =	simm.s32 @!p0 $0x0  }
0x12: {  	s1 =	sld [smem:$0x3F95];
	s0 =	simm.s32 @p0 $0x1  }
0x13: {  	[smem:$0x3FB0] =	sst s0;
	s0 =	simm.s32 @!p1 $0x0  }
0x14: {  	s2 =	sld [smem:$0x3F94];
	s0 =	simm.s32 @p1 $0x1  }
0x15: {  	[smem:$0x3FB1] =	sst s0;
	s0 =	simm.s32 @!p2 $0x0  }
0x16: {  	s3 =	sld [smem:$0x3FDB];
	s0 =	simm.s32 @p2 $0x1  }
0x17: {  	s4 =	simm.s32 $0x1BF5;
	[smem:$0x3FB3] =	sst s0  }
0x18: {  	s0 =	sld [smem:$0x3F96];
	_ =	swait.ge [sflag:s4], $0x0  }
0x19: {  	s7 =	sld [smem:$0x3F97]  }
0x1a: {  	s8 =	sadd.s32 $0xFFFFE003, lr  }
0x1b: {  	s9 =	sadd.s32 $0xFFFFFEF7, lr;
	s5 =	simm.s32 $0xFFFFFFFF;
	p2 =	slt.u32 s8, $0xFFFFF086  }
0x1c: {  	p1 =	slt.u32 s9, $0xF7A;
	s5 =	simm.s32 @!p2 $0x0  }
0x1d: {  	s5 =	simm.s32 @p1 $0x1;
	p0 =	seq.s32 s7, s2  }
0x1e: {  	s7 =	smul.u32 @!p0 $0xF7A, s2;
	p2 =	seq.s32 @!p0 s5, $0x0  }
0x1f: {  	s9 =	smul.u32 $0xF7A, s1;
	s8 =	simm.s32 @!p0 $0x1BF5;
	p2 =	por !p2, p0  }
0x20: {  	[sflag:s8] =	ssyncset.s32 @!p0 $0xFFFFF086;
	s6 =	sadd.s32 @!p0 s3, s7;
	s7 =	simm.s32 @!p0 $0x108  }
0x21: {  	s3 =	sadd.s32 s3, s9;
	s6 =	sadd.s32 @!p0 $0x88, s6;
	s7 =	simm.s32 @p2 $0x1082  }
0x22: {  	[simem:s7], [sflag:s8] =	dma.local @!p0 [hbm:s6], $0xF7A  }
0x23: {  	s9 =	sor.u32 $0xD0000000, s2;
	s6 =	simm.s32 $0x108;
	_ =	swait.ge @!p0 [sflag:s8], $0x0  }
0x24: {  	s3 =	sadd.s32 $0x88, s3;
	s6 =	simm.s32 @!p1 $0x1082;
	[sflag:s4] =	ssyncset.s32 $0xFFFFF086  }
0x25: {  	[simem:s6], [sflag:s4] =	dma.local [hbm:s3], $0xF7A  }
0x26: {  	[smem:$0x3F97] =	sst s1;
	(tag) =	ssettag s2;
	_ =	strace s9  }
0x27: {  	s1 =	sld [smem:$0x3FA7]  }
0x28: {  	s2 =	sld [smem:$0x3FA8]  }
0x29: {  	s4 =	sld [smem:$0x3FAA]  }
0x2a: {  	p0 =	seq.s32 s5, $0x0;
	s5 =	sld [smem:$0x3FAB]  }
0x2b: {  	s6 =	sld [smem:$0x3FAC]  }
0x2c: {  	s7 =	sld [smem:$0x3FAD]  }
0x2d: {  	s3 =	simm.s32 $0x108;
	s8 =	sld [smem:$0x3FAE]  }
0x2e: {  	s3 =	simm.s32 @!p0 $0x1082;
	s9 =	sld [smem:$0x3FAF]  }
0x2f: {  	lr =	sadd.s32 s0, s3;
	s0 =	sld [smem:$0x3FA6]  }
0x30: {  	s3 =	sld [smem:$0x3FA9]  }
0x31: {  	[smem:$0x3FB2] =	sst s10  }
0x32: {  	s10 =	sld [smem:$0x3FB0];
	_ =	sdelay $0x3  }
0x33: {  	p0 =	seq.s32 s10, $0x1;
	s10 =	sld [smem:$0x3FB2];
	_ =	sdelay $0x3  }
0x34: {  	[smem:$0x3FB2] =	sst s10  }
0x35: {  	s10 =	sld [smem:$0x3FB1];
	_ =	sdelay $0x3  }
0x36: {  	p1 =	seq.s32 s10, $0x1;
	s10 =	sld [smem:$0x3FB2];
	_ =	sdelay $0x3  }
0x37: {  	[smem:$0x3FB2] =	sst s10  }
0x38: {  	s10 =	sld [smem:$0x3FB3]  }
0x39: {  	_ = 	snop;
	(pc) =	sbr.ind lr, $3  }
0x3a: {  	_ = 	snop  }
0x3b: {  	_ = 	snop  }
0x3c: {  	p2 =	seq.s32 s10, $0x1;
	s10 =	sld [smem:$0x3FB2]  }
0x3d: {  	_ =	shalt  }
0x3e: {  	_ =	shalt  }
0x3f: {  	_ =	shalt  }
0x40: {  	_ =	shalt  }
0x41: {  	_ =	shalt  }
0x42: {  	_ =	shalt  }
0x43: {  	_ =	shalt  }
0x44: {  	_ =	shalt  }
0x45: {  	_ =	shalt  }
0x46: {  	_ =	shalt  }
0x47: {  	_ =	shalt  }
0x48: {  	_ =	shalt  }
0x49: {  	_ =	shalt  }
0x4a: {  	_ =	shalt  }
0x4b: {  	_ =	shalt  }
0x4c: {  	_ =	shalt  }
0x4d: {  	_ =	shalt  }
0x4e: {  	_ =	shalt  }
0x4f: {  	_ =	shalt  }
0x50: {  	_ =	shalt  }
0x51: {  	_ =	shalt  }
0x52: {  	_ =	shalt  }
0x53: {  	_ =	shalt  }
0x54: {  	_ =	shalt  }
0x55: {  	_ =	shalt  }
0x56: {  	_ =	shalt  }
0x57: {  	_ =	shalt  }
0x58: {  	_ =	shalt  }
0x59: {  	_ =	shalt  }
0x5a: {  	_ =	shalt  }
0x5b: {  	_ =	shalt  }
0x5c: {  	_ =	shalt  }
0x5d: {  	_ =	shalt  }
0x5e: {  	_ =	shalt  }
0x5f: {  	_ =	shalt  }
0x60: {  	_ =	shalt  }
0x61: {  	_ =	shalt  }
0x62: {  	_ =	shalt  }
0x63: {  	_ =	shalt  }
0x64: {  	_ =	shalt  }
0x65: {  	_ =	shalt  }
0x66: {  	_ =	shalt  }
0x67: {  	_ =	shalt  }
0x68: {  	_ =	shalt  }
0x69: {  	_ =	shalt  }
0x6a: {  	_ =	shalt  }
0x6b: {  	_ =	shalt  }
0x6c: {  	_ =	shalt  }
0x6d: {  	_ =	shalt  }
0x6e: {  	_ =	shalt  }
0x6f: {  	_ =	shalt  }
0x70: {  	_ =	shalt  }
0x71: {  	_ =	shalt  }
0x72: {  	_ =	shalt  }
0x73: {  	_ =	shalt  }
0x74: {  	_ =	shalt  }
0x75: {  	_ =	shalt  }
0x76: {  	_ =	shalt  }
0x77: {  	_ =	shalt  }
0x78: {  	_ =	shalt  }
0x79: {  	_ =	shalt  }
0x7a: {  	_ =	shalt  }
0x7b: {  	_ =	shalt  }
0x7c: {  	_ =	shalt  }
0x7d: {  	_ =	shalt  }
0x7e: {  	_ =	shalt  }
0x7f: {  	_ =	shalt  }
0x80: {  	_ =	shalt  }
0x81: {  	_ =	shalt  }
0x82: {  	_ =	shalt  }
0x83: {  	_ =	shalt  }
0x84: {  	_ =	shalt  }
0x85: {  	_ =	shalt  }
0x86: {  	_ =	shalt  }
0x87: {  	_ =	shalt  }
.Lfunc_end0:
.L_simem_size_0:
called_computation.2_lowered:
.L_overlay_start_0:
0x88: {  	s2 =	sld [smem:$0x3FD9]  }
0x89: {  	s3 =	sld [smem:$0x3FFE];
	_ =	sdelay $0x1  }
0x8a: {  	s1 =	srdreg.scid  }
0x8b: {  	s0 =	sand.u32 $0x1, s1  }
0x8c: {  	s17 =	sshll.u32 s0, $0xA;
	s2 =	sadd.s32 s3, s2  }
0x8d: {  	s2 =	sadd.s32 s2, s17  }
0x8e: {  	[smem:$0x3FBE] =	sst s2  }
0x8f: {  	_ = 	snop  }
0x90: {  	s2 =	sld [smem:$0x3FC7]  }
0x91: {  	s18 =	sld [smem:$0x3FC6]  }
0x92: {  	s4 =	sld [smem:$0x3FD0];
	(tm) =	ssettm $0x1  }
0x93: {  	s5 =	sld [smem:$0x3FFB];
	_ =	sdelay $0x3  }
0x94: {  	_ =	strace s5  }
0x95: {  	s5 =	sld [smem:$0x3FFC];
	_ =	sdelay $0x3  }
0x96: {  	_ =	strace s5  }
0x97: {  	s5 =	sld [smem:$0x3FFD];
	_ =	sdelay $0x3  }
0x98: {  	_ =	strace s5  }
0x99: {  	_ =	strace $0x8FFFFFFF  }
0x9a: {  	s19 =	sld [smem:$0x3FDB];
	_ =	sdelay $0x1  }
0x9b: {  	s6 =	simm.s32 $_scs_section_size  }
0x9c: {  	s7 =	simm.s32 $_size__tile_overlayer_lowered;
	s8 =	simm.s32 $_tile_overlayer_lowered  }
0x9d: {  	s22 =	simm.s32 $0x1BFF;
	s21 =	sshll.u32 s8, $0x1;
	s5 =	sadd.s32 s6, s19  }
0x9e: {  	s9 =	simm.s32 $0x0;
	s20 =	sshll.u32 s7, $0x1;
	s7 =	sadd.s32 s21, s5  }
0x9f: {  	[timem:s9], [sflag:s22] =	dma.local [hbm:s7], s20  }
0xa0: {  	_ =	swait.ge [sflag:s22], s20  }
0xa1: {  	s6 =	ssub.s32 $0x0, s20;
	[sflag:s22] =	ssyncset.done $0x0  }
0xa2: {  	[sflag:s22] =	ssyncadd.s32 s6;
	_ =	sdelay $0x1  }
0xa3: {  	s23 =	simm.s32 $0x1B8B  }
0xa4: {  	_ =	swait.ge [sflag:s23], $0x1  }
0xa5: {  	[sflag:s23] =	ssyncset.done $0x0  }
0xa6: {  	s25 =	simm.s32 $0x1B8E;
	s24 =	sld [smem:$0x3FFE];
	[sflag:s23] =	ssyncadd.s32 $0xFFFFFFFF  }
0xa7: {  	s26 =	simm.s32 $execute0_lowered;
	[smem:$0x3FD2] =	sst s25  }
0xa8: {  	s7 =	sshll.u32 s26, $0x1;
	_ =	strace $0x8000004C;
	[dreg:$0x1] =	wrdreg $0xFFFFFFFF  }
0xa9: {  	s28 =	simm.s32 $_size_execute0_lowered;
	s5 =	sadd.s32 s5, s7;
	[dreg:$0x0] =	wrdreg $0x0  }
0xaa: {  	s7 =	sshll.u32 s28, $0x1;
	[dreg:$0x2] =	wrdreg s5  }
0xab: {  	[dreg:$0x3] =	wrdreg s7  }
0xac: {  	[dreg:$0x4] =	wrdreg $0xC0  }
0xad: {  	_ =	task [dreg:s9], $0x5FFFF  }
0xae: {  	[dreg:$0x1] =	wrdreg $0xFFFFFFFF  }
0xaf: {  	[dreg:$0x0] =	wrdreg $0x60  }
0xb0: {  	[dreg:$0x2] =	wrdreg s2  }
0xb1: {  	[dreg:$0x3] =	wrdreg s18  }
0xb2: {  	[dreg:$0x4] =	wrdreg s24  }
0xb3: {  	[dreg:$0x5] =	wrdreg s4  }
0xb4: {  	[dreg:$0x6] =	wrdreg $0x9  }
0xb5: {  	_ =	task.clear_ibuf [dreg:s9], $0x7FFFF;
	_ =	strace $0x9000004C  }
0xb6: {  	s29 =	simm.s32 $0x9;
	_ =	strace $0x8000004E  }
0xb7: {  	_ =	swait.ge [sflag:s29], $0x1  }
0xb8: {  	[sflag:s29] =	ssyncadd.s32 $0xFFFFFFFF  }
0xb9: {  	_ =	strace $0x9000004E  }
0xba: {  	_ =	sfence  }
0xbb: {  	s30 =	sld [smem:$0x0];
	_ =	sdelay $0x2  }
0xbc: {  	s31 =	sshll.u32 s1, $0xD;
	s1 =	sshrl.u32 s1, $0x2  }
0xbd: {  	s3 =	sand.u32 $0x4000, s31;
	s1 =	sadd.s32 s1, s30  }
0xbe: {  	s0 =	sor.u32 s3, s0;
	s1 =	sshll.u32 s1, $0x11  }
0xbf: {  	s0 =	sor.u32 s1, s0  }
0xc0: {  	s0 =	sadd.s32 $0x8F2B, s0  }
0xc1: {  	[sflag:s0] =	ssyncadd.remote.s32 $0x1  }
0xc2: {  	_ =	sfence.sel $0xFFFF  }
0xc3: {  	[dreg:$0x0] =	wrdreg $0xFFFFFFFF;
	(pc) =	sbr.abs _section_cstart, $3  }
0xc4: {  	[dreg:$0x1] =	wrdreg $0xFFFFFFFF  }
0xc5: {  	_ =	task.clear_ibuf [dreg:s9], $0x2FFFF;
	_ =	strace $0x9FFFFFFF  }
0xc6: {  	(tm) =	ssettm $0x7FFFFFFF  }
0xc7: {  	_ =	shalt  }
tec
execute0_lowered:
.L_overlay_start_1:
0x0: {  	(tag) =	ssettag $0x1  }
0x1: {  	s0 =	rddreg [dreg:$0x0]  }
0x2: {  	s2 =	rddreg [dreg:$0x1]  }
0x3: {  	s5 =	rddreg [dreg:$0x2]  }
0x4: {  	s8 =	rddreg [dreg:$0x3];
	s1 =	simm.s32 $0x0;
	s6 =	srdreg.scid  }
0x5: {  	s9 =	stileid.u32;
	s11 =	simm.s32 $0x100;
	s12 =	simm.s32 $0x80  }
0x6: {  	s22 =	simm.s32 $0x180;
	s26 =	simm.s32 $0x1;
	s28 =	simm.s32 $0x2  }
0x7: {  	s29 =	simm.s32 $0x3;
	s30 =	simm.s32 $0x4;
	s31 =	simm.s32 $0x5  }
0x8: {  	s13 =	simm.s32 $0x8;
	s14 =	simm.s32 $0x9;
	s15 =	simm.s32 $0xA  }
0x9: {  	s16 =	simm.s32 $0xB;
	s17 =	simm.s32 $0xC;
	s18 =	simm.s32 $0x1A200  }
0xa: {  	s19 =	simm.s32 $0x1B200;
	s20 =	simm.s32 $0x0;
	[smem:$0x7FF] =	sst s1  }
0xb: {  	s3 =	sadd.s32 $0x3D600, s5;
	s4 =	sadd.s32 $0x51600, s5;
	s6 =	sand.u32 $0x1, s6  }
0xc: {  	s9 =	sshll.u32 s9, $0x5;
	s7 =	ssub.s32 $0x2, s6;
	s6 =	sshll.u32 s6, $0x9  }
0xd: {  	s5 =	sadd.s32 $0x65600, s5;
	s10 =	sshrl.u32 s7, $0x1;
	s9 =	sor.u32 s9, s6  }
0xe: {  	_ =	strace $0x8000004D;
	s10 =	ssub.s32 s7, s10;
	s6 =	sadd.s32 s0, s9  }
0xf: {  	v0 =	vlaneseq.u32;
	s7 =	sadd.s32 s2, s9;
	s8 =	sadd.s32 s8, s9;
	s0 =	simm.s32 $0x6  }
0x10: {  	v0 =	vmul.u32 $0x10, v0;
	s2 =	simm.s32 $0x7;
	s9 =	smax.u32 s10, $0x1;
	s10 =	simm.s32 $0xD  }
.LBB2_1:
0x11: {  	[tilespmem:s1], [sflag:$0xD] =	stream.linear.gather [hbm4b:s6+s1], $0x100, $0x38;
	[tilespmem:$0x1B300] =	vst v63  }
0x12: {  	_ =	swait.ge [sflag:s10], $0x100  }
0x13: {  	[sflag:s10] =	ssyncset.done $0x0  }
0x14: {  	[sflag:s10] =	ssyncadd.s32 $0xFFFFFF00  }
0x15: {  	[tilespmem:s11], [sflag:$0xD] =	stream.linear.gather [hbm4b:s7+s1], $0x100, $0x38;
	[tilespmem:$0x1B300] =	vst v63  }
0x16: {  	_ =	swait.ge [sflag:s10], $0x100  }
0x17: {  	[sflag:s10] =	ssyncset.done $0x0  }
0x18: {  	s21 =	simm.s32 $0x200;
	[sflag:s10] =	ssyncadd.s32 $0xFFFFFF00  }
0x19: {  	[tilespmem:s21], [sflag:$0x1] =	stream.indirect.gather [hbm4b:s3+s12], $0x40, s1, s12, $0xb8;
	[tilespmem:$0x1B300] =	vst v63  }
0x1a: {  	s24 =	simm.s32 $0x4200  }
0x1b: {  	[tilespmem:s24], [sflag:$0x2] =	stream.indirect.gather [hbm4b:s4+s12], $0x40, s1, s12, $0xb8;
	[tilespmem:$0x1B300] =	vst v63  }
0x1c: {  	s25 =	simm.s32 $0x8200  }
0x1d: {  	[tilespmem:s25], [sflag:$0x3] =	stream.indirect.gather [hbm4b:s5+s12], $0x50, s1, s12, $0xb8;
	[tilespmem:$0x1B300] =	vst v63  }
0x1e: {  	s23 =	simm.s32 $0xD200  }
0x1f: {  	[tilespmem:s23], [sflag:$0x4] =	stream.indirect.gather [hbm4b:s3+s12], $0x40, s11, s12, $0xb8;
	[tilespmem:$0x1B300] =	vst v63  }
0x20: {  	s24 =	simm.s32 $0x11200  }
0x21: {  	[tilespmem:s24], [sflag:$0x5] =	stream.indirect.gather [hbm4b:s4+s12], $0x40, s11, s12, $0xb8;
	[tilespmem:$0x1B300] =	vst v63  }
0x22: {  	s25 =	simm.s32 $0x15200  }
0x23: {  	[tilespmem:s25], [sflag:$0x6] =	stream.indirect.gather [hbm4b:s5+s12], $0x50, s11, s12, $0xb8;
	[tilespmem:$0x1B300] =	vst v63  }
0x24: {  	s23 =	simm.s32 $0x2200  }
0x25: {  	[tilespmem:s23], [sflag:$0x7] =	stream.indirect.gather [hbm4b:s3+s12], $0x40, s12, s12, $0xb8;
	[tilespmem:$0x1B300] =	vst v63  }
0x26: {  	s24 =	simm.s32 $0x6200  }
0x27: {  	[tilespmem:s24], [sflag:$0x8] =	stream.indirect.gather [hbm4b:s4+s12], $0x40, s12, s12, $0xb8;
	[tilespmem:$0x1B300] =	vst v63  }
0x28: {  	s25 =	simm.s32 $0xAA00  }
0x29: {  	[tilespmem:s25], [sflag:$0x9] =	stream.indirect.gather [hbm4b:s5+s12], $0x50, s12, s12, $0xb8;
	[tilespmem:$0x1B300] =	vst v63  }
0x2a: {  	s23 =	simm.s32 $0xF200  }
0x2b: {  	[tilespmem:s23], [sflag:$0xA] =	stream.indirect.gather [hbm4b:s3+s12], $0x40, s22, s12, $0xb8;
	[tilespmem:$0x1B300] =	vst v63  }
0x2c: {  	s24 =	simm.s32 $0x13200  }
0x2d: {  	[tilespmem:s24], [sflag:$0xB] =	stream.indirect.gather [hbm4b:s4+s12], $0x40, s22, s12, $0xb8;
	[tilespmem:$0x1B300] =	vst v63  }
0x2e: {  	s25 =	simm.s32 $0x17A00  }
0x2f: {  	[tilespmem:s25], [sflag:$0xC] =	stream.indirect.gather [hbm4b:s5+s12], $0x50, s22, s12, $0xb8;
	[tilespmem:$0x1B300] =	vst v63  }
0x30: {  	_ =	swait.ge [sflag:s26], $0x2000  }
0x31: {  	[sflag:s26] =	ssyncset.done $0x0  }
0x32: {  	[sflag:s26] =	ssyncadd.s32 $0xFFFFE000  }
0x33: {  	_ =	swait.ge [sflag:s28], $0x2000  }
0x34: {  	[sflag:s28] =	ssyncset.done $0x0  }
0x35: {  	[sflag:s28] =	ssyncadd.s32 $0xFFFFE000  }
0x36: {  	_ =	swait.ge [sflag:s29], $0x2800  }
0x37: {  	[sflag:s29] =	ssyncset.done $0x0  }
0x38: {  	[sflag:s29] =	ssyncadd.s32 $0xFFFFD800  }
0x39: {  	_ =	swait.ge [sflag:s30], $0x2000  }
0x3a: {  	[sflag:s30] =	ssyncset.done $0x0  }
0x3b: {  	[sflag:s30] =	ssyncadd.s32 $0xFFFFE000  }
0x3c: {  	_ =	swait.ge [sflag:s31], $0x2000  }
0x3d: {  	[sflag:s31] =	ssyncset.done $0x0  }
0x3e: {  	[sflag:s31] =	ssyncadd.s32 $0xFFFFE000  }
0x3f: {  	_ =	swait.ge [sflag:s0], $0x2800  }
0x40: {  	[sflag:s0] =	ssyncset.done $0x0  }
0x41: {  	[sflag:s0] =	ssyncadd.s32 $0xFFFFD800  }
0x42: {  	_ =	swait.ge [sflag:s2], $0x2000  }
0x43: {  	[sflag:s2] =	ssyncset.done $0x0  }
0x44: {  	[sflag:s2] =	ssyncadd.s32 $0xFFFFE000  }
0x45: {  	_ =	swait.ge [sflag:s13], $0x2000  }
0x46: {  	[sflag:s13] =	ssyncset.done $0x0  }
0x47: {  	[sflag:s13] =	ssyncadd.s32 $0xFFFFE000  }
0x48: {  	_ =	swait.ge [sflag:s14], $0x2800  }
0x49: {  	[sflag:s14] =	ssyncset.done $0x0  }
0x4a: {  	[sflag:s14] =	ssyncadd.s32 $0xFFFFD800  }
0x4b: {  	_ =	swait.ge [sflag:s15], $0x2000  }
0x4c: {  	[sflag:s15] =	ssyncset.done $0x0  }
0x4d: {  	[sflag:s15] =	ssyncadd.s32 $0xFFFFE000  }
0x4e: {  	_ =	swait.ge [sflag:s16], $0x2000  }
0x4f: {  	[sflag:s16] =	ssyncset.done $0x0  }
0x50: {  	[sflag:s16] =	ssyncadd.s32 $0xFFFFE000  }
0x51: {  	_ =	swait.ge [sflag:s17], $0x2800  }
0x52: {  	[sflag:s17] =	ssyncset.done $0x0  }
0x53: {  	s21 =	simm.s32 $0x8220;
	[sflag:s17] =	ssyncadd.s32 $0xFFFFD800  }
0x54: {  	s23 =	simm.s32 $0x0;
	v1 =	vld [tilespmem:s21+$0x20]  }
0x55: {  	v2 =	vld [tilespmem:s23+$0x200]  }
0x56: {  	v3 =	vld [tilespmem:s23+$0x4200];
	_ =	sdelay $0x2  }
0x57: {  	v1 =	vadd.f32 $0.0e+00, v1  }
0x58: {  	v5 =	vld [tilespmem:s21+$0xFFFFFFE0]  }
0x59: {  	v2 =	vadd.f32 v3, v2;
	v1 =	vbroadcast v1, $0x0  }
0x5a: {  	s24 =	simm.s32 $0x15220  }
0x5b: {  	v7 =	vld [tilespmem:s24+$0x20];
	v2 =	vmul.f32 v2, v1  }
0x5c: {  	v4 =	vld [tilespmem:s23+$0x11200]  }
0x5d: {  	v9 =	vld [tilespmem:s23+$0xD200];
	v2 =	vadd.f32 v2, v5;
	_ =	sdelay $0x1  }
0x5e: {  	v2 =	vmax.f32 v2, $0.0e+00  }
0x5f: {  	v7 =	vadd.f32 $0.0e+00, v7;
	[tilespmem:s23+$0x200] =	vst v2  }
0x60: {  	v2 =	vld [tilespmem:s24+$0xFFFFFFE0]  }
0x61: {  	v4 =	vadd.f32 v4, v9;
	v7 =	vbroadcast v7, $0x0;
	_ =	sdelay $0x1  }
0x62: {  	v4 =	vmul.f32 v4, v7  }
0x63: {  	v6 =	vld [tilespmem:s23+$0x4210]  }
0x64: {  	v56 =	vld [tilespmem:s23+$0x210];
	v2 =	vadd.f32 v4, v2;
	_ =	sdelay $0x1  }
0x65: {  	v2 =	vmax.f32 v2, $0.0e+00  }
0x66: {  	[tilespmem:s23+$0xD200] =	vst v2  }
0x67: {  	v2 =	vld [tilespmem:s21+$0xFFFFFFF0]  }
0x68: {  	v57 =	vadd.f32 v6, v56;
	_ =	sdelay $0x1  }
0x69: {  	v4 =	vmul.f32 v57, v1  }
0x6a: {  	v58 =	vld [tilespmem:s23+$0x11210]  }
0x6b: {  	v59 =	vld [tilespmem:s23+$0xD210];
	v2 =	vadd.f32 v4, v2;
	_ =	sdelay $0x1  }
0x6c: {  	v2 =	vmax.f32 v2, $0.0e+00  }
0x6d: {  	[tilespmem:s23+$0x210] =	vst v2  }
0x6e: {  	v2 =	vld [tilespmem:s24+$0xFFFFFFF0]  }
0x6f: {  	v60 =	vadd.f32 v58, v59;
	_ =	sdelay $0x1  }
0x70: {  	v4 =	vmul.f32 v60, v7  }
0x71: {  	v61 =	vld [tilespmem:s23+$0x220]  }
0x72: {  	v3 =	vld [tilespmem:s23+$0x4220];
	v2 =	vadd.f32 v4, v2;
	_ =	sdelay $0x1  }
0x73: {  	v2 =	vmax.f32 v2, $0.0e+00  }
0x74: {  	[tilespmem:s23+$0xD210] =	vst v2  }
0x75: {  	v2 =	vld [tilespmem:s21+$0x0]  }
0x76: {  	v3 =	vadd.f32 v3, v61;
	_ =	sdelay $0x1  }
0x77: {  	v3 =	vmul.f32 v3, v1  }
0x78: {  	v8 =	vld [tilespmem:s23+$0x11220]  }
0x79: {  	v62 =	vld [tilespmem:s23+$0xD220];
	v2 =	vadd.f32 v3, v2;
	_ =	sdelay $0x1  }
0x7a: {  	v2 =	vmax.f32 v2, $0.0e+00  }
0x7b: {  	[tilespmem:s23+$0x220] =	vst v2  }
0x7c: {  	v2 =	vld [tilespmem:s24+$0x0]  }
0x7d: {  	v3 =	vadd.f32 v8, v62;
	_ =	sdelay $0x1  }
0x7e: {  	v3 =	vmul.f32 v3, v7  }
0x7f: {  	v55 =	vld [tilespmem:s23+$0x4230]  }
0x80: {  	v63 =	vld [tilespmem:s23+$0x230];
	v2 =	vadd.f32 v3, v2;
	_ =	sdelay $0x1  }
0x81: {  	v2 =	vmax.f32 v2, $0.0e+00  }
0x82: {  	[tilespmem:s23+$0xD220] =	vst v2  }
0x83: {  	v2 =	vld [tilespmem:s21+$0x10]  }
0x84: {  	v3 =	vadd.f32 v55, v63;
	_ =	sdelay $0x1  }
0x85: {  	v1 =	vmul.f32 v3, v1  }
0x86: {  	v10 =	vld [tilespmem:s23+$0x11230]  }
0x87: {  	v3 =	vld [tilespmem:s23+$0xD230];
	v1 =	vadd.f32 v1, v2;
	_ =	sdelay $0x1  }
0x88: {  	v1 =	vmax.f32 v1, $0.0e+00  }
0x89: {  	[tilespmem:s23+$0x230] =	vst v1  }
0x8a: {  	v1 =	vld [tilespmem:s24+$0x10]  }
0x8b: {  	v2 =	vadd.f32 v10, v3;
	_ =	sdelay $0x1  }
0x8c: {  	v2 =	vmul.f32 v2, v7;
	_ =	sdelay $0x1  }
0x8d: {  	s25 =	simm.s32 $0x100;
	v1 =	vadd.f32 v2, v1  }
.LBB2_2:
0x8e: {  	_ = 	snop  }
0x8f: {  	p0 =	sne.s32 s25, $0xFF00;
	s21 =	sadd.s32 $0x50, s21;
	s24 =	sadd.s32 $0x50, s24;
	v1 =	vmax.f32 v1, $0.0e+00  }
0x90: {  	[tilespmem:s23+$0xD230] =	vst v1;
	s23 =	smov.u32 s25;
	s25 =	sadd.s32 $0x100, s25  }
0x91: {  	v1 =	vld [tilespmem:s21+$0x20];
	s23 =	sshra.s32 s23, $0x2  }
0x92: {  	v2 =	vld [tilespmem:s23+$0x200]  }
0x93: {  	v3 =	vld [tilespmem:s23+$0x4200]  }
0x94: {  	v4 =	vld [tilespmem:s23+$0x11200]  }
0x95: {  	v5 =	vld [tilespmem:s23+$0x4210]  }
0x96: {  	v1 =	vadd.f32 $0.0e+00, v1;
	v6 =	vld [tilespmem:s21+$0xFFFFFFE0]  }
0x97: {  	v7 =	vld [tilespmem:s23+$0x4220]  }
0x98: {  	v1 =	vbroadcast v1, $0x0;
	v2 =	vadd.f32 v3, v2;
	v3 =	vld [tilespmem:s23+$0x11220]  }
0x99: {  	v8 =	vld [tilespmem:s24+$0x20]  }
0x9a: {  	v2 =	vmul.f32 v2, v1;
	v9 =	vld [tilespmem:s23+$0x4230]  }
0x9b: {  	v10 =	vld [tilespmem:s23+$0xD200]  }
0x9c: {  	v2 =	vadd.f32 v2, v6;
	v6 =	vld [tilespmem:s23+$0x11230];
	_ =	sdelay $0x1  }
0x9d: {  	v8 =	vadd.f32 $0.0e+00, v8;
	v2 =	vmax.f32 v2, $0.0e+00  }
0x9e: {  	[tilespmem:s23+$0x200] =	vst v2  }
0x9f: {  	v2 =	vbroadcast v8, $0x0;
	v4 =	vadd.f32 v4, v10;
	v8 =	vld [tilespmem:s24+$0xFFFFFFE0];
	_ =	sdelay $0x1  }
0xa0: {  	v4 =	vmul.f32 v4, v2;
	_ =	sdelay $0x1  }
0xa1: {  	v10 =	vld [tilespmem:s23+$0x210]  }
0xa2: {  	v4 =	vadd.f32 v4, v8;
	_ =	sdelay $0x1  }
0xa3: {  	v4 =	vmax.f32 v4, $0.0e+00  }
0xa4: {  	[tilespmem:s23+$0xD200] =	vst v4  }
0xa5: {  	v4 =	vadd.f32 v5, v10;
	v5 =	vld [tilespmem:s21+$0xFFFFFFF0];
	_ =	sdelay $0x1  }
0xa6: {  	v4 =	vmul.f32 v4, v1  }
0xa7: {  	v8 =	vld [tilespmem:s23+$0x11210]  }
0xa8: {  	v10 =	vld [tilespmem:s23+$0xD210]  }
0xa9: {  	v4 =	vadd.f32 v4, v5;
	_ =	sdelay $0x1  }
0xaa: {  	v4 =	vmax.f32 v4, $0.0e+00  }
0xab: {  	[tilespmem:s23+$0x210] =	vst v4  }
0xac: {  	v4 =	vadd.f32 v8, v10;
	v5 =	vld [tilespmem:s24+$0xFFFFFFF0];
	_ =	sdelay $0x1  }
0xad: {  	v4 =	vmul.f32 v4, v2;
	_ =	sdelay $0x1  }
0xae: {  	v8 =	vld [tilespmem:s23+$0x220]  }
0xaf: {  	v4 =	vadd.f32 v4, v5;
	_ =	sdelay $0x1  }
0xb0: {  	v4 =	vmax.f32 v4, $0.0e+00  }
0xb1: {  	[tilespmem:s23+$0xD210] =	vst v4  }
0xb2: {  	v4 =	vadd.f32 v7, v8;
	v5 =	vld [tilespmem:s21+$0x0];
	_ =	sdelay $0x1  }
0xb3: {  	v4 =	vmul.f32 v4, v1;
	_ =	sdelay $0x1  }
0xb4: {  	v7 =	vld [tilespmem:s23+$0xD220]  }
0xb5: {  	v4 =	vadd.f32 v4, v5;
	_ =	sdelay $0x1  }
0xb6: {  	v4 =	vmax.f32 v4, $0.0e+00  }
0xb7: {  	[tilespmem:s23+$0x220] =	vst v4  }
0xb8: {  	v3 =	vadd.f32 v3, v7;
	v4 =	vld [tilespmem:s24+$0x0];
	_ =	sdelay $0x1  }
0xb9: {  	v3 =	vmul.f32 v3, v2;
	_ =	sdelay $0x1  }
0xba: {  	v5 =	vld [tilespmem:s23+$0x230]  }
0xbb: {  	v3 =	vadd.f32 v3, v4;
	_ =	sdelay $0x1  }
0xbc: {  	v3 =	vmax.f32 v3, $0.0e+00  }
0xbd: {  	[tilespmem:s23+$0xD220] =	vst v3  }
0xbe: {  	v3 =	vadd.f32 v9, v5;
	v4 =	vld [tilespmem:s21+$0x10];
	_ =	sdelay $0x1  }
0xbf: {  	v1 =	vmul.f32 v3, v1;
	_ =	sdelay $0x1  }
0xc0: {  	v3 =	vld [tilespmem:s23+$0xD230]  }
0xc1: {  	v1 =	vadd.f32 v1, v4;
	_ =	sdelay $0x1  }
0xc2: {  	v1 =	vmax.f32 v1, $0.0e+00  }
0xc3: {  	[tilespmem:s23+$0x230] =	vst v1  }
0xc4: {  	v1 =	vadd.f32 v6, v3;
	v3 =	vld [tilespmem:s24+$0x10]  }
.Ltmp0:
0xc5: {  	(pc) =	sbr.rel @p0 .LBB2_2-.Ltmp0, $2  }
0xc6: {  	v1 =	vmul.f32 v1, v2;
	_ =	sdelay $0x2  }
0xc7: {  	v1 =	vadd.f32 v1, v3  }
0xc8: {  	_ = 	snop  }
0xc9: {  	v1 =	vmax.f32 v1, $0.0e+00  }
0xca: {  	s21 =	simm.s32 $0x0;
	[tilespmem:s23+$0xD230] =	vst v1  }
0xcb: {  	v1 =	vld [tilespmem:s21+$0xD200]  }
0xcc: {  	v2 =	vld [tilespmem:s21+$0x200]  }
0xcd: {  	v3 =	vld [tilespmem:s21+$0x210]  }
0xce: {  	v4 =	vld [tilespmem:s21+$0xD210]  }
0xcf: {  	v5 =	vld [tilespmem:s21+$0x220]  }
0xd0: {  	v6 =	vld [tilespmem:s21+$0xD220]  }
0xd1: {  	v7 =	vld [tilespmem:s21+$0x230]  }
0xd2: {  	v8 =	vld [tilespmem:s21+$0xD230];
	_ =	sdelay $0x3  }
0xd3: {  	v1 =	vmul.f32 v1, v2;
	v2 =	vmul.f32 v4, v3  }
0xd4: {  	v3 =	vmul.f32 v6, v5;
	v4 =	vmul.f32 v8, v7;
	_ =	sdelay $0x1  }
0xd5: {  	v1 =	vadd.f32 v2, v1;
	v2 =	vadd.f32 v4, v3;
	_ =	sdelay $0x1  }
0xd6: {  	v1 =	vadd.f32 v2, v1;
	_ =	sdelay $0x1  }
0xd7: {  	(xrf2) =	vadd.scan.msk.f32 $0xffff, v1;
	_ =	sdelay $0x9  }
0xd8: {  	s21 =	simm.s32 $0x1A200;
	v1, _, _ =	vpop (xrf2)  }
0xd9: {  	s25 =	simm.s32 $0x40;
	[tilespmem:s21+$0x0] =	vst v1  }
0xda: {  	v1 =	vld [tilespmem:s25+$0xD200]  }
0xdb: {  	v2 =	vld [tilespmem:s25+$0x200]  }
0xdc: {  	v3 =	vld [tilespmem:s25+$0x210]  }
0xdd: {  	v4 =	vld [tilespmem:s25+$0xD210]  }
0xde: {  	v5 =	vld [tilespmem:s25+$0x220]  }
0xdf: {  	v6 =	vld [tilespmem:s25+$0xD220]  }
0xe0: {  	s24 =	simm.s32 $0x200;
	s23 =	simm.s32 $0x0;
	v7 =	vld [tilespmem:s25+$0x230]  }
.LBB2_4:
0xe1: {  	p0 =	sne.s32 s24, $0xFF00;
	v8 =	vld [tilespmem:s25+$0xD230];
	_ =	sdelay $0x3  }
0xe2: {  	v1 =	vmul.f32 v1, v2;
	v2 =	vmul.f32 v4, v3  }
0xe3: {  	v3 =	vmul.f32 v6, v5;
	v4 =	vmul.f32 v8, v7;
	_ =	sdelay $0x1  }
0xe4: {  	v1 =	vadd.f32 v2, v1;
	v2 =	vadd.f32 v4, v3;
	_ =	sdelay $0x1  }
0xe5: {  	v1 =	vadd.f32 v2, v1;
	_ =	sdelay $0x1  }
0xe6: {  	(xrf2) =	vadd.scan.msk.f32 $0xffff, v1;
	_ =	sdelay $0x9  }
0xe7: {  	s21 =	sadd.s32 $0x10, s21;
	v1, _, _ =	vpop (xrf2)  }
0xe8: {  	s25 =	sshra.s32 s24, $0x2;
	[tilespmem:s21+$0x0] =	vst v1  }
0xe9: {  	v1 =	vld [tilespmem:s25+$0xD200]  }
0xea: {  	v2 =	vld [tilespmem:s25+$0x200]  }
.Ltmp1:
0xeb: {  	v3 =	vld [tilespmem:s25+$0x210];
	(pc) =	sbr.rel @p0 .LBB2_4-.Ltmp1, $4  }
0xec: {  	v4 =	vld [tilespmem:s25+$0xD210]  }
0xed: {  	v5 =	vld [tilespmem:s25+$0x220]  }
0xee: {  	v6 =	vld [tilespmem:s25+$0xD220]  }
0xef: {  	s24 =	sadd.s32 $0x100, s24;
	v7 =	vld [tilespmem:s25+$0x230]  }
0xf0: {  	v8 =	vld [tilespmem:s25+$0xD230];
	_ =	sdelay $0x3  }
0xf1: {  	v1 =	vmul.f32 v1, v2;
	v2 =	vmul.f32 v4, v3  }
0xf2: {  	v3 =	vmul.f32 v6, v5;
	v63 =	vmul.f32 v8, v7;
	_ =	sdelay $0x1  }
0xf3: {  	v1 =	vadd.f32 v2, v1;
	v2 =	vadd.f32 v63, v3;
	_ =	sdelay $0x1  }
0xf4: {  	v1 =	vadd.f32 v2, v1;
	_ =	sdelay $0x1  }
0xf5: {  	(xrf2) =	vadd.scan.msk.f32 $0xffff, v1;
	_ =	sdelay $0x3  }
0xf6: {  	v1 =	vmov s23  }
0xf7: {  	v1 =	vshll.u32 v1, $0x4  }
0xf8: {  	v1 =	vor.u32 v0, v1  }
0xf9: {  	v1 =	vor.u32 $0xF, v1;
	_ =	sdelay $0x2  }
0xfa: {  	s21 =	sadd.s32 $0x10, s21;
	v2, _, _ =	vpop (xrf2)  }
0xfb: {  	[tilespmem:s21+$0x0] =	vst v2  }
0xfc: {  	v1 =	vld.idx.msk [tilespmem:v1+s18+$0x0], $0xffff;
	_ =	sdelay $0x4  }
0xfd: {  	v1 =	vsub.f32 $0.0e+00, v1;
	_ =	sdelay $0x1  }
0xfe: {  	v1 =	vmul.f32 $1.442695020e+00, v1;
	_ =	sdelay $0x1  }
0xff: {  	(erf) = vpow2.f32 v1;
	_ =	sdelay $0x8  }
0x100: {  	v1 =	vpop (erf)  }
0x101: {  	v1 =	vadd.f32 $1.000000000e+00, v1;
	_ =	sdelay $0x1  }
0x102: {  	(erf) = vrcp.f32 v1;
	_ =	sdelay $0x1  }
0x103: {  	s24 =	simm.s32 $0x10  }
0x104: {  	v1 =	vmov s24  }
0x105: {  	v1 =	vshll.u32 v1, $0x4  }
0x106: {  	v1 =	vor.u32 v0, v1  }
0x107: {  	v1 =	vor.u32 $0xF, v1;
	_ =	sdelay $0x2  }
0x108: {  	s21 =	simm.s32 $0x1B200;
	v2 =	vpop (erf)  }
0x109: {  	[tilespmem:s21+$0x0] =	vst v2  }
0x10a: {  	v1 =	vld.idx.msk [tilespmem:v1+s18+$0x0], $0xffff;
	_ =	sdelay $0x4  }
0x10b: {  	v1 =	vsub.f32 $0.0e+00, v1;
	_ =	sdelay $0x1  }
0x10c: {  	v1 =	vmul.f32 $1.442695020e+00, v1;
	_ =	sdelay $0x1  }
0x10d: {  	(erf) = vpow2.f32 v1;
	_ =	sdelay $0x8  }
0x10e: {  	v1 =	vpop (erf)  }
0x10f: {  	v1 =	vadd.f32 $1.000000000e+00, v1;
	_ =	sdelay $0x1  }
0x110: {  	(erf) = vrcp.f32 v1;
	_ =	sdelay $0x1  }
0x111: {  	s25 =	simm.s32 $0x20  }
0x112: {  	s23 =	simm.s32 $0x30;
	v1 =	vmov s25  }
.LBB2_6:
0x113: {  	p0 =	sne.s32 s23, $0xF0;
	v1 =	vshll.u32 v1, $0x4  }
0x114: {  	v1 =	vor.u32 v0, v1  }
0x115: {  	v1 =	vor.u32 $0xF, v1;
	_ =	sdelay $0x2  }
0x116: {  	s21 =	sadd.s32 $0x10, s21;
	v2 =	vpop (erf)  }
0x117: {  	[tilespmem:s21+$0x0] =	vst v2  }
0x118: {  	v1 =	vld.idx.msk [tilespmem:v1+s18+$0x0], $0xffff;
	_ =	sdelay $0x5  }
0x119: {  	v1 =	vsub.f32 $0.0e+00, v1;
	_ =	sdelay $0x1  }
0x11a: {  	v1 =	vmul.f32 $1.442695020e+00, v1;
	_ =	sdelay $0x1  }
0x11b: {  	(erf) = vpow2.f32 v1;
	_ =	sdelay $0x8  }
0x11c: {  	v1 =	vpop (erf)  }
0x11d: {  	v1 =	vadd.f32 $1.000000000e+00, v1  }
.Ltmp2:
0x11e: {  	(pc) =	sbr.rel @p0 .LBB2_6-.Ltmp2, $2  }
0x11f: {  	(erf) = vrcp.f32 v1;
	_ =	sdelay $0x2  }
0x120: {  	v1 =	vmov s23;
	s23 =	sadd.s32 $0x10, s23  }
0x121: {  	v1 =	vshll.u32 v1, $0x4  }
0x122: {  	v1 =	vor.u32 v0, v1  }
0x123: {  	v1 =	vor.u32 $0xF, v1;
	_ =	sdelay $0x2  }
0x124: {  	s21 =	sadd.s32 $0x10, s21;
	v2 =	vpop (erf)  }
0x125: {  	[tilespmem:s21+$0x0] =	vst v2  }
0x126: {  	v1 =	vld.idx.msk [tilespmem:v1+s18+$0x0], $0xffff;
	_ =	sdelay $0x4  }
0x127: {  	v1 =	vsub.f32 $0.0e+00, v1;
	_ =	sdelay $0x1  }
0x128: {  	v1 =	vmul.f32 $1.442695020e+00, v1;
	_ =	sdelay $0x1  }
0x129: {  	(erf) = vpow2.f32 v1;
	_ =	sdelay $0x8  }
0x12a: {  	v1 =	vpop (erf)  }
0x12b: {  	v1 =	vadd.f32 $1.000000000e+00, v1;
	_ =	sdelay $0x1  }
0x12c: {  	(erf) = vrcp.f32 v1;
	_ =	sdelay $0x7  }
0x12d: {  	s20 =	sadd.s32 $0x1, s20  }
0x12e: {  	p0 =	sne.s32 s20, s9;
	s21 =	sadd.s32 $0x10, s21;
	v1 =	vpop (erf)  }
.Ltmp3:
0x12f: {  	[tilespmem:s21+$0x0] =	vst v1;
	(pc) =	sbr.rel @p0 .LBB2_1-.Ltmp3, $4  }
0x130: {  	[hbm4b:s8+s1] =	stream.linear.scatter [tilespmem:s19], [sflag:$0xD], $0x100, $0x38;
	[tilespmem:$0x1B300] =	vst v63  }
0x131: {  	_ =	swait.ge [sflag:s10], $0x100  }
0x132: {  	[sflag:s10] =	ssyncset.done $0x0  }
0x133: {  	[sflag:s10] =	ssyncadd.s32 $0xFFFFFF00  }
0x134: {  	_ =	sfence.sel $0x180000  }
0x135: {  	[bflag:$0x0] =	sbarrier.arrive $0xFFFF  }
0x136: {  	_ =	strace $0x9000004D  }
0x137: {  	s0 =	stileid.u32;
	[bflag:$0x2] =	sbarrier.arrive $0xFFFF  }
0x138: {  	p0 =	sne.s32 s0, $0x0;
	s0 =	rddreg [dreg:$0x4]  }
0x139: {  	s0 =	sadd.s32 @!p0 $0x100000, s0  }
0x13a: {  	[sflag:s0] =	ssyncadd.tile.s32 @!p0 $0x1;
	_ =	shalt  }
.Lfunc_end2:
_tile_overlayer_lowered:
.L_overlay_start_2:
0x13b: {  	(tag) =	ssettag $0x2  }
0x13c: {  	s0 =	rddreg [dreg:$0x0];
	s2 =	stileid.u32  }
0x13d: {  	s1 =	rddreg [dreg:$0x1];
	p0 =	sne.s32 s2, $0x0  }
0x13e: {  	s3 =	rddreg [dreg:$0x2];
	[bflag:$0x3] =	sbarrier.arrive $0xFFFF;
	s2 =	simm.s32 @!p0 $0x1C0D  }
0x13f: {  	[timem:s3], [sflag:s2] =	dma.local @!p0 [hbm:s0], s1  }
0x140: {  	s0 =	simm.s32 @!p0 $0xD  }
0x141: {  	_ =	swait.ge @!p0 [sflag:s0], s1  }
0x142: {  	s1 =	ssub.s32 @!p0 $0x0, s1;
	[sflag:s0] =	ssyncset.done @!p0 $0x0  }
0x143: {  	[sflag:s0] =	ssyncadd.s32 @!p0 s1  }
0x144: {  	[bflag:$0x3] =	sbarrier.arrive $0xFFFF  }
0x145: {  	_ =	shalt  }

// kernel: kernel.7.cloned.1.call-start
scs
__scs_entry_jumppad:
0x0: {  	(pc) =	sbr.rel $0x88, $3  }
0x1: {  	(tag) =	ssettag $0x0;
	lr =	simm.s32 $0x1  }
0x2: {  	[smem:$0x3F97] =	sst lr;
	_ =	strace $0xD0000000  }
0x3: {  	_ = 	snop  }
0x4: {  	_ = 	snop  }
0x5: {  	_ = 	snop  }
0x6: {  	_ = 	snop  }
0x7: {  	_ = 	snop  }
__scs_overlays_trampoline_lowered:
0x8: {  	[smem:$0x3FA6] =	sst s0  }
0x9: {  	[smem:$0x3FA7] =	sst s1  }
0xa: {  	[smem:$0x3FA8] =	sst s2  }
0xb: {  	[smem:$0x3FA9] =	sst s3  }
0xc: {  	[smem:$0x3FAA] =	sst s4  }
0xd: {  	[smem:$0x3FAB] =	sst s5  }
0xe: {  	[smem:$0x3FAC] =	sst s6  }
0xf: {  	[smem:$0x3FAD] =	sst s7  }
0x10: {  	[smem:$0x3FAE] =	sst s8  }
0x11: {  	[smem:$0x3FAF] =	sst s9;
	s0 =	simm.s32 @!p0 $0x0  }
0x12: {  	s1 =	sld [smem:$0x3F95];
	s0 =	simm.s32 @p0 $0x1  }
0x13: {  	[smem:$0x3FB0] =	sst s0;
	s0 =	simm.s32 @!p1 $0x0  }
0x14: {  	s2 =	sld [smem:$0x3F94];
	s0 =	simm.s32 @p1 $0x1  }
0x15: {  	[smem:$0x3FB1] =	sst s0;
	s0 =	simm.s32 @!p2 $0x0  }
0x16: {  	s3 =	sld [smem:$0x3FDB];
	s0 =	simm.s32 @p2 $0x1  }
0x17: {  	s4 =	simm.s32 $0x1BF5;
	[smem:$0x3FB3] =	sst s0  }
0x18: {  	s0 =	sld [smem:$0x3F96];
	_ =	swait.ge [sflag:s4], $0x0  }
0x19: {  	s7 =	sld [smem:$0x3F97]  }
0x1a: {  	s8 =	sadd.s32 $0xFFFFE003, lr  }
0x1b: {  	s9 =	sadd.s32 $0xFFFFFEF7, lr;
	s5 =	simm.s32 $0xFFFFFFFF;
	p2 =	slt.u32 s8, $0xFFFFF086  }
0x1c: {  	p1 =	slt.u32 s9, $0xF7A;
	s5 =	simm.s32 @!p2 $0x0  }
0x1d: {  	s5 =	simm.s32 @p1 $0x1;
	p0 =	seq.s32 s7, s2  }
0x1e: {  	s7 =	smul.u32 @!p0 $0xF7A, s2;
	p2 =	seq.s32 @!p0 s5, $0x0  }
0x1f: {  	s9 =	smul.u32 $0xF7A, s1;
	s8 =	simm.s32 @!p0 $0x1BF5;
	p2 =	por !p2, p0  }
0x20: {  	[sflag:s8] =	ssyncset.s32 @!p0 $0xFFFFF086;
	s6 =	sadd.s32 @!p0 s3, s7;
	s7 =	simm.s32 @!p0 $0x108  }
0x21: {  	s3 =	sadd.s32 s3, s9;
	s6 =	sadd.s32 @!p0 $0x88, s6;
	s7 =	simm.s32 @p2 $0x1082  }
0x22: {  	[simem:s7], [sflag:s8] =	dma.local @!p0 [hbm:s6], $0xF7A  }
0x23: {  	s9 =	sor.u32 $0xD0000000, s2;
	s6 =	simm.s32 $0x108;
	_ =	swait.ge @!p0 [sflag:s8], $0x0  }
0x24: {  	s3 =	sadd.s32 $0x88, s3;
	s6 =	simm.s32 @!p1 $0x1082;
	[sflag:s4] =	ssyncset.s32 $0xFFFFF086  }
0x25: {  	[simem:s6], [sflag:s4] =	dma.local [hbm:s3], $0xF7A  }
0x26: {  	[smem:$0x3F97] =	sst s1;
	(tag) =	ssettag s2;
	_ =	strace s9  }
0x27: {  	s1 =	sld [smem:$0x3FA7]  }
0x28: {  	s2 =	sld [smem:$0x3FA8]  }
0x29: {  	s4 =	sld [smem:$0x3FAA]  }
0x2a: {  	p0 =	seq.s32 s5, $0x0;
	s5 =	sld [smem:$0x3FAB]  }
0x2b: {  	s6 =	sld [smem:$0x3FAC]  }
0x2c: {  	s7 =	sld [smem:$0x3FAD]  }
0x2d: {  	s3 =	simm.s32 $0x108;
	s8 =	sld [smem:$0x3FAE]  }
0x2e: {  	s3 =	simm.s32 @!p0 $0x1082;
	s9 =	sld [smem:$0x3FAF]  }
0x2f: {  	lr =	sadd.s32 s0, s3;
	s0 =	sld [smem:$0x3FA6]  }
0x30: {  	s3 =	sld [smem:$0x3FA9]  }
0x31: {  	[smem:$0x3FB2] =	sst s10  }
0x32: {  	s10 =	sld [smem:$0x3FB0];
	_ =	sdelay $0x3  }
0x33: {  	p0 =	seq.s32 s10, $0x1;
	s10 =	sld [smem:$0x3FB2];
	_ =	sdelay $0x3  }
0x34: {  	[smem:$0x3FB2] =	sst s10  }
0x35: {  	s10 =	sld [smem:$0x3FB1];
	_ =	sdelay $0x3  }
0x36: {  	p1 =	seq.s32 s10, $0x1;
	s10 =	sld [smem:$0x3FB2];
	_ =	sdelay $0x3  }
0x37: {  	[smem:$0x3FB2] =	sst s10  }
0x38: {  	s10 =	sld [smem:$0x3FB3]  }
0x39: {  	_ = 	snop;
	(pc) =	sbr.ind lr, $3  }
0x3a: {  	_ = 	snop  }
0x3b: {  	_ = 	snop  }
0x3c: {  	p2 =	seq.s32 s10, $0x1;
	s10 =	sld [smem:$0x3FB2]  }
0x3d: {  	_ =	shalt  }
0x3e: {  	_ =	shalt  }
0x3f: {  	_ =	shalt  }
0x40: {  	_ =	shalt  }
0x41: {  	_ =	shalt  }
0x42: {  	_ =	shalt  }
0x43: {  	_ =	shalt  }
0x44: {  	_ =	shalt  }
0x45: {  	_ =	shalt  }
0x46: {  	_ =	shalt  }
0x47: {  	_ =	shalt  }
0x48: {  	_ =	shalt  }
0x49: {  	_ =	shalt  }
0x4a: {  	_ =	shalt  }
0x4b: {  	_ =	shalt  }
0x4c: {  	_ =	shalt  }
0x4d: {  	_ =	shalt  }
0x4e: {  	_ =	shalt  }
0x4f: {  	_ =	shalt  }
0x50: {  	_ =	shalt  }
0x51: {  	_ =	shalt  }
0x52: {  	_ =	shalt  }
0x53: {  	_ =	shalt  }
0x54: {  	_ =	shalt  }
0x55: {  	_ =	shalt  }
0x56: {  	_ =	shalt  }
0x57: {  	_ =	shalt  }
0x58: {  	_ =	shalt  }
0x59: {  	_ =	shalt  }
0x5a: {  	_ =	shalt  }
0x5b: {  	_ =	shalt  }
0x5c: {  	_ =	shalt  }
0x5d: {  	_ =	shalt  }
0x5e: {  	_ =	shalt  }
0x5f: {  	_ =	shalt  }
0x60: {  	_ =	shalt  }
0x61: {  	_ =	shalt  }
0x62: {  	_ =	shalt  }
0x63: {  	_ =	shalt  }
0x64: {  	_ =	shalt  }
0x65: {  	_ =	shalt  }
0x66: {  	_ =	shalt  }
0x67: {  	_ =	shalt  }
0x68: {  	_ =	shalt  }
0x69: {  	_ =	shalt  }
0x6a: {  	_ =	shalt  }
0x6b: {  	_ =	shalt  }
0x6c: {  	_ =	shalt  }
0x6d: {  	_ =	shalt  }
0x6e: {  	_ =	shalt  }
0x6f: {  	_ =	shalt  }
0x70: {  	_ =	shalt  }
0x71: {  	_ =	shalt  }
0x72: {  	_ =	shalt  }
0x73: {  	_ =	shalt  }
0x74: {  	_ =	shalt  }
0x75: {  	_ =	shalt  }
0x76: {  	_ =	shalt  }
0x77: {  	_ =	shalt  }
0x78: {  	_ =	shalt  }
0x79: {  	_ =	shalt  }
0x7a: {  	_ =	shalt  }
0x7b: {  	_ =	shalt  }
0x7c: {  	_ =	shalt  }
0x7d: {  	_ =	shalt  }
0x7e: {  	_ =	shalt  }
0x7f: {  	_ =	shalt  }
0x80: {  	_ =	shalt  }
0x81: {  	_ =	shalt  }
0x82: {  	_ =	shalt  }
0x83: {  	_ =	shalt  }
0x84: {  	_ =	shalt  }
0x85: {  	_ =	shalt  }
0x86: {  	_ =	shalt  }
0x87: {  	_ =	shalt  }
.Lfunc_end0:
.L_simem_size_0:
called_computation_lowered:
.L_overlay_start_0:
0x88: {  	s2 =	sld [smem:$0x3FD9]  }
0x89: {  	s3 =	sld [smem:$0x3FFE];
	_ =	sdelay $0x1  }
0x8a: {  	s1 =	srdreg.scid  }
0x8b: {  	s0 =	sand.u32 $0x1, s1  }
0x8c: {  	s16 =	sshll.u32 s0, $0xA;
	s2 =	sadd.s32 s3, s2  }
0x8d: {  	s2 =	sadd.s32 s2, s16  }
0x8e: {  	[smem:$0x3FBE] =	sst s2  }
0x8f: {  	_ = 	snop  }
0x90: {  	(tm) =	ssettm $0x1  }
0x91: {  	s17 =	sld [smem:$0x3FFB];
	_ =	sdelay $0x3  }
0x92: {  	_ =	strace s17  }
0x93: {  	s2 =	sld [smem:$0x3FFC];
	_ =	sdelay $0x3  }
0x94: {  	_ =	strace s2  }
0x95: {  	s2 =	sld [smem:$0x3FFD];
	_ =	sdelay $0x3  }
0x96: {  	_ =	strace s2  }
0x97: {  	_ =	strace $0x8FFFFFFF  }
0x98: {  	s18 =	sld [smem:$0x3FDB];
	_ =	sdelay $0x1  }
0x99: {  	s19 =	simm.s32 $_scs_section_size  }
0x9a: {  	s4 =	simm.s32 $_size__tile_overlayer_lowered;
	s5 =	simm.s32 $_tile_overlayer_lowered  }
0x9b: {  	s22 =	simm.s32 $0x1BFF;
	s21 =	sshll.u32 s5, $0x1;
	s2 =	sadd.s32 s19, s18  }
0x9c: {  	s6 =	simm.s32 $0x0;
	s20 =	sshll.u32 s4, $0x1;
	s4 =	sadd.s32 s21, s2  }
0x9d: {  	[timem:s6], [sflag:s22] =	dma.local [hbm:s4], s20  }
0x9e: {  	_ =	swait.ge [sflag:s22], s20  }
0x9f: {  	s3 =	ssub.s32 $0x0, s20;
	[sflag:s22] =	ssyncset.done $0x0  }
0xa0: {  	[sflag:s22] =	ssyncadd.s32 s3;
	_ =	sdelay $0x1  }
0xa1: {  	s23 =	simm.s32 $0x1B8B  }
0xa2: {  	_ =	swait.ge [sflag:s23], $0x1  }
0xa3: {  	[sflag:s23] =	ssyncset.done $0x0  }
0xa4: {  	s25 =	simm.s32 $0x1B8E;
	s24 =	sld [smem:$0x3FFE];
	[sflag:s23] =	ssyncadd.s32 $0xFFFFFFFF  }
0xa5: {  	s26 =	simm.s32 $execute0_lowered;
	[smem:$0x3FD2] =	sst s25  }
0xa6: {  	s4 =	sshll.u32 s26, $0x1;
	_ =	strace $0x80000046;
	[dreg:$0x1] =	wrdreg $0xFFFFFFFF  }
0xa7: {  	s28 =	simm.s32 $_size_execute0_lowered;
	s2 =	sadd.s32 s2, s4;
	[dreg:$0x0] =	wrdreg $0x0  }
0xa8: {  	s4 =	sshll.u32 s28, $0x1;
	[dreg:$0x2] =	wrdreg s2  }
0xa9: {  	[dreg:$0x3] =	wrdreg s4  }
0xaa: {  	[dreg:$0x4] =	wrdreg $0xC0  }
0xab: {  	_ =	task [dreg:s6], $0x5FFFF  }
0xac: {  	[dreg:$0x1] =	wrdreg $0xFFFFFFFF  }
0xad: {  	[dreg:$0x0] =	wrdreg $0x60  }
0xae: {  	[dreg:$0x2] =	wrdreg s24  }
0xaf: {  	[dreg:$0x3] =	wrdreg $0xB2200  }
0xb0: {  	[dreg:$0x4] =	wrdreg $0x17F200  }
0xb1: {  	[dreg:$0x5] =	wrdreg $0x9  }
0xb2: {  	_ =	task.clear_ibuf [dreg:s6], $0x6FFFF;
	_ =	strace $0x90000046  }
0xb3: {  	s29 =	simm.s32 $0x9;
	_ =	strace $0x80000048  }
0xb4: {  	_ =	swait.ge [sflag:s29], $0x1  }
0xb5: {  	[sflag:s29] =	ssyncadd.s32 $0xFFFFFFFF  }
0xb6: {  	_ =	strace $0x90000048  }
0xb7: {  	_ =	sfence  }
0xb8: {  	s30 =	sld [smem:$0x0];
	_ =	sdelay $0x2  }
0xb9: {  	s31 =	sshll.u32 s1, $0xD;
	s1 =	sshrl.u32 s1, $0x2  }
0xba: {  	s3 =	sand.u32 $0x4000, s31;
	s1 =	sadd.s32 s1, s30  }
0xbb: {  	s0 =	sor.u32 s3, s0;
	s1 =	sshll.u32 s1, $0x11  }
0xbc: {  	s0 =	sor.u32 s1, s0  }
0xbd: {  	s0 =	sadd.s32 $0x8F2B, s0  }
0xbe: {  	[sflag:s0] =	ssyncadd.remote.s32 $0x1  }
0xbf: {  	_ =	sfence.sel $0xFFFF  }
0xc0: {  	[dreg:$0x0] =	wrdreg $0xFFFFFFFF;
	(pc) =	sbr.abs _section_cstart, $3  }
0xc1: {  	[dreg:$0x1] =	wrdreg $0xFFFFFFFF  }
0xc2: {  	_ =	task.clear_ibuf [dreg:s6], $0x2FFFF;
	_ =	strace $0x9FFFFFFF  }
0xc3: {  	(tm) =	ssettm $0x7FFFFFFF  }
tec
execute0_lowered:
.L_overlay_start_1:
0x0: {  	(tag) =	ssettag $0x1  }
0x1: {  	s0 =	rddreg [dreg:$0x0]  }
0x2: {  	s1 =	rddreg [dreg:$0x1];
	s2 =	srdreg.scid  }
0x3: {  	s3 =	rddreg [dreg:$0x2];
	s14 =	stileid.u32  }
0x4: {  	s5 =	simm.s32 $0x0;
	s15 =	simm.s32 $0xB;
	s18 =	simm.s32 $0x50  }
0x5: {  	s19 =	simm.s32 $0x4E20;
	s20 =	simm.s32 $0x6220;
	s22 =	simm.s32 $0x7620  }
0x6: {  	s28 =	simm.s32 $0x1;
	s29 =	simm.s32 $0x15220;
	s30 =	simm.s32 $0x2  }
0x7: {  	s31 =	simm.s32 $0x3;
	s16 =	simm.s32 $0x6;
	s17 =	simm.s32 $0x7  }
0x8: {  	s21 =	simm.s32 $0x8;
	s2 =	sand.u32 $0x1, s2;
	s6 =	smul.u32 $0xA000, s14  }
0x9: {  	[smem:$0x7FF] =	sst s5;
	s5 =	sadd.s32 $0x15C00, s0;
	s9 =	sadd.s32 $0x52200, s0  }
0xa: {  	s11 =	sadd.s32 $0x3E200, s0;
	s13 =	sadd.s32 $0x3D600, s0;
	s23 =	sshll.u32 s14, $0x6  }
0xb: {  	s4 =	sshll.u32 s2, $0x4;
	_ =	strace $0x80000047;
	s10 =	ssub.s32 $0x2, s2  }
0xc: {  	p0 =	seq.s32 s2, $0x1;
	s2 =	simm.s32 $0x5;
	s4 =	sor.u32 s14, s4  }
0xd: {  	s8 =	sshrl.u32 s6, $0x3;
	s12 =	sshrl.u32 s10, $0x1;
	s6 =	sadd.s32 s6, s1  }
0xe: {  	s14 =	smul.u32 $0x280, s14;
	s9 =	smov.u32 @p0 s11;
	s7 =	sadd.s32 s8, s0  }
0xf: {  	s4 =	smul.u32 $0x4E2, s4;
	s12 =	ssub.s32 s10, s12;
	s7 =	sadd.s32 $0x29600, s7  }
0x10: {  	s10 =	sadd.s32 s14, s3;
	s25 =	sshrl.u32 s14, $0x3;
	s26 =	smax.u32 s12, $0x1  }
0x11: {  	s12 =	sadd.s32 s9, s8;
	s14 =	sshrl.u32 s6, $0x3;
	s6 =	simm.s32 $0x0  }
0x12: {  	s4 =	sadd.s32 s4, s0;
	s0 =	sadd.s32 $0x3DC00, s0;
	[dreg:$0x4] =	wrdreg s7  }
.Ltmp0:
0x13: {  	s7 =	sor.u32 $0x1C0B, s23;
	[dreg:$0x7] =	wrdreg s26;
	(pc) =	sbr.rel .LBB2_1-.Ltmp0, $4  }
0x14: {  	s26 =	simm.s32 $0x9E20;
	s23 =	simm.s32 $0x9;
	s24 =	sadd.s32 $0xBE00, s4  }
0x15: {  	s4 =	sadd.s32 $0x2000, s4;
	s13 =	smov.u32 @p0 s0;
	[dreg:$0x5] =	wrdreg s24  }
0x16: {  	s0 =	simm.s32 $0x4;
	[dreg:$0x6] =	wrdreg s4;
	s13 =	sadd.s32 s13, s25  }
0x17: {  	v0 =	vimm.f32 $0.0e+00;
	v1 =	vlaneseq.u32;
	v2 =	vimm.f32 $1.000000000e+00;
	s24 =	simm.s32 $0x8A20;
	s25 =	simm.s32 $0xA;
	s4 =	simm.s32 $0x80  }
.LBB2_8:
0x18: {  	_ =	swait.ge [sflag:s17], $0x1400  }
0x19: {  	[sflag:s17] =	ssyncset.done $0x0  }
0x1a: {  	[sflag:s17] =	ssyncadd.s32 $0xFFFFEC00  }
0x1b: {  	_ =	swait.ge [sflag:s21], $0x1400  }
0x1c: {  	[sflag:s21] =	ssyncset.done $0x0  }
0x1d: {  	[sflag:s21] =	ssyncadd.s32 $0xFFFFEC00  }
0x1e: {  	_ =	swait.ge [sflag:s23], $0x1400  }
0x1f: {  	[sflag:s23] =	ssyncset.done $0x0  }
0x20: {  	[sflag:s23] =	ssyncadd.s32 $0xFFFFEC00  }
0x21: {  	_ =	swait.ge [sflag:s25], $0x1400  }
0x22: {  	[sflag:s25] =	ssyncset.done $0x0  }
0x23: {  	s8 =	simm.s32 $0x17A20;
	[sflag:s25] =	ssyncadd.s32 $0xFFFFEC00  }
0x24: {  	[spmem:s3] =	stream.indirect.scatter.add.f32 [tilespmem:s29], [sflag:$0xB], $0x10, s8, s4, $0xb8;
	[tilespmem:$0x181A0] =	vst v63  }
0x25: {  	_ =	swait.ge [sflag:s15], $0x800  }
0x26: {  	[sflag:s15] =	ssyncset.done $0x0  }
0x27: {  	s11 =	simm.s32 $0x17AA0;
	s9 =	simm.s32 $0x15A20;
	[sflag:s15] =	ssyncadd.s32 $0xFFFFF800  }
0x28: {  	[spmem:s3] =	stream.indirect.scatter.add.f32 [tilespmem:s9], [sflag:$0xB], $0x10, s11, s4, $0xb8;
	[tilespmem:$0x181A0] =	vst v63  }
0x29: {  	_ =	swait.ge [sflag:s15], $0x800  }
0x2a: {  	[sflag:s15] =	ssyncset.done $0x0  }
0x2b: {  	s9 =	simm.s32 $0x17B20;
	s11 =	simm.s32 $0x16220;
	[sflag:s15] =	ssyncadd.s32 $0xFFFFF800  }
0x2c: {  	[spmem:s3] =	stream.indirect.scatter.add.f32 [tilespmem:s11], [sflag:$0xB], $0x10, s9, s4, $0xb8;
	[tilespmem:$0x181A0] =	vst v63  }
0x2d: {  	_ =	swait.ge [sflag:s15], $0x800  }
0x2e: {  	[sflag:s15] =	ssyncset.done $0x0  }
0x2f: {  	s9 =	simm.s32 $0x17BA0;
	s11 =	simm.s32 $0x16A20;
	[sflag:s15] =	ssyncadd.s32 $0xFFFFF800  }
0x30: {  	[spmem:s3] =	stream.indirect.scatter.add.f32 [tilespmem:s11], [sflag:$0xB], $0x10, s9, s4, $0xb8;
	[tilespmem:$0x181A0] =	vst v63  }
0x31: {  	_ =	swait.ge [sflag:s15], $0x800  }
0x32: {  	[sflag:s15] =	ssyncset.done $0x0  }
0x33: {  	s9 =	simm.s32 $0x17C20;
	s11 =	simm.s32 $0x17220;
	[sflag:s15] =	ssyncadd.s32 $0xFFFFF800  }
0x34: {  	[spmem:s3] =	stream.indirect.scatter.add.f32 [tilespmem:s11], [sflag:$0xB], $0x10, s9, s4, $0xb8;
	[tilespmem:$0x181A0] =	vst v63  }
0x35: {  	_ =	swait.ge [sflag:s15], $0x800  }
0x36: {  	[sflag:s15] =	ssyncset.done $0x0  }
0x37: {  	[sflag:s15] =	ssyncadd.s32 $0xFFFFF800  }
0x38: {  	[bflag:$0x0] =	sbarrier.arrive $0xFFFF  }
0x39: {  	[hbm:s12], [sflag:s7] =	dma.local [spmem:s14], $0x1400  }
0x3a: {  	_ =	swait.ge [sflag:s15], $0x1400  }
0x3b: {  	[sflag:s15] =	ssyncset.done $0x0  }
0x3c: {  	s9 =	sshrl.u32 s10, $0x3;
	[sflag:s15] =	ssyncadd.s32 $0xFFFFEC00  }
0x3d: {  	[hbm:s13], [sflag:s7] =	dma.local [spmem:s9], $0x50  }
0x3e: {  	_ =	swait.ge [sflag:s15], $0x50  }
0x3f: {  	s6 =	sadd.s32 $0x1, s6;
	s11 =	rddreg [dreg:$0x7]  }
0x40: {  	p0 =	sne.s32 s6, s11  }
.Ltmp1:
0x41: {  	_ = 	snop;
	(pc) =	sbr.rel @!p0 .LBB2_9-.Ltmp1, $3  }
0x42: {  	_ =	sdelay $0x1  }
0x43: {  	[sflag:s15] =	ssyncset.done $0x0  }
0x44: {  	[sflag:s15] =	ssyncadd.s32 $0xFFFFFFB0  }
.LBB2_1:
0x45: {  	s8 =	rddreg [dreg:$0x4]  }
0x46: {  	[spmem:s14], [sflag:s7] =	dma.local [hbm:s8], $0x1400  }
0x47: {  	_ =	swait.ge [sflag:s15], $0x1400  }
0x48: {  	[sflag:s15] =	ssyncset.done $0x0  }
0x49: {  	s8 =	simm.s32 $0x0;
	s9 =	rddreg [dreg:$0x5];
	[sflag:s15] =	ssyncadd.s32 $0xFFFFEC00  }
0x4a: {  	[tilespmem:s8], [sflag:$0xB] =	stream.linear.gather [hbm4b:s9+s8], $0x2710, $0x38;
	[tilespmem:$0x181A0] =	vst v63  }
0x4b: {  	_ =	swait.ge [sflag:s15], $0x2710  }
0x4c: {  	[sflag:s15] =	ssyncset.done $0x0  }
0x4d: {  	s11 =	simm.s32 $0x2710;
	s9 =	rddreg [dreg:$0x6];
	[sflag:s15] =	ssyncadd.s32 $0xFFFFD8F0  }
0x4e: {  	[tilespmem:s11], [sflag:$0xB] =	stream.linear.gather [hbm4b:s9+s8], $0x2710, $0x38;
	[tilespmem:$0x181A0] =	vst v63  }
0x4f: {  	_ =	swait.ge [sflag:s15], $0x2710  }
0x50: {  	[sflag:s15] =	ssyncset.done $0x0  }
0x51: {  	s8 =	simm.s32 $0x0;
	[sflag:s15] =	ssyncadd.s32 $0xFFFFD8F0  }
.LBB2_2:
0x52: {  	p0 =	sne.s32 s8, $0x9FC0  }
.Ltmp2:
0x53: {  	_ = 	snop;
	(pc) =	sbr.rel @p0 .LBB2_2-.Ltmp2, $3  }
0x54: {  	_ =	sdelay $0x1  }
0x55: {  	s9 =	sshra.s32 s8, $0x2  }
0x56: {  	s8 =	sadd.s32 $0x40, s8;
	[tilespmem:s9+$0x15220] =	vst v0  }
0x57: {  	s9 =	simm.s32 $0x0  }
0x58: {  	s8 =	simm.s32 $0x10;
	v3 =	vor.u32 s9, v1;
	s9 =	sand.u32 $0x3F0, s9  }
.LBB2_4:
0x59: {  	p0 =	sne.s32 s8, $0x270;
	[tilespmem:s9+$0x17A20] =	vst v3;
	s9 =	smov.u32 s8;
	s8 =	sadd.s32 $0x10, s8  }
.Ltmp3:
0x5a: {  	(pc) =	sbr.rel @p0 .LBB2_4-.Ltmp3, $2  }
0x5b: {  	_ =	sdelay $0x2  }
0x5c: {  	v3 =	vor.u32 s9, v1;
	s9 =	sand.u32 $0x3F0, s9  }
0x5d: {  	[tilespmem:s9+$0x17A20] =	vst v3  }
0x5e: {  	[tilespmem:$0x17CA0] =	vst v0  }
0x5f: {  	[tilespmem:$0x17CB0] =	vst v0  }
0x60: {  	[tilespmem:$0x17CC0] =	vst v0  }
0x61: {  	[tilespmem:$0x17CD0] =	vst v0  }
0x62: {  	[tilespmem:$0x17CE0] =	vst v0  }
0x63: {  	[tilespmem:$0x17CF0] =	vst v0  }
0x64: {  	[tilespmem:$0x17D00] =	vst v0  }
0x65: {  	[tilespmem:$0x17D10] =	vst v0  }
0x66: {  	[tilespmem:$0x17D20] =	vst v0  }
0x67: {  	[tilespmem:$0x17D30] =	vst v0  }
0x68: {  	[tilespmem:$0x17D40] =	vst v0  }
0x69: {  	[tilespmem:$0x17D50] =	vst v0  }
0x6a: {  	[tilespmem:$0x17D60] =	vst v0  }
0x6b: {  	[tilespmem:$0x17D70] =	vst v0  }
0x6c: {  	[tilespmem:$0x17D80] =	vst v0  }
0x6d: {  	[tilespmem:$0x17D90] =	vst v0  }
0x6e: {  	[tilespmem:$0x17DA0] =	vst v0  }
0x6f: {  	[tilespmem:$0x17DB0] =	vst v0  }
0x70: {  	[tilespmem:$0x17DC0] =	vst v0  }
0x71: {  	[tilespmem:$0x17DD0] =	vst v0  }
0x72: {  	[tilespmem:$0x17DE0] =	vst v0  }
0x73: {  	[tilespmem:$0x17DF0] =	vst v0  }
0x74: {  	[tilespmem:$0x17E00] =	vst v0  }
0x75: {  	[tilespmem:$0x17E10] =	vst v0  }
0x76: {  	[tilespmem:$0x17E20] =	vst v0  }
0x77: {  	[tilespmem:$0x17E30] =	vst v0  }
0x78: {  	[tilespmem:$0x17E40] =	vst v0  }
0x79: {  	[tilespmem:$0x17E50] =	vst v0  }
0x7a: {  	[tilespmem:$0x17E60] =	vst v0  }
0x7b: {  	[tilespmem:$0x17E70] =	vst v0  }
0x7c: {  	[tilespmem:$0x17E80] =	vst v0  }
0x7d: {  	[tilespmem:$0x17E90] =	vst v0  }
0x7e: {  	[tilespmem:$0x17EA0] =	vst v0  }
0x7f: {  	[tilespmem:$0x17EB0] =	vst v0  }
0x80: {  	[tilespmem:$0x17EC0] =	vst v0  }
0x81: {  	[tilespmem:$0x17ED0] =	vst v0  }
0x82: {  	[tilespmem:$0x17EE0] =	vst v0  }
0x83: {  	[tilespmem:$0x17EF0] =	vst v0  }
0x84: {  	[tilespmem:$0x17F00] =	vst v0  }
0x85: {  	s8 =	simm.s32 $0x17CA0;
	[tilespmem:$0x17F10] =	vst v0  }
0x86: {  	[spmem:s10] =	stream.linear.scatter [tilespmem:s8], [sflag:$0xB], $0x280, $0x38;
	[tilespmem:$0x181A0] =	vst v63  }
0x87: {  	_ =	swait.ge [sflag:s15], $0x280  }
0x88: {  	[sflag:s15] =	ssyncset.done $0x0  }
0x89: {  	[sflag:s15] =	ssyncadd.s32 $0xFFFFFD80  }
0x8a: {  	s8 =	simm.s32 $0x0;
	[bflag:$0x0] =	sbarrier.arrive $0xFFFF  }
0x8b: {  	[tilespmem:s19], [sflag:$0x1] =	stream.indirect.gather [hbm4b:s5+s18], $0x40, s8, s18, $0xb8;
	[tilespmem:$0x181A0] =	vst v63  }
0x8c: {  	_ = 	snop  }
0x8d: {  	[tilespmem:s20], [sflag:$0x2] =	stream.indirect.gather [hbm4b:s5+s18], $0x40, s18, s18, $0xb8;
	[tilespmem:$0x181A0] =	vst v63  }
0x8e: {  	s11 =	simm.s32 $0xA0  }
0x8f: {  	[tilespmem:s22], [sflag:$0x3] =	stream.indirect.gather [hbm4b:s5+s18], $0x40, s11, s18, $0xb8;
	[tilespmem:$0x181A0] =	vst v63  }
0x90: {  	s11 =	simm.s32 $0xF0  }
0x91: {  	[tilespmem:s24], [sflag:$0x4] =	stream.indirect.gather [hbm4b:s5+s18], $0x40, s11, s18, $0xb8;
	[tilespmem:$0x181A0] =	vst v63  }
0x92: {  	s11 =	simm.s32 $0x140  }
0x93: {  	[tilespmem:s26], [sflag:$0x5] =	stream.indirect.gather [hbm4b:s5+s18], $0x40, s11, s18, $0xb8;
	[tilespmem:$0x181A0] =	vst v63  }
.LBB2_6:
0x94: {  	_ =	swait.ge [sflag:s28], $0x1400  }
0x95: {  	s9 =	sshra.s32 s8, $0x2;
	[sflag:s28] =	ssyncset.done $0x0  }
0x96: {  	s11 =	sadd.s32 $0x2710, s9;
	[sflag:s28] =	ssyncadd.s32 $0xFFFFEC00  }
0x97: {  	[spmem:s1] =	stream.indirect.scatter.add.f32 [tilespmem:s19], [sflag:$0x6], $0x40, s11, s18, $0xb8;
	[tilespmem:$0x181A0] =	vst v63  }
0x98: {  	v3 =	vld [tilespmem:s9+$0x2710];
	_ =	sdelay $0x7  }
0x99: {  	[tilespmem:v3+s29+$0x0] =	vst.idx.add.f32.msk $0xffff, v2  }
0x9a: {  	v3 =	vld [tilespmem:s9+$0x2720];
	_ =	sdelay $0x7  }
0x9b: {  	[tilespmem:v3+s29+$0x0] =	vst.idx.add.f32.msk $0xffff, v2  }
0x9c: {  	v3 =	vld [tilespmem:s9+$0x2730];
	_ =	sdelay $0x7  }
0x9d: {  	[tilespmem:v3+s29+$0x0] =	vst.idx.add.f32.msk $0xffff, v2  }
0x9e: {  	v3 =	vld [tilespmem:s9+$0x2740];
	_ =	sdelay $0x7  }
0x9f: {  	[tilespmem:v3+s29+$0x0] =	vst.idx.add.f32.msk $0xffff, v2  }
0xa0: {  	v3 =	vld [tilespmem:s9+$0x2750];
	_ =	sdelay $0x7  }
0xa1: {  	[tilespmem:v3+s29+$0x0] =	vst.idx.add.f32.msk $0xffff, v2  }
0xa2: {  	_ =	swait.ge [sflag:s30], $0x1400  }
0xa3: {  	[sflag:s30] =	ssyncset.done $0x0  }
0xa4: {  	s11 =	sadd.s32 $0x2760, s9;
	[sflag:s30] =	ssyncadd.s32 $0xFFFFEC00  }
0xa5: {  	[spmem:s1] =	stream.indirect.scatter.add.f32 [tilespmem:s20], [sflag:$0x7], $0x40, s11, s18, $0xb8;
	[tilespmem:$0x181A0] =	vst v63  }
0xa6: {  	v3 =	vld [tilespmem:s9+$0x2760];
	_ =	sdelay $0x7  }
0xa7: {  	[tilespmem:v3+s29+$0x0] =	vst.idx.add.f32.msk $0xffff, v2  }
0xa8: {  	v3 =	vld [tilespmem:s9+$0x2770];
	_ =	sdelay $0x7  }
0xa9: {  	[tilespmem:v3+s29+$0x0] =	vst.idx.add.f32.msk $0xffff, v2  }
0xaa: {  	v3 =	vld [tilespmem:s9+$0x2780];
	_ =	sdelay $0x7  }
0xab: {  	[tilespmem:v3+s29+$0x0] =	vst.idx.add.f32.msk $0xffff, v2  }
0xac: {  	v3 =	vld [tilespmem:s9+$0x2790];
	_ =	sdelay $0x7  }
0xad: {  	[tilespmem:v3+s29+$0x0] =	vst.idx.add.f32.msk $0xffff, v2  }
0xae: {  	v3 =	vld [tilespmem:s9+$0x27A0];
	_ =	sdelay $0x7  }
0xaf: {  	[tilespmem:v3+s29+$0x0] =	vst.idx.add.f32.msk $0xffff, v2  }
0xb0: {  	_ =	swait.ge [sflag:s31], $0x1400  }
0xb1: {  	[sflag:s31] =	ssyncset.done $0x0  }
0xb2: {  	s11 =	sadd.s32 $0x27B0, s9;
	[sflag:s31] =	ssyncadd.s32 $0xFFFFEC00  }
0xb3: {  	[spmem:s1] =	stream.indirect.scatter.add.f32 [tilespmem:s22], [sflag:$0x8], $0x40, s11, s18, $0xb8;
	[tilespmem:$0x181A0] =	vst v63  }
0xb4: {  	v3 =	vld [tilespmem:s9+$0x27B0];
	_ =	sdelay $0x7  }
0xb5: {  	[tilespmem:v3+s29+$0x0] =	vst.idx.add.f32.msk $0xffff, v2  }
0xb6: {  	v3 =	vld [tilespmem:s9+$0x27C0];
	_ =	sdelay $0x7  }
0xb7: {  	[tilespmem:v3+s29+$0x0] =	vst.idx.add.f32.msk $0xffff, v2  }
0xb8: {  	v3 =	vld [tilespmem:s9+$0x27D0];
	_ =	sdelay $0x7  }
0xb9: {  	[tilespmem:v3+s29+$0x0] =	vst.idx.add.f32.msk $0xffff, v2  }
0xba: {  	v3 =	vld [tilespmem:s9+$0x27E0];
	_ =	sdelay $0x7  }
0xbb: {  	[tilespmem:v3+s29+$0x0] =	vst.idx.add.f32.msk $0xffff, v2  }
0xbc: {  	v3 =	vld [tilespmem:s9+$0x27F0];
	_ =	sdelay $0x7  }
0xbd: {  	[tilespmem:v3+s29+$0x0] =	vst.idx.add.f32.msk $0xffff, v2  }
0xbe: {  	_ =	swait.ge [sflag:s0], $0x1400  }
0xbf: {  	[sflag:s0] =	ssyncset.done $0x0  }
0xc0: {  	s11 =	sadd.s32 $0x2800, s9;
	[sflag:s0] =	ssyncadd.s32 $0xFFFFEC00  }
0xc1: {  	[spmem:s1] =	stream.indirect.scatter.add.f32 [tilespmem:s24], [sflag:$0x9], $0x40, s11, s18, $0xb8;
	[tilespmem:$0x181A0] =	vst v63  }
0xc2: {  	v3 =	vld [tilespmem:s9+$0x2800];
	_ =	sdelay $0x7  }
0xc3: {  	[tilespmem:v3+s29+$0x0] =	vst.idx.add.f32.msk $0xffff, v2  }
0xc4: {  	v3 =	vld [tilespmem:s9+$0x2810];
	_ =	sdelay $0x7  }
0xc5: {  	[tilespmem:v3+s29+$0x0] =	vst.idx.add.f32.msk $0xffff, v2  }
0xc6: {  	v3 =	vld [tilespmem:s9+$0x2820];
	_ =	sdelay $0x7  }
0xc7: {  	[tilespmem:v3+s29+$0x0] =	vst.idx.add.f32.msk $0xffff, v2  }
0xc8: {  	v3 =	vld [tilespmem:s9+$0x2830];
	_ =	sdelay $0x7  }
0xc9: {  	[tilespmem:v3+s29+$0x0] =	vst.idx.add.f32.msk $0xffff, v2  }
0xca: {  	v3 =	vld [tilespmem:s9+$0x2840];
	_ =	sdelay $0x7  }
0xcb: {  	[tilespmem:v3+s29+$0x0] =	vst.idx.add.f32.msk $0xffff, v2  }
0xcc: {  	_ =	swait.ge [sflag:s2], $0x1400  }
0xcd: {  	[sflag:s2] =	ssyncset.done $0x0  }
0xce: {  	s11 =	sadd.s32 $0x2850, s9;
	[sflag:s2] =	ssyncadd.s32 $0xFFFFEC00  }
0xcf: {  	[spmem:s1] =	stream.indirect.scatter.add.f32 [tilespmem:s26], [sflag:$0xA], $0x40, s11, s18, $0xb8;
	[tilespmem:$0x181A0] =	vst v63  }
0xd0: {  	v3 =	vld [tilespmem:s9+$0x2850];
	_ =	sdelay $0x7  }
0xd1: {  	[tilespmem:v3+s29+$0x0] =	vst.idx.add.f32.msk $0xffff, v2  }
0xd2: {  	v3 =	vld [tilespmem:s9+$0x2860];
	_ =	sdelay $0x7  }
0xd3: {  	[tilespmem:v3+s29+$0x0] =	vst.idx.add.f32.msk $0xffff, v2  }
0xd4: {  	v3 =	vld [tilespmem:s9+$0x2870];
	_ =	sdelay $0x7  }
0xd5: {  	[tilespmem:v3+s29+$0x0] =	vst.idx.add.f32.msk $0xffff, v2  }
0xd6: {  	v3 =	vld [tilespmem:s9+$0x2880];
	_ =	sdelay $0x7  }
0xd7: {  	[tilespmem:v3+s29+$0x0] =	vst.idx.add.f32.msk $0xffff, v2  }
0xd8: {  	v3 =	vld [tilespmem:s9+$0x2890];
	_ =	sdelay $0x5  }
0xd9: {  	p0 =	seq.s32 s8, $0x9600  }
.Ltmp4:
0xda: {  	_ = 	snop;
	(pc) =	sbr.rel @p0 .LBB2_8-.Ltmp4, $4  }
0xdb: {  	[tilespmem:v3+s29+$0x0] =	vst.idx.add.f32.msk $0xffff, v2  }
0xdc: {  	_ =	swait.ge [sflag:s16], $0x1400  }
0xdd: {  	[sflag:s16] =	ssyncset.done $0x0  }
0xde: {  	[sflag:s16] =	ssyncadd.s32 $0xFFFFEC00  }
0xdf: {  	s11 =	sadd.s32 $0x190, s9  }
0xe0: {  	[tilespmem:s19], [sflag:$0x1] =	stream.indirect.gather [hbm4b:s5+s18], $0x40, s11, s18, $0xb8;
	[tilespmem:$0x181A0] =	vst v63  }
0xe1: {  	_ =	swait.ge [sflag:s17], $0x1400  }
0xe2: {  	[sflag:s17] =	ssyncset.done $0x0  }
0xe3: {  	s11 =	sadd.s32 $0x1E0, s9;
	[sflag:s17] =	ssyncadd.s32 $0xFFFFEC00  }
0xe4: {  	[tilespmem:s20], [sflag:$0x2] =	stream.indirect.gather [hbm4b:s5+s18], $0x40, s11, s18, $0xb8;
	[tilespmem:$0x181A0] =	vst v63  }
0xe5: {  	_ =	swait.ge [sflag:s21], $0x1400  }
0xe6: {  	[sflag:s21] =	ssyncset.done $0x0  }
0xe7: {  	s11 =	sadd.s32 $0x230, s9;
	[sflag:s21] =	ssyncadd.s32 $0xFFFFEC00  }
0xe8: {  	[tilespmem:s22], [sflag:$0x3] =	stream.indirect.gather [hbm4b:s5+s18], $0x40, s11, s18, $0xb8;
	[tilespmem:$0x181A0] =	vst v63  }
0xe9: {  	_ =	swait.ge [sflag:s23], $0x1400  }
0xea: {  	[sflag:s23] =	ssyncset.done $0x0  }
0xeb: {  	s11 =	sadd.s32 $0x280, s9;
	[sflag:s23] =	ssyncadd.s32 $0xFFFFEC00  }
0xec: {  	[tilespmem:s24], [sflag:$0x4] =	stream.indirect.gather [hbm4b:s5+s18], $0x40, s11, s18, $0xb8;
	[tilespmem:$0x181A0] =	vst v63  }
.Ltmp5:
0xed: {  	_ = 	snop;
	(pc) =	sbr.rel .LBB2_6-.Ltmp5, $4  }
0xee: {  	_ =	swait.ge [sflag:s25], $0x1400  }
0xef: {  	[sflag:s25] =	ssyncset.done $0x0  }
0xf0: {  	s8 =	sadd.s32 $0x640, s8;
	s11 =	sadd.s32 $0x2D0, s9;
	[sflag:s25] =	ssyncadd.s32 $0xFFFFEC00  }
0xf1: {  	[tilespmem:s26], [sflag:$0x5] =	stream.indirect.gather [hbm4b:s5+s18], $0x40, s11, s18, $0xb8;
	[tilespmem:$0x181A0] =	vst v63  }
.LBB2_9:
0xf2: {  	_ =	sfence.sel $0x180000  }
0xf3: {  	[bflag:$0x0] =	sbarrier.arrive $0xFFFF  }
0xf4: {  	_ =	strace $0x90000047  }
0xf5: {  	s0 =	stileid.u32;
	[bflag:$0x2] =	sbarrier.arrive $0xFFFF  }
0xf6: {  	p0 =	sne.s32 s0, $0x0;
	s0 =	rddreg [dreg:$0x3]  }
0xf7: {  	s0 =	sadd.s32 @!p0 $0x100000, s0  }
0xf8: {  	[sflag:s0] =	ssyncadd.tile.s32 @!p0 $0x1;
	_ =	shalt  }
.Lfunc_end2:
_tile_overlayer_lowered:
.L_overlay_start_2:
0xf9: {  	(tag) =	ssettag $0x2  }
0xfa: {  	s0 =	rddreg [dreg:$0x0];
	s2 =	stileid.u32  }
0xfb: {  	s1 =	rddreg [dreg:$0x1];
	p0 =	sne.s32 s2, $0x0  }
0xfc: {  	s3 =	rddreg [dreg:$0x2];
	[bflag:$0x3] =	sbarrier.arrive $0xFFFF;
	s2 =	simm.s32 @!p0 $0x1C0B  }
0xfd: {  	[timem:s3], [sflag:s2] =	dma.local @!p0 [hbm:s0], s1  }
0xfe: {  	s0 =	simm.s32 @!p0 $0xB  }
0xff: {  	_ =	swait.ge @!p0 [sflag:s0], s1  }
0x100: {  	s1 =	ssub.s32 @!p0 $0x0, s1;
	[sflag:s0] =	ssyncset.done @!p0 $0x0  }
0x101: {  	[sflag:s0] =	ssyncadd.s32 @!p0 s1  }
0x102: {  	[bflag:$0x3] =	sbarrier.arrive $0xFFFF  }
0x103: {  	_ =	shalt  }

</sc_bundles>
